<compile_context>
chip_gen: v7x
topology: tpu7x:2x2x1
jax: 0.10.2.dev20260603
libtpu: 0.0.44.dev20260713+nightly
codegen_flags: <defaults>
</compile_context>

<pallas_src>
import functools

import jax
import jax.numpy as jnp
from jax import lax
from jax.experimental import pallas as pl
from jax.experimental.pallas import tpu as pltpu
from jax.experimental.pallas import tpu_sc as plsc

N = 10000
E = 320000
IN_C = 128
HID = 64

NC, NS, L = 2, 16, 16
NW = NC * NS
CHUNK = 128
N_CHUNKS = 80
E_TILE = N_CHUNKS * CHUNK
E_PAD = E_TILE * NW
N_PAD = 10240
DUMP = N
ACC_ROWS = N_PAD // NS
DEG_PAD = 10240
DEG_ROWS = DEG_PAD // NS

_mesh = plsc.VectorSubcoreMesh(core_axis_name="c", subcore_axis_name="s")


@functools.partial(
    pl.kernel,
    out_type=(
        jax.ShapeDtypeStruct((NC, NS, DEG_ROWS), jnp.float32),
        jax.ShapeDtypeStruct((E_PAD,), jnp.int32),
    ),
    mesh=_mesh,
    scratch_types=[
        pltpu.VMEM_SHARED((DEG_PAD,), jnp.float32),
        pltpu.VMEM((CHUNK,), jnp.int32),
        pltpu.VMEM((CHUNK,), jnp.int32),
        pltpu.VMEM((CHUNK,), jnp.int32),
        pltpu.VMEM((CHUNK,), jnp.float32),
        pltpu.VMEM((DEG_ROWS,), jnp.float32),
    ],
)
def _prep(src_hbm, dst_hbm, degp_hbm, dstm_hbm,
          deg_sh, src_v, dst_v, dstm_v, ones_v, degrow_v):
    c = lax.axis_index("c")
    s = lax.axis_index("s")
    wid = c * NS + s

    for j in range(CHUNK // L):
        ones_v[pl.ds(j * L, L)] = jnp.ones((L,), jnp.float32)

    def zero_row(i, carry):
        degrow_v[pl.ds(i * L, L)] = jnp.zeros((L,), jnp.float32)
        return carry

    lax.fori_loop(0, DEG_ROWS // L, zero_row, 0)
    pltpu.sync_copy(degrow_v, deg_sh.at[pl.ds(s * DEG_ROWS, DEG_ROWS)])
    plsc.subcore_barrier()

    def body(i, carry):
        ebase = wid * E_TILE + i * CHUNK
        pltpu.sync_copy(src_hbm.at[pl.ds(ebase, CHUNK)], src_v)
        pltpu.sync_copy(dst_hbm.at[pl.ds(ebase, CHUNK)], dst_v)
        for j in range(CHUNK // L):
            sv = src_v[pl.ds(j * L, L)]
            dv = dst_v[pl.ds(j * L, L)]
            dstm_v[pl.ds(j * L, L)] = jnp.where(sv == dv, DUMP, dv)
        pltpu.sync_copy(dstm_v, dstm_hbm.at[pl.ds(ebase, CHUNK)])
        pltpu.sync_copy(ones_v, deg_sh.at[dstm_v], add=True)
        return carry

    lax.fori_loop(0, N_CHUNKS, body, 0)
    plsc.subcore_barrier()

    pltpu.sync_copy(deg_sh.at[pl.ds(s * DEG_ROWS, DEG_ROWS)], degrow_v)
    pltpu.sync_copy(degrow_v, degp_hbm.at[c, s])


def _mlp_body(x_ref, w0_ref, b0_ref, w1_ref, b1_ref, degp_ref,
              g0_ref, dinv_ref, dinv2_ref):
    h = jnp.dot(x_ref[...], w0_ref[...], preferred_element_type=jnp.float32)
    h = h + b0_ref[...][None, :]
    mean = jnp.mean(h, axis=0, keepdims=True)
    var = jnp.mean(jnp.square(h - mean), axis=0, keepdims=True)
    h = (h - mean) * lax.rsqrt(var + 1e-10)
    h = jnp.maximum(h, 0.0)
    h = jnp.dot(h, w1_ref[...], preferred_element_type=jnp.float32)
    h = h + b1_ref[...][None, :]
    deg = jnp.sum(degp_ref[...], axis=1, keepdims=True) + 1.0
    dinv2 = 1.0 / deg
    dinv = lax.rsqrt(deg)
    dinv_ref[...] = dinv
    dinv2_ref[...] = dinv2
    g0_ref[...] = h * dinv


_mlp = pl.pallas_call(
    _mlp_body,
    out_shape=(
        jax.ShapeDtypeStruct((N, IN_C), jnp.float32),
        jax.ShapeDtypeStruct((N, 1), jnp.float32),
        jax.ShapeDtypeStruct((N, 1), jnp.float32),
    ),
)


@functools.partial(
    pl.kernel,
    out_type=jax.ShapeDtypeStruct((NC, N_PAD, IN_C), jnp.float32),
    mesh=_mesh,
    scratch_types=[
        pltpu.VMEM_SHARED((N_PAD, IN_C), jnp.float32),
        pltpu.VMEM((CHUNK, IN_C), jnp.float32),
        pltpu.VMEM((CHUNK, IN_C), jnp.float32),
        pltpu.VMEM((CHUNK,), jnp.int32),
        pltpu.VMEM((CHUNK,), jnp.int32),
        pltpu.VMEM((CHUNK,), jnp.int32),
        pltpu.VMEM((CHUNK,), jnp.int32),
        pltpu.SemaphoreType.DMA,
        pltpu.SemaphoreType.DMA,
        pltpu.SemaphoreType.DMA,
        pltpu.SemaphoreType.DMA,
    ],
)
def _round(src_hbm, dstm_hbm, g_hbm, p_hbm, acc_sh, buf0, buf1,
           sidx0, sidx1, didx0, didx1, gsem0, gsem1, ssem0, ssem1):
    c = lax.axis_index("c")
    s = lax.axis_index("s")
    wid = c * NS + s

    def zero_row(i, carry):
        for j in range(IN_C // L):
            buf0[i, pl.ds(j * L, L)] = jnp.zeros((L,), jnp.float32)
        return carry

    lax.fori_loop(0, CHUNK, zero_row, 0)
    for k in range(ACC_ROWS // CHUNK):
        pltpu.sync_copy(buf0, acc_sh.at[pl.ds(s * ACC_ROWS + k * CHUNK, CHUNK)])
    plsc.subcore_barrier()

    ebase = wid * E_TILE

    def eslice(i):
        return pl.ds(ebase + i * CHUNK, CHUNK)

    pltpu.sync_copy(src_hbm.at[eslice(0)], sidx0)
    pltpu.async_copy(g_hbm.at[sidx0], buf0, gsem0)
    pltpu.sync_copy(dstm_hbm.at[eslice(0)], didx0)
    pltpu.make_async_copy(g_hbm.at[sidx0], buf0, gsem0).wait()
    pltpu.async_copy(buf0, acc_sh.at[didx0], ssem0, add=True)
    pltpu.sync_copy(src_hbm.at[eslice(1)], sidx1)
    pltpu.async_copy(g_hbm.at[sidx1], buf1, gsem1)

    def body(t, carry):
        i1 = 2 * t + 1
        pltpu.sync_copy(dstm_hbm.at[pl.ds(ebase + i1 * CHUNK, CHUNK)], didx1)
        pltpu.make_async_copy(g_hbm.at[sidx1], buf1, gsem1).wait()
        pltpu.async_copy(buf1, acc_sh.at[didx1], ssem1, add=True)
        pltpu.sync_copy(src_hbm.at[pl.ds(ebase + (i1 + 1) * CHUNK, CHUNK)], sidx0)
        pltpu.make_async_copy(buf0, acc_sh.at[didx0], ssem0).wait()
        pltpu.async_copy(g_hbm.at[sidx0], buf0, gsem0)

        i2 = 2 * t + 2
        pltpu.sync_copy(dstm_hbm.at[pl.ds(ebase + i2 * CHUNK, CHUNK)], didx0)
        pltpu.make_async_copy(g_hbm.at[sidx0], buf0, gsem0).wait()
        pltpu.async_copy(buf0, acc_sh.at[didx0], ssem0, add=True)
        pltpu.sync_copy(src_hbm.at[pl.ds(ebase + (i2 + 1) * CHUNK, CHUNK)], sidx1)
        pltpu.make_async_copy(buf1, acc_sh.at[didx1], ssem1).wait()
        pltpu.async_copy(g_hbm.at[sidx1], buf1, gsem1)
        return carry

    lax.fori_loop(0, N_CHUNKS // 2 - 1, body, 0)

    ilast = N_CHUNKS - 1
    pltpu.sync_copy(dstm_hbm.at[eslice(ilast)], didx1)
    pltpu.make_async_copy(g_hbm.at[sidx1], buf1, gsem1).wait()
    pltpu.async_copy(buf1, acc_sh.at[didx1], ssem1, add=True)
    pltpu.make_async_copy(buf0, acc_sh.at[didx0], ssem0).wait()
    pltpu.make_async_copy(buf1, acc_sh.at[didx1], ssem1).wait()
    plsc.subcore_barrier()

    for k in range(ACC_ROWS // CHUNK):
        off = s * ACC_ROWS + k * CHUNK
        pltpu.sync_copy(acc_sh.at[pl.ds(off, CHUNK)], buf0)
        pltpu.sync_copy(buf0, p_hbm.at[c, pl.ds(off, CHUNK)])


def _combine_body(scale_ref, g_ref, p_ref, out_ref):
    p0 = p_ref[0, :N, :]
    p1 = p_ref[1, :N, :]
    out_ref[...] = scale_ref[...] * (g_ref[...] + p0 + p1)


_combine = pl.pallas_call(
    _combine_body,
    out_shape=jax.ShapeDtypeStruct((N, IN_C), jnp.float32),
)


def kernel(x, edge_index, W0, b0, W1, b1):
    src = edge_index[0]
    dst = edge_index[1]
    pad = E_PAD - E
    zpad = jnp.zeros((pad,), jnp.int32)
    src_p = jnp.concatenate([src, zpad])
    dst_p = jnp.concatenate([dst, zpad])

    degp, dstm = _prep(src_p, dst_p)
    degp_t = jnp.transpose(degp.reshape(NC, DEG_PAD)[:, :N], (1, 0))

    g, dinv, dinv2 = _mlp(x, W0, b0, W1, b1, degp_t)
    for r in range(5):
        p = _round(src_p, dstm, g)
        g = _combine(dinv2 if r < 4 else dinv, g, p)
    return g

# --- scband reference (transcript-rebuilt; emitter-appended) ---
"""Pipeline reference for scband-pmlp-appnp-79353815761145 (READ-ONLY COPY).

The authoritative reference and input builder live on the scoring server;
editing this copy changes nothing except your own understanding.
"""

import jax, jax.numpy as jnp
import numpy as np

N_NODES = 10000
N_EDGES = 320000
IN_C = 128
HID = 64
OUT_C = 128


def setup_inputs(seed: int = 0) -> dict:
    key = jax.random.key(seed)
    k1, k2, k3, k4 = jax.random.split(key, 4)
    x = jax.random.normal(k1, (N_NODES, IN_C), dtype=jnp.float32)
    edge_index = jax.random.randint(k2, (2, N_EDGES), 0, N_NODES, dtype=jnp.int32)
    # Linear layers, xavier_uniform with gain=1.414, zero bias
    b0_bound = 1.414 * np.sqrt(6.0 / (IN_C + HID))
    W0 = jax.random.uniform(k3, (IN_C, HID), dtype=jnp.float32, minval=-b0_bound, maxval=b0_bound)
    b0 = jnp.zeros((HID,), dtype=jnp.float32)
    b1_bound = 1.414 * np.sqrt(6.0 / (HID + OUT_C))
    W1 = jax.random.uniform(k4, (HID, OUT_C), dtype=jnp.float32, minval=-b1_bound, maxval=b1_bound)
    b1 = jnp.zeros((OUT_C,), dtype=jnp.float32)
    return {"x": x, "edge_index": edge_index, "W0": W0, "b0": b0, "W1": W1, "b1": b1}


def _prep_edges(edge_index, N):
    src, dst = edge_index[0], edge_index[1]
    m = src != dst  # remove_self_loops
    keep = m.astype(jnp.float32)
    loop = jnp.arange(N, dtype=edge_index.dtype)  # add_self_loops
    src = jnp.concatenate([src, loop])
    dst = jnp.concatenate([dst, loop])
    ew = jnp.concatenate([keep, jnp.ones((N,), dtype=jnp.float32)])
    deg = jax.ops.segment_sum(ew, dst, num_segments=N)
    dinv = jnp.where(deg > 0, deg ** -0.5, 0.0)
    w = ew * dinv[src] * dinv[dst]
    return src, dst, w


def gcn_conv(h, src, dst, w):
    # A = coo(edge_index, w).t(); h' = A @ h  =>  out[dst] += w * h[src]
    return jax.ops.segment_sum(w[:, None] * h[src], dst, num_segments=h.shape[0])


def reference(x, edge_index, W0, b0, W1, b1):
    N = x.shape[0]
    src, dst, w = _prep_edges(edge_index, N)
    # MLP part (eval mode: dropout is a no-op)
    h = x @ W0 + b0
    # BatchNorm1d(affine=False, track_running_stats=False): batch stats, biased var
    mean = jnp.mean(h, axis=0)
    var = jnp.var(h, axis=0)
    h = (h - mean) / jnp.sqrt(var + 1e-10)
    h = jax.nn.relu(h)
    h = h @ W1 + b1
    # 5 rounds of GCN propagation
    for _ in range(5):
        h = gcn_conv(h, src, dst, w)
    return h

if __name__ == "__main__":
    import jax
    _d = setup_inputs()
    print(jax.jit(kernel)(*tuple(_d.values())))

</pallas_src>

<mosaic_0001>
#map = affine_map<(d0, d1) -> (0)>
#map1 = affine_map<(d0, d1) -> (0, 0)>
#map2 = affine_map<(d0, d1) -> (0, 0, 0)>
module attributes {stable_mosaic.version = 14 : i64} {
  func.func @_round(%arg0: i32, %arg1: i32, %arg2: memref<327680xi32, #tpu.memory_space<hbm>>, %arg3: memref<327680xi32, #tpu.memory_space<hbm>>, %arg4: memref<10000x128xf32, #tpu.memory_space<hbm>>, %arg5: memref<2x10240x128xf32, #tpu.memory_space<hbm>>, %arg6: memref<10240x128xf32, #tpu.memory_space<vmem_shared>>, %arg7: memref<128x128xf32, #tpu.memory_space<vmem>>, %arg8: memref<128x128xf32, #tpu.memory_space<vmem>>, %arg9: memref<128xi32, #tpu.memory_space<vmem>>, %arg10: memref<128xi32, #tpu.memory_space<vmem>>, %arg11: memref<128xi32, #tpu.memory_space<vmem>>, %arg12: memref<128xi32, #tpu.memory_space<vmem>>, %arg13: memref<!tpu.dma_semaphore, #tpu.memory_space<semaphore_mem>>, %arg14: memref<!tpu.dma_semaphore, #tpu.memory_space<semaphore_mem>>, %arg15: memref<!tpu.dma_semaphore, #tpu.memory_space<semaphore_mem>>, %arg16: memref<!tpu.dma_semaphore, #tpu.memory_space<semaphore_mem>>) attributes {dimension_semantics = [#tpu.dimension_semantics<core_parallel>, #tpu.dimension_semantics<subcore_parallel>], iteration_bounds = array<i64: 2, 16>, scalar_prefetch = 0 : i64, scratch_operands = 11 : i64, tpu.core_type = #tpu.core_type<sc_vector_subcore>, window_params = [{transform_indices = #map}, {transform_indices = #map}, {transform_indices = #map1}, {transform_indices = #map2}]} {
    %mul3A = arith.constant 16 : i32
    %mul3A_0 = arith.muli %arg0, %mul3A : i32
    %add3A = arith.addi %mul3A_0, %arg1 : i32
    %scan3A = arith.constant 0 : i32
    %scan3A_1 = arith.constant 0 : i32
    %scan3A_2 = arith.constant 128 : i32
    %scan3A_3 = arith.addi %scan3A_1, %scan3A_2 : i32
    %scan3A_4 = arith.constant 1 : i32
    scf.for %scan3A_85 = %scan3A_1 to %scan3A_3 step %scan3A_4  : i32 {
      %broadcast_in_dim3A = arith.constant 0.000000e+00 : f32
      %broadcast_in_dim3A_86 = vector.broadcast %broadcast_in_dim3A : f32 to vector<16xf32>
      %swap3A = arith.index_cast %scan3A_85 : i32 to index
      %swap3A_87 = arith.constant 0 : index
      %swap3A_88 = tpu.vector_load %arg7[%swap3A, %swap3A_87] {strides = array<i32>} : memref<128x128xf32, #tpu.memory_space<vmem>>, vector<1x16xf32>,
      %swap3A_89 = vector.shape_cast %swap3A_88 : vector<1x16xf32> to vector<16xf32>
      %swap3A_90 = vector.shape_cast %broadcast_in_dim3A_86 : vector<16xf32> to vector<1x16xf32>
      tpu.vector_store %arg7[%swap3A, %swap3A_87], %swap3A_90 {strides = array<i32>} : memref<128x128xf32, #tpu.memory_space<vmem>>, vector<1x16xf32>,
      %broadcast_in_dim3A_91 = arith.constant 0.000000e+00 : f32
      %broadcast_in_dim3A_92 = vector.broadcast %broadcast_in_dim3A_91 : f32 to vector<16xf32>
      %swap3A_93 = arith.index_cast %scan3A_85 : i32 to index
      %swap3A_94 = arith.constant 16 : index
      %swap3A_95 = tpu.vector_load %arg7[%swap3A_93, %swap3A_94] {strides = array<i32>} : memref<128x128xf32, #tpu.memory_space<vmem>>, vector<1x16xf32>,
      %swap3A_96 = vector.shape_cast %swap3A_95 : vector<1x16xf32> to vector<16xf32>
      %swap3A_97 = vector.shape_cast %broadcast_in_dim3A_92 : vector<16xf32> to vector<1x16xf32>
      tpu.vector_store %arg7[%swap3A_93, %swap3A_94], %swap3A_97 {strides = array<i32>} : memref<128x128xf32, #tpu.memory_space<vmem>>, vector<1x16xf32>,
      %broadcast_in_dim3A_98 = arith.constant 0.000000e+00 : f32
      %broadcast_in_dim3A_99 = vector.broadcast %broadcast_in_dim3A_98 : f32 to vector<16xf32>
      %swap3A_100 = arith.index_cast %scan3A_85 : i32 to index
      %swap3A_101 = arith.constant 32 : index
      %swap3A_102 = tpu.vector_load %arg7[%swap3A_100, %swap3A_101] {strides = array<i32>} : memref<128x128xf32, #tpu.memory_space<vmem>>, vector<1x16xf32>,
      %swap3A_103 = vector.shape_cast %swap3A_102 : vector<1x16xf32> to vector<16xf32>
      %swap3A_104 = vector.shape_cast %broadcast_in_dim3A_99 : vector<16xf32> to vector<1x16xf32>
      tpu.vector_store %arg7[%swap3A_100, %swap3A_101], %swap3A_104 {strides = array<i32>} : memref<128x128xf32, #tpu.memory_space<vmem>>, vector<1x16xf32>,
      %broadcast_in_dim3A_105 = arith.constant 0.000000e+00 : f32
      %broadcast_in_dim3A_106 = vector.broadcast %broadcast_in_dim3A_105 : f32 to vector<16xf32>
      %swap3A_107 = arith.index_cast %scan3A_85 : i32 to index
      %swap3A_108 = arith.constant 48 : index
      %swap3A_109 = tpu.vector_load %arg7[%swap3A_107, %swap3A_108] {strides = array<i32>} : memref<128x128xf32, #tpu.memory_space<vmem>>, vector<1x16xf32>,
      %swap3A_110 = vector.shape_cast %swap3A_109 : vector<1x16xf32> to vector<16xf32>
      %swap3A_111 = vector.shape_cast %broadcast_in_dim3A_106 : vector<16xf32> to vector<1x16xf32>
      tpu.vector_store %arg7[%swap3A_107, %swap3A_108], %swap3A_111 {strides = array<i32>} : memref<128x128xf32, #tpu.memory_space<vmem>>, vector<1x16xf32>,
      %broadcast_in_dim3A_112 = arith.constant 0.000000e+00 : f32
      %broadcast_in_dim3A_113 = vector.broadcast %broadcast_in_dim3A_112 : f32 to vector<16xf32>
      %swap3A_114 = arith.index_cast %scan3A_85 : i32 to index
      %swap3A_115 = arith.constant 64 : index
      %swap3A_116 = tpu.vector_load %arg7[%swap3A_114, %swap3A_115] {strides = array<i32>} : memref<128x128xf32, #tpu.memory_space<vmem>>, vector<1x16xf32>,
      %swap3A_117 = vector.shape_cast %swap3A_116 : vector<1x16xf32> to vector<16xf32>
      %swap3A_118 = vector.shape_cast %broadcast_in_dim3A_113 : vector<16xf32> to vector<1x16xf32>
      tpu.vector_store %arg7[%swap3A_114, %swap3A_115], %swap3A_118 {strides = array<i32>} : memref<128x128xf32, #tpu.memory_space<vmem>>, vector<1x16xf32>,
      %broadcast_in_dim3A_119 = arith.constant 0.000000e+00 : f32
      %broadcast_in_dim3A_120 = vector.broadcast %broadcast_in_dim3A_119 : f32 to vector<16xf32>
      %swap3A_121 = arith.index_cast %scan3A_85 : i32 to index
      %swap3A_122 = arith.constant 80 : index
      %swap3A_123 = tpu.vector_load %arg7[%swap3A_121, %swap3A_122] {strides = array<i32>} : memref<128x128xf32, #tpu.memory_space<vmem>>, vector<1x16xf32>,
      %swap3A_124 = vector.shape_cast %swap3A_123 : vector<1x16xf32> to vector<16xf32>
      %swap3A_125 = vector.shape_cast %broadcast_in_dim3A_120 : vector<16xf32> to vector<1x16xf32>
      tpu.vector_store %arg7[%swap3A_121, %swap3A_122], %swap3A_125 {strides = array<i32>} : memref<128x128xf32, #tpu.memory_space<vmem>>, vector<1x16xf32>,
      %broadcast_in_dim3A_126 = arith.constant 0.000000e+00 : f32
      %broadcast_in_dim3A_127 = vector.broadcast %broadcast_in_dim3A_126 : f32 to vector<16xf32>
      %swap3A_128 = arith.index_cast %scan3A_85 : i32 to index
      %swap3A_129 = arith.constant 96 : index
      %swap3A_130 = tpu.vector_load %arg7[%swap3A_128, %swap3A_129] {strides = array<i32>} : memref<128x128xf32, #tpu.memory_space<vmem>>, vector<1x16xf32>,
      %swap3A_131 = vector.shape_cast %swap3A_130 : vector<1x16xf32> to vector<16xf32>
      %swap3A_132 = vector.shape_cast %broadcast_in_dim3A_127 : vector<16xf32> to vector<1x16xf32>
      tpu.vector_store %arg7[%swap3A_128, %swap3A_129], %swap3A_132 {strides = array<i32>} : memref<128x128xf32, #tpu.memory_space<vmem>>, vector<1x16xf32>,
      %broadcast_in_dim3A_133 = arith.constant 0.000000e+00 : f32
      %broadcast_in_dim3A_134 = vector.broadcast %broadcast_in_dim3A_133 : f32 to vector<16xf32>
      %swap3A_135 = arith.index_cast %scan3A_85 : i32 to index
      %swap3A_136 = arith.constant 112 : index
      %swap3A_137 = tpu.vector_load %arg7[%swap3A_135, %swap3A_136] {strides = array<i32>} : memref<128x128xf32, #tpu.memory_space<vmem>>, vector<1x16xf32>,
      %swap3A_138 = vector.shape_cast %swap3A_137 : vector<1x16xf32> to vector<16xf32>
      %swap3A_139 = vector.shape_cast %broadcast_in_dim3A_134 : vector<16xf32> to vector<1x16xf32>
      tpu.vector_store %arg7[%swap3A_135, %swap3A_136], %swap3A_139 {strides = array<i32>} : memref<128x128xf32, #tpu.memory_space<vmem>>, vector<1x16xf32>,
    }
    %scan3A_5 = arith.constant 128 : i32
    %mul3A_6 = arith.constant 640 : i32
    %mul3A_7 = arith.muli %arg1, %mul3A_6 : i32
    %add3A_8 = arith.constant 0 : i32
    %add3A_9 = arith.addi %mul3A_7, %add3A_8 : i32
    "tpu.region"() ({
      %run_scoped3A = tpu.sem_alloc : memref<!tpu.dma_semaphore, #tpu.memory_space<semaphore_mem>>
      %dma_start3A_85 = arith.constant 0 : i32
      %dma_start3A_86 = tpu.memref_slice %arg6[%add3A_9, %dma_start3A_85] : memref<10240x128xf32, #tpu.memory_space<vmem_shared>> -> memref<128x128xf32, #tpu.memory_space<vmem_shared>>
      %dma_start3A_87 = arith.constant 0 : i32
      %dma_start3A_88 = tpu.memref_slice %arg6[%add3A_9, %dma_start3A_87] : memref<10240x128xf32, #tpu.memory_space<vmem_shared>> -> memref<128x128xf32, #tpu.memory_space<vmem_shared>>
      tpu.enqueue_dma source(%arg7 : memref<128x128xf32, #tpu.memory_space<vmem>>) target(%dma_start3A_88 : memref<128x128xf32, #tpu.memory_space<vmem_shared>>) target_semaphore(%run_scoped3A : memref<!tpu.dma_semaphore, #tpu.memory_space<semaphore_mem>>)
      %dma_wait3A_89 = arith.constant 0 : i32
      %dma_wait3A_90 = tpu.memref_slice %arg6[%add3A_9, %dma_wait3A_89] : memref<10240x128xf32, #tpu.memory_space<vmem_shared>> -> memref<128x128xf32, #tpu.memory_space<vmem_shared>>
      %dma_wait3A_91 = arith.constant 0 : i32
      %dma_wait3A_92 = tpu.memref_slice %arg6[%add3A_9, %dma_wait3A_91] : memref<10240x128xf32, #tpu.memory_space<vmem_shared>> -> memref<128x128xf32, #tpu.memory_space<vmem_shared>>
      tpu.wait_dma2 semaphore(%run_scoped3A : memref<!tpu.dma_semaphore, #tpu.memory_space<semaphore_mem>>) src(%arg7 : memref<128x128xf32, #tpu.memory_space<vmem>>) dst(%dma_wait3A_92 : memref<128x128xf32, #tpu.memory_space<vmem_shared>>)
      tpu.yield
    }) : () -> ()
    %mul3A_10 = arith.constant 640 : i32
    %mul3A_11 = arith.muli %arg1, %mul3A_10 : i32
    %add3A_12 = arith.constant 128 : i32
    %add3A_13 = arith.addi %mul3A_11, %add3A_12 : i32
    "tpu.region"() ({
      %run_scoped3A = tpu.sem_alloc : memref<!tpu.dma_semaphore, #tpu.memory_space<semaphore_mem>>
      %dma_start3A_85 = arith.constant 0 : i32
      %dma_start3A_86 = tpu.memref_slice %arg6[%add3A_13, %dma_start3A_85] : memref<10240x128xf32, #tpu.memory_space<vmem_shared>> -> memref<128x128xf32, #tpu.memory_space<vmem_shared>>
      %dma_start3A_87 = arith.constant 0 : i32
      %dma_start3A_88 = tpu.memref_slice %arg6[%add3A_13, %dma_start3A_87] : memref<10240x128xf32, #tpu.memory_space<vmem_shared>> -> memref<128x128xf32, #tpu.memory_space<vmem_shared>>
      tpu.enqueue_dma source(%arg7 : memref<128x128xf32, #tpu.memory_space<vmem>>) target(%dma_start3A_88 : memref<128x128xf32, #tpu.memory_space<vmem_shared>>) target_semaphore(%run_scoped3A : memref<!tpu.dma_semaphore, #tpu.memory_space<semaphore_mem>>)
      %dma_wait3A_89 = arith.constant 0 : i32
      %dma_wait3A_90 = tpu.memref_slice %arg6[%add3A_13, %dma_wait3A_89] : memref<10240x128xf32, #tpu.memory_space<vmem_shared>> -> memref<128x128xf32, #tpu.memory_space<vmem_shared>>
      %dma_wait3A_91 = arith.constant 0 : i32
      %dma_wait3A_92 = tpu.memref_slice %arg6[%add3A_13, %dma_wait3A_91] : memref<10240x128xf32, #tpu.memory_space<vmem_shared>> -> memref<128x128xf32, #tpu.memory_space<vmem_shared>>
      tpu.wait_dma2 semaphore(%run_scoped3A : memref<!tpu.dma_semaphore, #tpu.memory_space<semaphore_mem>>) src(%arg7 : memref<128x128xf32, #tpu.memory_space<vmem>>) dst(%dma_wait3A_92 : memref<128x128xf32, #tpu.memory_space<vmem_shared>>)
      tpu.yield
    }) : () -> ()
    %mul3A_14 = arith.constant 640 : i32
    %mul3A_15 = arith.muli %arg1, %mul3A_14 : i32
    %add3A_16 = arith.constant 256 : i32
    %add3A_17 = arith.addi %mul3A_15, %add3A_16 : i32
    "tpu.region"() ({
      %run_scoped3A = tpu.sem_alloc : memref<!tpu.dma_semaphore, #tpu.memory_space<semaphore_mem>>
      %dma_start3A_85 = arith.constant 0 : i32
      %dma_start3A_86 = tpu.memref_slice %arg6[%add3A_17, %dma_start3A_85] : memref<10240x128xf32, #tpu.memory_space<vmem_shared>> -> memref<128x128xf32, #tpu.memory_space<vmem_shared>>
      %dma_start3A_87 = arith.constant 0 : i32
      %dma_start3A_88 = tpu.memref_slice %arg6[%add3A_17, %dma_start3A_87] : memref<10240x128xf32, #tpu.memory_space<vmem_shared>> -> memref<128x128xf32, #tpu.memory_space<vmem_shared>>
      tpu.enqueue_dma source(%arg7 : memref<128x128xf32, #tpu.memory_space<vmem>>) target(%dma_start3A_88 : memref<128x128xf32, #tpu.memory_space<vmem_shared>>) target_semaphore(%run_scoped3A : memref<!tpu.dma_semaphore, #tpu.memory_space<semaphore_mem>>)
      %dma_wait3A_89 = arith.constant 0 : i32
      %dma_wait3A_90 = tpu.memref_slice %arg6[%add3A_17, %dma_wait3A_89] : memref<10240x128xf32, #tpu.memory_space<vmem_shared>> -> memref<128x128xf32, #tpu.memory_space<vmem_shared>>
      %dma_wait3A_91 = arith.constant 0 : i32
      %dma_wait3A_92 = tpu.memref_slice %arg6[%add3A_17, %dma_wait3A_91] : memref<10240x128xf32, #tpu.memory_space<vmem_shared>> -> memref<128x128xf32, #tpu.memory_space<vmem_shared>>
      tpu.wait_dma2 semaphore(%run_scoped3A : memref<!tpu.dma_semaphore, #tpu.memory_space<semaphore_mem>>) src(%arg7 : memref<128x128xf32, #tpu.memory_space<vmem>>) dst(%dma_wait3A_92 : memref<128x128xf32, #tpu.memory_space<vmem_shared>>)
      tpu.yield
    }) : () -> ()
    %mul3A_18 = arith.constant 640 : i32
    %mul3A_19 = arith.muli %arg1, %mul3A_18 : i32
    %add3A_20 = arith.constant 384 : i32
    %add3A_21 = arith.addi %mul3A_19, %add3A_20 : i32
    "tpu.region"() ({
      %run_scoped3A = tpu.sem_alloc : memref<!tpu.dma_semaphore, #tpu.memory_space<semaphore_mem>>
      %dma_start3A_85 = arith.constant 0 : i32
      %dma_start3A_86 = tpu.memref_slice %arg6[%add3A_21, %dma_start3A_85] : memref<10240x128xf32, #tpu.memory_space<vmem_shared>> -> memref<128x128xf32, #tpu.memory_space<vmem_shared>>
      %dma_start3A_87 = arith.constant 0 : i32
      %dma_start3A_88 = tpu.memref_slice %arg6[%add3A_21, %dma_start3A_87] : memref<10240x128xf32, #tpu.memory_space<vmem_shared>> -> memref<128x128xf32, #tpu.memory_space<vmem_shared>>
      tpu.enqueue_dma source(%arg7 : memref<128x128xf32, #tpu.memory_space<vmem>>) target(%dma_start3A_88 : memref<128x128xf32, #tpu.memory_space<vmem_shared>>) target_semaphore(%run_scoped3A : memref<!tpu.dma_semaphore, #tpu.memory_space<semaphore_mem>>)
      %dma_wait3A_89 = arith.constant 0 : i32
      %dma_wait3A_90 = tpu.memref_slice %arg6[%add3A_21, %dma_wait3A_89] : memref<10240x128xf32, #tpu.memory_space<vmem_shared>> -> memref<128x128xf32, #tpu.memory_space<vmem_shared>>
      %dma_wait3A_91 = arith.constant 0 : i32
      %dma_wait3A_92 = tpu.memref_slice %arg6[%add3A_21, %dma_wait3A_91] : memref<10240x128xf32, #tpu.memory_space<vmem_shared>> -> memref<128x128xf32, #tpu.memory_space<vmem_shared>>
      tpu.wait_dma2 semaphore(%run_scoped3A : memref<!tpu.dma_semaphore, #tpu.memory_space<semaphore_mem>>) src(%arg7 : memref<128x128xf32, #tpu.memory_space<vmem>>) dst(%dma_wait3A_92 : memref<128x128xf32, #tpu.memory_space<vmem_shared>>)
      tpu.yield
    }) : () -> ()
    %mul3A_22 = arith.constant 640 : i32
    %mul3A_23 = arith.muli %arg1, %mul3A_22 : i32
    %add3A_24 = arith.constant 512 : i32
    %add3A_25 = arith.addi %mul3A_23, %add3A_24 : i32
    "tpu.region"() ({
      %run_scoped3A = tpu.sem_alloc : memref<!tpu.dma_semaphore, #tpu.memory_space<semaphore_mem>>
      %dma_start3A_85 = arith.constant 0 : i32
      %dma_start3A_86 = tpu.memref_slice %arg6[%add3A_25, %dma_start3A_85] : memref<10240x128xf32, #tpu.memory_space<vmem_shared>> -> memref<128x128xf32, #tpu.memory_space<vmem_shared>>
      %dma_start3A_87 = arith.constant 0 : i32
      %dma_start3A_88 = tpu.memref_slice %arg6[%add3A_25, %dma_start3A_87] : memref<10240x128xf32, #tpu.memory_space<vmem_shared>> -> memref<128x128xf32, #tpu.memory_space<vmem_shared>>
      tpu.enqueue_dma source(%arg7 : memref<128x128xf32, #tpu.memory_space<vmem>>) target(%dma_start3A_88 : memref<128x128xf32, #tpu.memory_space<vmem_shared>>) target_semaphore(%run_scoped3A : memref<!tpu.dma_semaphore, #tpu.memory_space<semaphore_mem>>)
      %dma_wait3A_89 = arith.constant 0 : i32
      %dma_wait3A_90 = tpu.memref_slice %arg6[%add3A_25, %dma_wait3A_89] : memref<10240x128xf32, #tpu.memory_space<vmem_shared>> -> memref<128x128xf32, #tpu.memory_space<vmem_shared>>
      %dma_wait3A_91 = arith.constant 0 : i32
      %dma_wait3A_92 = tpu.memref_slice %arg6[%add3A_25, %dma_wait3A_91] : memref<10240x128xf32, #tpu.memory_space<vmem_shared>> -> memref<128x128xf32, #tpu.memory_space<vmem_shared>>
      tpu.wait_dma2 semaphore(%run_scoped3A : memref<!tpu.dma_semaphore, #tpu.memory_space<semaphore_mem>>) src(%arg7 : memref<128x128xf32, #tpu.memory_space<vmem>>) dst(%dma_wait3A_92 : memref<128x128xf32, #tpu.memory_space<vmem_shared>>)
      tpu.yield
    }) : () -> ()
    %barrier3A = arith.constant 0 : index
    tpu.barrier barrier_id(%barrier3A)
    %mul3A_26 = arith.constant 10240 : i32
    %mul3A_27 = arith.muli %add3A, %mul3A_26 : i32
    %add3A_28 = arith.constant 0 : i32
    %add3A_29 = arith.addi %mul3A_27, %add3A_28 : i32
    "tpu.region"() ({
      %run_scoped3A = tpu.sem_alloc : memref<!tpu.dma_semaphore, #tpu.memory_space<semaphore_mem>>
      %dma_start3A_85 = tpu.memref_slice %arg2[%add3A_29] : memref<327680xi32, #tpu.memory_space<hbm>> -> memref<128xi32, #tpu.memory_space<hbm>>
      %dma_start3A_86 = tpu.memref_slice %arg2[%add3A_29] : memref<327680xi32, #tpu.memory_space<hbm>> -> memref<128xi32, #tpu.memory_space<hbm>>
      tpu.enqueue_dma source(%dma_start3A_86 : memref<128xi32, #tpu.memory_space<hbm>>) target(%arg9 : memref<128xi32, #tpu.memory_space<vmem>>) target_semaphore(%run_scoped3A : memref<!tpu.dma_semaphore, #tpu.memory_space<semaphore_mem>>)
      %dma_wait3A_87 = tpu.memref_slice %arg2[%add3A_29] : memref<327680xi32, #tpu.memory_space<hbm>> -> memref<128xi32, #tpu.memory_space<hbm>>
      %dma_wait3A_88 = tpu.memref_slice %arg2[%add3A_29] : memref<327680xi32, #tpu.memory_space<hbm>> -> memref<128xi32, #tpu.memory_space<hbm>>
      tpu.wait_dma2 semaphore(%run_scoped3A : memref<!tpu.dma_semaphore, #tpu.memory_space<semaphore_mem>>) src(%dma_wait3A_88 : memref<128xi32, #tpu.memory_space<hbm>>) dst(%arg9 : memref<128xi32, #tpu.memory_space<vmem>>)
      tpu.yield
    }) : () -> ()
    %dma_start3A = arith.constant 0 : i32
    %dma_start3A_30 = arith.constant 0 : i32
    %dma_start3A_31 = tpu.memref_slice %arg4[%dma_start3A, %dma_start3A_30] : memref<10000x128xf32, #tpu.memory_space<hbm>> -> memref<10000x128xf32, #tpu.memory_space<hbm>>
    tpu.enqueue_indirect_dma source(%dma_start3A_31 : memref<10000x128xf32, #tpu.memory_space<hbm>>) target(%arg7 : memref<128x128xf32, #tpu.memory_space<vmem>>) offsets(%arg9 : memref<128xi32, #tpu.memory_space<vmem>>) semaphore(%arg13 : memref<!tpu.dma_semaphore, #tpu.memory_space<semaphore_mem>>)
    %add3A_32 = arith.constant 0 : i32
    %add3A_33 = arith.addi %mul3A_27, %add3A_32 : i32
    "tpu.region"() ({
      %run_scoped3A = tpu.sem_alloc : memref<!tpu.dma_semaphore, #tpu.memory_space<semaphore_mem>>
      %dma_start3A_85 = tpu.memref_slice %arg3[%add3A_33] : memref<327680xi32, #tpu.memory_space<hbm>> -> memref<128xi32, #tpu.memory_space<hbm>>
      %dma_start3A_86 = tpu.memref_slice %arg3[%add3A_33] : memref<327680xi32, #tpu.memory_space<hbm>> -> memref<128xi32, #tpu.memory_space<hbm>>
      tpu.enqueue_dma source(%dma_start3A_86 : memref<128xi32, #tpu.memory_space<hbm>>) target(%arg11 : memref<128xi32, #tpu.memory_space<vmem>>) target_semaphore(%run_scoped3A : memref<!tpu.dma_semaphore, #tpu.memory_space<semaphore_mem>>)
      %dma_wait3A_87 = tpu.memref_slice %arg3[%add3A_33] : memref<327680xi32, #tpu.memory_space<hbm>> -> memref<128xi32, #tpu.memory_space<hbm>>
      %dma_wait3A_88 = tpu.memref_slice %arg3[%add3A_33] : memref<327680xi32, #tpu.memory_space<hbm>> -> memref<128xi32, #tpu.memory_space<hbm>>
      tpu.wait_dma2 semaphore(%run_scoped3A : memref<!tpu.dma_semaphore, #tpu.memory_space<semaphore_mem>>) src(%dma_wait3A_88 : memref<128xi32, #tpu.memory_space<hbm>>) dst(%arg11 : memref<128xi32, #tpu.memory_space<vmem>>)
      tpu.yield
    }) : () -> ()
    %dma_wait3A = arith.constant 0 : i32
    %dma_wait3A_34 = arith.constant 0 : i32
    %dma_wait3A_35 = tpu.memref_slice %arg4[%dma_wait3A, %dma_wait3A_34] : memref<10000x128xf32, #tpu.memory_space<hbm>> -> memref<10000x128xf32, #tpu.memory_space<hbm>>
    tpu.wait_indirect_dma semaphore(%arg13 : memref<!tpu.dma_semaphore, #tpu.memory_space<semaphore_mem>>) src(%dma_wait3A_35 : memref<10000x128xf32, #tpu.memory_space<hbm>>) dst(%arg7 : memref<128x128xf32, #tpu.memory_space<vmem>>)
    %dma_start3A_36 = arith.constant 0 : i32
    %dma_start3A_37 = arith.constant 0 : i32
    %dma_start3A_38 = tpu.memref_slice %arg6[%dma_start3A_36, %dma_start3A_37] : memref<10240x128xf32, #tpu.memory_space<vmem_shared>> -> memref<10240x128xf32, #tpu.memory_space<vmem_shared>>
    tpu.enqueue_indirect_dma source(%arg7 : memref<128x128xf32, #tpu.memory_space<vmem>>) target(%dma_start3A_38 : memref<10240x128xf32, #tpu.memory_space<vmem_shared>>) offsets(%arg11 : memref<128xi32, #tpu.memory_space<vmem>>) semaphore(%arg15 : memref<!tpu.dma_semaphore, #tpu.memory_space<semaphore_mem>>) {add = true}
    %add3A_39 = arith.constant 128 : i32
    %add3A_40 = arith.addi %mul3A_27, %add3A_39 : i32
    "tpu.region"() ({
      %run_scoped3A = tpu.sem_alloc : memref<!tpu.dma_semaphore, #tpu.memory_space<semaphore_mem>>
      %dma_start3A_85 = tpu.memref_slice %arg2[%add3A_40] : memref<327680xi32, #tpu.memory_space<hbm>> -> memref<128xi32, #tpu.memory_space<hbm>>
      %dma_start3A_86 = tpu.memref_slice %arg2[%add3A_40] : memref<327680xi32, #tpu.memory_space<hbm>> -> memref<128xi32, #tpu.memory_space<hbm>>
      tpu.enqueue_dma source(%dma_start3A_86 : memref<128xi32, #tpu.memory_space<hbm>>) target(%arg10 : memref<128xi32, #tpu.memory_space<vmem>>) target_semaphore(%run_scoped3A : memref<!tpu.dma_semaphore, #tpu.memory_space<semaphore_mem>>)
      %dma_wait3A_87 = tpu.memref_slice %arg2[%add3A_40] : memref<327680xi32, #tpu.memory_space<hbm>> -> memref<128xi32, #tpu.memory_space<hbm>>
      %dma_wait3A_88 = tpu.memref_slice %arg2[%add3A_40] : memref<327680xi32, #tpu.memory_space<hbm>> -> memref<128xi32, #tpu.memory_space<hbm>>
      tpu.wait_dma2 semaphore(%run_scoped3A : memref<!tpu.dma_semaphore, #tpu.memory_space<semaphore_mem>>) src(%dma_wait3A_88 : memref<128xi32, #tpu.memory_space<hbm>>) dst(%arg10 : memref<128xi32, #tpu.memory_space<vmem>>)
      tpu.yield
    }) : () -> ()
    %dma_start3A_41 = arith.constant 0 : i32
    %dma_start3A_42 = arith.constant 0 : i32
    %dma_start3A_43 = tpu.memref_slice %arg4[%dma_start3A_41, %dma_start3A_42] : memref<10000x128xf32, #tpu.memory_space<hbm>> -> memref<10000x128xf32, #tpu.memory_space<hbm>>
    tpu.enqueue_indirect_dma source(%dma_start3A_43 : memref<10000x128xf32, #tpu.memory_space<hbm>>) target(%arg8 : memref<128x128xf32, #tpu.memory_space<vmem>>) offsets(%arg10 : memref<128xi32, #tpu.memory_space<vmem>>) semaphore(%arg14 : memref<!tpu.dma_semaphore, #tpu.memory_space<semaphore_mem>>)
    %scan3A_44 = arith.constant 0 : i32
    %scan3A_45 = arith.constant 0 : i32
    %scan3A_46 = arith.constant 39 : i32
    %scan3A_47 = arith.addi %scan3A_45, %scan3A_46 : i32
    %scan3A_48 = arith.constant 1 : i32
    scf.for %scan3A_85 = %scan3A_45 to %scan3A_47 step %scan3A_48  : i32 {
      %mul3A_86 = arith.constant 2 : i32
      %mul3A_87 = arith.muli %mul3A_86, %scan3A_85 : i32
      %add3A_88 = arith.constant 1 : i32
      %add3A_89 = arith.addi %mul3A_87, %add3A_88 : i32
      %mul3A_90 = arith.constant 128 : i32
      %mul3A_91 = arith.muli %add3A_89, %mul3A_90 : i32
      %add3A_92 = arith.addi %mul3A_27, %mul3A_91 : i32
      "tpu.region"() ({
        %run_scoped3A = tpu.sem_alloc : memref<!tpu.dma_semaphore, #tpu.memory_space<semaphore_mem>>
        %dma_start3A_134 = tpu.memref_slice %arg3[%add3A_92] : memref<327680xi32, #tpu.memory_space<hbm>> -> memref<128xi32, #tpu.memory_space<hbm>>
        %dma_start3A_135 = tpu.memref_slice %arg3[%add3A_92] : memref<327680xi32, #tpu.memory_space<hbm>> -> memref<128xi32, #tpu.memory_space<hbm>>
        tpu.enqueue_dma source(%dma_start3A_135 : memref<128xi32, #tpu.memory_space<hbm>>) target(%arg12 : memref<128xi32, #tpu.memory_space<vmem>>) target_semaphore(%run_scoped3A : memref<!tpu.dma_semaphore, #tpu.memory_space<semaphore_mem>>)
        %dma_wait3A_136 = tpu.memref_slice %arg3[%add3A_92] : memref<327680xi32, #tpu.memory_space<hbm>> -> memref<128xi32, #tpu.memory_space<hbm>>
        %dma_wait3A_137 = tpu.memref_slice %arg3[%add3A_92] : memref<327680xi32, #tpu.memory_space<hbm>> -> memref<128xi32, #tpu.memory_space<hbm>>
        tpu.wait_dma2 semaphore(%run_scoped3A : memref<!tpu.dma_semaphore, #tpu.memory_space<semaphore_mem>>) src(%dma_wait3A_137 : memref<128xi32, #tpu.memory_space<hbm>>) dst(%arg12 : memref<128xi32, #tpu.memory_space<vmem>>)
        tpu.yield
      }) : () -> ()
      %dma_wait3A_93 = arith.constant 0 : i32
      %dma_wait3A_94 = arith.constant 0 : i32
      %dma_wait3A_95 = tpu.memref_slice %arg4[%dma_wait3A_93, %dma_wait3A_94] : memref<10000x128xf32, #tpu.memory_space<hbm>> -> memref<10000x128xf32, #tpu.memory_space<hbm>>
      tpu.wait_indirect_dma semaphore(%arg14 : memref<!tpu.dma_semaphore, #tpu.memory_space<semaphore_mem>>) src(%dma_wait3A_95 : memref<10000x128xf32, #tpu.memory_space<hbm>>) dst(%arg8 : memref<128x128xf32, #tpu.memory_space<vmem>>)
      %dma_start3A_96 = arith.constant 0 : i32
      %dma_start3A_97 = arith.constant 0 : i32
      %dma_start3A_98 = tpu.memref_slice %arg6[%dma_start3A_96, %dma_start3A_97] : memref<10240x128xf32, #tpu.memory_space<vmem_shared>> -> memref<10240x128xf32, #tpu.memory_space<vmem_shared>>
      tpu.enqueue_indirect_dma source(%arg8 : memref<128x128xf32, #tpu.memory_space<vmem>>) target(%dma_start3A_98 : memref<10240x128xf32, #tpu.memory_space<vmem_shared>>) offsets(%arg12 : memref<128xi32, #tpu.memory_space<vmem>>) semaphore(%arg16 : memref<!tpu.dma_semaphore, #tpu.memory_space<semaphore_mem>>) {add = true}
      %add3A_99 = arith.constant 1 : i32
      %add3A_100 = arith.addi %add3A_89, %add3A_99 : i32
      %mul3A_101 = arith.constant 128 : i32
      %mul3A_102 = arith.muli %add3A_100, %mul3A_101 : i32
      %add3A_103 = arith.addi %mul3A_27, %mul3A_102 : i32
      "tpu.region"() ({
        %run_scoped3A = tpu.sem_alloc : memref<!tpu.dma_semaphore, #tpu.memory_space<semaphore_mem>>
        %dma_start3A_134 = tpu.memref_slice %arg2[%add3A_103] : memref<327680xi32, #tpu.memory_space<hbm>> -> memref<128xi32, #tpu.memory_space<hbm>>
        %dma_start3A_135 = tpu.memref_slice %arg2[%add3A_103] : memref<327680xi32, #tpu.memory_space<hbm>> -> memref<128xi32, #tpu.memory_space<hbm>>
        tpu.enqueue_dma source(%dma_start3A_135 : memref<128xi32, #tpu.memory_space<hbm>>) target(%arg9 : memref<128xi32, #tpu.memory_space<vmem>>) target_semaphore(%run_scoped3A : memref<!tpu.dma_semaphore, #tpu.memory_space<semaphore_mem>>)
        %dma_wait3A_136 = tpu.memref_slice %arg2[%add3A_103] : memref<327680xi32, #tpu.memory_space<hbm>> -> memref<128xi32, #tpu.memory_space<hbm>>
        %dma_wait3A_137 = tpu.memref_slice %arg2[%add3A_103] : memref<327680xi32, #tpu.memory_space<hbm>> -> memref<128xi32, #tpu.memory_space<hbm>>
        tpu.wait_dma2 semaphore(%run_scoped3A : memref<!tpu.dma_semaphore, #tpu.memory_space<semaphore_mem>>) src(%dma_wait3A_137 : memref<128xi32, #tpu.memory_space<hbm>>) dst(%arg9 : memref<128xi32, #tpu.memory_space<vmem>>)
        tpu.yield
      }) : () -> ()
      %dma_wait3A_104 = arith.constant 0 : i32
      %dma_wait3A_105 = arith.constant 0 : i32
      %dma_wait3A_106 = tpu.memref_slice %arg6[%dma_wait3A_104, %dma_wait3A_105] : memref<10240x128xf32, #tpu.memory_space<vmem_shared>> -> memref<10240x128xf32, #tpu.memory_space<vmem_shared>>
      tpu.wait_indirect_dma semaphore(%arg15 : memref<!tpu.dma_semaphore, #tpu.memory_space<semaphore_mem>>) src(%arg7 : memref<128x128xf32, #tpu.memory_space<vmem>>) dst(%dma_wait3A_106 : memref<10240x128xf32, #tpu.memory_space<vmem_shared>>)
      %dma_start3A_107 = arith.constant 0 : i32
      %dma_start3A_108 = arith.constant 0 : i32
      %dma_start3A_109 = tpu.memref_slice %arg4[%dma_start3A_107, %dma_start3A_108] : memref<10000x128xf32, #tpu.memory_space<hbm>> -> memref<10000x128xf32, #tpu.memory_space<hbm>>
      tpu.enqueue_indirect_dma source(%dma_start3A_109 : memref<10000x128xf32, #tpu.memory_space<hbm>>) target(%arg7 : memref<128x128xf32, #tpu.memory_space<vmem>>) offsets(%arg9 : memref<128xi32, #tpu.memory_space<vmem>>) semaphore(%arg13 : memref<!tpu.dma_semaphore, #tpu.memory_space<semaphore_mem>>)
      %mul3A_110 = arith.constant 2 : i32
      %mul3A_111 = arith.muli %mul3A_110, %scan3A_85 : i32
      %add3A_112 = arith.constant 2 : i32
      %add3A_113 = arith.addi %mul3A_111, %add3A_112 : i32
      %mul3A_114 = arith.constant 128 : i32
      %mul3A_115 = arith.muli %add3A_113, %mul3A_114 : i32
      %add3A_116 = arith.addi %mul3A_27, %mul3A_115 : i32
      "tpu.region"() ({
        %run_scoped3A = tpu.sem_alloc : memref<!tpu.dma_semaphore, #tpu.memory_space<semaphore_mem>>
        %dma_start3A_134 = tpu.memref_slice %arg3[%add3A_116] : memref<327680xi32, #tpu.memory_space<hbm>> -> memref<128xi32, #tpu.memory_space<hbm>>
        %dma_start3A_135 = tpu.memref_slice %arg3[%add3A_116] : memref<327680xi32, #tpu.memory_space<hbm>> -> memref<128xi32, #tpu.memory_space<hbm>>
        tpu.enqueue_dma source(%dma_start3A_135 : memref<128xi32, #tpu.memory_space<hbm>>) target(%arg11 : memref<128xi32, #tpu.memory_space<vmem>>) target_semaphore(%run_scoped3A : memref<!tpu.dma_semaphore, #tpu.memory_space<semaphore_mem>>)
        %dma_wait3A_136 = tpu.memref_slice %arg3[%add3A_116] : memref<327680xi32, #tpu.memory_space<hbm>> -> memref<128xi32, #tpu.memory_space<hbm>>
        %dma_wait3A_137 = tpu.memref_slice %arg3[%add3A_116] : memref<327680xi32, #tpu.memory_space<hbm>> -> memref<128xi32, #tpu.memory_space<hbm>>
        tpu.wait_dma2 semaphore(%run_scoped3A : memref<!tpu.dma_semaphore, #tpu.memory_space<semaphore_mem>>) src(%dma_wait3A_137 : memref<128xi32, #tpu.memory_space<hbm>>) dst(%arg11 : memref<128xi32, #tpu.memory_space<vmem>>)
        tpu.yield
      }) : () -> ()
      %dma_wait3A_117 = arith.constant 0 : i32
      %dma_wait3A_118 = arith.constant 0 : i32
      %dma_wait3A_119 = tpu.memref_slice %arg4[%dma_wait3A_117, %dma_wait3A_118] : memref<10000x128xf32, #tpu.memory_space<hbm>> -> memref<10000x128xf32, #tpu.memory_space<hbm>>
      tpu.wait_indirect_dma semaphore(%arg13 : memref<!tpu.dma_semaphore, #tpu.memory_space<semaphore_mem>>) src(%dma_wait3A_119 : memref<10000x128xf32, #tpu.memory_space<hbm>>) dst(%arg7 : memref<128x128xf32, #tpu.memory_space<vmem>>)
      %dma_start3A_120 = arith.constant 0 : i32
      %dma_start3A_121 = arith.constant 0 : i32
      %dma_start3A_122 = tpu.memref_slice %arg6[%dma_start3A_120, %dma_start3A_121] : memref<10240x128xf32, #tpu.memory_space<vmem_shared>> -> memref<10240x128xf32, #tpu.memory_space<vmem_shared>>
      tpu.enqueue_indirect_dma source(%arg7 : memref<128x128xf32, #tpu.memory_space<vmem>>) target(%dma_start3A_122 : memref<10240x128xf32, #tpu.memory_space<vmem_shared>>) offsets(%arg11 : memref<128xi32, #tpu.memory_space<vmem>>) semaphore(%arg15 : memref<!tpu.dma_semaphore, #tpu.memory_space<semaphore_mem>>) {add = true}
      %add3A_123 = arith.constant 1 : i32
      %add3A_124 = arith.addi %add3A_113, %add3A_123 : i32
      %mul3A_125 = arith.constant 128 : i32
      %mul3A_126 = arith.muli %add3A_124, %mul3A_125 : i32
      %add3A_127 = arith.addi %mul3A_27, %mul3A_126 : i32
      "tpu.region"() ({
        %run_scoped3A = tpu.sem_alloc : memref<!tpu.dma_semaphore, #tpu.memory_space<semaphore_mem>>
        %dma_start3A_134 = tpu.memref_slice %arg2[%add3A_127] : memref<327680xi32, #tpu.memory_space<hbm>> -> memref<128xi32, #tpu.memory_space<hbm>>
        %dma_start3A_135 = tpu.memref_slice %arg2[%add3A_127] : memref<327680xi32, #tpu.memory_space<hbm>> -> memref<128xi32, #tpu.memory_space<hbm>>
        tpu.enqueue_dma source(%dma_start3A_135 : memref<128xi32, #tpu.memory_space<hbm>>) target(%arg10 : memref<128xi32, #tpu.memory_space<vmem>>) target_semaphore(%run_scoped3A : memref<!tpu.dma_semaphore, #tpu.memory_space<semaphore_mem>>)
        %dma_wait3A_136 = tpu.memref_slice %arg2[%add3A_127] : memref<327680xi32, #tpu.memory_space<hbm>> -> memref<128xi32, #tpu.memory_space<hbm>>
        %dma_wait3A_137 = tpu.memref_slice %arg2[%add3A_127] : memref<327680xi32, #tpu.memory_space<hbm>> -> memref<128xi32, #tpu.memory_space<hbm>>
        tpu.wait_dma2 semaphore(%run_scoped3A : memref<!tpu.dma_semaphore, #tpu.memory_space<semaphore_mem>>) src(%dma_wait3A_137 : memref<128xi32, #tpu.memory_space<hbm>>) dst(%arg10 : memref<128xi32, #tpu.memory_space<vmem>>)
        tpu.yield
      }) : () -> ()
      %dma_wait3A_128 = arith.constant 0 : i32
      %dma_wait3A_129 = arith.constant 0 : i32
      %dma_wait3A_130 = tpu.memref_slice %arg6[%dma_wait3A_128, %dma_wait3A_129] : memref<10240x128xf32, #tpu.memory_space<vmem_shared>> -> memref<10240x128xf32, #tpu.memory_space<vmem_shared>>
      tpu.wait_indirect_dma semaphore(%arg16 : memref<!tpu.dma_semaphore, #tpu.memory_space<semaphore_mem>>) src(%arg8 : memref<128x128xf32, #tpu.memory_space<vmem>>) dst(%dma_wait3A_130 : memref<10240x128xf32, #tpu.memory_space<vmem_shared>>)
      %dma_start3A_131 = arith.constant 0 : i32
      %dma_start3A_132 = arith.constant 0 : i32
      %dma_start3A_133 = tpu.memref_slice %arg4[%dma_start3A_131, %dma_start3A_132] : memref<10000x128xf32, #tpu.memory_space<hbm>> -> memref<10000x128xf32, #tpu.memory_space<hbm>>
      tpu.enqueue_indirect_dma source(%dma_start3A_133 : memref<10000x128xf32, #tpu.memory_space<hbm>>) target(%arg8 : memref<128x128xf32, #tpu.memory_space<vmem>>) offsets(%arg10 : memref<128xi32, #tpu.memory_space<vmem>>) semaphore(%arg14 : memref<!tpu.dma_semaphore, #tpu.memory_space<semaphore_mem>>)
    }
    %scan3A_49 = arith.constant 39 : i32
    %add3A_50 = arith.constant 10112 : i32
    %add3A_51 = arith.addi %mul3A_27, %add3A_50 : i32
    "tpu.region"() ({
      %run_scoped3A = tpu.sem_alloc : memref<!tpu.dma_semaphore, #tpu.memory_space<semaphore_mem>>
      %dma_start3A_85 = tpu.memref_slice %arg3[%add3A_51] : memref<327680xi32, #tpu.memory_space<hbm>> -> memref<128xi32, #tpu.memory_space<hbm>>
      %dma_start3A_86 = tpu.memref_slice %arg3[%add3A_51] : memref<327680xi32, #tpu.memory_space<hbm>> -> memref<128xi32, #tpu.memory_space<hbm>>
      tpu.enqueue_dma source(%dma_start3A_86 : memref<128xi32, #tpu.memory_space<hbm>>) target(%arg12 : memref<128xi32, #tpu.memory_space<vmem>>) target_semaphore(%run_scoped3A : memref<!tpu.dma_semaphore, #tpu.memory_space<semaphore_mem>>)
      %dma_wait3A_87 = tpu.memref_slice %arg3[%add3A_51] : memref<327680xi32, #tpu.memory_space<hbm>> -> memref<128xi32, #tpu.memory_space<hbm>>
      %dma_wait3A_88 = tpu.memref_slice %arg3[%add3A_51] : memref<327680xi32, #tpu.memory_space<hbm>> -> memref<128xi32, #tpu.memory_space<hbm>>
      tpu.wait_dma2 semaphore(%run_scoped3A : memref<!tpu.dma_semaphore, #tpu.memory_space<semaphore_mem>>) src(%dma_wait3A_88 : memref<128xi32, #tpu.memory_space<hbm>>) dst(%arg12 : memref<128xi32, #tpu.memory_space<vmem>>)
      tpu.yield
    }) : () -> ()
    %dma_wait3A_52 = arith.constant 0 : i32
    %dma_wait3A_53 = arith.constant 0 : i32
    %dma_wait3A_54 = tpu.memref_slice %arg4[%dma_wait3A_52, %dma_wait3A_53] : memref<10000x128xf32, #tpu.memory_space<hbm>> -> memref<10000x128xf32, #tpu.memory_space<hbm>>
    tpu.wait_indirect_dma semaphore(%arg14 : memref<!tpu.dma_semaphore, #tpu.memory_space<semaphore_mem>>) src(%dma_wait3A_54 : memref<10000x128xf32, #tpu.memory_space<hbm>>) dst(%arg8 : memref<128x128xf32, #tpu.memory_space<vmem>>)
    %dma_start3A_55 = arith.constant 0 : i32
    %dma_start3A_56 = arith.constant 0 : i32
    %dma_start3A_57 = tpu.memref_slice %arg6[%dma_start3A_55, %dma_start3A_56] : memref<10240x128xf32, #tpu.memory_space<vmem_shared>> -> memref<10240x128xf32, #tpu.memory_space<vmem_shared>>
    tpu.enqueue_indirect_dma source(%arg8 : memref<128x128xf32, #tpu.memory_space<vmem>>) target(%dma_start3A_57 : memref<10240x128xf32, #tpu.memory_space<vmem_shared>>) offsets(%arg12 : memref<128xi32, #tpu.memory_space<vmem>>) semaphore(%arg16 : memref<!tpu.dma_semaphore, #tpu.memory_space<semaphore_mem>>) {add = true}
    %dma_wait3A_58 = arith.constant 0 : i32
    %dma_wait3A_59 = arith.constant 0 : i32
    %dma_wait3A_60 = tpu.memref_slice %arg6[%dma_wait3A_58, %dma_wait3A_59] : memref<10240x128xf32, #tpu.memory_space<vmem_shared>> -> memref<10240x128xf32, #tpu.memory_space<vmem_shared>>
    tpu.wait_indirect_dma semaphore(%arg15 : memref<!tpu.dma_semaphore, #tpu.memory_space<semaphore_mem>>) src(%arg7 : memref<128x128xf32, #tpu.memory_space<vmem>>) dst(%dma_wait3A_60 : memref<10240x128xf32, #tpu.memory_space<vmem_shared>>)
    %dma_wait3A_61 = arith.constant 0 : i32
    %dma_wait3A_62 = arith.constant 0 : i32
    %dma_wait3A_63 = tpu.memref_slice %arg6[%dma_wait3A_61, %dma_wait3A_62] : memref<10240x128xf32, #tpu.memory_space<vmem_shared>> -> memref<10240x128xf32, #tpu.memory_space<vmem_shared>>
    tpu.wait_indirect_dma semaphore(%arg16 : memref<!tpu.dma_semaphore, #tpu.memory_space<semaphore_mem>>) src(%arg8 : memref<128x128xf32, #tpu.memory_space<vmem>>) dst(%dma_wait3A_63 : memref<10240x128xf32, #tpu.memory_space<vmem_shared>>)
    %barrier3A_64 = arith.constant 0 : index
    tpu.barrier barrier_id(%barrier3A_64)
    %mul3A_65 = arith.constant 640 : i32
    %mul3A_66 = arith.muli %arg1, %mul3A_65 : i32
    %add3A_67 = arith.constant 0 : i32
    %add3A_68 = arith.addi %mul3A_66, %add3A_67 : i32
    "tpu.region"() ({
      %run_scoped3A = tpu.sem_alloc : memref<!tpu.dma_semaphore, #tpu.memory_space<semaphore_mem>>
      %dma_start3A_85 = arith.constant 0 : i32
      %dma_start3A_86 = tpu.memref_slice %arg6[%add3A_68, %dma_start3A_85] : memref<10240x128xf32, #tpu.memory_space<vmem_shared>> -> memref<128x128xf32, #tpu.memory_space<vmem_shared>>
      %dma_start3A_87 = arith.constant 0 : i32
      %dma_start3A_88 = tpu.memref_slice %arg6[%add3A_68, %dma_start3A_87] : memref<10240x128xf32, #tpu.memory_space<vmem_shared>> -> memref<128x128xf32, #tpu.memory_space<vmem_shared>>
      tpu.enqueue_dma source(%dma_start3A_88 : memref<128x128xf32, #tpu.memory_space<vmem_shared>>) target(%arg7 : memref<128x128xf32, #tpu.memory_space<vmem>>) target_semaphore(%run_scoped3A : memref<!tpu.dma_semaphore, #tpu.memory_space<semaphore_mem>>)
      %dma_wait3A_89 = arith.constant 0 : i32
      %dma_wait3A_90 = tpu.memref_slice %arg6[%add3A_68, %dma_wait3A_89] : memref<10240x128xf32, #tpu.memory_space<vmem_shared>> -> memref<128x128xf32, #tpu.memory_space<vmem_shared>>
      %dma_wait3A_91 = arith.constant 0 : i32
      %dma_wait3A_92 = tpu.memref_slice %arg6[%add3A_68, %dma_wait3A_91] : memref<10240x128xf32, #tpu.memory_space<vmem_shared>> -> memref<128x128xf32, #tpu.memory_space<vmem_shared>>
      tpu.wait_dma2 semaphore(%run_scoped3A : memref<!tpu.dma_semaphore, #tpu.memory_space<semaphore_mem>>) src(%dma_wait3A_92 : memref<128x128xf32, #tpu.memory_space<vmem_shared>>) dst(%arg7 : memref<128x128xf32, #tpu.memory_space<vmem>>)
      tpu.yield
    }) : () -> ()
    "tpu.region"() ({
      %run_scoped3A = tpu.sem_alloc : memref<!tpu.dma_semaphore, #tpu.memory_space<semaphore_mem>>
      %dma_start3A_85 = arith.constant 0 : i32
      %dma_start3A_86 = tpu.memref_slice %arg5[%arg0, %add3A_68, %dma_start3A_85] : memref<2x10240x128xf32, #tpu.memory_space<hbm>> -> memref<1x128x128xf32, #tpu.memory_space<hbm>>
      %dma_start3A_87 = tpu.memref_squeeze %dma_start3A_86 : memref<1x128x128xf32, #tpu.memory_space<hbm>> -> memref<128x128xf32, #tpu.memory_space<hbm>>
      %dma_start3A_88 = arith.constant 0 : i32
      %dma_start3A_89 = tpu.memref_slice %arg5[%arg0, %add3A_68, %dma_start3A_88] : memref<2x10240x128xf32, #tpu.memory_space<hbm>> -> memref<1x128x128xf32, #tpu.memory_space<hbm>>
      %dma_start3A_90 = tpu.memref_squeeze %dma_start3A_89 : memref<1x128x128xf32, #tpu.memory_space<hbm>> -> memref<128x128xf32, #tpu.memory_space<hbm>>
      tpu.enqueue_dma source(%arg7 : memref<128x128xf32, #tpu.memory_space<vmem>>) target(%dma_start3A_90 : memref<128x128xf32, #tpu.memory_space<hbm>>) target_semaphore(%run_scoped3A : memref<!tpu.dma_semaphore, #tpu.memory_space<semaphore_mem>>)
      %dma_wait3A_91 = arith.constant 0 : i32
      %dma_wait3A_92 = tpu.memref_slice %arg5[%arg0, %add3A_68, %dma_wait3A_91] : memref<2x10240x128xf32, #tpu.memory_space<hbm>> -> memref<1x128x128xf32, #tpu.memory_space<hbm>>
      %dma_wait3A_93 = tpu.memref_squeeze %dma_wait3A_92 : memref<1x128x128xf32, #tpu.memory_space<hbm>> -> memref<128x128xf32, #tpu.memory_space<hbm>>
      %dma_wait3A_94 = arith.constant 0 : i32
      %dma_wait3A_95 = tpu.memref_slice %arg5[%arg0, %add3A_68, %dma_wait3A_94] : memref<2x10240x128xf32, #tpu.memory_space<hbm>> -> memref<1x128x128xf32, #tpu.memory_space<hbm>>
      %dma_wait3A_96 = tpu.memref_squeeze %dma_wait3A_95 : memref<1x128x128xf32, #tpu.memory_space<hbm>> -> memref<128x128xf32, #tpu.memory_space<hbm>>
      tpu.wait_dma2 semaphore(%run_scoped3A : memref<!tpu.dma_semaphore, #tpu.memory_space<semaphore_mem>>) src(%arg7 : memref<128x128xf32, #tpu.memory_space<vmem>>) dst(%dma_wait3A_96 : memref<128x128xf32, #tpu.memory_space<hbm>>)
      tpu.yield
    }) : () -> ()
    %mul3A_69 = arith.constant 640 : i32
    %mul3A_70 = arith.muli %arg1, %mul3A_69 : i32
    %add3A_71 = arith.constant 128 : i32
    %add3A_72 = arith.addi %mul3A_70, %add3A_71 : i32
    "tpu.region"() ({
      %run_scoped3A = tpu.sem_alloc : memref<!tpu.dma_semaphore, #tpu.memory_space<semaphore_mem>>
      %dma_start3A_85 = arith.constant 0 : i32
      %dma_start3A_86 = tpu.memref_slice %arg6[%add3A_72, %dma_start3A_85] : memref<10240x128xf32, #tpu.memory_space<vmem_shared>> -> memref<128x128xf32, #tpu.memory_space<vmem_shared>>
      %dma_start3A_87 = arith.constant 0 : i32
      %dma_start3A_88 = tpu.memref_slice %arg6[%add3A_72, %dma_start3A_87] : memref<10240x128xf32, #tpu.memory_space<vmem_shared>> -> memref<128x128xf32, #tpu.memory_space<vmem_shared>>
      tpu.enqueue_dma source(%dma_start3A_88 : memref<128x128xf32, #tpu.memory_space<vmem_shared>>) target(%arg7 : memref<128x128xf32, #tpu.memory_space<vmem>>) target_semaphore(%run_scoped3A : memref<!tpu.dma_semaphore, #tpu.memory_space<semaphore_mem>>)
      %dma_wait3A_89 = arith.constant 0 : i32
      %dma_wait3A_90 = tpu.memref_slice %arg6[%add3A_72, %dma_wait3A_89] : memref<10240x128xf32, #tpu.memory_space<vmem_shared>> -> memref<128x128xf32, #tpu.memory_space<vmem_shared>>
      %dma_wait3A_91 = arith.constant 0 : i32
      %dma_wait3A_92 = tpu.memref_slice %arg6[%add3A_72, %dma_wait3A_91] : memref<10240x128xf32, #tpu.memory_space<vmem_shared>> -> memref<128x128xf32, #tpu.memory_space<vmem_shared>>
      tpu.wait_dma2 semaphore(%run_scoped3A : memref<!tpu.dma_semaphore, #tpu.memory_space<semaphore_mem>>) src(%dma_wait3A_92 : memref<128x128xf32, #tpu.memory_space<vmem_shared>>) dst(%arg7 : memref<128x128xf32, #tpu.memory_space<vmem>>)
      tpu.yield
    }) : () -> ()
    "tpu.region"() ({
      %run_scoped3A = tpu.sem_alloc : memref<!tpu.dma_semaphore, #tpu.memory_space<semaphore_mem>>
      %dma_start3A_85 = arith.constant 0 : i32
      %dma_start3A_86 = tpu.memref_slice %arg5[%arg0, %add3A_72, %dma_start3A_85] : memref<2x10240x128xf32, #tpu.memory_space<hbm>> -> memref<1x128x128xf32, #tpu.memory_space<hbm>>
      %dma_start3A_87 = tpu.memref_squeeze %dma_start3A_86 : memref<1x128x128xf32, #tpu.memory_space<hbm>> -> memref<128x128xf32, #tpu.memory_space<hbm>>
      %dma_start3A_88 = arith.constant 0 : i32
      %dma_start3A_89 = tpu.memref_slice %arg5[%arg0, %add3A_72, %dma_start3A_88] : memref<2x10240x128xf32, #tpu.memory_space<hbm>> -> memref<1x128x128xf32, #tpu.memory_space<hbm>>
      %dma_start3A_90 = tpu.memref_squeeze %dma_start3A_89 : memref<1x128x128xf32, #tpu.memory_space<hbm>> -> memref<128x128xf32, #tpu.memory_space<hbm>>
      tpu.enqueue_dma source(%arg7 : memref<128x128xf32, #tpu.memory_space<vmem>>) target(%dma_start3A_90 : memref<128x128xf32, #tpu.memory_space<hbm>>) target_semaphore(%run_scoped3A : memref<!tpu.dma_semaphore, #tpu.memory_space<semaphore_mem>>)
      %dma_wait3A_91 = arith.constant 0 : i32
      %dma_wait3A_92 = tpu.memref_slice %arg5[%arg0, %add3A_72, %dma_wait3A_91] : memref<2x10240x128xf32, #tpu.memory_space<hbm>> -> memref<1x128x128xf32, #tpu.memory_space<hbm>>
      %dma_wait3A_93 = tpu.memref_squeeze %dma_wait3A_92 : memref<1x128x128xf32, #tpu.memory_space<hbm>> -> memref<128x128xf32, #tpu.memory_space<hbm>>
      %dma_wait3A_94 = arith.constant 0 : i32
      %dma_wait3A_95 = tpu.memref_slice %arg5[%arg0, %add3A_72, %dma_wait3A_94] : memref<2x10240x128xf32, #tpu.memory_space<hbm>> -> memref<1x128x128xf32, #tpu.memory_space<hbm>>
      %dma_wait3A_96 = tpu.memref_squeeze %dma_wait3A_95 : memref<1x128x128xf32, #tpu.memory_space<hbm>> -> memref<128x128xf32, #tpu.memory_space<hbm>>
      tpu.wait_dma2 semaphore(%run_scoped3A : memref<!tpu.dma_semaphore, #tpu.memory_space<semaphore_mem>>) src(%arg7 : memref<128x128xf32, #tpu.memory_space<vmem>>) dst(%dma_wait3A_96 : memref<128x128xf32, #tpu.memory_space<hbm>>)
      tpu.yield
    }) : () -> ()
    %mul3A_73 = arith.constant 640 : i32
    %mul3A_74 = arith.muli %arg1, %mul3A_73 : i32
    %add3A_75 = arith.constant 256 : i32
    %add3A_76 = arith.addi %mul3A_74, %add3A_75 : i32
    "tpu.region"() ({
      %run_scoped3A = tpu.sem_alloc : memref<!tpu.dma_semaphore, #tpu.memory_space<semaphore_mem>>
      %dma_start3A_85 = arith.constant 0 : i32
      %dma_start3A_86 = tpu.memref_slice %arg6[%add3A_76, %dma_start3A_85] : memref<10240x128xf32, #tpu.memory_space<vmem_shared>> -> memref<128x128xf32, #tpu.memory_space<vmem_shared>>
      %dma_start3A_87 = arith.constant 0 : i32
      %dma_start3A_88 = tpu.memref_slice %arg6[%add3A_76, %dma_start3A_87] : memref<10240x128xf32, #tpu.memory_space<vmem_shared>> -> memref<128x128xf32, #tpu.memory_space<vmem_shared>>
      tpu.enqueue_dma source(%dma_start3A_88 : memref<128x128xf32, #tpu.memory_space<vmem_shared>>) target(%arg7 : memref<128x128xf32, #tpu.memory_space<vmem>>) target_semaphore(%run_scoped3A : memref<!tpu.dma_semaphore, #tpu.memory_space<semaphore_mem>>)
      %dma_wait3A_89 = arith.constant 0 : i32
      %dma_wait3A_90 = tpu.memref_slice %arg6[%add3A_76, %dma_wait3A_89] : memref<10240x128xf32, #tpu.memory_space<vmem_shared>> -> memref<128x128xf32, #tpu.memory_space<vmem_shared>>
      %dma_wait3A_91 = arith.constant 0 : i32
      %dma_wait3A_92 = tpu.memref_slice %arg6[%add3A_76, %dma_wait3A_91] : memref<10240x128xf32, #tpu.memory_space<vmem_shared>> -> memref<128x128xf32, #tpu.memory_space<vmem_shared>>
      tpu.wait_dma2 semaphore(%run_scoped3A : memref<!tpu.dma_semaphore, #tpu.memory_space<semaphore_mem>>) src(%dma_wait3A_92 : memref<128x128xf32, #tpu.memory_space<vmem_shared>>) dst(%arg7 : memref<128x128xf32, #tpu.memory_space<vmem>>)
      tpu.yield
    }) : () -> ()
    "tpu.region"() ({
      %run_scoped3A = tpu.sem_alloc : memref<!tpu.dma_semaphore, #tpu.memory_space<semaphore_mem>>
      %dma_start3A_85 = arith.constant 0 : i32
      %dma_start3A_86 = tpu.memref_slice %arg5[%arg0, %add3A_76, %dma_start3A_85] : memref<2x10240x128xf32, #tpu.memory_space<hbm>> -> memref<1x128x128xf32, #tpu.memory_space<hbm>>
      %dma_start3A_87 = tpu.memref_squeeze %dma_start3A_86 : memref<1x128x128xf32, #tpu.memory_space<hbm>> -> memref<128x128xf32, #tpu.memory_space<hbm>>
      %dma_start3A_88 = arith.constant 0 : i32
      %dma_start3A_89 = tpu.memref_slice %arg5[%arg0, %add3A_76, %dma_start3A_88] : memref<2x10240x128xf32, #tpu.memory_space<hbm>> -> memref<1x128x128xf32, #tpu.memory_space<hbm>>
      %dma_start3A_90 = tpu.memref_squeeze %dma_start3A_89 : memref<1x128x128xf32, #tpu.memory_space<hbm>> -> memref<128x128xf32, #tpu.memory_space<hbm>>
      tpu.enqueue_dma source(%arg7 : memref<128x128xf32, #tpu.memory_space<vmem>>) target(%dma_start3A_90 : memref<128x128xf32, #tpu.memory_space<hbm>>) target_semaphore(%run_scoped3A : memref<!tpu.dma_semaphore, #tpu.memory_space<semaphore_mem>>)
      %dma_wait3A_91 = arith.constant 0 : i32
      %dma_wait3A_92 = tpu.memref_slice %arg5[%arg0, %add3A_76, %dma_wait3A_91] : memref<2x10240x128xf32, #tpu.memory_space<hbm>> -> memref<1x128x128xf32, #tpu.memory_space<hbm>>
      %dma_wait3A_93 = tpu.memref_squeeze %dma_wait3A_92 : memref<1x128x128xf32, #tpu.memory_space<hbm>> -> memref<128x128xf32, #tpu.memory_space<hbm>>
      %dma_wait3A_94 = arith.constant 0 : i32
      %dma_wait3A_95 = tpu.memref_slice %arg5[%arg0, %add3A_76, %dma_wait3A_94] : memref<2x10240x128xf32, #tpu.memory_space<hbm>> -> memref<1x128x128xf32, #tpu.memory_space<hbm>>
      %dma_wait3A_96 = tpu.memref_squeeze %dma_wait3A_95 : memref<1x128x128xf32, #tpu.memory_space<hbm>> -> memref<128x128xf32, #tpu.memory_space<hbm>>
      tpu.wait_dma2 semaphore(%run_scoped3A : memref<!tpu.dma_semaphore, #tpu.memory_space<semaphore_mem>>) src(%arg7 : memref<128x128xf32, #tpu.memory_space<vmem>>) dst(%dma_wait3A_96 : memref<128x128xf32, #tpu.memory_space<hbm>>)
      tpu.yield
    }) : () -> ()
    %mul3A_77 = arith.constant 640 : i32
    %mul3A_78 = arith.muli %arg1, %mul3A_77 : i32
    %add3A_79 = arith.constant 384 : i32
    %add3A_80 = arith.addi %mul3A_78, %add3A_79 : i32
    "tpu.region"() ({
      %run_scoped3A = tpu.sem_alloc : memref<!tpu.dma_semaphore, #tpu.memory_space<semaphore_mem>>
      %dma_start3A_85 = arith.constant 0 : i32
      %dma_start3A_86 = tpu.memref_slice %arg6[%add3A_80, %dma_start3A_85] : memref<10240x128xf32, #tpu.memory_space<vmem_shared>> -> memref<128x128xf32, #tpu.memory_space<vmem_shared>>
      %dma_start3A_87 = arith.constant 0 : i32
      %dma_start3A_88 = tpu.memref_slice %arg6[%add3A_80, %dma_start3A_87] : memref<10240x128xf32, #tpu.memory_space<vmem_shared>> -> memref<128x128xf32, #tpu.memory_space<vmem_shared>>
      tpu.enqueue_dma source(%dma_start3A_88 : memref<128x128xf32, #tpu.memory_space<vmem_shared>>) target(%arg7 : memref<128x128xf32, #tpu.memory_space<vmem>>) target_semaphore(%run_scoped3A : memref<!tpu.dma_semaphore, #tpu.memory_space<semaphore_mem>>)
      %dma_wait3A_89 = arith.constant 0 : i32
      %dma_wait3A_90 = tpu.memref_slice %arg6[%add3A_80, %dma_wait3A_89] : memref<10240x128xf32, #tpu.memory_space<vmem_shared>> -> memref<128x128xf32, #tpu.memory_space<vmem_shared>>
      %dma_wait3A_91 = arith.constant 0 : i32
      %dma_wait3A_92 = tpu.memref_slice %arg6[%add3A_80, %dma_wait3A_91] : memref<10240x128xf32, #tpu.memory_space<vmem_shared>> -> memref<128x128xf32, #tpu.memory_space<vmem_shared>>
      tpu.wait_dma2 semaphore(%run_scoped3A : memref<!tpu.dma_semaphore, #tpu.memory_space<semaphore_mem>>) src(%dma_wait3A_92 : memref<128x128xf32, #tpu.memory_space<vmem_shared>>) dst(%arg7 : memref<128x128xf32, #tpu.memory_space<vmem>>)
      tpu.yield
    }) : () -> ()
    "tpu.region"() ({
      %run_scoped3A = tpu.sem_alloc : memref<!tpu.dma_semaphore, #tpu.memory_space<semaphore_mem>>
      %dma_start3A_85 = arith.constant 0 : i32
      %dma_start3A_86 = tpu.memref_slice %arg5[%arg0, %add3A_80, %dma_start3A_85] : memref<2x10240x128xf32, #tpu.memory_space<hbm>> -> memref<1x128x128xf32, #tpu.memory_space<hbm>>
      %dma_start3A_87 = tpu.memref_squeeze %dma_start3A_86 : memref<1x128x128xf32, #tpu.memory_space<hbm>> -> memref<128x128xf32, #tpu.memory_space<hbm>>
      %dma_start3A_88 = arith.constant 0 : i32
      %dma_start3A_89 = tpu.memref_slice %arg5[%arg0, %add3A_80, %dma_start3A_88] : memref<2x10240x128xf32, #tpu.memory_space<hbm>> -> memref<1x128x128xf32, #tpu.memory_space<hbm>>
      %dma_start3A_90 = tpu.memref_squeeze %dma_start3A_89 : memref<1x128x128xf32, #tpu.memory_space<hbm>> -> memref<128x128xf32, #tpu.memory_space<hbm>>
      tpu.enqueue_dma source(%arg7 : memref<128x128xf32, #tpu.memory_space<vmem>>) target(%dma_start3A_90 : memref<128x128xf32, #tpu.memory_space<hbm>>) target_semaphore(%run_scoped3A : memref<!tpu.dma_semaphore, #tpu.memory_space<semaphore_mem>>)
      %dma_wait3A_91 = arith.constant 0 : i32
      %dma_wait3A_92 = tpu.memref_slice %arg5[%arg0, %add3A_80, %dma_wait3A_91] : memref<2x10240x128xf32, #tpu.memory_space<hbm>> -> memref<1x128x128xf32, #tpu.memory_space<hbm>>
      %dma_wait3A_93 = tpu.memref_squeeze %dma_wait3A_92 : memref<1x128x128xf32, #tpu.memory_space<hbm>> -> memref<128x128xf32, #tpu.memory_space<hbm>>
      %dma_wait3A_94 = arith.constant 0 : i32
      %dma_wait3A_95 = tpu.memref_slice %arg5[%arg0, %add3A_80, %dma_wait3A_94] : memref<2x10240x128xf32, #tpu.memory_space<hbm>> -> memref<1x128x128xf32, #tpu.memory_space<hbm>>
      %dma_wait3A_96 = tpu.memref_squeeze %dma_wait3A_95 : memref<1x128x128xf32, #tpu.memory_space<hbm>> -> memref<128x128xf32, #tpu.memory_space<hbm>>
      tpu.wait_dma2 semaphore(%run_scoped3A : memref<!tpu.dma_semaphore, #tpu.memory_space<semaphore_mem>>) src(%arg7 : memref<128x128xf32, #tpu.memory_space<vmem>>) dst(%dma_wait3A_96 : memref<128x128xf32, #tpu.memory_space<hbm>>)
      tpu.yield
    }) : () -> ()
    %mul3A_81 = arith.constant 640 : i32
    %mul3A_82 = arith.muli %arg1, %mul3A_81 : i32
    %add3A_83 = arith.constant 512 : i32
    %add3A_84 = arith.addi %mul3A_82, %add3A_83 : i32
    "tpu.region"() ({
      %run_scoped3A = tpu.sem_alloc : memref<!tpu.dma_semaphore, #tpu.memory_space<semaphore_mem>>
      %dma_start3A_85 = arith.constant 0 : i32
      %dma_start3A_86 = tpu.memref_slice %arg6[%add3A_84, %dma_start3A_85] : memref<10240x128xf32, #tpu.memory_space<vmem_shared>> -> memref<128x128xf32, #tpu.memory_space<vmem_shared>>
      %dma_start3A_87 = arith.constant 0 : i32
      %dma_start3A_88 = tpu.memref_slice %arg6[%add3A_84, %dma_start3A_87] : memref<10240x128xf32, #tpu.memory_space<vmem_shared>> -> memref<128x128xf32, #tpu.memory_space<vmem_shared>>
      tpu.enqueue_dma source(%dma_start3A_88 : memref<128x128xf32, #tpu.memory_space<vmem_shared>>) target(%arg7 : memref<128x128xf32, #tpu.memory_space<vmem>>) target_semaphore(%run_scoped3A : memref<!tpu.dma_semaphore, #tpu.memory_space<semaphore_mem>>)
      %dma_wait3A_89 = arith.constant 0 : i32
      %dma_wait3A_90 = tpu.memref_slice %arg6[%add3A_84, %dma_wait3A_89] : memref<10240x128xf32, #tpu.memory_space<vmem_shared>> -> memref<128x128xf32, #tpu.memory_space<vmem_shared>>
      %dma_wait3A_91 = arith.constant 0 : i32
      %dma_wait3A_92 = tpu.memref_slice %arg6[%add3A_84, %dma_wait3A_91] : memref<10240x128xf32, #tpu.memory_space<vmem_shared>> -> memref<128x128xf32, #tpu.memory_space<vmem_shared>>
      tpu.wait_dma2 semaphore(%run_scoped3A : memref<!tpu.dma_semaphore, #tpu.memory_space<semaphore_mem>>) src(%dma_wait3A_92 : memref<128x128xf32, #tpu.memory_space<vmem_shared>>) dst(%arg7 : memref<128x128xf32, #tpu.memory_space<vmem>>)
      tpu.yield
    }) : () -> ()
    "tpu.region"() ({
      %run_scoped3A = tpu.sem_alloc : memref<!tpu.dma_semaphore, #tpu.memory_space<semaphore_mem>>
      %dma_start3A_85 = arith.constant 0 : i32
      %dma_start3A_86 = tpu.memref_slice %arg5[%arg0, %add3A_84, %dma_start3A_85] : memref<2x10240x128xf32, #tpu.memory_space<hbm>> -> memref<1x128x128xf32, #tpu.memory_space<hbm>>
      %dma_start3A_87 = tpu.memref_squeeze %dma_start3A_86 : memref<1x128x128xf32, #tpu.memory_space<hbm>> -> memref<128x128xf32, #tpu.memory_space<hbm>>
      %dma_start3A_88 = arith.constant 0 : i32
      %dma_start3A_89 = tpu.memref_slice %arg5[%arg0, %add3A_84, %dma_start3A_88] : memref<2x10240x128xf32, #tpu.memory_space<hbm>> -> memref<1x128x128xf32, #tpu.memory_space<hbm>>
      %dma_start3A_90 = tpu.memref_squeeze %dma_start3A_89 : memref<1x128x128xf32, #tpu.memory_space<hbm>> -> memref<128x128xf32, #tpu.memory_space<hbm>>
      tpu.enqueue_dma source(%arg7 : memref<128x128xf32, #tpu.memory_space<vmem>>) target(%dma_start3A_90 : memref<128x128xf32, #tpu.memory_space<hbm>>) target_semaphore(%run_scoped3A : memref<!tpu.dma_semaphore, #tpu.memory_space<semaphore_mem>>)
      %dma_wait3A_91 = arith.constant 0 : i32
      %dma_wait3A_92 = tpu.memref_slice %arg5[%arg0, %add3A_84, %dma_wait3A_91] : memref<2x10240x128xf32, #tpu.memory_space<hbm>> -> memref<1x128x128xf32, #tpu.memory_space<hbm>>
      %dma_wait3A_93 = tpu.memref_squeeze %dma_wait3A_92 : memref<1x128x128xf32, #tpu.memory_space<hbm>> -> memref<128x128xf32, #tpu.memory_space<hbm>>
      %dma_wait3A_94 = arith.constant 0 : i32
      %dma_wait3A_95 = tpu.memref_slice %arg5[%arg0, %add3A_84, %dma_wait3A_94] : memref<2x10240x128xf32, #tpu.memory_space<hbm>> -> memref<1x128x128xf32, #tpu.memory_space<hbm>>
      %dma_wait3A_96 = tpu.memref_squeeze %dma_wait3A_95 : memref<1x128x128xf32, #tpu.memory_space<hbm>> -> memref<128x128xf32, #tpu.memory_space<hbm>>
      tpu.wait_dma2 semaphore(%run_scoped3A : memref<!tpu.dma_semaphore, #tpu.memory_space<semaphore_mem>>) src(%arg7 : memref<128x128xf32, #tpu.memory_space<vmem>>) dst(%dma_wait3A_96 : memref<128x128xf32, #tpu.memory_space<hbm>>)
      tpu.yield
    }) : () -> ()
    return
  }
}

#map = affine_map<(d0, d1) -> (0)>
#map1 = affine_map<(d0, d1) -> (0, 0, 0)>
module attributes {stable_mosaic.version = 14 : i64} {
  func.func @_prep(%arg0: i32, %arg1: i32, %arg2: memref<327680xi32, #tpu.memory_space<hbm>>, %arg3: memref<327680xi32, #tpu.memory_space<hbm>>, %arg4: memref<2x16x640xf32, #tpu.memory_space<hbm>>, %arg5: memref<327680xi32, #tpu.memory_space<hbm>>, %arg6: memref<10240xf32, #tpu.memory_space<vmem_shared>>, %arg7: memref<128xi32, #tpu.memory_space<vmem>>, %arg8: memref<128xi32, #tpu.memory_space<vmem>>, %arg9: memref<128xi32, #tpu.memory_space<vmem>>, %arg10: memref<128xf32, #tpu.memory_space<vmem>>, %arg11: memref<640xf32, #tpu.memory_space<vmem>>) attributes {dimension_semantics = [#tpu.dimension_semantics<core_parallel>, #tpu.dimension_semantics<subcore_parallel>], iteration_bounds = array<i64: 2, 16>, scalar_prefetch = 0 : i64, scratch_operands = 6 : i64, tpu.core_type = #tpu.core_type<sc_vector_subcore>, window_params = [{transform_indices = #map}, {transform_indices = #map}, {transform_indices = #map1}, {transform_indices = #map}]} {
    %mul3A = arith.constant 16 : i32
    %mul3A_0 = arith.muli %arg0, %mul3A : i32
    %add3A = arith.addi %mul3A_0, %arg1 : i32
    %broadcast_in_dim3A = arith.constant 1.000000e+00 : f32
    %broadcast_in_dim3A_1 = vector.broadcast %broadcast_in_dim3A : f32 to vector<16xf32>
    %swap3A = arith.constant 0 : index
    %swap3A_2 = tpu.vector_load %arg10[%swap3A] {strides = array<i32>} : memref<128xf32, #tpu.memory_space<vmem>>, vector<16xf32>,
    %swap3A_3 = vector.shape_cast %swap3A_2 : vector<16xf32> to vector<16xf32>
    %swap3A_4 = vector.shape_cast %broadcast_in_dim3A_1 : vector<16xf32> to vector<16xf32>
    tpu.vector_store %arg10[%swap3A], %swap3A_4 {strides = array<i32>} : memref<128xf32, #tpu.memory_space<vmem>>, vector<16xf32>,
    %broadcast_in_dim3A_5 = arith.constant 1.000000e+00 : f32
    %broadcast_in_dim3A_6 = vector.broadcast %broadcast_in_dim3A_5 : f32 to vector<16xf32>
    %swap3A_7 = arith.constant 16 : index
    %swap3A_8 = tpu.vector_load %arg10[%swap3A_7] {strides = array<i32>} : memref<128xf32, #tpu.memory_space<vmem>>, vector<16xf32>,
    %swap3A_9 = vector.shape_cast %swap3A_8 : vector<16xf32> to vector<16xf32>
    %swap3A_10 = vector.shape_cast %broadcast_in_dim3A_6 : vector<16xf32> to vector<16xf32>
    tpu.vector_store %arg10[%swap3A_7], %swap3A_10 {strides = array<i32>} : memref<128xf32, #tpu.memory_space<vmem>>, vector<16xf32>,
    %broadcast_in_dim3A_11 = arith.constant 1.000000e+00 : f32
    %broadcast_in_dim3A_12 = vector.broadcast %broadcast_in_dim3A_11 : f32 to vector<16xf32>
    %swap3A_13 = arith.constant 32 : index
    %swap3A_14 = tpu.vector_load %arg10[%swap3A_13] {strides = array<i32>} : memref<128xf32, #tpu.memory_space<vmem>>, vector<16xf32>,
    %swap3A_15 = vector.shape_cast %swap3A_14 : vector<16xf32> to vector<16xf32>
    %swap3A_16 = vector.shape_cast %broadcast_in_dim3A_12 : vector<16xf32> to vector<16xf32>
    tpu.vector_store %arg10[%swap3A_13], %swap3A_16 {strides = array<i32>} : memref<128xf32, #tpu.memory_space<vmem>>, vector<16xf32>,
    %broadcast_in_dim3A_17 = arith.constant 1.000000e+00 : f32
    %broadcast_in_dim3A_18 = vector.broadcast %broadcast_in_dim3A_17 : f32 to vector<16xf32>
    %swap3A_19 = arith.constant 48 : index
    %swap3A_20 = tpu.vector_load %arg10[%swap3A_19] {strides = array<i32>} : memref<128xf32, #tpu.memory_space<vmem>>, vector<16xf32>,
    %swap3A_21 = vector.shape_cast %swap3A_20 : vector<16xf32> to vector<16xf32>
    %swap3A_22 = vector.shape_cast %broadcast_in_dim3A_18 : vector<16xf32> to vector<16xf32>
    tpu.vector_store %arg10[%swap3A_19], %swap3A_22 {strides = array<i32>} : memref<128xf32, #tpu.memory_space<vmem>>, vector<16xf32>,
    %broadcast_in_dim3A_23 = arith.constant 1.000000e+00 : f32
    %broadcast_in_dim3A_24 = vector.broadcast %broadcast_in_dim3A_23 : f32 to vector<16xf32>
    %swap3A_25 = arith.constant 64 : index
    %swap3A_26 = tpu.vector_load %arg10[%swap3A_25] {strides = array<i32>} : memref<128xf32, #tpu.memory_space<vmem>>, vector<16xf32>,
    %swap3A_27 = vector.shape_cast %swap3A_26 : vector<16xf32> to vector<16xf32>
    %swap3A_28 = vector.shape_cast %broadcast_in_dim3A_24 : vector<16xf32> to vector<16xf32>
    tpu.vector_store %arg10[%swap3A_25], %swap3A_28 {strides = array<i32>} : memref<128xf32, #tpu.memory_space<vmem>>, vector<16xf32>,
    %broadcast_in_dim3A_29 = arith.constant 1.000000e+00 : f32
    %broadcast_in_dim3A_30 = vector.broadcast %broadcast_in_dim3A_29 : f32 to vector<16xf32>
    %swap3A_31 = arith.constant 80 : index
    %swap3A_32 = tpu.vector_load %arg10[%swap3A_31] {strides = array<i32>} : memref<128xf32, #tpu.memory_space<vmem>>, vector<16xf32>,
    %swap3A_33 = vector.shape_cast %swap3A_32 : vector<16xf32> to vector<16xf32>
    %swap3A_34 = vector.shape_cast %broadcast_in_dim3A_30 : vector<16xf32> to vector<16xf32>
    tpu.vector_store %arg10[%swap3A_31], %swap3A_34 {strides = array<i32>} : memref<128xf32, #tpu.memory_space<vmem>>, vector<16xf32>,
    %broadcast_in_dim3A_35 = arith.constant 1.000000e+00 : f32
    %broadcast_in_dim3A_36 = vector.broadcast %broadcast_in_dim3A_35 : f32 to vector<16xf32>
    %swap3A_37 = arith.constant 96 : index
    %swap3A_38 = tpu.vector_load %arg10[%swap3A_37] {strides = array<i32>} : memref<128xf32, #tpu.memory_space<vmem>>, vector<16xf32>,
    %swap3A_39 = vector.shape_cast %swap3A_38 : vector<16xf32> to vector<16xf32>
    %swap3A_40 = vector.shape_cast %broadcast_in_dim3A_36 : vector<16xf32> to vector<16xf32>
    tpu.vector_store %arg10[%swap3A_37], %swap3A_40 {strides = array<i32>} : memref<128xf32, #tpu.memory_space<vmem>>, vector<16xf32>,
    %broadcast_in_dim3A_41 = arith.constant 1.000000e+00 : f32
    %broadcast_in_dim3A_42 = vector.broadcast %broadcast_in_dim3A_41 : f32 to vector<16xf32>
    %swap3A_43 = arith.constant 112 : index
    %swap3A_44 = tpu.vector_load %arg10[%swap3A_43] {strides = array<i32>} : memref<128xf32, #tpu.memory_space<vmem>>, vector<16xf32>,
    %swap3A_45 = vector.shape_cast %swap3A_44 : vector<16xf32> to vector<16xf32>
    %swap3A_46 = vector.shape_cast %broadcast_in_dim3A_42 : vector<16xf32> to vector<16xf32>
    tpu.vector_store %arg10[%swap3A_43], %swap3A_46 {strides = array<i32>} : memref<128xf32, #tpu.memory_space<vmem>>, vector<16xf32>,
    %scan3A = arith.constant 0 : i32
    %scan3A_47 = arith.constant 0 : i32
    %scan3A_48 = arith.constant 40 : i32
    %scan3A_49 = arith.addi %scan3A_47, %scan3A_48 : i32
    %scan3A_50 = arith.constant 1 : i32
    scf.for %scan3A_63 = %scan3A_47 to %scan3A_49 step %scan3A_50  : i32 {
      %broadcast_in_dim3A_64 = arith.constant 0.000000e+00 : f32
      %broadcast_in_dim3A_65 = vector.broadcast %broadcast_in_dim3A_64 : f32 to vector<16xf32>
      %mul3A_66 = arith.constant 16 : i32
      %mul3A_67 = arith.muli %scan3A_63, %mul3A_66 : i32
      %swap3A_68 = arith.index_cast %mul3A_67 : i32 to index
      %swap3A_69 = tpu.vector_load %arg11[%swap3A_68] {strides = array<i32>} : memref<640xf32, #tpu.memory_space<vmem>>, vector<16xf32>,
      %swap3A_70 = vector.shape_cast %swap3A_69 : vector<16xf32> to vector<16xf32>
      %swap3A_71 = vector.shape_cast %broadcast_in_dim3A_65 : vector<16xf32> to vector<16xf32>
      tpu.vector_store %arg11[%swap3A_68], %swap3A_71 {strides = array<i32>} : memref<640xf32, #tpu.memory_space<vmem>>, vector<16xf32>,
    }
    %scan3A_51 = arith.constant 40 : i32
    %mul3A_52 = arith.constant 640 : i32
    %mul3A_53 = arith.muli %arg1, %mul3A_52 : i32
    "tpu.region"() ({
      %run_scoped3A = tpu.sem_alloc : memref<!tpu.dma_semaphore, #tpu.memory_space<semaphore_mem>>
      %dma_start3A = tpu.memref_slice %arg6[%mul3A_53] : memref<10240xf32, #tpu.memory_space<vmem_shared>> -> memref<640xf32, #tpu.memory_space<vmem_shared>>
      %dma_start3A_63 = tpu.memref_slice %arg6[%mul3A_53] : memref<10240xf32, #tpu.memory_space<vmem_shared>> -> memref<640xf32, #tpu.memory_space<vmem_shared>>
      tpu.enqueue_dma source(%arg11 : memref<640xf32, #tpu.memory_space<vmem>>) target(%dma_start3A_63 : memref<640xf32, #tpu.memory_space<vmem_shared>>) target_semaphore(%run_scoped3A : memref<!tpu.dma_semaphore, #tpu.memory_space<semaphore_mem>>)
      %dma_wait3A = tpu.memref_slice %arg6[%mul3A_53] : memref<10240xf32, #tpu.memory_space<vmem_shared>> -> memref<640xf32, #tpu.memory_space<vmem_shared>>
      %dma_wait3A_64 = tpu.memref_slice %arg6[%mul3A_53] : memref<10240xf32, #tpu.memory_space<vmem_shared>> -> memref<640xf32, #tpu.memory_space<vmem_shared>>
      tpu.wait_dma2 semaphore(%run_scoped3A : memref<!tpu.dma_semaphore, #tpu.memory_space<semaphore_mem>>) src(%arg11 : memref<640xf32, #tpu.memory_space<vmem>>) dst(%dma_wait3A_64 : memref<640xf32, #tpu.memory_space<vmem_shared>>)
      tpu.yield
    }) : () -> ()
    %barrier3A = arith.constant 0 : index
    tpu.barrier barrier_id(%barrier3A)
    %scan3A_54 = arith.constant 0 : i32
    %scan3A_55 = arith.constant 0 : i32
    %scan3A_56 = arith.constant 80 : i32
    %scan3A_57 = arith.addi %scan3A_55, %scan3A_56 : i32
    %scan3A_58 = arith.constant 1 : i32
    scf.for %scan3A_63 = %scan3A_55 to %scan3A_57 step %scan3A_58  : i32 {
      %mul3A_64 = arith.constant 10240 : i32
      %mul3A_65 = arith.muli %add3A, %mul3A_64 : i32
      %mul3A_66 = arith.constant 128 : i32
      %mul3A_67 = arith.muli %scan3A_63, %mul3A_66 : i32
      %add3A_68 = arith.addi %mul3A_65, %mul3A_67 : i32
      "tpu.region"() ({
        %run_scoped3A = tpu.sem_alloc : memref<!tpu.dma_semaphore, #tpu.memory_space<semaphore_mem>>
        %dma_start3A = tpu.memref_slice %arg2[%add3A_68] : memref<327680xi32, #tpu.memory_space<hbm>> -> memref<128xi32, #tpu.memory_space<hbm>>
        %dma_start3A_177 = tpu.memref_slice %arg2[%add3A_68] : memref<327680xi32, #tpu.memory_space<hbm>> -> memref<128xi32, #tpu.memory_space<hbm>>
        tpu.enqueue_dma source(%dma_start3A_177 : memref<128xi32, #tpu.memory_space<hbm>>) target(%arg7 : memref<128xi32, #tpu.memory_space<vmem>>) target_semaphore(%run_scoped3A : memref<!tpu.dma_semaphore, #tpu.memory_space<semaphore_mem>>)
        %dma_wait3A = tpu.memref_slice %arg2[%add3A_68] : memref<327680xi32, #tpu.memory_space<hbm>> -> memref<128xi32, #tpu.memory_space<hbm>>
        %dma_wait3A_178 = tpu.memref_slice %arg2[%add3A_68] : memref<327680xi32, #tpu.memory_space<hbm>> -> memref<128xi32, #tpu.memory_space<hbm>>
        tpu.wait_dma2 semaphore(%run_scoped3A : memref<!tpu.dma_semaphore, #tpu.memory_space<semaphore_mem>>) src(%dma_wait3A_178 : memref<128xi32, #tpu.memory_space<hbm>>) dst(%arg7 : memref<128xi32, #tpu.memory_space<vmem>>)
        tpu.yield
      }) : () -> ()
      "tpu.region"() ({
        %run_scoped3A = tpu.sem_alloc : memref<!tpu.dma_semaphore, #tpu.memory_space<semaphore_mem>>
        %dma_start3A = tpu.memref_slice %arg3[%add3A_68] : memref<327680xi32, #tpu.memory_space<hbm>> -> memref<128xi32, #tpu.memory_space<hbm>>
        %dma_start3A_177 = tpu.memref_slice %arg3[%add3A_68] : memref<327680xi32, #tpu.memory_space<hbm>> -> memref<128xi32, #tpu.memory_space<hbm>>
        tpu.enqueue_dma source(%dma_start3A_177 : memref<128xi32, #tpu.memory_space<hbm>>) target(%arg8 : memref<128xi32, #tpu.memory_space<vmem>>) target_semaphore(%run_scoped3A : memref<!tpu.dma_semaphore, #tpu.memory_space<semaphore_mem>>)
        %dma_wait3A = tpu.memref_slice %arg3[%add3A_68] : memref<327680xi32, #tpu.memory_space<hbm>> -> memref<128xi32, #tpu.memory_space<hbm>>
        %dma_wait3A_178 = tpu.memref_slice %arg3[%add3A_68] : memref<327680xi32, #tpu.memory_space<hbm>> -> memref<128xi32, #tpu.memory_space<hbm>>
        tpu.wait_dma2 semaphore(%run_scoped3A : memref<!tpu.dma_semaphore, #tpu.memory_space<semaphore_mem>>) src(%dma_wait3A_178 : memref<128xi32, #tpu.memory_space<hbm>>) dst(%arg8 : memref<128xi32, #tpu.memory_space<vmem>>)
        tpu.yield
      }) : () -> ()
      %get3A = arith.constant 0 : index
      %get3A_69 = tpu.vector_load %arg7[%get3A] {strides = array<i32>} : memref<128xi32, #tpu.memory_space<vmem>>, vector<16xi32>,
      %get3A_70 = vector.shape_cast %get3A_69 : vector<16xi32> to vector<16xi32>
      %get3A_71 = arith.constant 0 : index
      %get3A_72 = tpu.vector_load %arg8[%get3A_71] {strides = array<i32>} : memref<128xi32, #tpu.memory_space<vmem>>, vector<16xi32>,
      %get3A_73 = vector.shape_cast %get3A_72 : vector<16xi32> to vector<16xi32>
      %eq3A = arith.cmpi eq, %get3A_70, %get3A_73 : vector<16xi32>
      %jit3A = arith.constant 10000 : i32
      %broadcast_in_dim3A_74 = vector.broadcast %jit3A : i32 to vector<16xi32>
      %select_n3A = arith.select %eq3A, %broadcast_in_dim3A_74, %get3A_73 : vector<16xi1>, vector<16xi32>
      %swap3A_75 = arith.constant 0 : index
      %swap3A_76 = tpu.vector_load %arg9[%swap3A_75] {strides = array<i32>} : memref<128xi32, #tpu.memory_space<vmem>>, vector<16xi32>,
      %swap3A_77 = vector.shape_cast %swap3A_76 : vector<16xi32> to vector<16xi32>
      %swap3A_78 = vector.shape_cast %select_n3A : vector<16xi32> to vector<16xi32>
      tpu.vector_store %arg9[%swap3A_75], %swap3A_78 {strides = array<i32>} : memref<128xi32, #tpu.memory_space<vmem>>, vector<16xi32>,
      %get3A_79 = arith.constant 16 : index
      %get3A_80 = tpu.vector_load %arg7[%get3A_79] {strides = array<i32>} : memref<128xi32, #tpu.memory_space<vmem>>, vector<16xi32>,
      %get3A_81 = vector.shape_cast %get3A_80 : vector<16xi32> to vector<16xi32>
      %get3A_82 = arith.constant 16 : index
      %get3A_83 = tpu.vector_load %arg8[%get3A_82] {strides = array<i32>} : memref<128xi32, #tpu.memory_space<vmem>>, vector<16xi32>,
      %get3A_84 = vector.shape_cast %get3A_83 : vector<16xi32> to vector<16xi32>
      %eq3A_85 = arith.cmpi eq, %get3A_81, %get3A_84 : vector<16xi32>
      %jit3A_86 = arith.constant 10000 : i32
      %broadcast_in_dim3A_87 = vector.broadcast %jit3A_86 : i32 to vector<16xi32>
      %select_n3A_88 = arith.select %eq3A_85, %broadcast_in_dim3A_87, %get3A_84 : vector<16xi1>, vector<16xi32>
      %swap3A_89 = arith.constant 16 : index
      %swap3A_90 = tpu.vector_load %arg9[%swap3A_89] {strides = array<i32>} : memref<128xi32, #tpu.memory_space<vmem>>, vector<16xi32>,
      %swap3A_91 = vector.shape_cast %swap3A_90 : vector<16xi32> to vector<16xi32>
      %swap3A_92 = vector.shape_cast %select_n3A_88 : vector<16xi32> to vector<16xi32>
      tpu.vector_store %arg9[%swap3A_89], %swap3A_92 {strides = array<i32>} : memref<128xi32, #tpu.memory_space<vmem>>, vector<16xi32>,
      %get3A_93 = arith.constant 32 : index
      %get3A_94 = tpu.vector_load %arg7[%get3A_93] {strides = array<i32>} : memref<128xi32, #tpu.memory_space<vmem>>, vector<16xi32>,
      %get3A_95 = vector.shape_cast %get3A_94 : vector<16xi32> to vector<16xi32>
      %get3A_96 = arith.constant 32 : index
      %get3A_97 = tpu.vector_load %arg8[%get3A_96] {strides = array<i32>} : memref<128xi32, #tpu.memory_space<vmem>>, vector<16xi32>,
      %get3A_98 = vector.shape_cast %get3A_97 : vector<16xi32> to vector<16xi32>
      %eq3A_99 = arith.cmpi eq, %get3A_95, %get3A_98 : vector<16xi32>
      %jit3A_100 = arith.constant 10000 : i32
      %broadcast_in_dim3A_101 = vector.broadcast %jit3A_100 : i32 to vector<16xi32>
      %select_n3A_102 = arith.select %eq3A_99, %broadcast_in_dim3A_101, %get3A_98 : vector<16xi1>, vector<16xi32>
      %swap3A_103 = arith.constant 32 : index
      %swap3A_104 = tpu.vector_load %arg9[%swap3A_103] {strides = array<i32>} : memref<128xi32, #tpu.memory_space<vmem>>, vector<16xi32>,
      %swap3A_105 = vector.shape_cast %swap3A_104 : vector<16xi32> to vector<16xi32>
      %swap3A_106 = vector.shape_cast %select_n3A_102 : vector<16xi32> to vector<16xi32>
      tpu.vector_store %arg9[%swap3A_103], %swap3A_106 {strides = array<i32>} : memref<128xi32, #tpu.memory_space<vmem>>, vector<16xi32>,
      %get3A_107 = arith.constant 48 : index
      %get3A_108 = tpu.vector_load %arg7[%get3A_107] {strides = array<i32>} : memref<128xi32, #tpu.memory_space<vmem>>, vector<16xi32>,
      %get3A_109 = vector.shape_cast %get3A_108 : vector<16xi32> to vector<16xi32>
      %get3A_110 = arith.constant 48 : index
      %get3A_111 = tpu.vector_load %arg8[%get3A_110] {strides = array<i32>} : memref<128xi32, #tpu.memory_space<vmem>>, vector<16xi32>,
      %get3A_112 = vector.shape_cast %get3A_111 : vector<16xi32> to vector<16xi32>
      %eq3A_113 = arith.cmpi eq, %get3A_109, %get3A_112 : vector<16xi32>
      %jit3A_114 = arith.constant 10000 : i32
      %broadcast_in_dim3A_115 = vector.broadcast %jit3A_114 : i32 to vector<16xi32>
      %select_n3A_116 = arith.select %eq3A_113, %broadcast_in_dim3A_115, %get3A_112 : vector<16xi1>, vector<16xi32>
      %swap3A_117 = arith.constant 48 : index
      %swap3A_118 = tpu.vector_load %arg9[%swap3A_117] {strides = array<i32>} : memref<128xi32, #tpu.memory_space<vmem>>, vector<16xi32>,
      %swap3A_119 = vector.shape_cast %swap3A_118 : vector<16xi32> to vector<16xi32>
      %swap3A_120 = vector.shape_cast %select_n3A_116 : vector<16xi32> to vector<16xi32>
      tpu.vector_store %arg9[%swap3A_117], %swap3A_120 {strides = array<i32>} : memref<128xi32, #tpu.memory_space<vmem>>, vector<16xi32>,
      %get3A_121 = arith.constant 64 : index
      %get3A_122 = tpu.vector_load %arg7[%get3A_121] {strides = array<i32>} : memref<128xi32, #tpu.memory_space<vmem>>, vector<16xi32>,
      %get3A_123 = vector.shape_cast %get3A_122 : vector<16xi32> to vector<16xi32>
      %get3A_124 = arith.constant 64 : index
      %get3A_125 = tpu.vector_load %arg8[%get3A_124] {strides = array<i32>} : memref<128xi32, #tpu.memory_space<vmem>>, vector<16xi32>,
      %get3A_126 = vector.shape_cast %get3A_125 : vector<16xi32> to vector<16xi32>
      %eq3A_127 = arith.cmpi eq, %get3A_123, %get3A_126 : vector<16xi32>
      %jit3A_128 = arith.constant 10000 : i32
      %broadcast_in_dim3A_129 = vector.broadcast %jit3A_128 : i32 to vector<16xi32>
      %select_n3A_130 = arith.select %eq3A_127, %broadcast_in_dim3A_129, %get3A_126 : vector<16xi1>, vector<16xi32>
      %swap3A_131 = arith.constant 64 : index
      %swap3A_132 = tpu.vector_load %arg9[%swap3A_131] {strides = array<i32>} : memref<128xi32, #tpu.memory_space<vmem>>, vector<16xi32>,
      %swap3A_133 = vector.shape_cast %swap3A_132 : vector<16xi32> to vector<16xi32>
      %swap3A_134 = vector.shape_cast %select_n3A_130 : vector<16xi32> to vector<16xi32>
      tpu.vector_store %arg9[%swap3A_131], %swap3A_134 {strides = array<i32>} : memref<128xi32, #tpu.memory_space<vmem>>, vector<16xi32>,
      %get3A_135 = arith.constant 80 : index
      %get3A_136 = tpu.vector_load %arg7[%get3A_135] {strides = array<i32>} : memref<128xi32, #tpu.memory_space<vmem>>, vector<16xi32>,
      %get3A_137 = vector.shape_cast %get3A_136 : vector<16xi32> to vector<16xi32>
      %get3A_138 = arith.constant 80 : index
      %get3A_139 = tpu.vector_load %arg8[%get3A_138] {strides = array<i32>} : memref<128xi32, #tpu.memory_space<vmem>>, vector<16xi32>,
      %get3A_140 = vector.shape_cast %get3A_139 : vector<16xi32> to vector<16xi32>
      %eq3A_141 = arith.cmpi eq, %get3A_137, %get3A_140 : vector<16xi32>
      %jit3A_142 = arith.constant 10000 : i32
      %broadcast_in_dim3A_143 = vector.broadcast %jit3A_142 : i32 to vector<16xi32>
      %select_n3A_144 = arith.select %eq3A_141, %broadcast_in_dim3A_143, %get3A_140 : vector<16xi1>, vector<16xi32>
      %swap3A_145 = arith.constant 80 : index
      %swap3A_146 = tpu.vector_load %arg9[%swap3A_145] {strides = array<i32>} : memref<128xi32, #tpu.memory_space<vmem>>, vector<16xi32>,
      %swap3A_147 = vector.shape_cast %swap3A_146 : vector<16xi32> to vector<16xi32>
      %swap3A_148 = vector.shape_cast %select_n3A_144 : vector<16xi32> to vector<16xi32>
      tpu.vector_store %arg9[%swap3A_145], %swap3A_148 {strides = array<i32>} : memref<128xi32, #tpu.memory_space<vmem>>, vector<16xi32>,
      %get3A_149 = arith.constant 96 : index
      %get3A_150 = tpu.vector_load %arg7[%get3A_149] {strides = array<i32>} : memref<128xi32, #tpu.memory_space<vmem>>, vector<16xi32>,
      %get3A_151 = vector.shape_cast %get3A_150 : vector<16xi32> to vector<16xi32>
      %get3A_152 = arith.constant 96 : index
      %get3A_153 = tpu.vector_load %arg8[%get3A_152] {strides = array<i32>} : memref<128xi32, #tpu.memory_space<vmem>>, vector<16xi32>,
      %get3A_154 = vector.shape_cast %get3A_153 : vector<16xi32> to vector<16xi32>
      %eq3A_155 = arith.cmpi eq, %get3A_151, %get3A_154 : vector<16xi32>
      %jit3A_156 = arith.constant 10000 : i32
      %broadcast_in_dim3A_157 = vector.broadcast %jit3A_156 : i32 to vector<16xi32>
      %select_n3A_158 = arith.select %eq3A_155, %broadcast_in_dim3A_157, %get3A_154 : vector<16xi1>, vector<16xi32>
      %swap3A_159 = arith.constant 96 : index
      %swap3A_160 = tpu.vector_load %arg9[%swap3A_159] {strides = array<i32>} : memref<128xi32, #tpu.memory_space<vmem>>, vector<16xi32>,
      %swap3A_161 = vector.shape_cast %swap3A_160 : vector<16xi32> to vector<16xi32>
      %swap3A_162 = vector.shape_cast %select_n3A_158 : vector<16xi32> to vector<16xi32>
      tpu.vector_store %arg9[%swap3A_159], %swap3A_162 {strides = array<i32>} : memref<128xi32, #tpu.memory_space<vmem>>, vector<16xi32>,
      %get3A_163 = arith.constant 112 : index
      %get3A_164 = tpu.vector_load %arg7[%get3A_163] {strides = array<i32>} : memref<128xi32, #tpu.memory_space<vmem>>, vector<16xi32>,
      %get3A_165 = vector.shape_cast %get3A_164 : vector<16xi32> to vector<16xi32>
      %get3A_166 = arith.constant 112 : index
      %get3A_167 = tpu.vector_load %arg8[%get3A_166] {strides = array<i32>} : memref<128xi32, #tpu.memory_space<vmem>>, vector<16xi32>,
      %get3A_168 = vector.shape_cast %get3A_167 : vector<16xi32> to vector<16xi32>
      %eq3A_169 = arith.cmpi eq, %get3A_165, %get3A_168 : vector<16xi32>
      %jit3A_170 = arith.constant 10000 : i32
      %broadcast_in_dim3A_171 = vector.broadcast %jit3A_170 : i32 to vector<16xi32>
      %select_n3A_172 = arith.select %eq3A_169, %broadcast_in_dim3A_171, %get3A_168 : vector<16xi1>, vector<16xi32>
      %swap3A_173 = arith.constant 112 : index
      %swap3A_174 = tpu.vector_load %arg9[%swap3A_173] {strides = array<i32>} : memref<128xi32, #tpu.memory_space<vmem>>, vector<16xi32>,
      %swap3A_175 = vector.shape_cast %swap3A_174 : vector<16xi32> to vector<16xi32>
      %swap3A_176 = vector.shape_cast %select_n3A_172 : vector<16xi32> to vector<16xi32>
      tpu.vector_store %arg9[%swap3A_173], %swap3A_176 {strides = array<i32>} : memref<128xi32, #tpu.memory_space<vmem>>, vector<16xi32>,
      "tpu.region"() ({
        %run_scoped3A = tpu.sem_alloc : memref<!tpu.dma_semaphore, #tpu.memory_space<semaphore_mem>>
        %dma_start3A = tpu.memref_slice %arg5[%add3A_68] : memref<327680xi32, #tpu.memory_space<hbm>> -> memref<128xi32, #tpu.memory_space<hbm>>
        %dma_start3A_177 = tpu.memref_slice %arg5[%add3A_68] : memref<327680xi32, #tpu.memory_space<hbm>> -> memref<128xi32, #tpu.memory_space<hbm>>
        tpu.enqueue_dma source(%arg9 : memref<128xi32, #tpu.memory_space<vmem>>) target(%dma_start3A_177 : memref<128xi32, #tpu.memory_space<hbm>>) target_semaphore(%run_scoped3A : memref<!tpu.dma_semaphore, #tpu.memory_space<semaphore_mem>>)
        %dma_wait3A = tpu.memref_slice %arg5[%add3A_68] : memref<327680xi32, #tpu.memory_space<hbm>> -> memref<128xi32, #tpu.memory_space<hbm>>
        %dma_wait3A_178 = tpu.memref_slice %arg5[%add3A_68] : memref<327680xi32, #tpu.memory_space<hbm>> -> memref<128xi32, #tpu.memory_space<hbm>>
        tpu.wait_dma2 semaphore(%run_scoped3A : memref<!tpu.dma_semaphore, #tpu.memory_space<semaphore_mem>>) src(%arg9 : memref<128xi32, #tpu.memory_space<vmem>>) dst(%dma_wait3A_178 : memref<128xi32, #tpu.memory_space<hbm>>)
        tpu.yield
      }) : () -> ()
      "tpu.region"() ({
        %run_scoped3A = tpu.sem_alloc : memref<!tpu.dma_semaphore, #tpu.memory_space<semaphore_mem>>
        %dma_start3A = arith.constant 0 : i32
        %dma_start3A_177 = tpu.memref_slice %arg6[%dma_start3A] : memref<10240xf32, #tpu.memory_space<vmem_shared>> -> memref<10240xf32, #tpu.memory_space<vmem_shared>>
        tpu.enqueue_indirect_dma source(%arg10 : memref<128xf32, #tpu.memory_space<vmem>>) target(%dma_start3A_177 : memref<10240xf32, #tpu.memory_space<vmem_shared>>) offsets(%arg9 : memref<128xi32, #tpu.memory_space<vmem>>) semaphore(%run_scoped3A : memref<!tpu.dma_semaphore, #tpu.memory_space<semaphore_mem>>) {add = true}
        %dma_wait3A = arith.constant 0 : i32
        %dma_wait3A_178 = tpu.memref_slice %arg6[%dma_wait3A] : memref<10240xf32, #tpu.memory_space<vmem_shared>> -> memref<10240xf32, #tpu.memory_space<vmem_shared>>
        tpu.wait_indirect_dma semaphore(%run_scoped3A : memref<!tpu.dma_semaphore, #tpu.memory_space<semaphore_mem>>) src(%arg10 : memref<128xf32, #tpu.memory_space<vmem>>) dst(%dma_wait3A_178 : memref<10240xf32, #tpu.memory_space<vmem_shared>>)
        tpu.yield
      }) : () -> ()
    }
    %scan3A_59 = arith.constant 80 : i32
    %barrier3A_60 = arith.constant 0 : index
    tpu.barrier barrier_id(%barrier3A_60)
    %mul3A_61 = arith.constant 640 : i32
    %mul3A_62 = arith.muli %arg1, %mul3A_61 : i32
    "tpu.region"() ({
      %run_scoped3A = tpu.sem_alloc : memref<!tpu.dma_semaphore, #tpu.memory_space<semaphore_mem>>
      %dma_start3A = tpu.memref_slice %arg6[%mul3A_62] : memref<10240xf32, #tpu.memory_space<vmem_shared>> -> memref<640xf32, #tpu.memory_space<vmem_shared>>
      %dma_start3A_63 = tpu.memref_slice %arg6[%mul3A_62] : memref<10240xf32, #tpu.memory_space<vmem_shared>> -> memref<640xf32, #tpu.memory_space<vmem_shared>>
      tpu.enqueue_dma source(%dma_start3A_63 : memref<640xf32, #tpu.memory_space<vmem_shared>>) target(%arg11 : memref<640xf32, #tpu.memory_space<vmem>>) target_semaphore(%run_scoped3A : memref<!tpu.dma_semaphore, #tpu.memory_space<semaphore_mem>>)
      %dma_wait3A = tpu.memref_slice %arg6[%mul3A_62] : memref<10240xf32, #tpu.memory_space<vmem_shared>> -> memref<640xf32, #tpu.memory_space<vmem_shared>>
      %dma_wait3A_64 = tpu.memref_slice %arg6[%mul3A_62] : memref<10240xf32, #tpu.memory_space<vmem_shared>> -> memref<640xf32, #tpu.memory_space<vmem_shared>>
      tpu.wait_dma2 semaphore(%run_scoped3A : memref<!tpu.dma_semaphore, #tpu.memory_space<semaphore_mem>>) src(%dma_wait3A_64 : memref<640xf32, #tpu.memory_space<vmem_shared>>) dst(%arg11 : memref<640xf32, #tpu.memory_space<vmem>>)
      tpu.yield
    }) : () -> ()
    "tpu.region"() ({
      %run_scoped3A = tpu.sem_alloc : memref<!tpu.dma_semaphore, #tpu.memory_space<semaphore_mem>>
      %dma_start3A = arith.constant 0 : i32
      %dma_start3A_63 = tpu.memref_slice %arg4[%arg0, %arg1, %dma_start3A] : memref<2x16x640xf32, #tpu.memory_space<hbm>> -> memref<1x1x640xf32, #tpu.memory_space<hbm>>
      %dma_start3A_64 = tpu.memref_squeeze %dma_start3A_63 : memref<1x1x640xf32, #tpu.memory_space<hbm>> -> memref<640xf32, #tpu.memory_space<hbm>>
      %dma_start3A_65 = arith.constant 0 : i32
      %dma_start3A_66 = tpu.memref_slice %arg4[%arg0, %arg1, %dma_start3A_65] : memref<2x16x640xf32, #tpu.memory_space<hbm>> -> memref<1x1x640xf32, #tpu.memory_space<hbm>>
      %dma_start3A_67 = tpu.memref_squeeze %dma_start3A_66 : memref<1x1x640xf32, #tpu.memory_space<hbm>> -> memref<640xf32, #tpu.memory_space<hbm>>
      tpu.enqueue_dma source(%arg11 : memref<640xf32, #tpu.memory_space<vmem>>) target(%dma_start3A_67 : memref<640xf32, #tpu.memory_space<hbm>>) target_semaphore(%run_scoped3A : memref<!tpu.dma_semaphore, #tpu.memory_space<semaphore_mem>>)
      %dma_wait3A = arith.constant 0 : i32
      %dma_wait3A_68 = tpu.memref_slice %arg4[%arg0, %arg1, %dma_wait3A] : memref<2x16x640xf32, #tpu.memory_space<hbm>> -> memref<1x1x640xf32, #tpu.memory_space<hbm>>
      %dma_wait3A_69 = tpu.memref_squeeze %dma_wait3A_68 : memref<1x1x640xf32, #tpu.memory_space<hbm>> -> memref<640xf32, #tpu.memory_space<hbm>>
      %dma_wait3A_70 = arith.constant 0 : i32
      %dma_wait3A_71 = tpu.memref_slice %arg4[%arg0, %arg1, %dma_wait3A_70] : memref<2x16x640xf32, #tpu.memory_space<hbm>> -> memref<1x1x640xf32, #tpu.memory_space<hbm>>
      %dma_wait3A_72 = tpu.memref_squeeze %dma_wait3A_71 : memref<1x1x640xf32, #tpu.memory_space<hbm>> -> memref<640xf32, #tpu.memory_space<hbm>>
      tpu.wait_dma2 semaphore(%run_scoped3A : memref<!tpu.dma_semaphore, #tpu.memory_space<semaphore_mem>>) src(%arg11 : memref<640xf32, #tpu.memory_space<vmem>>) dst(%dma_wait3A_72 : memref<640xf32, #tpu.memory_space<hbm>>)
      tpu.yield
    }) : () -> ()
    return
  }
}

#map = affine_map<(d0, d1) -> (0)>
#map1 = affine_map<(d0, d1) -> (0, 0)>
#map2 = affine_map<(d0, d1) -> (0, 0, 0)>
module attributes {stable_mosaic.version = 14 : i64} {
  func.func @_round(%arg0: i32, %arg1: i32, %arg2: memref<327680xi32, #tpu.memory_space<hbm>>, %arg3: memref<327680xi32, #tpu.memory_space<hbm>>, %arg4: memref<10000x128xf32, #tpu.memory_space<hbm>>, %arg5: memref<2x10240x128xf32, #tpu.memory_space<hbm>>, %arg6: memref<10240x128xf32, #tpu.memory_space<vmem_shared>>, %arg7: memref<128x128xf32, #tpu.memory_space<vmem>>, %arg8: memref<128x128xf32, #tpu.memory_space<vmem>>, %arg9: memref<128xi32, #tpu.memory_space<vmem>>, %arg10: memref<128xi32, #tpu.memory_space<vmem>>, %arg11: memref<128xi32, #tpu.memory_space<vmem>>, %arg12: memref<128xi32, #tpu.memory_space<vmem>>, %arg13: memref<!tpu.dma_semaphore, #tpu.memory_space<semaphore_mem>>, %arg14: memref<!tpu.dma_semaphore, #tpu.memory_space<semaphore_mem>>, %arg15: memref<!tpu.dma_semaphore, #tpu.memory_space<semaphore_mem>>, %arg16: memref<!tpu.dma_semaphore, #tpu.memory_space<semaphore_mem>>) attributes {dimension_semantics = [#tpu.dimension_semantics<core_parallel>, #tpu.dimension_semantics<subcore_parallel>], iteration_bounds = array<i64: 2, 16>, scalar_prefetch = 0 : i64, scratch_operands = 11 : i64, tpu.core_type = #tpu.core_type<sc_vector_subcore>, window_params = [{transform_indices = #map}, {transform_indices = #map}, {transform_indices = #map1}, {transform_indices = #map2}]} {
    %mul3A = arith.constant 16 : i32
    %mul3A_0 = arith.muli %arg0, %mul3A : i32
    %add3A = arith.addi %mul3A_0, %arg1 : i32
    %scan3A = arith.constant 0 : i32
    %scan3A_1 = arith.constant 0 : i32
    %scan3A_2 = arith.constant 128 : i32
    %scan3A_3 = arith.addi %scan3A_1, %scan3A_2 : i32
    %scan3A_4 = arith.constant 1 : i32
    scf.for %scan3A_85 = %scan3A_1 to %scan3A_3 step %scan3A_4  : i32 {
      %broadcast_in_dim3A = arith.constant 0.000000e+00 : f32
      %broadcast_in_dim3A_86 = vector.broadcast %broadcast_in_dim3A : f32 to vector<16xf32>
      %swap3A = arith.index_cast %scan3A_85 : i32 to index
      %swap3A_87 = arith.constant 0 : index
      %swap3A_88 = tpu.vector_load %arg7[%swap3A, %swap3A_87] {strides = array<i32>} : memref<128x128xf32, #tpu.memory_space<vmem>>, vector<1x16xf32>,
      %swap3A_89 = vector.shape_cast %swap3A_88 : vector<1x16xf32> to vector<16xf32>
      %swap3A_90 = vector.shape_cast %broadcast_in_dim3A_86 : vector<16xf32> to vector<1x16xf32>
      tpu.vector_store %arg7[%swap3A, %swap3A_87], %swap3A_90 {strides = array<i32>} : memref<128x128xf32, #tpu.memory_space<vmem>>, vector<1x16xf32>,
      %broadcast_in_dim3A_91 = arith.constant 0.000000e+00 : f32
      %broadcast_in_dim3A_92 = vector.broadcast %broadcast_in_dim3A_91 : f32 to vector<16xf32>
      %swap3A_93 = arith.index_cast %scan3A_85 : i32 to index
      %swap3A_94 = arith.constant 16 : index
      %swap3A_95 = tpu.vector_load %arg7[%swap3A_93, %swap3A_94] {strides = array<i32>} : memref<128x128xf32, #tpu.memory_space<vmem>>, vector<1x16xf32>,
      %swap3A_96 = vector.shape_cast %swap3A_95 : vector<1x16xf32> to vector<16xf32>
      %swap3A_97 = vector.shape_cast %broadcast_in_dim3A_92 : vector<16xf32> to vector<1x16xf32>
      tpu.vector_store %arg7[%swap3A_93, %swap3A_94], %swap3A_97 {strides = array<i32>} : memref<128x128xf32, #tpu.memory_space<vmem>>, vector<1x16xf32>,
      %broadcast_in_dim3A_98 = arith.constant 0.000000e+00 : f32
      %broadcast_in_dim3A_99 = vector.broadcast %broadcast_in_dim3A_98 : f32 to vector<16xf32>
      %swap3A_100 = arith.index_cast %scan3A_85 : i32 to index
      %swap3A_101 = arith.constant 32 : index
      %swap3A_102 = tpu.vector_load %arg7[%swap3A_100, %swap3A_101] {strides = array<i32>} : memref<128x128xf32, #tpu.memory_space<vmem>>, vector<1x16xf32>,
      %swap3A_103 = vector.shape_cast %swap3A_102 : vector<1x16xf32> to vector<16xf32>
      %swap3A_104 = vector.shape_cast %broadcast_in_dim3A_99 : vector<16xf32> to vector<1x16xf32>
      tpu.vector_store %arg7[%swap3A_100, %swap3A_101], %swap3A_104 {strides = array<i32>} : memref<128x128xf32, #tpu.memory_space<vmem>>, vector<1x16xf32>,
      %broadcast_in_dim3A_105 = arith.constant 0.000000e+00 : f32
      %broadcast_in_dim3A_106 = vector.broadcast %broadcast_in_dim3A_105 : f32 to vector<16xf32>
      %swap3A_107 = arith.index_cast %scan3A_85 : i32 to index
      %swap3A_108 = arith.constant 48 : index
      %swap3A_109 = tpu.vector_load %arg7[%swap3A_107, %swap3A_108] {strides = array<i32>} : memref<128x128xf32, #tpu.memory_space<vmem>>, vector<1x16xf32>,
      %swap3A_110 = vector.shape_cast %swap3A_109 : vector<1x16xf32> to vector<16xf32>
      %swap3A_111 = vector.shape_cast %broadcast_in_dim3A_106 : vector<16xf32> to vector<1x16xf32>
      tpu.vector_store %arg7[%swap3A_107, %swap3A_108], %swap3A_111 {strides = array<i32>} : memref<128x128xf32, #tpu.memory_space<vmem>>, vector<1x16xf32>,
      %broadcast_in_dim3A_112 = arith.constant 0.000000e+00 : f32
      %broadcast_in_dim3A_113 = vector.broadcast %broadcast_in_dim3A_112 : f32 to vector<16xf32>
      %swap3A_114 = arith.index_cast %scan3A_85 : i32 to index
      %swap3A_115 = arith.constant 64 : index
      %swap3A_116 = tpu.vector_load %arg7[%swap3A_114, %swap3A_115] {strides = array<i32>} : memref<128x128xf32, #tpu.memory_space<vmem>>, vector<1x16xf32>,
      %swap3A_117 = vector.shape_cast %swap3A_116 : vector<1x16xf32> to vector<16xf32>
      %swap3A_118 = vector.shape_cast %broadcast_in_dim3A_113 : vector<16xf32> to vector<1x16xf32>
      tpu.vector_store %arg7[%swap3A_114, %swap3A_115], %swap3A_118 {strides = array<i32>} : memref<128x128xf32, #tpu.memory_space<vmem>>, vector<1x16xf32>,
      %broadcast_in_dim3A_119 = arith.constant 0.000000e+00 : f32
      %broadcast_in_dim3A_120 = vector.broadcast %broadcast_in_dim3A_119 : f32 to vector<16xf32>
      %swap3A_121 = arith.index_cast %scan3A_85 : i32 to index
      %swap3A_122 = arith.constant 80 : index
      %swap3A_123 = tpu.vector_load %arg7[%swap3A_121, %swap3A_122] {strides = array<i32>} : memref<128x128xf32, #tpu.memory_space<vmem>>, vector<1x16xf32>,
      %swap3A_124 = vector.shape_cast %swap3A_123 : vector<1x16xf32> to vector<16xf32>
      %swap3A_125 = vector.shape_cast %broadcast_in_dim3A_120 : vector<16xf32> to vector<1x16xf32>
      tpu.vector_store %arg7[%swap3A_121, %swap3A_122], %swap3A_125 {strides = array<i32>} : memref<128x128xf32, #tpu.memory_space<vmem>>, vector<1x16xf32>,
      %broadcast_in_dim3A_126 = arith.constant 0.000000e+00 : f32
      %broadcast_in_dim3A_127 = vector.broadcast %broadcast_in_dim3A_126 : f32 to vector<16xf32>
      %swap3A_128 = arith.index_cast %scan3A_85 : i32 to index
      %swap3A_129 = arith.constant 96 : index
      %swap3A_130 = tpu.vector_load %arg7[%swap3A_128, %swap3A_129] {strides = array<i32>} : memref<128x128xf32, #tpu.memory_space<vmem>>, vector<1x16xf32>,
      %swap3A_131 = vector.shape_cast %swap3A_130 : vector<1x16xf32> to vector<16xf32>
      %swap3A_132 = vector.shape_cast %broadcast_in_dim3A_127 : vector<16xf32> to vector<1x16xf32>
      tpu.vector_store %arg7[%swap3A_128, %swap3A_129], %swap3A_132 {strides = array<i32>} : memref<128x128xf32, #tpu.memory_space<vmem>>, vector<1x16xf32>,
      %broadcast_in_dim3A_133 = arith.constant 0.000000e+00 : f32
      %broadcast_in_dim3A_134 = vector.broadcast %broadcast_in_dim3A_133 : f32 to vector<16xf32>
      %swap3A_135 = arith.index_cast %scan3A_85 : i32 to index
      %swap3A_136 = arith.constant 112 : index
      %swap3A_137 = tpu.vector_load %arg7[%swap3A_135, %swap3A_136] {strides = array<i32>} : memref<128x128xf32, #tpu.memory_space<vmem>>, vector<1x16xf32>,
      %swap3A_138 = vector.shape_cast %swap3A_137 : vector<1x16xf32> to vector<16xf32>
      %swap3A_139 = vector.shape_cast %broadcast_in_dim3A_134 : vector<16xf32> to vector<1x16xf32>
      tpu.vector_store %arg7[%swap3A_135, %swap3A_136], %swap3A_139 {strides = array<i32>} : memref<128x128xf32, #tpu.memory_space<vmem>>, vector<1x16xf32>,
    }
    %scan3A_5 = arith.constant 128 : i32
    %mul3A_6 = arith.constant 640 : i32
    %mul3A_7 = arith.muli %arg1, %mul3A_6 : i32
    %add3A_8 = arith.constant 0 : i32
    %add3A_9 = arith.addi %mul3A_7, %add3A_8 : i32
    "tpu.region"() ({
      %run_scoped3A = tpu.sem_alloc : memref<!tpu.dma_semaphore, #tpu.memory_space<semaphore_mem>>
      %dma_start3A_85 = arith.constant 0 : i32
      %dma_start3A_86 = tpu.memref_slice %arg6[%add3A_9, %dma_start3A_85] : memref<10240x128xf32, #tpu.memory_space<vmem_shared>> -> memref<128x128xf32, #tpu.memory_space<vmem_shared>>
      %dma_start3A_87 = arith.constant 0 : i32
      %dma_start3A_88 = tpu.memref_slice %arg6[%add3A_9, %dma_start3A_87] : memref<10240x128xf32, #tpu.memory_space<vmem_shared>> -> memref<128x128xf32, #tpu.memory_space<vmem_shared>>
      tpu.enqueue_dma source(%arg7 : memref<128x128xf32, #tpu.memory_space<vmem>>) target(%dma_start3A_88 : memref<128x128xf32, #tpu.memory_space<vmem_shared>>) target_semaphore(%run_scoped3A : memref<!tpu.dma_semaphore, #tpu.memory_space<semaphore_mem>>)
      %dma_wait3A_89 = arith.constant 0 : i32
      %dma_wait3A_90 = tpu.memref_slice %arg6[%add3A_9, %dma_wait3A_89] : memref<10240x128xf32, #tpu.memory_space<vmem_shared>> -> memref<128x128xf32, #tpu.memory_space<vmem_shared>>
      %dma_wait3A_91 = arith.constant 0 : i32
      %dma_wait3A_92 = tpu.memref_slice %arg6[%add3A_9, %dma_wait3A_91] : memref<10240x128xf32, #tpu.memory_space<vmem_shared>> -> memref<128x128xf32, #tpu.memory_space<vmem_shared>>
      tpu.wait_dma2 semaphore(%run_scoped3A : memref<!tpu.dma_semaphore, #tpu.memory_space<semaphore_mem>>) src(%arg7 : memref<128x128xf32, #tpu.memory_space<vmem>>) dst(%dma_wait3A_92 : memref<128x128xf32, #tpu.memory_space<vmem_shared>>)
      tpu.yield
    }) : () -> ()
    %mul3A_10 = arith.constant 640 : i32
    %mul3A_11 = arith.muli %arg1, %mul3A_10 : i32
    %add3A_12 = arith.constant 128 : i32
    %add3A_13 = arith.addi %mul3A_11, %add3A_12 : i32
    "tpu.region"() ({
      %run_scoped3A = tpu.sem_alloc : memref<!tpu.dma_semaphore, #tpu.memory_space<semaphore_mem>>
      %dma_start3A_85 = arith.constant 0 : i32
      %dma_start3A_86 = tpu.memref_slice %arg6[%add3A_13, %dma_start3A_85] : memref<10240x128xf32, #tpu.memory_space<vmem_shared>> -> memref<128x128xf32, #tpu.memory_space<vmem_shared>>
      %dma_start3A_87 = arith.constant 0 : i32
      %dma_start3A_88 = tpu.memref_slice %arg6[%add3A_13, %dma_start3A_87] : memref<10240x128xf32, #tpu.memory_space<vmem_shared>> -> memref<128x128xf32, #tpu.memory_space<vmem_shared>>
      tpu.enqueue_dma source(%arg7 : memref<128x128xf32, #tpu.memory_space<vmem>>) target(%dma_start3A_88 : memref<128x128xf32, #tpu.memory_space<vmem_shared>>) target_semaphore(%run_scoped3A : memref<!tpu.dma_semaphore, #tpu.memory_space<semaphore_mem>>)
      %dma_wait3A_89 = arith.constant 0 : i32
      %dma_wait3A_90 = tpu.memref_slice %arg6[%add3A_13, %dma_wait3A_89] : memref<10240x128xf32, #tpu.memory_space<vmem_shared>> -> memref<128x128xf32, #tpu.memory_space<vmem_shared>>
      %dma_wait3A_91 = arith.constant 0 : i32
      %dma_wait3A_92 = tpu.memref_slice %arg6[%add3A_13, %dma_wait3A_91] : memref<10240x128xf32, #tpu.memory_space<vmem_shared>> -> memref<128x128xf32, #tpu.memory_space<vmem_shared>>
      tpu.wait_dma2 semaphore(%run_scoped3A : memref<!tpu.dma_semaphore, #tpu.memory_space<semaphore_mem>>) src(%arg7 : memref<128x128xf32, #tpu.memory_space<vmem>>) dst(%dma_wait3A_92 : memref<128x128xf32, #tpu.memory_space<vmem_shared>>)
      tpu.yield
    }) : () -> ()
    %mul3A_14 = arith.constant 640 : i32
    %mul3A_15 = arith.muli %arg1, %mul3A_14 : i32
    %add3A_16 = arith.constant 256 : i32
    %add3A_17 = arith.addi %mul3A_15, %add3A_16 : i32
    "tpu.region"() ({
      %run_scoped3A = tpu.sem_alloc : memref<!tpu.dma_semaphore, #tpu.memory_space<semaphore_mem>>
      %dma_start3A_85 = arith.constant 0 : i32
      %dma_start3A_86 = tpu.memref_slice %arg6[%add3A_17, %dma_start3A_85] : memref<10240x128xf32, #tpu.memory_space<vmem_shared>> -> memref<128x128xf32, #tpu.memory_space<vmem_shared>>
      %dma_start3A_87 = arith.constant 0 : i32
      %dma_start3A_88 = tpu.memref_slice %arg6[%add3A_17, %dma_start3A_87] : memref<10240x128xf32, #tpu.memory_space<vmem_shared>> -> memref<128x128xf32, #tpu.memory_space<vmem_shared>>
      tpu.enqueue_dma source(%arg7 : memref<128x128xf32, #tpu.memory_space<vmem>>) target(%dma_start3A_88 : memref<128x128xf32, #tpu.memory_space<vmem_shared>>) target_semaphore(%run_scoped3A : memref<!tpu.dma_semaphore, #tpu.memory_space<semaphore_mem>>)
      %dma_wait3A_89 = arith.constant 0 : i32
      %dma_wait3A_90 = tpu.memref_slice %arg6[%add3A_17, %dma_wait3A_89] : memref<10240x128xf32, #tpu.memory_space<vmem_shared>> -> memref<128x128xf32, #tpu.memory_space<vmem_shared>>
      %dma_wait3A_91 = arith.constant 0 : i32
      %dma_wait3A_92 = tpu.memref_slice %arg6[%add3A_17, %dma_wait3A_91] : memref<10240x128xf32, #tpu.memory_space<vmem_shared>> -> memref<128x128xf32, #tpu.memory_space<vmem_shared>>
      tpu.wait_dma2 semaphore(%run_scoped3A : memref<!tpu.dma_semaphore, #tpu.memory_space<semaphore_mem>>) src(%arg7 : memref<128x128xf32, #tpu.memory_space<vmem>>) dst(%dma_wait3A_92 : memref<128x128xf32, #tpu.memory_space<vmem_shared>>)
      tpu.yield
    }) : () -> ()
    %mul3A_18 = arith.constant 640 : i32
    %mul3A_19 = arith.muli %arg1, %mul3A_18 : i32
    %add3A_20 = arith.constant 384 : i32
    %add3A_21 = arith.addi %mul3A_19, %add3A_20 : i32
    "tpu.region"() ({
      %run_scoped3A = tpu.sem_alloc : memref<!tpu.dma_semaphore, #tpu.memory_space<semaphore_mem>>
      %dma_start3A_85 = arith.constant 0 : i32
      %dma_start3A_86 = tpu.memref_slice %arg6[%add3A_21, %dma_start3A_85] : memref<10240x128xf32, #tpu.memory_space<vmem_shared>> -> memref<128x128xf32, #tpu.memory_space<vmem_shared>>
      %dma_start3A_87 = arith.constant 0 : i32
      %dma_start3A_88 = tpu.memref_slice %arg6[%add3A_21, %dma_start3A_87] : memref<10240x128xf32, #tpu.memory_space<vmem_shared>> -> memref<128x128xf32, #tpu.memory_space<vmem_shared>>
      tpu.enqueue_dma source(%arg7 : memref<128x128xf32, #tpu.memory_space<vmem>>) target(%dma_start3A_88 : memref<128x128xf32, #tpu.memory_space<vmem_shared>>) target_semaphore(%run_scoped3A : memref<!tpu.dma_semaphore, #tpu.memory_space<semaphore_mem>>)
      %dma_wait3A_89 = arith.constant 0 : i32
      %dma_wait3A_90 = tpu.memref_slice %arg6[%add3A_21, %dma_wait3A_89] : memref<10240x128xf32, #tpu.memory_space<vmem_shared>> -> memref<128x128xf32, #tpu.memory_space<vmem_shared>>
      %dma_wait3A_91 = arith.constant 0 : i32
      %dma_wait3A_92 = tpu.memref_slice %arg6[%add3A_21, %dma_wait3A_91] : memref<10240x128xf32, #tpu.memory_space<vmem_shared>> -> memref<128x128xf32, #tpu.memory_space<vmem_shared>>
      tpu.wait_dma2 semaphore(%run_scoped3A : memref<!tpu.dma_semaphore, #tpu.memory_space<semaphore_mem>>) src(%arg7 : memref<128x128xf32, #tpu.memory_space<vmem>>) dst(%dma_wait3A_92 : memref<128x128xf32, #tpu.memory_space<vmem_shared>>)
      tpu.yield
    }) : () -> ()
    %mul3A_22 = arith.constant 640 : i32
    %mul3A_23 = arith.muli %arg1, %mul3A_22 : i32
    %add3A_24 = arith.constant 512 : i32
    %add3A_25 = arith.addi %mul3A_23, %add3A_24 : i32
    "tpu.region"() ({
      %run_scoped3A = tpu.sem_alloc : memref<!tpu.dma_semaphore, #tpu.memory_space<semaphore_mem>>
      %dma_start3A_85 = arith.constant 0 : i32
      %dma_start3A_86 = tpu.memref_slice %arg6[%add3A_25, %dma_start3A_85] : memref<10240x128xf32, #tpu.memory_space<vmem_shared>> -> memref<128x128xf32, #tpu.memory_space<vmem_shared>>
      %dma_start3A_87 = arith.constant 0 : i32
      %dma_start3A_88 = tpu.memref_slice %arg6[%add3A_25, %dma_start3A_87] : memref<10240x128xf32, #tpu.memory_space<vmem_shared>> -> memref<128x128xf32, #tpu.memory_space<vmem_shared>>
      tpu.enqueue_dma source(%arg7 : memref<128x128xf32, #tpu.memory_space<vmem>>) target(%dma_start3A_88 : memref<128x128xf32, #tpu.memory_space<vmem_shared>>) target_semaphore(%run_scoped3A : memref<!tpu.dma_semaphore, #tpu.memory_space<semaphore_mem>>)
      %dma_wait3A_89 = arith.constant 0 : i32
      %dma_wait3A_90 = tpu.memref_slice %arg6[%add3A_25, %dma_wait3A_89] : memref<10240x128xf32, #tpu.memory_space<vmem_shared>> -> memref<128x128xf32, #tpu.memory_space<vmem_shared>>
      %dma_wait3A_91 = arith.constant 0 : i32
      %dma_wait3A_92 = tpu.memref_slice %arg6[%add3A_25, %dma_wait3A_91] : memref<10240x128xf32, #tpu.memory_space<vmem_shared>> -> memref<128x128xf32, #tpu.memory_space<vmem_shared>>
      tpu.wait_dma2 semaphore(%run_scoped3A : memref<!tpu.dma_semaphore, #tpu.memory_space<semaphore_mem>>) src(%arg7 : memref<128x128xf32, #tpu.memory_space<vmem>>) dst(%dma_wait3A_92 : memref<128x128xf32, #tpu.memory_space<vmem_shared>>)
      tpu.yield
    }) : () -> ()
    %barrier3A = arith.constant 0 : index
    tpu.barrier barrier_id(%barrier3A)
    %mul3A_26 = arith.constant 10240 : i32
    %mul3A_27 = arith.muli %add3A, %mul3A_26 : i32
    %add3A_28 = arith.constant 0 : i32
    %add3A_29 = arith.addi %mul3A_27, %add3A_28 : i32
    "tpu.region"() ({
      %run_scoped3A = tpu.sem_alloc : memref<!tpu.dma_semaphore, #tpu.memory_space<semaphore_mem>>
      %dma_start3A_85 = tpu.memref_slice %arg2[%add3A_29] : memref<327680xi32, #tpu.memory_space<hbm>> -> memref<128xi32, #tpu.memory_space<hbm>>
      %dma_start3A_86 = tpu.memref_slice %arg2[%add3A_29] : memref<327680xi32, #tpu.memory_space<hbm>> -> memref<128xi32, #tpu.memory_space<hbm>>
      tpu.enqueue_dma source(%dma_start3A_86 : memref<128xi32, #tpu.memory_space<hbm>>) target(%arg9 : memref<128xi32, #tpu.memory_space<vmem>>) target_semaphore(%run_scoped3A : memref<!tpu.dma_semaphore, #tpu.memory_space<semaphore_mem>>)
      %dma_wait3A_87 = tpu.memref_slice %arg2[%add3A_29] : memref<327680xi32, #tpu.memory_space<hbm>> -> memref<128xi32, #tpu.memory_space<hbm>>
      %dma_wait3A_88 = tpu.memref_slice %arg2[%add3A_29] : memref<327680xi32, #tpu.memory_space<hbm>> -> memref<128xi32, #tpu.memory_space<hbm>>
      tpu.wait_dma2 semaphore(%run_scoped3A : memref<!tpu.dma_semaphore, #tpu.memory_space<semaphore_mem>>) src(%dma_wait3A_88 : memref<128xi32, #tpu.memory_space<hbm>>) dst(%arg9 : memref<128xi32, #tpu.memory_space<vmem>>)
      tpu.yield
    }) : () -> ()
    %dma_start3A = arith.constant 0 : i32
    %dma_start3A_30 = arith.constant 0 : i32
    %dma_start3A_31 = tpu.memref_slice %arg4[%dma_start3A, %dma_start3A_30] : memref<10000x128xf32, #tpu.memory_space<hbm>> -> memref<10000x128xf32, #tpu.memory_space<hbm>>
    tpu.enqueue_indirect_dma source(%dma_start3A_31 : memref<10000x128xf32, #tpu.memory_space<hbm>>) target(%arg7 : memref<128x128xf32, #tpu.memory_space<vmem>>) offsets(%arg9 : memref<128xi32, #tpu.memory_space<vmem>>) semaphore(%arg13 : memref<!tpu.dma_semaphore, #tpu.memory_space<semaphore_mem>>)
    %add3A_32 = arith.constant 0 : i32
    %add3A_33 = arith.addi %mul3A_27, %add3A_32 : i32
    "tpu.region"() ({
      %run_scoped3A = tpu.sem_alloc : memref<!tpu.dma_semaphore, #tpu.memory_space<semaphore_mem>>
      %dma_start3A_85 = tpu.memref_slice %arg3[%add3A_33] : memref<327680xi32, #tpu.memory_space<hbm>> -> memref<128xi32, #tpu.memory_space<hbm>>
      %dma_start3A_86 = tpu.memref_slice %arg3[%add3A_33] : memref<327680xi32, #tpu.memory_space<hbm>> -> memref<128xi32, #tpu.memory_space<hbm>>
      tpu.enqueue_dma source(%dma_start3A_86 : memref<128xi32, #tpu.memory_space<hbm>>) target(%arg11 : memref<128xi32, #tpu.memory_space<vmem>>) target_semaphore(%run_scoped3A : memref<!tpu.dma_semaphore, #tpu.memory_space<semaphore_mem>>)
      %dma_wait3A_87 = tpu.memref_slice %arg3[%add3A_33] : memref<327680xi32, #tpu.memory_space<hbm>> -> memref<128xi32, #tpu.memory_space<hbm>>
      %dma_wait3A_88 = tpu.memref_slice %arg3[%add3A_33] : memref<327680xi32, #tpu.memory_space<hbm>> -> memref<128xi32, #tpu.memory_space<hbm>>
      tpu.wait_dma2 semaphore(%run_scoped3A : memref<!tpu.dma_semaphore, #tpu.memory_space<semaphore_mem>>) src(%dma_wait3A_88 : memref<128xi32, #tpu.memory_space<hbm>>) dst(%arg11 : memref<128xi32, #tpu.memory_space<vmem>>)
      tpu.yield
    }) : () -> ()
    %dma_wait3A = arith.constant 0 : i32
    %dma_wait3A_34 = arith.constant 0 : i32
    %dma_wait3A_35 = tpu.memref_slice %arg4[%dma_wait3A, %dma_wait3A_34] : memref<10000x128xf32, #tpu.memory_space<hbm>> -> memref<10000x128xf32, #tpu.memory_space<hbm>>
    tpu.wait_indirect_dma semaphore(%arg13 : memref<!tpu.dma_semaphore, #tpu.memory_space<semaphore_mem>>) src(%dma_wait3A_35 : memref<10000x128xf32, #tpu.memory_space<hbm>>) dst(%arg7 : memref<128x128xf32, #tpu.memory_space<vmem>>)
    %dma_start3A_36 = arith.constant 0 : i32
    %dma_start3A_37 = arith.constant 0 : i32
    %dma_start3A_38 = tpu.memref_slice %arg6[%dma_start3A_36, %dma_start3A_37] : memref<10240x128xf32, #tpu.memory_space<vmem_shared>> -> memref<10240x128xf32, #tpu.memory_space<vmem_shared>>
    tpu.enqueue_indirect_dma source(%arg7 : memref<128x128xf32, #tpu.memory_space<vmem>>) target(%dma_start3A_38 : memref<10240x128xf32, #tpu.memory_space<vmem_shared>>) offsets(%arg11 : memref<128xi32, #tpu.memory_space<vmem>>) semaphore(%arg15 : memref<!tpu.dma_semaphore, #tpu.memory_space<semaphore_mem>>) {add = true}
    %add3A_39 = arith.constant 128 : i32
    %add3A_40 = arith.addi %mul3A_27, %add3A_39 : i32
    "tpu.region"() ({
      %run_scoped3A = tpu.sem_alloc : memref<!tpu.dma_semaphore, #tpu.memory_space<semaphore_mem>>
      %dma_start3A_85 = tpu.memref_slice %arg2[%add3A_40] : memref<327680xi32, #tpu.memory_space<hbm>> -> memref<128xi32, #tpu.memory_space<hbm>>
      %dma_start3A_86 = tpu.memref_slice %arg2[%add3A_40] : memref<327680xi32, #tpu.memory_space<hbm>> -> memref<128xi32, #tpu.memory_space<hbm>>
      tpu.enqueue_dma source(%dma_start3A_86 : memref<128xi32, #tpu.memory_space<hbm>>) target(%arg10 : memref<128xi32, #tpu.memory_space<vmem>>) target_semaphore(%run_scoped3A : memref<!tpu.dma_semaphore, #tpu.memory_space<semaphore_mem>>)
      %dma_wait3A_87 = tpu.memref_slice %arg2[%add3A_40] : memref<327680xi32, #tpu.memory_space<hbm>> -> memref<128xi32, #tpu.memory_space<hbm>>
      %dma_wait3A_88 = tpu.memref_slice %arg2[%add3A_40] : memref<327680xi32, #tpu.memory_space<hbm>> -> memref<128xi32, #tpu.memory_space<hbm>>
      tpu.wait_dma2 semaphore(%run_scoped3A : memref<!tpu.dma_semaphore, #tpu.memory_space<semaphore_mem>>) src(%dma_wait3A_88 : memref<128xi32, #tpu.memory_space<hbm>>) dst(%arg10 : memref<128xi32, #tpu.memory_space<vmem>>)
      tpu.yield
    }) : () -> ()
    %dma_start3A_41 = arith.constant 0 : i32
    %dma_start3A_42 = arith.constant 0 : i32
    %dma_start3A_43 = tpu.memref_slice %arg4[%dma_start3A_41, %dma_start3A_42] : memref<10000x128xf32, #tpu.memory_space<hbm>> -> memref<10000x128xf32, #tpu.memory_space<hbm>>
    tpu.enqueue_indirect_dma source(%dma_start3A_43 : memref<10000x128xf32, #tpu.memory_space<hbm>>) target(%arg8 : memref<128x128xf32, #tpu.memory_space<vmem>>) offsets(%arg10 : memref<128xi32, #tpu.memory_space<vmem>>) semaphore(%arg14 : memref<!tpu.dma_semaphore, #tpu.memory_space<semaphore_mem>>)
    %scan3A_44 = arith.constant 0 : i32
    %scan3A_45 = arith.constant 0 : i32
    %scan3A_46 = arith.constant 39 : i32
    %scan3A_47 = arith.addi %scan3A_45, %scan3A_46 : i32
    %scan3A_48 = arith.constant 1 : i32
    scf.for %scan3A_85 = %scan3A_45 to %scan3A_47 step %scan3A_48  : i32 {
      %mul3A_86 = arith.constant 2 : i32
      %mul3A_87 = arith.muli %mul3A_86, %scan3A_85 : i32
      %add3A_88 = arith.constant 1 : i32
      %add3A_89 = arith.addi %mul3A_87, %add3A_88 : i32
      %mul3A_90 = arith.constant 128 : i32
      %mul3A_91 = arith.muli %add3A_89, %mul3A_90 : i32
      %add3A_92 = arith.addi %mul3A_27, %mul3A_91 : i32
      "tpu.region"() ({
        %run_scoped3A = tpu.sem_alloc : memref<!tpu.dma_semaphore, #tpu.memory_space<semaphore_mem>>
        %dma_start3A_134 = tpu.memref_slice %arg3[%add3A_92] : memref<327680xi32, #tpu.memory_space<hbm>> -> memref<128xi32, #tpu.memory_space<hbm>>
        %dma_start3A_135 = tpu.memref_slice %arg3[%add3A_92] : memref<327680xi32, #tpu.memory_space<hbm>> -> memref<128xi32, #tpu.memory_space<hbm>>
        tpu.enqueue_dma source(%dma_start3A_135 : memref<128xi32, #tpu.memory_space<hbm>>) target(%arg12 : memref<128xi32, #tpu.memory_space<vmem>>) target_semaphore(%run_scoped3A : memref<!tpu.dma_semaphore, #tpu.memory_space<semaphore_mem>>)
        %dma_wait3A_136 = tpu.memref_slice %arg3[%add3A_92] : memref<327680xi32, #tpu.memory_space<hbm>> -> memref<128xi32, #tpu.memory_space<hbm>>
        %dma_wait3A_137 = tpu.memref_slice %arg3[%add3A_92] : memref<327680xi32, #tpu.memory_space<hbm>> -> memref<128xi32, #tpu.memory_space<hbm>>
        tpu.wait_dma2 semaphore(%run_scoped3A : memref<!tpu.dma_semaphore, #tpu.memory_space<semaphore_mem>>) src(%dma_wait3A_137 : memref<128xi32, #tpu.memory_space<hbm>>) dst(%arg12 : memref<128xi32, #tpu.memory_space<vmem>>)
        tpu.yield
      }) : () -> ()
      %dma_wait3A_93 = arith.constant 0 : i32
      %dma_wait3A_94 = arith.constant 0 : i32
      %dma_wait3A_95 = tpu.memref_slice %arg4[%dma_wait3A_93, %dma_wait3A_94] : memref<10000x128xf32, #tpu.memory_space<hbm>> -> memref<10000x128xf32, #tpu.memory_space<hbm>>
      tpu.wait_indirect_dma semaphore(%arg14 : memref<!tpu.dma_semaphore, #tpu.memory_space<semaphore_mem>>) src(%dma_wait3A_95 : memref<10000x128xf32, #tpu.memory_space<hbm>>) dst(%arg8 : memref<128x128xf32, #tpu.memory_space<vmem>>)
      %dma_start3A_96 = arith.constant 0 : i32
      %dma_start3A_97 = arith.constant 0 : i32
      %dma_start3A_98 = tpu.memref_slice %arg6[%dma_start3A_96, %dma_start3A_97] : memref<10240x128xf32, #tpu.memory_space<vmem_shared>> -> memref<10240x128xf32, #tpu.memory_space<vmem_shared>>
      tpu.enqueue_indirect_dma source(%arg8 : memref<128x128xf32, #tpu.memory_space<vmem>>) target(%dma_start3A_98 : memref<10240x128xf32, #tpu.memory_space<vmem_shared>>) offsets(%arg12 : memref<128xi32, #tpu.memory_space<vmem>>) semaphore(%arg16 : memref<!tpu.dma_semaphore, #tpu.memory_space<semaphore_mem>>) {add = true}
      %add3A_99 = arith.constant 1 : i32
      %add3A_100 = arith.addi %add3A_89, %add3A_99 : i32
      %mul3A_101 = arith.constant 128 : i32
      %mul3A_102 = arith.muli %add3A_100, %mul3A_101 : i32
      %add3A_103 = arith.addi %mul3A_27, %mul3A_102 : i32
      "tpu.region"() ({
        %run_scoped3A = tpu.sem_alloc : memref<!tpu.dma_semaphore, #tpu.memory_space<semaphore_mem>>
        %dma_start3A_134 = tpu.memref_slice %arg2[%add3A_103] : memref<327680xi32, #tpu.memory_space<hbm>> -> memref<128xi32, #tpu.memory_space<hbm>>
        %dma_start3A_135 = tpu.memref_slice %arg2[%add3A_103] : memref<327680xi32, #tpu.memory_space<hbm>> -> memref<128xi32, #tpu.memory_space<hbm>>
        tpu.enqueue_dma source(%dma_start3A_135 : memref<128xi32, #tpu.memory_space<hbm>>) target(%arg9 : memref<128xi32, #tpu.memory_space<vmem>>) target_semaphore(%run_scoped3A : memref<!tpu.dma_semaphore, #tpu.memory_space<semaphore_mem>>)
        %dma_wait3A_136 = tpu.memref_slice %arg2[%add3A_103] : memref<327680xi32, #tpu.memory_space<hbm>> -> memref<128xi32, #tpu.memory_space<hbm>>
        %dma_wait3A_137 = tpu.memref_slice %arg2[%add3A_103] : memref<327680xi32, #tpu.memory_space<hbm>> -> memref<128xi32, #tpu.memory_space<hbm>>
        tpu.wait_dma2 semaphore(%run_scoped3A : memref<!tpu.dma_semaphore, #tpu.memory_space<semaphore_mem>>) src(%dma_wait3A_137 : memref<128xi32, #tpu.memory_space<hbm>>) dst(%arg9 : memref<128xi32, #tpu.memory_space<vmem>>)
        tpu.yield
      }) : () -> ()
      %dma_wait3A_104 = arith.constant 0 : i32
      %dma_wait3A_105 = arith.constant 0 : i32
      %dma_wait3A_106 = tpu.memref_slice %arg6[%dma_wait3A_104, %dma_wait3A_105] : memref<10240x128xf32, #tpu.memory_space<vmem_shared>> -> memref<10240x128xf32, #tpu.memory_space<vmem_shared>>
      tpu.wait_indirect_dma semaphore(%arg15 : memref<!tpu.dma_semaphore, #tpu.memory_space<semaphore_mem>>) src(%arg7 : memref<128x128xf32, #tpu.memory_space<vmem>>) dst(%dma_wait3A_106 : memref<10240x128xf32, #tpu.memory_space<vmem_shared>>)
      %dma_start3A_107 = arith.constant 0 : i32
      %dma_start3A_108 = arith.constant 0 : i32
      %dma_start3A_109 = tpu.memref_slice %arg4[%dma_start3A_107, %dma_start3A_108] : memref<10000x128xf32, #tpu.memory_space<hbm>> -> memref<10000x128xf32, #tpu.memory_space<hbm>>
      tpu.enqueue_indirect_dma source(%dma_start3A_109 : memref<10000x128xf32, #tpu.memory_space<hbm>>) target(%arg7 : memref<128x128xf32, #tpu.memory_space<vmem>>) offsets(%arg9 : memref<128xi32, #tpu.memory_space<vmem>>) semaphore(%arg13 : memref<!tpu.dma_semaphore, #tpu.memory_space<semaphore_mem>>)
      %mul3A_110 = arith.constant 2 : i32
      %mul3A_111 = arith.muli %mul3A_110, %scan3A_85 : i32
      %add3A_112 = arith.constant 2 : i32
      %add3A_113 = arith.addi %mul3A_111, %add3A_112 : i32
      %mul3A_114 = arith.constant 128 : i32
      %mul3A_115 = arith.muli %add3A_113, %mul3A_114 : i32
      %add3A_116 = arith.addi %mul3A_27, %mul3A_115 : i32
      "tpu.region"() ({
        %run_scoped3A = tpu.sem_alloc : memref<!tpu.dma_semaphore, #tpu.memory_space<semaphore_mem>>
        %dma_start3A_134 = tpu.memref_slice %arg3[%add3A_116] : memref<327680xi32, #tpu.memory_space<hbm>> -> memref<128xi32, #tpu.memory_space<hbm>>
        %dma_start3A_135 = tpu.memref_slice %arg3[%add3A_116] : memref<327680xi32, #tpu.memory_space<hbm>> -> memref<128xi32, #tpu.memory_space<hbm>>
        tpu.enqueue_dma source(%dma_start3A_135 : memref<128xi32, #tpu.memory_space<hbm>>) target(%arg11 : memref<128xi32, #tpu.memory_space<vmem>>) target_semaphore(%run_scoped3A : memref<!tpu.dma_semaphore, #tpu.memory_space<semaphore_mem>>)
        %dma_wait3A_136 = tpu.memref_slice %arg3[%add3A_116] : memref<327680xi32, #tpu.memory_space<hbm>> -> memref<128xi32, #tpu.memory_space<hbm>>
        %dma_wait3A_137 = tpu.memref_slice %arg3[%add3A_116] : memref<327680xi32, #tpu.memory_space<hbm>> -> memref<128xi32, #tpu.memory_space<hbm>>
        tpu.wait_dma2 semaphore(%run_scoped3A : memref<!tpu.dma_semaphore, #tpu.memory_space<semaphore_mem>>) src(%dma_wait3A_137 : memref<128xi32, #tpu.memory_space<hbm>>) dst(%arg11 : memref<128xi32, #tpu.memory_space<vmem>>)
        tpu.yield
      }) : () -> ()
      %dma_wait3A_117 = arith.constant 0 : i32
      %dma_wait3A_118 = arith.constant 0 : i32
      %dma_wait3A_119 = tpu.memref_slice %arg4[%dma_wait3A_117, %dma_wait3A_118] : memref<10000x128xf32, #tpu.memory_space<hbm>> -> memref<10000x128xf32, #tpu.memory_space<hbm>>
      tpu.wait_indirect_dma semaphore(%arg13 : memref<!tpu.dma_semaphore, #tpu.memory_space<semaphore_mem>>) src(%dma_wait3A_119 : memref<10000x128xf32, #tpu.memory_space<hbm>>) dst(%arg7 : memref<128x128xf32, #tpu.memory_space<vmem>>)
      %dma_start3A_120 = arith.constant 0 : i32
      %dma_start3A_121 = arith.constant 0 : i32
      %dma_start3A_122 = tpu.memref_slice %arg6[%dma_start3A_120, %dma_start3A_121] : memref<10240x128xf32, #tpu.memory_space<vmem_shared>> -> memref<10240x128xf32, #tpu.memory_space<vmem_shared>>
      tpu.enqueue_indirect_dma source(%arg7 : memref<128x128xf32, #tpu.memory_space<vmem>>) target(%dma_start3A_122 : memref<10240x128xf32, #tpu.memory_space<vmem_shared>>) offsets(%arg11 : memref<128xi32, #tpu.memory_space<vmem>>) semaphore(%arg15 : memref<!tpu.dma_semaphore, #tpu.memory_space<semaphore_mem>>) {add = true}
      %add3A_123 = arith.constant 1 : i32
      %add3A_124 = arith.addi %add3A_113, %add3A_123 : i32
      %mul3A_125 = arith.constant 128 : i32
      %mul3A_126 = arith.muli %add3A_124, %mul3A_125 : i32
      %add3A_127 = arith.addi %mul3A_27, %mul3A_126 : i32
      "tpu.region"() ({
        %run_scoped3A = tpu.sem_alloc : memref<!tpu.dma_semaphore, #tpu.memory_space<semaphore_mem>>
        %dma_start3A_134 = tpu.memref_slice %arg2[%add3A_127] : memref<327680xi32, #tpu.memory_space<hbm>> -> memref<128xi32, #tpu.memory_space<hbm>>
        %dma_start3A_135 = tpu.memref_slice %arg2[%add3A_127] : memref<327680xi32, #tpu.memory_space<hbm>> -> memref<128xi32, #tpu.memory_space<hbm>>
        tpu.enqueue_dma source(%dma_start3A_135 : memref<128xi32, #tpu.memory_space<hbm>>) target(%arg10 : memref<128xi32, #tpu.memory_space<vmem>>) target_semaphore(%run_scoped3A : memref<!tpu.dma_semaphore, #tpu.memory_space<semaphore_mem>>)
        %dma_wait3A_136 = tpu.memref_slice %arg2[%add3A_127] : memref<327680xi32, #tpu.memory_space<hbm>> -> memref<128xi32, #tpu.memory_space<hbm>>
        %dma_wait3A_137 = tpu.memref_slice %arg2[%add3A_127] : memref<327680xi32, #tpu.memory_space<hbm>> -> memref<128xi32, #tpu.memory_space<hbm>>
        tpu.wait_dma2 semaphore(%run_scoped3A : memref<!tpu.dma_semaphore, #tpu.memory_space<semaphore_mem>>) src(%dma_wait3A_137 : memref<128xi32, #tpu.memory_space<hbm>>) dst(%arg10 : memref<128xi32, #tpu.memory_space<vmem>>)
        tpu.yield
      }) : () -> ()
      %dma_wait3A_128 = arith.constant 0 : i32
      %dma_wait3A_129 = arith.constant 0 : i32
      %dma_wait3A_130 = tpu.memref_slice %arg6[%dma_wait3A_128, %dma_wait3A_129] : memref<10240x128xf32, #tpu.memory_space<vmem_shared>> -> memref<10240x128xf32, #tpu.memory_space<vmem_shared>>
      tpu.wait_indirect_dma semaphore(%arg16 : memref<!tpu.dma_semaphore, #tpu.memory_space<semaphore_mem>>) src(%arg8 : memref<128x128xf32, #tpu.memory_space<vmem>>) dst(%dma_wait3A_130 : memref<10240x128xf32, #tpu.memory_space<vmem_shared>>)
      %dma_start3A_131 = arith.constant 0 : i32
      %dma_start3A_132 = arith.constant 0 : i32
      %dma_start3A_133 = tpu.memref_slice %arg4[%dma_start3A_131, %dma_start3A_132] : memref<10000x128xf32, #tpu.memory_space<hbm>> -> memref<10000x128xf32, #tpu.memory_space<hbm>>
      tpu.enqueue_indirect_dma source(%dma_start3A_133 : memref<10000x128xf32, #tpu.memory_space<hbm>>) target(%arg8 : memref<128x128xf32, #tpu.memory_space<vmem>>) offsets(%arg10 : memref<128xi32, #tpu.memory_space<vmem>>) semaphore(%arg14 : memref<!tpu.dma_semaphore, #tpu.memory_space<semaphore_mem>>)
    }
    %scan3A_49 = arith.constant 39 : i32
    %add3A_50 = arith.constant 10112 : i32
    %add3A_51 = arith.addi %mul3A_27, %add3A_50 : i32
    "tpu.region"() ({
      %run_scoped3A = tpu.sem_alloc : memref<!tpu.dma_semaphore, #tpu.memory_space<semaphore_mem>>
      %dma_start3A_85 = tpu.memref_slice %arg3[%add3A_51] : memref<327680xi32, #tpu.memory_space<hbm>> -> memref<128xi32, #tpu.memory_space<hbm>>
      %dma_start3A_86 = tpu.memref_slice %arg3[%add3A_51] : memref<327680xi32, #tpu.memory_space<hbm>> -> memref<128xi32, #tpu.memory_space<hbm>>
      tpu.enqueue_dma source(%dma_start3A_86 : memref<128xi32, #tpu.memory_space<hbm>>) target(%arg12 : memref<128xi32, #tpu.memory_space<vmem>>) target_semaphore(%run_scoped3A : memref<!tpu.dma_semaphore, #tpu.memory_space<semaphore_mem>>)
      %dma_wait3A_87 = tpu.memref_slice %arg3[%add3A_51] : memref<327680xi32, #tpu.memory_space<hbm>> -> memref<128xi32, #tpu.memory_space<hbm>>
      %dma_wait3A_88 = tpu.memref_slice %arg3[%add3A_51] : memref<327680xi32, #tpu.memory_space<hbm>> -> memref<128xi32, #tpu.memory_space<hbm>>
      tpu.wait_dma2 semaphore(%run_scoped3A : memref<!tpu.dma_semaphore, #tpu.memory_space<semaphore_mem>>) src(%dma_wait3A_88 : memref<128xi32, #tpu.memory_space<hbm>>) dst(%arg12 : memref<128xi32, #tpu.memory_space<vmem>>)
      tpu.yield
    }) : () -> ()
    %dma_wait3A_52 = arith.constant 0 : i32
    %dma_wait3A_53 = arith.constant 0 : i32
    %dma_wait3A_54 = tpu.memref_slice %arg4[%dma_wait3A_52, %dma_wait3A_53] : memref<10000x128xf32, #tpu.memory_space<hbm>> -> memref<10000x128xf32, #tpu.memory_space<hbm>>
    tpu.wait_indirect_dma semaphore(%arg14 : memref<!tpu.dma_semaphore, #tpu.memory_space<semaphore_mem>>) src(%dma_wait3A_54 : memref<10000x128xf32, #tpu.memory_space<hbm>>) dst(%arg8 : memref<128x128xf32, #tpu.memory_space<vmem>>)
    %dma_start3A_55 = arith.constant 0 : i32
    %dma_start3A_56 = arith.constant 0 : i32
    %dma_start3A_57 = tpu.memref_slice %arg6[%dma_start3A_55, %dma_start3A_56] : memref<10240x128xf32, #tpu.memory_space<vmem_shared>> -> memref<10240x128xf32, #tpu.memory_space<vmem_shared>>
    tpu.enqueue_indirect_dma source(%arg8 : memref<128x128xf32, #tpu.memory_space<vmem>>) target(%dma_start3A_57 : memref<10240x128xf32, #tpu.memory_space<vmem_shared>>) offsets(%arg12 : memref<128xi32, #tpu.memory_space<vmem>>) semaphore(%arg16 : memref<!tpu.dma_semaphore, #tpu.memory_space<semaphore_mem>>) {add = true}
    %dma_wait3A_58 = arith.constant 0 : i32
    %dma_wait3A_59 = arith.constant 0 : i32
    %dma_wait3A_60 = tpu.memref_slice %arg6[%dma_wait3A_58, %dma_wait3A_59] : memref<10240x128xf32, #tpu.memory_space<vmem_shared>> -> memref<10240x128xf32, #tpu.memory_space<vmem_shared>>
    tpu.wait_indirect_dma semaphore(%arg15 : memref<!tpu.dma_semaphore, #tpu.memory_space<semaphore_mem>>) src(%arg7 : memref<128x128xf32, #tpu.memory_space<vmem>>) dst(%dma_wait3A_60 : memref<10240x128xf32, #tpu.memory_space<vmem_shared>>)
    %dma_wait3A_61 = arith.constant 0 : i32
    %dma_wait3A_62 = arith.constant 0 : i32
    %dma_wait3A_63 = tpu.memref_slice %arg6[%dma_wait3A_61, %dma_wait3A_62] : memref<10240x128xf32, #tpu.memory_space<vmem_shared>> -> memref<10240x128xf32, #tpu.memory_space<vmem_shared>>
    tpu.wait_indirect_dma semaphore(%arg16 : memref<!tpu.dma_semaphore, #tpu.memory_space<semaphore_mem>>) src(%arg8 : memref<128x128xf32, #tpu.memory_space<vmem>>) dst(%dma_wait3A_63 : memref<10240x128xf32, #tpu.memory_space<vmem_shared>>)
    %barrier3A_64 = arith.constant 0 : index
    tpu.barrier barrier_id(%barrier3A_64)
    %mul3A_65 = arith.constant 640 : i32
    %mul3A_66 = arith.muli %arg1, %mul3A_65 : i32
    %add3A_67 = arith.constant 0 : i32
    %add3A_68 = arith.addi %mul3A_66, %add3A_67 : i32
    "tpu.region"() ({
      %run_scoped3A = tpu.sem_alloc : memref<!tpu.dma_semaphore, #tpu.memory_space<semaphore_mem>>
      %dma_start3A_85 = arith.constant 0 : i32
      %dma_start3A_86 = tpu.memref_slice %arg6[%add3A_68, %dma_start3A_85] : memref<10240x128xf32, #tpu.memory_space<vmem_shared>> -> memref<128x128xf32, #tpu.memory_space<vmem_shared>>
      %dma_start3A_87 = arith.constant 0 : i32
      %dma_start3A_88 = tpu.memref_slice %arg6[%add3A_68, %dma_start3A_87] : memref<10240x128xf32, #tpu.memory_space<vmem_shared>> -> memref<128x128xf32, #tpu.memory_space<vmem_shared>>
      tpu.enqueue_dma source(%dma_start3A_88 : memref<128x128xf32, #tpu.memory_space<vmem_shared>>) target(%arg7 : memref<128x128xf32, #tpu.memory_space<vmem>>) target_semaphore(%run_scoped3A : memref<!tpu.dma_semaphore, #tpu.memory_space<semaphore_mem>>)
      %dma_wait3A_89 = arith.constant 0 : i32
      %dma_wait3A_90 = tpu.memref_slice %arg6[%add3A_68, %dma_wait3A_89] : memref<10240x128xf32, #tpu.memory_space<vmem_shared>> -> memref<128x128xf32, #tpu.memory_space<vmem_shared>>
      %dma_wait3A_91 = arith.constant 0 : i32
      %dma_wait3A_92 = tpu.memref_slice %arg6[%add3A_68, %dma_wait3A_91] : memref<10240x128xf32, #tpu.memory_space<vmem_shared>> -> memref<128x128xf32, #tpu.memory_space<vmem_shared>>
      tpu.wait_dma2 semaphore(%run_scoped3A : memref<!tpu.dma_semaphore, #tpu.memory_space<semaphore_mem>>) src(%dma_wait3A_92 : memref<128x128xf32, #tpu.memory_space<vmem_shared>>) dst(%arg7 : memref<128x128xf32, #tpu.memory_space<vmem>>)
      tpu.yield
    }) : () -> ()
    "tpu.region"() ({
      %run_scoped3A = tpu.sem_alloc : memref<!tpu.dma_semaphore, #tpu.memory_space<semaphore_mem>>
      %dma_start3A_85 = arith.constant 0 : i32
      %dma_start3A_86 = tpu.memref_slice %arg5[%arg0, %add3A_68, %dma_start3A_85] : memref<2x10240x128xf32, #tpu.memory_space<hbm>> -> memref<1x128x128xf32, #tpu.memory_space<hbm>>
      %dma_start3A_87 = tpu.memref_squeeze %dma_start3A_86 : memref<1x128x128xf32, #tpu.memory_space<hbm>> -> memref<128x128xf32, #tpu.memory_space<hbm>>
      %dma_start3A_88 = arith.constant 0 : i32
      %dma_start3A_89 = tpu.memref_slice %arg5[%arg0, %add3A_68, %dma_start3A_88] : memref<2x10240x128xf32, #tpu.memory_space<hbm>> -> memref<1x128x128xf32, #tpu.memory_space<hbm>>
      %dma_start3A_90 = tpu.memref_squeeze %dma_start3A_89 : memref<1x128x128xf32, #tpu.memory_space<hbm>> -> memref<128x128xf32, #tpu.memory_space<hbm>>
      tpu.enqueue_dma source(%arg7 : memref<128x128xf32, #tpu.memory_space<vmem>>) target(%dma_start3A_90 : memref<128x128xf32, #tpu.memory_space<hbm>>) target_semaphore(%run_scoped3A : memref<!tpu.dma_semaphore, #tpu.memory_space<semaphore_mem>>)
      %dma_wait3A_91 = arith.constant 0 : i32
      %dma_wait3A_92 = tpu.memref_slice %arg5[%arg0, %add3A_68, %dma_wait3A_91] : memref<2x10240x128xf32, #tpu.memory_space<hbm>> -> memref<1x128x128xf32, #tpu.memory_space<hbm>>
      %dma_wait3A_93 = tpu.memref_squeeze %dma_wait3A_92 : memref<1x128x128xf32, #tpu.memory_space<hbm>> -> memref<128x128xf32, #tpu.memory_space<hbm>>
      %dma_wait3A_94 = arith.constant 0 : i32
      %dma_wait3A_95 = tpu.memref_slice %arg5[%arg0, %add3A_68, %dma_wait3A_94] : memref<2x10240x128xf32, #tpu.memory_space<hbm>> -> memref<1x128x128xf32, #tpu.memory_space<hbm>>
      %dma_wait3A_96 = tpu.memref_squeeze %dma_wait3A_95 : memref<1x128x128xf32, #tpu.memory_space<hbm>> -> memref<128x128xf32, #tpu.memory_space<hbm>>
      tpu.wait_dma2 semaphore(%run_scoped3A : memref<!tpu.dma_semaphore, #tpu.memory_space<semaphore_mem>>) src(%arg7 : memref<128x128xf32, #tpu.memory_space<vmem>>) dst(%dma_wait3A_96 : memref<128x128xf32, #tpu.memory_space<hbm>>)
      tpu.yield
    }) : () -> ()
    %mul3A_69 = arith.constant 640 : i32
    %mul3A_70 = arith.muli %arg1, %mul3A_69 : i32
    %add3A_71 = arith.constant 128 : i32
    %add3A_72 = arith.addi %mul3A_70, %add3A_71 : i32
    "tpu.region"() ({
      %run_scoped3A = tpu.sem_alloc : memref<!tpu.dma_semaphore, #tpu.memory_space<semaphore_mem>>
      %dma_start3A_85 = arith.constant 0 : i32
      %dma_start3A_86 = tpu.memref_slice %arg6[%add3A_72, %dma_start3A_85] : memref<10240x128xf32, #tpu.memory_space<vmem_shared>> -> memref<128x128xf32, #tpu.memory_space<vmem_shared>>
      %dma_start3A_87 = arith.constant 0 : i32
      %dma_start3A_88 = tpu.memref_slice %arg6[%add3A_72, %dma_start3A_87] : memref<10240x128xf32, #tpu.memory_space<vmem_shared>> -> memref<128x128xf32, #tpu.memory_space<vmem_shared>>
      tpu.enqueue_dma source(%dma_start3A_88 : memref<128x128xf32, #tpu.memory_space<vmem_shared>>) target(%arg7 : memref<128x128xf32, #tpu.memory_space<vmem>>) target_semaphore(%run_scoped3A : memref<!tpu.dma_semaphore, #tpu.memory_space<semaphore_mem>>)
      %dma_wait3A_89 = arith.constant 0 : i32
      %dma_wait3A_90 = tpu.memref_slice %arg6[%add3A_72, %dma_wait3A_89] : memref<10240x128xf32, #tpu.memory_space<vmem_shared>> -> memref<128x128xf32, #tpu.memory_space<vmem_shared>>
      %dma_wait3A_91 = arith.constant 0 : i32
      %dma_wait3A_92 = tpu.memref_slice %arg6[%add3A_72, %dma_wait3A_91] : memref<10240x128xf32, #tpu.memory_space<vmem_shared>> -> memref<128x128xf32, #tpu.memory_space<vmem_shared>>
      tpu.wait_dma2 semaphore(%run_scoped3A : memref<!tpu.dma_semaphore, #tpu.memory_space<semaphore_mem>>) src(%dma_wait3A_92 : memref<128x128xf32, #tpu.memory_space<vmem_shared>>) dst(%arg7 : memref<128x128xf32, #tpu.memory_space<vmem>>)
      tpu.yield
    }) : () -> ()
    "tpu.region"() ({
      %run_scoped3A = tpu.sem_alloc : memref<!tpu.dma_semaphore, #tpu.memory_space<semaphore_mem>>
      %dma_start3A_85 = arith.constant 0 : i32
      %dma_start3A_86 = tpu.memref_slice %arg5[%arg0, %add3A_72, %dma_start3A_85] : memref<2x10240x128xf32, #tpu.memory_space<hbm>> -> memref<1x128x128xf32, #tpu.memory_space<hbm>>
      %dma_start3A_87 = tpu.memref_squeeze %dma_start3A_86 : memref<1x128x128xf32, #tpu.memory_space<hbm>> -> memref<128x128xf32, #tpu.memory_space<hbm>>
      %dma_start3A_88 = arith.constant 0 : i32
      %dma_start3A_89 = tpu.memref_slice %arg5[%arg0, %add3A_72, %dma_start3A_88] : memref<2x10240x128xf32, #tpu.memory_space<hbm>> -> memref<1x128x128xf32, #tpu.memory_space<hbm>>
      %dma_start3A_90 = tpu.memref_squeeze %dma_start3A_89 : memref<1x128x128xf32, #tpu.memory_space<hbm>> -> memref<128x128xf32, #tpu.memory_space<hbm>>
      tpu.enqueue_dma source(%arg7 : memref<128x128xf32, #tpu.memory_space<vmem>>) target(%dma_start3A_90 : memref<128x128xf32, #tpu.memory_space<hbm>>) target_semaphore(%run_scoped3A : memref<!tpu.dma_semaphore, #tpu.memory_space<semaphore_mem>>)
      %dma_wait3A_91 = arith.constant 0 : i32
      %dma_wait3A_92 = tpu.memref_slice %arg5[%arg0, %add3A_72, %dma_wait3A_91] : memref<2x10240x128xf32, #tpu.memory_space<hbm>> -> memref<1x128x128xf32, #tpu.memory_space<hbm>>
      %dma_wait3A_93 = tpu.memref_squeeze %dma_wait3A_92 : memref<1x128x128xf32, #tpu.memory_space<hbm>> -> memref<128x128xf32, #tpu.memory_space<hbm>>
      %dma_wait3A_94 = arith.constant 0 : i32
      %dma_wait3A_95 = tpu.memref_slice %arg5[%arg0, %add3A_72, %dma_wait3A_94] : memref<2x10240x128xf32, #tpu.memory_space<hbm>> -> memref<1x128x128xf32, #tpu.memory_space<hbm>>
      %dma_wait3A_96 = tpu.memref_squeeze %dma_wait3A_95 : memref<1x128x128xf32, #tpu.memory_space<hbm>> -> memref<128x128xf32, #tpu.memory_space<hbm>>
      tpu.wait_dma2 semaphore(%run_scoped3A : memref<!tpu.dma_semaphore, #tpu.memory_space<semaphore_mem>>) src(%arg7 : memref<128x128xf32, #tpu.memory_space<vmem>>) dst(%dma_wait3A_96 : memref<128x128xf32, #tpu.memory_space<hbm>>)
      tpu.yield
    }) : () -> ()
    %mul3A_73 = arith.constant 640 : i32
    %mul3A_74 = arith.muli %arg1, %mul3A_73 : i32
    %add3A_75 = arith.constant 256 : i32
    %add3A_76 = arith.addi %mul3A_74, %add3A_75 : i32
    "tpu.region"() ({
      %run_scoped3A = tpu.sem_alloc : memref<!tpu.dma_semaphore, #tpu.memory_space<semaphore_mem>>
      %dma_start3A_85 = arith.constant 0 : i32
      %dma_start3A_86 = tpu.memref_slice %arg6[%add3A_76, %dma_start3A_85] : memref<10240x128xf32, #tpu.memory_space<vmem_shared>> -> memref<128x128xf32, #tpu.memory_space<vmem_shared>>
      %dma_start3A_87 = arith.constant 0 : i32
      %dma_start3A_88 = tpu.memref_slice %arg6[%add3A_76, %dma_start3A_87] : memref<10240x128xf32, #tpu.memory_space<vmem_shared>> -> memref<128x128xf32, #tpu.memory_space<vmem_shared>>
      tpu.enqueue_dma source(%dma_start3A_88 : memref<128x128xf32, #tpu.memory_space<vmem_shared>>) target(%arg7 : memref<128x128xf32, #tpu.memory_space<vmem>>) target_semaphore(%run_scoped3A : memref<!tpu.dma_semaphore, #tpu.memory_space<semaphore_mem>>)
      %dma_wait3A_89 = arith.constant 0 : i32
      %dma_wait3A_90 = tpu.memref_slice %arg6[%add3A_76, %dma_wait3A_89] : memref<10240x128xf32, #tpu.memory_space<vmem_shared>> -> memref<128x128xf32, #tpu.memory_space<vmem_shared>>
      %dma_wait3A_91 = arith.constant 0 : i32
      %dma_wait3A_92 = tpu.memref_slice %arg6[%add3A_76, %dma_wait3A_91] : memref<10240x128xf32, #tpu.memory_space<vmem_shared>> -> memref<128x128xf32, #tpu.memory_space<vmem_shared>>
      tpu.wait_dma2 semaphore(%run_scoped3A : memref<!tpu.dma_semaphore, #tpu.memory_space<semaphore_mem>>) src(%dma_wait3A_92 : memref<128x128xf32, #tpu.memory_space<vmem_shared>>) dst(%arg7 : memref<128x128xf32, #tpu.memory_space<vmem>>)
      tpu.yield
    }) : () -> ()
    "tpu.region"() ({
      %run_scoped3A = tpu.sem_alloc : memref<!tpu.dma_semaphore, #tpu.memory_space<semaphore_mem>>
      %dma_start3A_85 = arith.constant 0 : i32
      %dma_start3A_86 = tpu.memref_slice %arg5[%arg0, %add3A_76, %dma_start3A_85] : memref<2x10240x128xf32, #tpu.memory_space<hbm>> -> memref<1x128x128xf32, #tpu.memory_space<hbm>>
      %dma_start3A_87 = tpu.memref_squeeze %dma_start3A_86 : memref<1x128x128xf32, #tpu.memory_space<hbm>> -> memref<128x128xf32, #tpu.memory_space<hbm>>
      %dma_start3A_88 = arith.constant 0 : i32
      %dma_start3A_89 = tpu.memref_slice %arg5[%arg0, %add3A_76, %dma_start3A_88] : memref<2x10240x128xf32, #tpu.memory_space<hbm>> -> memref<1x128x128xf32, #tpu.memory_space<hbm>>
      %dma_start3A_90 = tpu.memref_squeeze %dma_start3A_89 : memref<1x128x128xf32, #tpu.memory_space<hbm>> -> memref<128x128xf32, #tpu.memory_space<hbm>>
      tpu.enqueue_dma source(%arg7 : memref<128x128xf32, #tpu.memory_space<vmem>>) target(%dma_start3A_90 : memref<128x128xf32, #tpu.memory_space<hbm>>) target_semaphore(%run_scoped3A : memref<!tpu.dma_semaphore, #tpu.memory_space<semaphore_mem>>)
      %dma_wait3A_91 = arith.constant 0 : i32
      %dma_wait3A_92 = tpu.memref_slice %arg5[%arg0, %add3A_76, %dma_wait3A_91] : memref<2x10240x128xf32, #tpu.memory_space<hbm>> -> memref<1x128x128xf32, #tpu.memory_space<hbm>>
      %dma_wait3A_93 = tpu.memref_squeeze %dma_wait3A_92 : memref<1x128x128xf32, #tpu.memory_space<hbm>> -> memref<128x128xf32, #tpu.memory_space<hbm>>
      %dma_wait3A_94 = arith.constant 0 : i32
      %dma_wait3A_95 = tpu.memref_slice %arg5[%arg0, %add3A_76, %dma_wait3A_94] : memref<2x10240x128xf32, #tpu.memory_space<hbm>> -> memref<1x128x128xf32, #tpu.memory_space<hbm>>
      %dma_wait3A_96 = tpu.memref_squeeze %dma_wait3A_95 : memref<1x128x128xf32, #tpu.memory_space<hbm>> -> memref<128x128xf32, #tpu.memory_space<hbm>>
      tpu.wait_dma2 semaphore(%run_scoped3A : memref<!tpu.dma_semaphore, #tpu.memory_space<semaphore_mem>>) src(%arg7 : memref<128x128xf32, #tpu.memory_space<vmem>>) dst(%dma_wait3A_96 : memref<128x128xf32, #tpu.memory_space<hbm>>)
      tpu.yield
    }) : () -> ()
    %mul3A_77 = arith.constant 640 : i32
    %mul3A_78 = arith.muli %arg1, %mul3A_77 : i32
    %add3A_79 = arith.constant 384 : i32
    %add3A_80 = arith.addi %mul3A_78, %add3A_79 : i32
    "tpu.region"() ({
      %run_scoped3A = tpu.sem_alloc : memref<!tpu.dma_semaphore, #tpu.memory_space<semaphore_mem>>
      %dma_start3A_85 = arith.constant 0 : i32
      %dma_start3A_86 = tpu.memref_slice %arg6[%add3A_80, %dma_start3A_85] : memref<10240x128xf32, #tpu.memory_space<vmem_shared>> -> memref<128x128xf32, #tpu.memory_space<vmem_shared>>
      %dma_start3A_87 = arith.constant 0 : i32
      %dma_start3A_88 = tpu.memref_slice %arg6[%add3A_80, %dma_start3A_87] : memref<10240x128xf32, #tpu.memory_space<vmem_shared>> -> memref<128x128xf32, #tpu.memory_space<vmem_shared>>
      tpu.enqueue_dma source(%dma_start3A_88 : memref<128x128xf32, #tpu.memory_space<vmem_shared>>) target(%arg7 : memref<128x128xf32, #tpu.memory_space<vmem>>) target_semaphore(%run_scoped3A : memref<!tpu.dma_semaphore, #tpu.memory_space<semaphore_mem>>)
      %dma_wait3A_89 = arith.constant 0 : i32
      %dma_wait3A_90 = tpu.memref_slice %arg6[%add3A_80, %dma_wait3A_89] : memref<10240x128xf32, #tpu.memory_space<vmem_shared>> -> memref<128x128xf32, #tpu.memory_space<vmem_shared>>
      %dma_wait3A_91 = arith.constant 0 : i32
      %dma_wait3A_92 = tpu.memref_slice %arg6[%add3A_80, %dma_wait3A_91] : memref<10240x128xf32, #tpu.memory_space<vmem_shared>> -> memref<128x128xf32, #tpu.memory_space<vmem_shared>>
      tpu.wait_dma2 semaphore(%run_scoped3A : memref<!tpu.dma_semaphore, #tpu.memory_space<semaphore_mem>>) src(%dma_wait3A_92 : memref<128x128xf32, #tpu.memory_space<vmem_shared>>) dst(%arg7 : memref<128x128xf32, #tpu.memory_space<vmem>>)
      tpu.yield
    }) : () -> ()
    "tpu.region"() ({
      %run_scoped3A = tpu.sem_alloc : memref<!tpu.dma_semaphore, #tpu.memory_space<semaphore_mem>>
      %dma_start3A_85 = arith.constant 0 : i32
      %dma_start3A_86 = tpu.memref_slice %arg5[%arg0, %add3A_80, %dma_start3A_85] : memref<2x10240x128xf32, #tpu.memory_space<hbm>> -> memref<1x128x128xf32, #tpu.memory_space<hbm>>
      %dma_start3A_87 = tpu.memref_squeeze %dma_start3A_86 : memref<1x128x128xf32, #tpu.memory_space<hbm>> -> memref<128x128xf32, #tpu.memory_space<hbm>>
      %dma_start3A_88 = arith.constant 0 : i32
      %dma_start3A_89 = tpu.memref_slice %arg5[%arg0, %add3A_80, %dma_start3A_88] : memref<2x10240x128xf32, #tpu.memory_space<hbm>> -> memref<1x128x128xf32, #tpu.memory_space<hbm>>
      %dma_start3A_90 = tpu.memref_squeeze %dma_start3A_89 : memref<1x128x128xf32, #tpu.memory_space<hbm>> -> memref<128x128xf32, #tpu.memory_space<hbm>>
      tpu.enqueue_dma source(%arg7 : memref<128x128xf32, #tpu.memory_space<vmem>>) target(%dma_start3A_90 : memref<128x128xf32, #tpu.memory_space<hbm>>) target_semaphore(%run_scoped3A : memref<!tpu.dma_semaphore, #tpu.memory_space<semaphore_mem>>)
      %dma_wait3A_91 = arith.constant 0 : i32
      %dma_wait3A_92 = tpu.memref_slice %arg5[%arg0, %add3A_80, %dma_wait3A_91] : memref<2x10240x128xf32, #tpu.memory_space<hbm>> -> memref<1x128x128xf32, #tpu.memory_space<hbm>>
      %dma_wait3A_93 = tpu.memref_squeeze %dma_wait3A_92 : memref<1x128x128xf32, #tpu.memory_space<hbm>> -> memref<128x128xf32, #tpu.memory_space<hbm>>
      %dma_wait3A_94 = arith.constant 0 : i32
      %dma_wait3A_95 = tpu.memref_slice %arg5[%arg0, %add3A_80, %dma_wait3A_94] : memref<2x10240x128xf32, #tpu.memory_space<hbm>> -> memref<1x128x128xf32, #tpu.memory_space<hbm>>
      %dma_wait3A_96 = tpu.memref_squeeze %dma_wait3A_95 : memref<1x128x128xf32, #tpu.memory_space<hbm>> -> memref<128x128xf32, #tpu.memory_space<hbm>>
      tpu.wait_dma2 semaphore(%run_scoped3A : memref<!tpu.dma_semaphore, #tpu.memory_space<semaphore_mem>>) src(%arg7 : memref<128x128xf32, #tpu.memory_space<vmem>>) dst(%dma_wait3A_96 : memref<128x128xf32, #tpu.memory_space<hbm>>)
      tpu.yield
    }) : () -> ()
    %mul3A_81 = arith.constant 640 : i32
    %mul3A_82 = arith.muli %arg1, %mul3A_81 : i32
    %add3A_83 = arith.constant 512 : i32
    %add3A_84 = arith.addi %mul3A_82, %add3A_83 : i32
    "tpu.region"() ({
      %run_scoped3A = tpu.sem_alloc : memref<!tpu.dma_semaphore, #tpu.memory_space<semaphore_mem>>
      %dma_start3A_85 = arith.constant 0 : i32
      %dma_start3A_86 = tpu.memref_slice %arg6[%add3A_84, %dma_start3A_85] : memref<10240x128xf32, #tpu.memory_space<vmem_shared>> -> memref<128x128xf32, #tpu.memory_space<vmem_shared>>
      %dma_start3A_87 = arith.constant 0 : i32
      %dma_start3A_88 = tpu.memref_slice %arg6[%add3A_84, %dma_start3A_87] : memref<10240x128xf32, #tpu.memory_space<vmem_shared>> -> memref<128x128xf32, #tpu.memory_space<vmem_shared>>
      tpu.enqueue_dma source(%dma_start3A_88 : memref<128x128xf32, #tpu.memory_space<vmem_shared>>) target(%arg7 : memref<128x128xf32, #tpu.memory_space<vmem>>) target_semaphore(%run_scoped3A : memref<!tpu.dma_semaphore, #tpu.memory_space<semaphore_mem>>)
      %dma_wait3A_89 = arith.constant 0 : i32
      %dma_wait3A_90 = tpu.memref_slice %arg6[%add3A_84, %dma_wait3A_89] : memref<10240x128xf32, #tpu.memory_space<vmem_shared>> -> memref<128x128xf32, #tpu.memory_space<vmem_shared>>
      %dma_wait3A_91 = arith.constant 0 : i32
      %dma_wait3A_92 = tpu.memref_slice %arg6[%add3A_84, %dma_wait3A_91] : memref<10240x128xf32, #tpu.memory_space<vmem_shared>> -> memref<128x128xf32, #tpu.memory_space<vmem_shared>>
      tpu.wait_dma2 semaphore(%run_scoped3A : memref<!tpu.dma_semaphore, #tpu.memory_space<semaphore_mem>>) src(%dma_wait3A_92 : memref<128x128xf32, #tpu.memory_space<vmem_shared>>) dst(%arg7 : memref<128x128xf32, #tpu.memory_space<vmem>>)
      tpu.yield
    }) : () -> ()
    "tpu.region"() ({
      %run_scoped3A = tpu.sem_alloc : memref<!tpu.dma_semaphore, #tpu.memory_space<semaphore_mem>>
      %dma_start3A_85 = arith.constant 0 : i32
      %dma_start3A_86 = tpu.memref_slice %arg5[%arg0, %add3A_84, %dma_start3A_85] : memref<2x10240x128xf32, #tpu.memory_space<hbm>> -> memref<1x128x128xf32, #tpu.memory_space<hbm>>
      %dma_start3A_87 = tpu.memref_squeeze %dma_start3A_86 : memref<1x128x128xf32, #tpu.memory_space<hbm>> -> memref<128x128xf32, #tpu.memory_space<hbm>>
      %dma_start3A_88 = arith.constant 0 : i32
      %dma_start3A_89 = tpu.memref_slice %arg5[%arg0, %add3A_84, %dma_start3A_88] : memref<2x10240x128xf32, #tpu.memory_space<hbm>> -> memref<1x128x128xf32, #tpu.memory_space<hbm>>
      %dma_start3A_90 = tpu.memref_squeeze %dma_start3A_89 : memref<1x128x128xf32, #tpu.memory_space<hbm>> -> memref<128x128xf32, #tpu.memory_space<hbm>>
      tpu.enqueue_dma source(%arg7 : memref<128x128xf32, #tpu.memory_space<vmem>>) target(%dma_start3A_90 : memref<128x128xf32, #tpu.memory_space<hbm>>) target_semaphore(%run_scoped3A : memref<!tpu.dma_semaphore, #tpu.memory_space<semaphore_mem>>)
      %dma_wait3A_91 = arith.constant 0 : i32
      %dma_wait3A_92 = tpu.memref_slice %arg5[%arg0, %add3A_84, %dma_wait3A_91] : memref<2x10240x128xf32, #tpu.memory_space<hbm>> -> memref<1x128x128xf32, #tpu.memory_space<hbm>>
      %dma_wait3A_93 = tpu.memref_squeeze %dma_wait3A_92 : memref<1x128x128xf32, #tpu.memory_space<hbm>> -> memref<128x128xf32, #tpu.memory_space<hbm>>
      %dma_wait3A_94 = arith.constant 0 : i32
      %dma_wait3A_95 = tpu.memref_slice %arg5[%arg0, %add3A_84, %dma_wait3A_94] : memref<2x10240x128xf32, #tpu.memory_space<hbm>> -> memref<1x128x128xf32, #tpu.memory_space<hbm>>
      %dma_wait3A_96 = tpu.memref_squeeze %dma_wait3A_95 : memref<1x128x128xf32, #tpu.memory_space<hbm>> -> memref<128x128xf32, #tpu.memory_space<hbm>>
      tpu.wait_dma2 semaphore(%run_scoped3A : memref<!tpu.dma_semaphore, #tpu.memory_space<semaphore_mem>>) src(%arg7 : memref<128x128xf32, #tpu.memory_space<vmem>>) dst(%dma_wait3A_96 : memref<128x128xf32, #tpu.memory_space<hbm>>)
      tpu.yield
    }) : () -> ()
    return
  }
}

#map = affine_map<(d0, d1) -> (0)>
#map1 = affine_map<(d0, d1) -> (0, 0)>
#map2 = affine_map<(d0, d1) -> (0, 0, 0)>
module attributes {stable_mosaic.version = 14 : i64} {
  func.func @_round(%arg0: i32, %arg1: i32, %arg2: memref<327680xi32, #tpu.memory_space<hbm>>, %arg3: memref<327680xi32, #tpu.memory_space<hbm>>, %arg4: memref<10000x128xf32, #tpu.memory_space<hbm>>, %arg5: memref<2x10240x128xf32, #tpu.memory_space<hbm>>, %arg6: memref<10240x128xf32, #tpu.memory_space<vmem_shared>>, %arg7: memref<128x128xf32, #tpu.memory_space<vmem>>, %arg8: memref<128x128xf32, #tpu.memory_space<vmem>>, %arg9: memref<128xi32, #tpu.memory_space<vmem>>, %arg10: memref<128xi32, #tpu.memory_space<vmem>>, %arg11: memref<128xi32, #tpu.memory_space<vmem>>, %arg12: memref<128xi32, #tpu.memory_space<vmem>>, %arg13: memref<!tpu.dma_semaphore, #tpu.memory_space<semaphore_mem>>, %arg14: memref<!tpu.dma_semaphore, #tpu.memory_space<semaphore_mem>>, %arg15: memref<!tpu.dma_semaphore, #tpu.memory_space<semaphore_mem>>, %arg16: memref<!tpu.dma_semaphore, #tpu.memory_space<semaphore_mem>>) attributes {dimension_semantics = [#tpu.dimension_semantics<core_parallel>, #tpu.dimension_semantics<subcore_parallel>], iteration_bounds = array<i64: 2, 16>, scalar_prefetch = 0 : i64, scratch_operands = 11 : i64, tpu.core_type = #tpu.core_type<sc_vector_subcore>, window_params = [{transform_indices = #map}, {transform_indices = #map}, {transform_indices = #map1}, {transform_indices = #map2}]} {
    %mul3A = arith.constant 16 : i32
    %mul3A_0 = arith.muli %arg0, %mul3A : i32
    %add3A = arith.addi %mul3A_0, %arg1 : i32
    %scan3A = arith.constant 0 : i32
    %scan3A_1 = arith.constant 0 : i32
    %scan3A_2 = arith.constant 128 : i32
    %scan3A_3 = arith.addi %scan3A_1, %scan3A_2 : i32
    %scan3A_4 = arith.constant 1 : i32
    scf.for %scan3A_85 = %scan3A_1 to %scan3A_3 step %scan3A_4  : i32 {
      %broadcast_in_dim3A = arith.constant 0.000000e+00 : f32
      %broadcast_in_dim3A_86 = vector.broadcast %broadcast_in_dim3A : f32 to vector<16xf32>
      %swap3A = arith.index_cast %scan3A_85 : i32 to index
      %swap3A_87 = arith.constant 0 : index
      %swap3A_88 = tpu.vector_load %arg7[%swap3A, %swap3A_87] {strides = array<i32>} : memref<128x128xf32, #tpu.memory_space<vmem>>, vector<1x16xf32>,
      %swap3A_89 = vector.shape_cast %swap3A_88 : vector<1x16xf32> to vector<16xf32>
      %swap3A_90 = vector.shape_cast %broadcast_in_dim3A_86 : vector<16xf32> to vector<1x16xf32>
      tpu.vector_store %arg7[%swap3A, %swap3A_87], %swap3A_90 {strides = array<i32>} : memref<128x128xf32, #tpu.memory_space<vmem>>, vector<1x16xf32>,
      %broadcast_in_dim3A_91 = arith.constant 0.000000e+00 : f32
      %broadcast_in_dim3A_92 = vector.broadcast %broadcast_in_dim3A_91 : f32 to vector<16xf32>
      %swap3A_93 = arith.index_cast %scan3A_85 : i32 to index
      %swap3A_94 = arith.constant 16 : index
      %swap3A_95 = tpu.vector_load %arg7[%swap3A_93, %swap3A_94] {strides = array<i32>} : memref<128x128xf32, #tpu.memory_space<vmem>>, vector<1x16xf32>,
      %swap3A_96 = vector.shape_cast %swap3A_95 : vector<1x16xf32> to vector<16xf32>
      %swap3A_97 = vector.shape_cast %broadcast_in_dim3A_92 : vector<16xf32> to vector<1x16xf32>
      tpu.vector_store %arg7[%swap3A_93, %swap3A_94], %swap3A_97 {strides = array<i32>} : memref<128x128xf32, #tpu.memory_space<vmem>>, vector<1x16xf32>,
      %broadcast_in_dim3A_98 = arith.constant 0.000000e+00 : f32
      %broadcast_in_dim3A_99 = vector.broadcast %broadcast_in_dim3A_98 : f32 to vector<16xf32>
      %swap3A_100 = arith.index_cast %scan3A_85 : i32 to index
      %swap3A_101 = arith.constant 32 : index
      %swap3A_102 = tpu.vector_load %arg7[%swap3A_100, %swap3A_101] {strides = array<i32>} : memref<128x128xf32, #tpu.memory_space<vmem>>, vector<1x16xf32>,
      %swap3A_103 = vector.shape_cast %swap3A_102 : vector<1x16xf32> to vector<16xf32>
      %swap3A_104 = vector.shape_cast %broadcast_in_dim3A_99 : vector<16xf32> to vector<1x16xf32>
      tpu.vector_store %arg7[%swap3A_100, %swap3A_101], %swap3A_104 {strides = array<i32>} : memref<128x128xf32, #tpu.memory_space<vmem>>, vector<1x16xf32>,
      %broadcast_in_dim3A_105 = arith.constant 0.000000e+00 : f32
      %broadcast_in_dim3A_106 = vector.broadcast %broadcast_in_dim3A_105 : f32 to vector<16xf32>
      %swap3A_107 = arith.index_cast %scan3A_85 : i32 to index
      %swap3A_108 = arith.constant 48 : index
      %swap3A_109 = tpu.vector_load %arg7[%swap3A_107, %swap3A_108] {strides = array<i32>} : memref<128x128xf32, #tpu.memory_space<vmem>>, vector<1x16xf32>,
      %swap3A_110 = vector.shape_cast %swap3A_109 : vector<1x16xf32> to vector<16xf32>
      %swap3A_111 = vector.shape_cast %broadcast_in_dim3A_106 : vector<16xf32> to vector<1x16xf32>
      tpu.vector_store %arg7[%swap3A_107, %swap3A_108], %swap3A_111 {strides = array<i32>} : memref<128x128xf32, #tpu.memory_space<vmem>>, vector<1x16xf32>,
      %broadcast_in_dim3A_112 = arith.constant 0.000000e+00 : f32
      %broadcast_in_dim3A_113 = vector.broadcast %broadcast_in_dim3A_112 : f32 to vector<16xf32>
      %swap3A_114 = arith.index_cast %scan3A_85 : i32 to index
      %swap3A_115 = arith.constant 64 : index
      %swap3A_116 = tpu.vector_load %arg7[%swap3A_114, %swap3A_115] {strides = array<i32>} : memref<128x128xf32, #tpu.memory_space<vmem>>, vector<1x16xf32>,
      %swap3A_117 = vector.shape_cast %swap3A_116 : vector<1x16xf32> to vector<16xf32>
      %swap3A_118 = vector.shape_cast %broadcast_in_dim3A_113 : vector<16xf32> to vector<1x16xf32>
      tpu.vector_store %arg7[%swap3A_114, %swap3A_115], %swap3A_118 {strides = array<i32>} : memref<128x128xf32, #tpu.memory_space<vmem>>, vector<1x16xf32>,
      %broadcast_in_dim3A_119 = arith.constant 0.000000e+00 : f32
      %broadcast_in_dim3A_120 = vector.broadcast %broadcast_in_dim3A_119 : f32 to vector<16xf32>
      %swap3A_121 = arith.index_cast %scan3A_85 : i32 to index
      %swap3A_122 = arith.constant 80 : index
      %swap3A_123 = tpu.vector_load %arg7[%swap3A_121, %swap3A_122] {strides = array<i32>} : memref<128x128xf32, #tpu.memory_space<vmem>>, vector<1x16xf32>,
      %swap3A_124 = vector.shape_cast %swap3A_123 : vector<1x16xf32> to vector<16xf32>
      %swap3A_125 = vector.shape_cast %broadcast_in_dim3A_120 : vector<16xf32> to vector<1x16xf32>
      tpu.vector_store %arg7[%swap3A_121, %swap3A_122], %swap3A_125 {strides = array<i32>} : memref<128x128xf32, #tpu.memory_space<vmem>>, vector<1x16xf32>,
      %broadcast_in_dim3A_126 = arith.constant 0.000000e+00 : f32
      %broadcast_in_dim3A_127 = vector.broadcast %broadcast_in_dim3A_126 : f32 to vector<16xf32>
      %swap3A_128 = arith.index_cast %scan3A_85 : i32 to index
      %swap3A_129 = arith.constant 96 : index
      %swap3A_130 = tpu.vector_load %arg7[%swap3A_128, %swap3A_129] {strides = array<i32>} : memref<128x128xf32, #tpu.memory_space<vmem>>, vector<1x16xf32>,
      %swap3A_131 = vector.shape_cast %swap3A_130 : vector<1x16xf32> to vector<16xf32>
      %swap3A_132 = vector.shape_cast %broadcast_in_dim3A_127 : vector<16xf32> to vector<1x16xf32>
      tpu.vector_store %arg7[%swap3A_128, %swap3A_129], %swap3A_132 {strides = array<i32>} : memref<128x128xf32, #tpu.memory_space<vmem>>, vector<1x16xf32>,
      %broadcast_in_dim3A_133 = arith.constant 0.000000e+00 : f32
      %broadcast_in_dim3A_134 = vector.broadcast %broadcast_in_dim3A_133 : f32 to vector<16xf32>
      %swap3A_135 = arith.index_cast %scan3A_85 : i32 to index
      %swap3A_136 = arith.constant 112 : index
      %swap3A_137 = tpu.vector_load %arg7[%swap3A_135, %swap3A_136] {strides = array<i32>} : memref<128x128xf32, #tpu.memory_space<vmem>>, vector<1x16xf32>,
      %swap3A_138 = vector.shape_cast %swap3A_137 : vector<1x16xf32> to vector<16xf32>
      %swap3A_139 = vector.shape_cast %broadcast_in_dim3A_134 : vector<16xf32> to vector<1x16xf32>
      tpu.vector_store %arg7[%swap3A_135, %swap3A_136], %swap3A_139 {strides = array<i32>} : memref<128x128xf32, #tpu.memory_space<vmem>>, vector<1x16xf32>,
    }
    %scan3A_5 = arith.constant 128 : i32
    %mul3A_6 = arith.constant 640 : i32
    %mul3A_7 = arith.muli %arg1, %mul3A_6 : i32
    %add3A_8 = arith.constant 0 : i32
    %add3A_9 = arith.addi %mul3A_7, %add3A_8 : i32
    "tpu.region"() ({
      %run_scoped3A = tpu.sem_alloc : memref<!tpu.dma_semaphore, #tpu.memory_space<semaphore_mem>>
      %dma_start3A_85 = arith.constant 0 : i32
      %dma_start3A_86 = tpu.memref_slice %arg6[%add3A_9, %dma_start3A_85] : memref<10240x128xf32, #tpu.memory_space<vmem_shared>> -> memref<128x128xf32, #tpu.memory_space<vmem_shared>>
      %dma_start3A_87 = arith.constant 0 : i32
      %dma_start3A_88 = tpu.memref_slice %arg6[%add3A_9, %dma_start3A_87] : memref<10240x128xf32, #tpu.memory_space<vmem_shared>> -> memref<128x128xf32, #tpu.memory_space<vmem_shared>>
      tpu.enqueue_dma source(%arg7 : memref<128x128xf32, #tpu.memory_space<vmem>>) target(%dma_start3A_88 : memref<128x128xf32, #tpu.memory_space<vmem_shared>>) target_semaphore(%run_scoped3A : memref<!tpu.dma_semaphore, #tpu.memory_space<semaphore_mem>>)
      %dma_wait3A_89 = arith.constant 0 : i32
      %dma_wait3A_90 = tpu.memref_slice %arg6[%add3A_9, %dma_wait3A_89] : memref<10240x128xf32, #tpu.memory_space<vmem_shared>> -> memref<128x128xf32, #tpu.memory_space<vmem_shared>>
      %dma_wait3A_91 = arith.constant 0 : i32
      %dma_wait3A_92 = tpu.memref_slice %arg6[%add3A_9, %dma_wait3A_91] : memref<10240x128xf32, #tpu.memory_space<vmem_shared>> -> memref<128x128xf32, #tpu.memory_space<vmem_shared>>
      tpu.wait_dma2 semaphore(%run_scoped3A : memref<!tpu.dma_semaphore, #tpu.memory_space<semaphore_mem>>) src(%arg7 : memref<128x128xf32, #tpu.memory_space<vmem>>) dst(%dma_wait3A_92 : memref<128x128xf32, #tpu.memory_space<vmem_shared>>)
      tpu.yield
    }) : () -> ()
    %mul3A_10 = arith.constant 640 : i32
    %mul3A_11 = arith.muli %arg1, %mul3A_10 : i32
    %add3A_12 = arith.constant 128 : i32
    %add3A_13 = arith.addi %mul3A_11, %add3A_12 : i32
    "tpu.region"() ({
      %run_scoped3A = tpu.sem_alloc : memref<!tpu.dma_semaphore, #tpu.memory_space<semaphore_mem>>
      %dma_start3A_85 = arith.constant 0 : i32
      %dma_start3A_86 = tpu.memref_slice %arg6[%add3A_13, %dma_start3A_85] : memref<10240x128xf32, #tpu.memory_space<vmem_shared>> -> memref<128x128xf32, #tpu.memory_space<vmem_shared>>
      %dma_start3A_87 = arith.constant 0 : i32
      %dma_start3A_88 = tpu.memref_slice %arg6[%add3A_13, %dma_start3A_87] : memref<10240x128xf32, #tpu.memory_space<vmem_shared>> -> memref<128x128xf32, #tpu.memory_space<vmem_shared>>
      tpu.enqueue_dma source(%arg7 : memref<128x128xf32, #tpu.memory_space<vmem>>) target(%dma_start3A_88 : memref<128x128xf32, #tpu.memory_space<vmem_shared>>) target_semaphore(%run_scoped3A : memref<!tpu.dma_semaphore, #tpu.memory_space<semaphore_mem>>)
      %dma_wait3A_89 = arith.constant 0 : i32
      %dma_wait3A_90 = tpu.memref_slice %arg6[%add3A_13, %dma_wait3A_89] : memref<10240x128xf32, #tpu.memory_space<vmem_shared>> -> memref<128x128xf32, #tpu.memory_space<vmem_shared>>
      %dma_wait3A_91 = arith.constant 0 : i32
      %dma_wait3A_92 = tpu.memref_slice %arg6[%add3A_13, %dma_wait3A_91] : memref<10240x128xf32, #tpu.memory_space<vmem_shared>> -> memref<128x128xf32, #tpu.memory_space<vmem_shared>>
      tpu.wait_dma2 semaphore(%run_scoped3A : memref<!tpu.dma_semaphore, #tpu.memory_space<semaphore_mem>>) src(%arg7 : memref<128x128xf32, #tpu.memory_space<vmem>>) dst(%dma_wait3A_92 : memref<128x128xf32, #tpu.memory_space<vmem_shared>>)
      tpu.yield
    }) : () -> ()
    %mul3A_14 = arith.constant 640 : i32
    %mul3A_15 = arith.muli %arg1, %mul3A_14 : i32
    %add3A_16 = arith.constant 256 : i32
    %add3A_17 = arith.addi %mul3A_15, %add3A_16 : i32
    "tpu.region"() ({
      %run_scoped3A = tpu.sem_alloc : memref<!tpu.dma_semaphore, #tpu.memory_space<semaphore_mem>>
      %dma_start3A_85 = arith.constant 0 : i32
      %dma_start3A_86 = tpu.memref_slice %arg6[%add3A_17, %dma_start3A_85] : memref<10240x128xf32, #tpu.memory_space<vmem_shared>> -> memref<128x128xf32, #tpu.memory_space<vmem_shared>>
      %dma_start3A_87 = arith.constant 0 : i32
      %dma_start3A_88 = tpu.memref_slice %arg6[%add3A_17, %dma_start3A_87] : memref<10240x128xf32, #tpu.memory_space<vmem_shared>> -> memref<128x128xf32, #tpu.memory_space<vmem_shared>>
      tpu.enqueue_dma source(%arg7 : memref<128x128xf32, #tpu.memory_space<vmem>>) target(%dma_start3A_88 : memref<128x128xf32, #tpu.memory_space<vmem_shared>>) target_semaphore(%run_scoped3A : memref<!tpu.dma_semaphore, #tpu.memory_space<semaphore_mem>>)
      %dma_wait3A_89 = arith.constant 0 : i32
      %dma_wait3A_90 = tpu.memref_slice %arg6[%add3A_17, %dma_wait3A_89] : memref<10240x128xf32, #tpu.memory_space<vmem_shared>> -> memref<128x128xf32, #tpu.memory_space<vmem_shared>>
      %dma_wait3A_91 = arith.constant 0 : i32
      %dma_wait3A_92 = tpu.memref_slice %arg6[%add3A_17, %dma_wait3A_91] : memref<10240x128xf32, #tpu.memory_space<vmem_shared>> -> memref<128x128xf32, #tpu.memory_space<vmem_shared>>
      tpu.wait_dma2 semaphore(%run_scoped3A : memref<!tpu.dma_semaphore, #tpu.memory_space<semaphore_mem>>) src(%arg7 : memref<128x128xf32, #tpu.memory_space<vmem>>) dst(%dma_wait3A_92 : memref<128x128xf32, #tpu.memory_space<vmem_shared>>)
      tpu.yield
    }) : () -> ()
    %mul3A_18 = arith.constant 640 : i32
    %mul3A_19 = arith.muli %arg1, %mul3A_18 : i32
    %add3A_20 = arith.constant 384 : i32
    %add3A_21 = arith.addi %mul3A_19, %add3A_20 : i32
    "tpu.region"() ({
      %run_scoped3A = tpu.sem_alloc : memref<!tpu.dma_semaphore, #tpu.memory_space<semaphore_mem>>
      %dma_start3A_85 = arith.constant 0 : i32
      %dma_start3A_86 = tpu.memref_slice %arg6[%add3A_21, %dma_start3A_85] : memref<10240x128xf32, #tpu.memory_space<vmem_shared>> -> memref<128x128xf32, #tpu.memory_space<vmem_shared>>
      %dma_start3A_87 = arith.constant 0 : i32
      %dma_start3A_88 = tpu.memref_slice %arg6[%add3A_21, %dma_start3A_87] : memref<10240x128xf32, #tpu.memory_space<vmem_shared>> -> memref<128x128xf32, #tpu.memory_space<vmem_shared>>
      tpu.enqueue_dma source(%arg7 : memref<128x128xf32, #tpu.memory_space<vmem>>) target(%dma_start3A_88 : memref<128x128xf32, #tpu.memory_space<vmem_shared>>) target_semaphore(%run_scoped3A : memref<!tpu.dma_semaphore, #tpu.memory_space<semaphore_mem>>)
      %dma_wait3A_89 = arith.constant 0 : i32
      %dma_wait3A_90 = tpu.memref_slice %arg6[%add3A_21, %dma_wait3A_89] : memref<10240x128xf32, #tpu.memory_space<vmem_shared>> -> memref<128x128xf32, #tpu.memory_space<vmem_shared>>
      %dma_wait3A_91 = arith.constant 0 : i32
      %dma_wait3A_92 = tpu.memref_slice %arg6[%add3A_21, %dma_wait3A_91] : memref<10240x128xf32, #tpu.memory_space<vmem_shared>> -> memref<128x128xf32, #tpu.memory_space<vmem_shared>>
      tpu.wait_dma2 semaphore(%run_scoped3A : memref<!tpu.dma_semaphore, #tpu.memory_space<semaphore_mem>>) src(%arg7 : memref<128x128xf32, #tpu.memory_space<vmem>>) dst(%dma_wait3A_92 : memref<128x128xf32, #tpu.memory_space<vmem_shared>>)
      tpu.yield
    }) : () -> ()
    %mul3A_22 = arith.constant 640 : i32
    %mul3A_23 = arith.muli %arg1, %mul3A_22 : i32
    %add3A_24 = arith.constant 512 : i32
    %add3A_25 = arith.addi %mul3A_23, %add3A_24 : i32
    "tpu.region"() ({
      %run_scoped3A = tpu.sem_alloc : memref<!tpu.dma_semaphore, #tpu.memory_space<semaphore_mem>>
      %dma_start3A_85 = arith.constant 0 : i32
      %dma_start3A_86 = tpu.memref_slice %arg6[%add3A_25, %dma_start3A_85] : memref<10240x128xf32, #tpu.memory_space<vmem_shared>> -> memref<128x128xf32, #tpu.memory_space<vmem_shared>>
      %dma_start3A_87 = arith.constant 0 : i32
      %dma_start3A_88 = tpu.memref_slice %arg6[%add3A_25, %dma_start3A_87] : memref<10240x128xf32, #tpu.memory_space<vmem_shared>> -> memref<128x128xf32, #tpu.memory_space<vmem_shared>>
      tpu.enqueue_dma source(%arg7 : memref<128x128xf32, #tpu.memory_space<vmem>>) target(%dma_start3A_88 : memref<128x128xf32, #tpu.memory_space<vmem_shared>>) target_semaphore(%run_scoped3A : memref<!tpu.dma_semaphore, #tpu.memory_space<semaphore_mem>>)
      %dma_wait3A_89 = arith.constant 0 : i32
      %dma_wait3A_90 = tpu.memref_slice %arg6[%add3A_25, %dma_wait3A_89] : memref<10240x128xf32, #tpu.memory_space<vmem_shared>> -> memref<128x128xf32, #tpu.memory_space<vmem_shared>>
      %dma_wait3A_91 = arith.constant 0 : i32
      %dma_wait3A_92 = tpu.memref_slice %arg6[%add3A_25, %dma_wait3A_91] : memref<10240x128xf32, #tpu.memory_space<vmem_shared>> -> memref<128x128xf32, #tpu.memory_space<vmem_shared>>
      tpu.wait_dma2 semaphore(%run_scoped3A : memref<!tpu.dma_semaphore, #tpu.memory_space<semaphore_mem>>) src(%arg7 : memref<128x128xf32, #tpu.memory_space<vmem>>) dst(%dma_wait3A_92 : memref<128x128xf32, #tpu.memory_space<vmem_shared>>)
      tpu.yield
    }) : () -> ()
    %barrier3A = arith.constant 0 : index
    tpu.barrier barrier_id(%barrier3A)
    %mul3A_26 = arith.constant 10240 : i32
    %mul3A_27 = arith.muli %add3A, %mul3A_26 : i32
    %add3A_28 = arith.constant 0 : i32
    %add3A_29 = arith.addi %mul3A_27, %add3A_28 : i32
    "tpu.region"() ({
      %run_scoped3A = tpu.sem_alloc : memref<!tpu.dma_semaphore, #tpu.memory_space<semaphore_mem>>
      %dma_start3A_85 = tpu.memref_slice %arg2[%add3A_29] : memref<327680xi32, #tpu.memory_space<hbm>> -> memref<128xi32, #tpu.memory_space<hbm>>
      %dma_start3A_86 = tpu.memref_slice %arg2[%add3A_29] : memref<327680xi32, #tpu.memory_space<hbm>> -> memref<128xi32, #tpu.memory_space<hbm>>
      tpu.enqueue_dma source(%dma_start3A_86 : memref<128xi32, #tpu.memory_space<hbm>>) target(%arg9 : memref<128xi32, #tpu.memory_space<vmem>>) target_semaphore(%run_scoped3A : memref<!tpu.dma_semaphore, #tpu.memory_space<semaphore_mem>>)
      %dma_wait3A_87 = tpu.memref_slice %arg2[%add3A_29] : memref<327680xi32, #tpu.memory_space<hbm>> -> memref<128xi32, #tpu.memory_space<hbm>>
      %dma_wait3A_88 = tpu.memref_slice %arg2[%add3A_29] : memref<327680xi32, #tpu.memory_space<hbm>> -> memref<128xi32, #tpu.memory_space<hbm>>
      tpu.wait_dma2 semaphore(%run_scoped3A : memref<!tpu.dma_semaphore, #tpu.memory_space<semaphore_mem>>) src(%dma_wait3A_88 : memref<128xi32, #tpu.memory_space<hbm>>) dst(%arg9 : memref<128xi32, #tpu.memory_space<vmem>>)
      tpu.yield
    }) : () -> ()
    %dma_start3A = arith.constant 0 : i32
    %dma_start3A_30 = arith.constant 0 : i32
    %dma_start3A_31 = tpu.memref_slice %arg4[%dma_start3A, %dma_start3A_30] : memref<10000x128xf32, #tpu.memory_space<hbm>> -> memref<10000x128xf32, #tpu.memory_space<hbm>>
    tpu.enqueue_indirect_dma source(%dma_start3A_31 : memref<10000x128xf32, #tpu.memory_space<hbm>>) target(%arg7 : memref<128x128xf32, #tpu.memory_space<vmem>>) offsets(%arg9 : memref<128xi32, #tpu.memory_space<vmem>>) semaphore(%arg13 : memref<!tpu.dma_semaphore, #tpu.memory_space<semaphore_mem>>)
    %add3A_32 = arith.constant 0 : i32
    %add3A_33 = arith.addi %mul3A_27, %add3A_32 : i32
    "tpu.region"() ({
      %run_scoped3A = tpu.sem_alloc : memref<!tpu.dma_semaphore, #tpu.memory_space<semaphore_mem>>
      %dma_start3A_85 = tpu.memref_slice %arg3[%add3A_33] : memref<327680xi32, #tpu.memory_space<hbm>> -> memref<128xi32, #tpu.memory_space<hbm>>
      %dma_start3A_86 = tpu.memref_slice %arg3[%add3A_33] : memref<327680xi32, #tpu.memory_space<hbm>> -> memref<128xi32, #tpu.memory_space<hbm>>
      tpu.enqueue_dma source(%dma_start3A_86 : memref<128xi32, #tpu.memory_space<hbm>>) target(%arg11 : memref<128xi32, #tpu.memory_space<vmem>>) target_semaphore(%run_scoped3A : memref<!tpu.dma_semaphore, #tpu.memory_space<semaphore_mem>>)
      %dma_wait3A_87 = tpu.memref_slice %arg3[%add3A_33] : memref<327680xi32, #tpu.memory_space<hbm>> -> memref<128xi32, #tpu.memory_space<hbm>>
      %dma_wait3A_88 = tpu.memref_slice %arg3[%add3A_33] : memref<327680xi32, #tpu.memory_space<hbm>> -> memref<128xi32, #tpu.memory_space<hbm>>
      tpu.wait_dma2 semaphore(%run_scoped3A : memref<!tpu.dma_semaphore, #tpu.memory_space<semaphore_mem>>) src(%dma_wait3A_88 : memref<128xi32, #tpu.memory_space<hbm>>) dst(%arg11 : memref<128xi32, #tpu.memory_space<vmem>>)
      tpu.yield
    }) : () -> ()
    %dma_wait3A = arith.constant 0 : i32
    %dma_wait3A_34 = arith.constant 0 : i32
    %dma_wait3A_35 = tpu.memref_slice %arg4[%dma_wait3A, %dma_wait3A_34] : memref<10000x128xf32, #tpu.memory_space<hbm>> -> memref<10000x128xf32, #tpu.memory_space<hbm>>
    tpu.wait_indirect_dma semaphore(%arg13 : memref<!tpu.dma_semaphore, #tpu.memory_space<semaphore_mem>>) src(%dma_wait3A_35 : memref<10000x128xf32, #tpu.memory_space<hbm>>) dst(%arg7 : memref<128x128xf32, #tpu.memory_space<vmem>>)
    %dma_start3A_36 = arith.constant 0 : i32
    %dma_start3A_37 = arith.constant 0 : i32
    %dma_start3A_38 = tpu.memref_slice %arg6[%dma_start3A_36, %dma_start3A_37] : memref<10240x128xf32, #tpu.memory_space<vmem_shared>> -> memref<10240x128xf32, #tpu.memory_space<vmem_shared>>
    tpu.enqueue_indirect_dma source(%arg7 : memref<128x128xf32, #tpu.memory_space<vmem>>) target(%dma_start3A_38 : memref<10240x128xf32, #tpu.memory_space<vmem_shared>>) offsets(%arg11 : memref<128xi32, #tpu.memory_space<vmem>>) semaphore(%arg15 : memref<!tpu.dma_semaphore, #tpu.memory_space<semaphore_mem>>) {add = true}
    %add3A_39 = arith.constant 128 : i32
    %add3A_40 = arith.addi %mul3A_27, %add3A_39 : i32
    "tpu.region"() ({
      %run_scoped3A = tpu.sem_alloc : memref<!tpu.dma_semaphore, #tpu.memory_space<semaphore_mem>>
      %dma_start3A_85 = tpu.memref_slice %arg2[%add3A_40] : memref<327680xi32, #tpu.memory_space<hbm>> -> memref<128xi32, #tpu.memory_space<hbm>>
      %dma_start3A_86 = tpu.memref_slice %arg2[%add3A_40] : memref<327680xi32, #tpu.memory_space<hbm>> -> memref<128xi32, #tpu.memory_space<hbm>>
      tpu.enqueue_dma source(%dma_start3A_86 : memref<128xi32, #tpu.memory_space<hbm>>) target(%arg10 : memref<128xi32, #tpu.memory_space<vmem>>) target_semaphore(%run_scoped3A : memref<!tpu.dma_semaphore, #tpu.memory_space<semaphore_mem>>)
      %dma_wait3A_87 = tpu.memref_slice %arg2[%add3A_40] : memref<327680xi32, #tpu.memory_space<hbm>> -> memref<128xi32, #tpu.memory_space<hbm>>
      %dma_wait3A_88 = tpu.memref_slice %arg2[%add3A_40] : memref<327680xi32, #tpu.memory_space<hbm>> -> memref<128xi32, #tpu.memory_space<hbm>>
      tpu.wait_dma2 semaphore(%run_scoped3A : memref<!tpu.dma_semaphore, #tpu.memory_space<semaphore_mem>>) src(%dma_wait3A_88 : memref<128xi32, #tpu.memory_space<hbm>>) dst(%arg10 : memref<128xi32, #tpu.memory_space<vmem>>)
      tpu.yield
    }) : () -> ()
    %dma_start3A_41 = arith.constant 0 : i32
    %dma_start3A_42 = arith.constant 0 : i32
    %dma_start3A_43 = tpu.memref_slice %arg4[%dma_start3A_41, %dma_start3A_42] : memref<10000x128xf32, #tpu.memory_space<hbm>> -> memref<10000x128xf32, #tpu.memory_space<hbm>>
    tpu.enqueue_indirect_dma source(%dma_start3A_43 : memref<10000x128xf32, #tpu.memory_space<hbm>>) target(%arg8 : memref<128x128xf32, #tpu.memory_space<vmem>>) offsets(%arg10 : memref<128xi32, #tpu.memory_space<vmem>>) semaphore(%arg14 : memref<!tpu.dma_semaphore, #tpu.memory_space<semaphore_mem>>)
    %scan3A_44 = arith.constant 0 : i32
    %scan3A_45 = arith.constant 0 : i32
    %scan3A_46 = arith.constant 39 : i32
    %scan3A_47 = arith.addi %scan3A_45, %scan3A_46 : i32
    %scan3A_48 = arith.constant 1 : i32
    scf.for %scan3A_85 = %scan3A_45 to %scan3A_47 step %scan3A_48  : i32 {
      %mul3A_86 = arith.constant 2 : i32
      %mul3A_87 = arith.muli %mul3A_86, %scan3A_85 : i32
      %add3A_88 = arith.constant 1 : i32
      %add3A_89 = arith.addi %mul3A_87, %add3A_88 : i32
      %mul3A_90 = arith.constant 128 : i32
      %mul3A_91 = arith.muli %add3A_89, %mul3A_90 : i32
      %add3A_92 = arith.addi %mul3A_27, %mul3A_91 : i32
      "tpu.region"() ({
        %run_scoped3A = tpu.sem_alloc : memref<!tpu.dma_semaphore, #tpu.memory_space<semaphore_mem>>
        %dma_start3A_134 = tpu.memref_slice %arg3[%add3A_92] : memref<327680xi32, #tpu.memory_space<hbm>> -> memref<128xi32, #tpu.memory_space<hbm>>
        %dma_start3A_135 = tpu.memref_slice %arg3[%add3A_92] : memref<327680xi32, #tpu.memory_space<hbm>> -> memref<128xi32, #tpu.memory_space<hbm>>
        tpu.enqueue_dma source(%dma_start3A_135 : memref<128xi32, #tpu.memory_space<hbm>>) target(%arg12 : memref<128xi32, #tpu.memory_space<vmem>>) target_semaphore(%run_scoped3A : memref<!tpu.dma_semaphore, #tpu.memory_space<semaphore_mem>>)
        %dma_wait3A_136 = tpu.memref_slice %arg3[%add3A_92] : memref<327680xi32, #tpu.memory_space<hbm>> -> memref<128xi32, #tpu.memory_space<hbm>>
        %dma_wait3A_137 = tpu.memref_slice %arg3[%add3A_92] : memref<327680xi32, #tpu.memory_space<hbm>> -> memref<128xi32, #tpu.memory_space<hbm>>
        tpu.wait_dma2 semaphore(%run_scoped3A : memref<!tpu.dma_semaphore, #tpu.memory_space<semaphore_mem>>) src(%dma_wait3A_137 : memref<128xi32, #tpu.memory_space<hbm>>) dst(%arg12 : memref<128xi32, #tpu.memory_space<vmem>>)
        tpu.yield
      }) : () -> ()
      %dma_wait3A_93 = arith.constant 0 : i32
      %dma_wait3A_94 = arith.constant 0 : i32
      %dma_wait3A_95 = tpu.memref_slice %arg4[%dma_wait3A_93, %dma_wait3A_94] : memref<10000x128xf32, #tpu.memory_space<hbm>> -> memref<10000x128xf32, #tpu.memory_space<hbm>>
      tpu.wait_indirect_dma semaphore(%arg14 : memref<!tpu.dma_semaphore, #tpu.memory_space<semaphore_mem>>) src(%dma_wait3A_95 : memref<10000x128xf32, #tpu.memory_space<hbm>>) dst(%arg8 : memref<128x128xf32, #tpu.memory_space<vmem>>)
      %dma_start3A_96 = arith.constant 0 : i32
      %dma_start3A_97 = arith.constant 0 : i32
      %dma_start3A_98 = tpu.memref_slice %arg6[%dma_start3A_96, %dma_start3A_97] : memref<10240x128xf32, #tpu.memory_space<vmem_shared>> -> memref<10240x128xf32, #tpu.memory_space<vmem_shared>>
      tpu.enqueue_indirect_dma source(%arg8 : memref<128x128xf32, #tpu.memory_space<vmem>>) target(%dma_start3A_98 : memref<10240x128xf32, #tpu.memory_space<vmem_shared>>) offsets(%arg12 : memref<128xi32, #tpu.memory_space<vmem>>) semaphore(%arg16 : memref<!tpu.dma_semaphore, #tpu.memory_space<semaphore_mem>>) {add = true}
      %add3A_99 = arith.constant 1 : i32
      %add3A_100 = arith.addi %add3A_89, %add3A_99 : i32
      %mul3A_101 = arith.constant 128 : i32
      %mul3A_102 = arith.muli %add3A_100, %mul3A_101 : i32
      %add3A_103 = arith.addi %mul3A_27, %mul3A_102 : i32
      "tpu.region"() ({
        %run_scoped3A = tpu.sem_alloc : memref<!tpu.dma_semaphore, #tpu.memory_space<semaphore_mem>>
        %dma_start3A_134 = tpu.memref_slice %arg2[%add3A_103] : memref<327680xi32, #tpu.memory_space<hbm>> -> memref<128xi32, #tpu.memory_space<hbm>>
        %dma_start3A_135 = tpu.memref_slice %arg2[%add3A_103] : memref<327680xi32, #tpu.memory_space<hbm>> -> memref<128xi32, #tpu.memory_space<hbm>>
        tpu.enqueue_dma source(%dma_start3A_135 : memref<128xi32, #tpu.memory_space<hbm>>) target(%arg9 : memref<128xi32, #tpu.memory_space<vmem>>) target_semaphore(%run_scoped3A : memref<!tpu.dma_semaphore, #tpu.memory_space<semaphore_mem>>)
        %dma_wait3A_136 = tpu.memref_slice %arg2[%add3A_103] : memref<327680xi32, #tpu.memory_space<hbm>> -> memref<128xi32, #tpu.memory_space<hbm>>
        %dma_wait3A_137 = tpu.memref_slice %arg2[%add3A_103] : memref<327680xi32, #tpu.memory_space<hbm>> -> memref<128xi32, #tpu.memory_space<hbm>>
        tpu.wait_dma2 semaphore(%run_scoped3A : memref<!tpu.dma_semaphore, #tpu.memory_space<semaphore_mem>>) src(%dma_wait3A_137 : memref<128xi32, #tpu.memory_space<hbm>>) dst(%arg9 : memref<128xi32, #tpu.memory_space<vmem>>)
        tpu.yield
      }) : () -> ()
      %dma_wait3A_104 = arith.constant 0 : i32
      %dma_wait3A_105 = arith.constant 0 : i32
      %dma_wait3A_106 = tpu.memref_slice %arg6[%dma_wait3A_104, %dma_wait3A_105] : memref<10240x128xf32, #tpu.memory_space<vmem_shared>> -> memref<10240x128xf32, #tpu.memory_space<vmem_shared>>
      tpu.wait_indirect_dma semaphore(%arg15 : memref<!tpu.dma_semaphore, #tpu.memory_space<semaphore_mem>>) src(%arg7 : memref<128x128xf32, #tpu.memory_space<vmem>>) dst(%dma_wait3A_106 : memref<10240x128xf32, #tpu.memory_space<vmem_shared>>)
      %dma_start3A_107 = arith.constant 0 : i32
      %dma_start3A_108 = arith.constant 0 : i32
      %dma_start3A_109 = tpu.memref_slice %arg4[%dma_start3A_107, %dma_start3A_108] : memref<10000x128xf32, #tpu.memory_space<hbm>> -> memref<10000x128xf32, #tpu.memory_space<hbm>>
      tpu.enqueue_indirect_dma source(%dma_start3A_109 : memref<10000x128xf32, #tpu.memory_space<hbm>>) target(%arg7 : memref<128x128xf32, #tpu.memory_space<vmem>>) offsets(%arg9 : memref<128xi32, #tpu.memory_space<vmem>>) semaphore(%arg13 : memref<!tpu.dma_semaphore, #tpu.memory_space<semaphore_mem>>)
      %mul3A_110 = arith.constant 2 : i32
      %mul3A_111 = arith.muli %mul3A_110, %scan3A_85 : i32
      %add3A_112 = arith.constant 2 : i32
      %add3A_113 = arith.addi %mul3A_111, %add3A_112 : i32
      %mul3A_114 = arith.constant 128 : i32
      %mul3A_115 = arith.muli %add3A_113, %mul3A_114 : i32
      %add3A_116 = arith.addi %mul3A_27, %mul3A_115 : i32
      "tpu.region"() ({
        %run_scoped3A = tpu.sem_alloc : memref<!tpu.dma_semaphore, #tpu.memory_space<semaphore_mem>>
        %dma_start3A_134 = tpu.memref_slice %arg3[%add3A_116] : memref<327680xi32, #tpu.memory_space<hbm>> -> memref<128xi32, #tpu.memory_space<hbm>>
        %dma_start3A_135 = tpu.memref_slice %arg3[%add3A_116] : memref<327680xi32, #tpu.memory_space<hbm>> -> memref<128xi32, #tpu.memory_space<hbm>>
        tpu.enqueue_dma source(%dma_start3A_135 : memref<128xi32, #tpu.memory_space<hbm>>) target(%arg11 : memref<128xi32, #tpu.memory_space<vmem>>) target_semaphore(%run_scoped3A : memref<!tpu.dma_semaphore, #tpu.memory_space<semaphore_mem>>)
        %dma_wait3A_136 = tpu.memref_slice %arg3[%add3A_116] : memref<327680xi32, #tpu.memory_space<hbm>> -> memref<128xi32, #tpu.memory_space<hbm>>
        %dma_wait3A_137 = tpu.memref_slice %arg3[%add3A_116] : memref<327680xi32, #tpu.memory_space<hbm>> -> memref<128xi32, #tpu.memory_space<hbm>>
        tpu.wait_dma2 semaphore(%run_scoped3A : memref<!tpu.dma_semaphore, #tpu.memory_space<semaphore_mem>>) src(%dma_wait3A_137 : memref<128xi32, #tpu.memory_space<hbm>>) dst(%arg11 : memref<128xi32, #tpu.memory_space<vmem>>)
        tpu.yield
      }) : () -> ()
      %dma_wait3A_117 = arith.constant 0 : i32
      %dma_wait3A_118 = arith.constant 0 : i32
      %dma_wait3A_119 = tpu.memref_slice %arg4[%dma_wait3A_117, %dma_wait3A_118] : memref<10000x128xf32, #tpu.memory_space<hbm>> -> memref<10000x128xf32, #tpu.memory_space<hbm>>
      tpu.wait_indirect_dma semaphore(%arg13 : memref<!tpu.dma_semaphore, #tpu.memory_space<semaphore_mem>>) src(%dma_wait3A_119 : memref<10000x128xf32, #tpu.memory_space<hbm>>) dst(%arg7 : memref<128x128xf32, #tpu.memory_space<vmem>>)
      %dma_start3A_120 = arith.constant 0 : i32
      %dma_start3A_121 = arith.constant 0 : i32
      %dma_start3A_122 = tpu.memref_slice %arg6[%dma_start3A_120, %dma_start3A_121] : memref<10240x128xf32, #tpu.memory_space<vmem_shared>> -> memref<10240x128xf32, #tpu.memory_space<vmem_shared>>
      tpu.enqueue_indirect_dma source(%arg7 : memref<128x128xf32, #tpu.memory_space<vmem>>) target(%dma_start3A_122 : memref<10240x128xf32, #tpu.memory_space<vmem_shared>>) offsets(%arg11 : memref<128xi32, #tpu.memory_space<vmem>>) semaphore(%arg15 : memref<!tpu.dma_semaphore, #tpu.memory_space<semaphore_mem>>) {add = true}
      %add3A_123 = arith.constant 1 : i32
      %add3A_124 = arith.addi %add3A_113, %add3A_123 : i32
      %mul3A_125 = arith.constant 128 : i32
      %mul3A_126 = arith.muli %add3A_124, %mul3A_125 : i32
      %add3A_127 = arith.addi %mul3A_27, %mul3A_126 : i32
      "tpu.region"() ({
        %run_scoped3A = tpu.sem_alloc : memref<!tpu.dma_semaphore, #tpu.memory_space<semaphore_mem>>
        %dma_start3A_134 = tpu.memref_slice %arg2[%add3A_127] : memref<327680xi32, #tpu.memory_space<hbm>> -> memref<128xi32, #tpu.memory_space<hbm>>
        %dma_start3A_135 = tpu.memref_slice %arg2[%add3A_127] : memref<327680xi32, #tpu.memory_space<hbm>> -> memref<128xi32, #tpu.memory_space<hbm>>
        tpu.enqueue_dma source(%dma_start3A_135 : memref<128xi32, #tpu.memory_space<hbm>>) target(%arg10 : memref<128xi32, #tpu.memory_space<vmem>>) target_semaphore(%run_scoped3A : memref<!tpu.dma_semaphore, #tpu.memory_space<semaphore_mem>>)
        %dma_wait3A_136 = tpu.memref_slice %arg2[%add3A_127] : memref<327680xi32, #tpu.memory_space<hbm>> -> memref<128xi32, #tpu.memory_space<hbm>>
        %dma_wait3A_137 = tpu.memref_slice %arg2[%add3A_127] : memref<327680xi32, #tpu.memory_space<hbm>> -> memref<128xi32, #tpu.memory_space<hbm>>
        tpu.wait_dma2 semaphore(%run_scoped3A : memref<!tpu.dma_semaphore, #tpu.memory_space<semaphore_mem>>) src(%dma_wait3A_137 : memref<128xi32, #tpu.memory_space<hbm>>) dst(%arg10 : memref<128xi32, #tpu.memory_space<vmem>>)
        tpu.yield
      }) : () -> ()
      %dma_wait3A_128 = arith.constant 0 : i32
      %dma_wait3A_129 = arith.constant 0 : i32
      %dma_wait3A_130 = tpu.memref_slice %arg6[%dma_wait3A_128, %dma_wait3A_129] : memref<10240x128xf32, #tpu.memory_space<vmem_shared>> -> memref<10240x128xf32, #tpu.memory_space<vmem_shared>>
      tpu.wait_indirect_dma semaphore(%arg16 : memref<!tpu.dma_semaphore, #tpu.memory_space<semaphore_mem>>) src(%arg8 : memref<128x128xf32, #tpu.memory_space<vmem>>) dst(%dma_wait3A_130 : memref<10240x128xf32, #tpu.memory_space<vmem_shared>>)
      %dma_start3A_131 = arith.constant 0 : i32
      %dma_start3A_132 = arith.constant 0 : i32
      %dma_start3A_133 = tpu.memref_slice %arg4[%dma_start3A_131, %dma_start3A_132] : memref<10000x128xf32, #tpu.memory_space<hbm>> -> memref<10000x128xf32, #tpu.memory_space<hbm>>
      tpu.enqueue_indirect_dma source(%dma_start3A_133 : memref<10000x128xf32, #tpu.memory_space<hbm>>) target(%arg8 : memref<128x128xf32, #tpu.memory_space<vmem>>) offsets(%arg10 : memref<128xi32, #tpu.memory_space<vmem>>) semaphore(%arg14 : memref<!tpu.dma_semaphore, #tpu.memory_space<semaphore_mem>>)
    }
    %scan3A_49 = arith.constant 39 : i32
    %add3A_50 = arith.constant 10112 : i32
    %add3A_51 = arith.addi %mul3A_27, %add3A_50 : i32
    "tpu.region"() ({
      %run_scoped3A = tpu.sem_alloc : memref<!tpu.dma_semaphore, #tpu.memory_space<semaphore_mem>>
      %dma_start3A_85 = tpu.memref_slice %arg3[%add3A_51] : memref<327680xi32, #tpu.memory_space<hbm>> -> memref<128xi32, #tpu.memory_space<hbm>>
      %dma_start3A_86 = tpu.memref_slice %arg3[%add3A_51] : memref<327680xi32, #tpu.memory_space<hbm>> -> memref<128xi32, #tpu.memory_space<hbm>>
      tpu.enqueue_dma source(%dma_start3A_86 : memref<128xi32, #tpu.memory_space<hbm>>) target(%arg12 : memref<128xi32, #tpu.memory_space<vmem>>) target_semaphore(%run_scoped3A : memref<!tpu.dma_semaphore, #tpu.memory_space<semaphore_mem>>)
      %dma_wait3A_87 = tpu.memref_slice %arg3[%add3A_51] : memref<327680xi32, #tpu.memory_space<hbm>> -> memref<128xi32, #tpu.memory_space<hbm>>
      %dma_wait3A_88 = tpu.memref_slice %arg3[%add3A_51] : memref<327680xi32, #tpu.memory_space<hbm>> -> memref<128xi32, #tpu.memory_space<hbm>>
      tpu.wait_dma2 semaphore(%run_scoped3A : memref<!tpu.dma_semaphore, #tpu.memory_space<semaphore_mem>>) src(%dma_wait3A_88 : memref<128xi32, #tpu.memory_space<hbm>>) dst(%arg12 : memref<128xi32, #tpu.memory_space<vmem>>)
      tpu.yield
    }) : () -> ()
    %dma_wait3A_52 = arith.constant 0 : i32
    %dma_wait3A_53 = arith.constant 0 : i32
    %dma_wait3A_54 = tpu.memref_slice %arg4[%dma_wait3A_52, %dma_wait3A_53] : memref<10000x128xf32, #tpu.memory_space<hbm>> -> memref<10000x128xf32, #tpu.memory_space<hbm>>
    tpu.wait_indirect_dma semaphore(%arg14 : memref<!tpu.dma_semaphore, #tpu.memory_space<semaphore_mem>>) src(%dma_wait3A_54 : memref<10000x128xf32, #tpu.memory_space<hbm>>) dst(%arg8 : memref<128x128xf32, #tpu.memory_space<vmem>>)
    %dma_start3A_55 = arith.constant 0 : i32
    %dma_start3A_56 = arith.constant 0 : i32
    %dma_start3A_57 = tpu.memref_slice %arg6[%dma_start3A_55, %dma_start3A_56] : memref<10240x128xf32, #tpu.memory_space<vmem_shared>> -> memref<10240x128xf32, #tpu.memory_space<vmem_shared>>
    tpu.enqueue_indirect_dma source(%arg8 : memref<128x128xf32, #tpu.memory_space<vmem>>) target(%dma_start3A_57 : memref<10240x128xf32, #tpu.memory_space<vmem_shared>>) offsets(%arg12 : memref<128xi32, #tpu.memory_space<vmem>>) semaphore(%arg16 : memref<!tpu.dma_semaphore, #tpu.memory_space<semaphore_mem>>) {add = true}
    %dma_wait3A_58 = arith.constant 0 : i32
    %dma_wait3A_59 = arith.constant 0 : i32
    %dma_wait3A_60 = tpu.memref_slice %arg6[%dma_wait3A_58, %dma_wait3A_59] : memref<10240x128xf32, #tpu.memory_space<vmem_shared>> -> memref<10240x128xf32, #tpu.memory_space<vmem_shared>>
    tpu.wait_indirect_dma semaphore(%arg15 : memref<!tpu.dma_semaphore, #tpu.memory_space<semaphore_mem>>) src(%arg7 : memref<128x128xf32, #tpu.memory_space<vmem>>) dst(%dma_wait3A_60 : memref<10240x128xf32, #tpu.memory_space<vmem_shared>>)
    %dma_wait3A_61 = arith.constant 0 : i32
    %dma_wait3A_62 = arith.constant 0 : i32
    %dma_wait3A_63 = tpu.memref_slice %arg6[%dma_wait3A_61, %dma_wait3A_62] : memref<10240x128xf32, #tpu.memory_space<vmem_shared>> -> memref<10240x128xf32, #tpu.memory_space<vmem_shared>>
    tpu.wait_indirect_dma semaphore(%arg16 : memref<!tpu.dma_semaphore, #tpu.memory_space<semaphore_mem>>) src(%arg8 : memref<128x128xf32, #tpu.memory_space<vmem>>) dst(%dma_wait3A_63 : memref<10240x128xf32, #tpu.memory_space<vmem_shared>>)
    %barrier3A_64 = arith.constant 0 : index
    tpu.barrier barrier_id(%barrier3A_64)
    %mul3A_65 = arith.constant 640 : i32
    %mul3A_66 = arith.muli %arg1, %mul3A_65 : i32
    %add3A_67 = arith.constant 0 : i32
    %add3A_68 = arith.addi %mul3A_66, %add3A_67 : i32
    "tpu.region"() ({
      %run_scoped3A = tpu.sem_alloc : memref<!tpu.dma_semaphore, #tpu.memory_space<semaphore_mem>>
      %dma_start3A_85 = arith.constant 0 : i32
      %dma_start3A_86 = tpu.memref_slice %arg6[%add3A_68, %dma_start3A_85] : memref<10240x128xf32, #tpu.memory_space<vmem_shared>> -> memref<128x128xf32, #tpu.memory_space<vmem_shared>>
      %dma_start3A_87 = arith.constant 0 : i32
      %dma_start3A_88 = tpu.memref_slice %arg6[%add3A_68, %dma_start3A_87] : memref<10240x128xf32, #tpu.memory_space<vmem_shared>> -> memref<128x128xf32, #tpu.memory_space<vmem_shared>>
      tpu.enqueue_dma source(%dma_start3A_88 : memref<128x128xf32, #tpu.memory_space<vmem_shared>>) target(%arg7 : memref<128x128xf32, #tpu.memory_space<vmem>>) target_semaphore(%run_scoped3A : memref<!tpu.dma_semaphore, #tpu.memory_space<semaphore_mem>>)
      %dma_wait3A_89 = arith.constant 0 : i32
      %dma_wait3A_90 = tpu.memref_slice %arg6[%add3A_68, %dma_wait3A_89] : memref<10240x128xf32, #tpu.memory_space<vmem_shared>> -> memref<128x128xf32, #tpu.memory_space<vmem_shared>>
      %dma_wait3A_91 = arith.constant 0 : i32
      %dma_wait3A_92 = tpu.memref_slice %arg6[%add3A_68, %dma_wait3A_91] : memref<10240x128xf32, #tpu.memory_space<vmem_shared>> -> memref<128x128xf32, #tpu.memory_space<vmem_shared>>
      tpu.wait_dma2 semaphore(%run_scoped3A : memref<!tpu.dma_semaphore, #tpu.memory_space<semaphore_mem>>) src(%dma_wait3A_92 : memref<128x128xf32, #tpu.memory_space<vmem_shared>>) dst(%arg7 : memref<128x128xf32, #tpu.memory_space<vmem>>)
      tpu.yield
    }) : () -> ()
    "tpu.region"() ({
      %run_scoped3A = tpu.sem_alloc : memref<!tpu.dma_semaphore, #tpu.memory_space<semaphore_mem>>
      %dma_start3A_85 = arith.constant 0 : i32
      %dma_start3A_86 = tpu.memref_slice %arg5[%arg0, %add3A_68, %dma_start3A_85] : memref<2x10240x128xf32, #tpu.memory_space<hbm>> -> memref<1x128x128xf32, #tpu.memory_space<hbm>>
      %dma_start3A_87 = tpu.memref_squeeze %dma_start3A_86 : memref<1x128x128xf32, #tpu.memory_space<hbm>> -> memref<128x128xf32, #tpu.memory_space<hbm>>
      %dma_start3A_88 = arith.constant 0 : i32
      %dma_start3A_89 = tpu.memref_slice %arg5[%arg0, %add3A_68, %dma_start3A_88] : memref<2x10240x128xf32, #tpu.memory_space<hbm>> -> memref<1x128x128xf32, #tpu.memory_space<hbm>>
      %dma_start3A_90 = tpu.memref_squeeze %dma_start3A_89 : memref<1x128x128xf32, #tpu.memory_space<hbm>> -> memref<128x128xf32, #tpu.memory_space<hbm>>
      tpu.enqueue_dma source(%arg7 : memref<128x128xf32, #tpu.memory_space<vmem>>) target(%dma_start3A_90 : memref<128x128xf32, #tpu.memory_space<hbm>>) target_semaphore(%run_scoped3A : memref<!tpu.dma_semaphore, #tpu.memory_space<semaphore_mem>>)
      %dma_wait3A_91 = arith.constant 0 : i32
      %dma_wait3A_92 = tpu.memref_slice %arg5[%arg0, %add3A_68, %dma_wait3A_91] : memref<2x10240x128xf32, #tpu.memory_space<hbm>> -> memref<1x128x128xf32, #tpu.memory_space<hbm>>
      %dma_wait3A_93 = tpu.memref_squeeze %dma_wait3A_92 : memref<1x128x128xf32, #tpu.memory_space<hbm>> -> memref<128x128xf32, #tpu.memory_space<hbm>>
      %dma_wait3A_94 = arith.constant 0 : i32
      %dma_wait3A_95 = tpu.memref_slice %arg5[%arg0, %add3A_68, %dma_wait3A_94] : memref<2x10240x128xf32, #tpu.memory_space<hbm>> -> memref<1x128x128xf32, #tpu.memory_space<hbm>>
      %dma_wait3A_96 = tpu.memref_squeeze %dma_wait3A_95 : memref<1x128x128xf32, #tpu.memory_space<hbm>> -> memref<128x128xf32, #tpu.memory_space<hbm>>
      tpu.wait_dma2 semaphore(%run_scoped3A : memref<!tpu.dma_semaphore, #tpu.memory_space<semaphore_mem>>) src(%arg7 : memref<128x128xf32, #tpu.memory_space<vmem>>) dst(%dma_wait3A_96 : memref<128x128xf32, #tpu.memory_space<hbm>>)
      tpu.yield
    }) : () -> ()
    %mul3A_69 = arith.constant 640 : i32
    %mul3A_70 = arith.muli %arg1, %mul3A_69 : i32
    %add3A_71 = arith.constant 128 : i32
    %add3A_72 = arith.addi %mul3A_70, %add3A_71 : i32
    "tpu.region"() ({
      %run_scoped3A = tpu.sem_alloc : memref<!tpu.dma_semaphore, #tpu.memory_space<semaphore_mem>>
      %dma_start3A_85 = arith.constant 0 : i32
      %dma_start3A_86 = tpu.memref_slice %arg6[%add3A_72, %dma_start3A_85] : memref<10240x128xf32, #tpu.memory_space<vmem_shared>> -> memref<128x128xf32, #tpu.memory_space<vmem_shared>>
      %dma_start3A_87 = arith.constant 0 : i32
      %dma_start3A_88 = tpu.memref_slice %arg6[%add3A_72, %dma_start3A_87] : memref<10240x128xf32, #tpu.memory_space<vmem_shared>> -> memref<128x128xf32, #tpu.memory_space<vmem_shared>>
      tpu.enqueue_dma source(%dma_start3A_88 : memref<128x128xf32, #tpu.memory_space<vmem_shared>>) target(%arg7 : memref<128x128xf32, #tpu.memory_space<vmem>>) target_semaphore(%run_scoped3A : memref<!tpu.dma_semaphore, #tpu.memory_space<semaphore_mem>>)
      %dma_wait3A_89 = arith.constant 0 : i32
      %dma_wait3A_90 = tpu.memref_slice %arg6[%add3A_72, %dma_wait3A_89] : memref<10240x128xf32, #tpu.memory_space<vmem_shared>> -> memref<128x128xf32, #tpu.memory_space<vmem_shared>>
      %dma_wait3A_91 = arith.constant 0 : i32
      %dma_wait3A_92 = tpu.memref_slice %arg6[%add3A_72, %dma_wait3A_91] : memref<10240x128xf32, #tpu.memory_space<vmem_shared>> -> memref<128x128xf32, #tpu.memory_space<vmem_shared>>
      tpu.wait_dma2 semaphore(%run_scoped3A : memref<!tpu.dma_semaphore, #tpu.memory_space<semaphore_mem>>) src(%dma_wait3A_92 : memref<128x128xf32, #tpu.memory_space<vmem_shared>>) dst(%arg7 : memref<128x128xf32, #tpu.memory_space<vmem>>)
      tpu.yield
    }) : () -> ()
    "tpu.region"() ({
      %run_scoped3A = tpu.sem_alloc : memref<!tpu.dma_semaphore, #tpu.memory_space<semaphore_mem>>
      %dma_start3A_85 = arith.constant 0 : i32
      %dma_start3A_86 = tpu.memref_slice %arg5[%arg0, %add3A_72, %dma_start3A_85] : memref<2x10240x128xf32, #tpu.memory_space<hbm>> -> memref<1x128x128xf32, #tpu.memory_space<hbm>>
      %dma_start3A_87 = tpu.memref_squeeze %dma_start3A_86 : memref<1x128x128xf32, #tpu.memory_space<hbm>> -> memref<128x128xf32, #tpu.memory_space<hbm>>
      %dma_start3A_88 = arith.constant 0 : i32
      %dma_start3A_89 = tpu.memref_slice %arg5[%arg0, %add3A_72, %dma_start3A_88] : memref<2x10240x128xf32, #tpu.memory_space<hbm>> -> memref<1x128x128xf32, #tpu.memory_space<hbm>>
      %dma_start3A_90 = tpu.memref_squeeze %dma_start3A_89 : memref<1x128x128xf32, #tpu.memory_space<hbm>> -> memref<128x128xf32, #tpu.memory_space<hbm>>
      tpu.enqueue_dma source(%arg7 : memref<128x128xf32, #tpu.memory_space<vmem>>) target(%dma_start3A_90 : memref<128x128xf32, #tpu.memory_space<hbm>>) target_semaphore(%run_scoped3A : memref<!tpu.dma_semaphore, #tpu.memory_space<semaphore_mem>>)
      %dma_wait3A_91 = arith.constant 0 : i32
      %dma_wait3A_92 = tpu.memref_slice %arg5[%arg0, %add3A_72, %dma_wait3A_91] : memref<2x10240x128xf32, #tpu.memory_space<hbm>> -> memref<1x128x128xf32, #tpu.memory_space<hbm>>
      %dma_wait3A_93 = tpu.memref_squeeze %dma_wait3A_92 : memref<1x128x128xf32, #tpu.memory_space<hbm>> -> memref<128x128xf32, #tpu.memory_space<hbm>>
      %dma_wait3A_94 = arith.constant 0 : i32
      %dma_wait3A_95 = tpu.memref_slice %arg5[%arg0, %add3A_72, %dma_wait3A_94] : memref<2x10240x128xf32, #tpu.memory_space<hbm>> -> memref<1x128x128xf32, #tpu.memory_space<hbm>>
      %dma_wait3A_96 = tpu.memref_squeeze %dma_wait3A_95 : memref<1x128x128xf32, #tpu.memory_space<hbm>> -> memref<128x128xf32, #tpu.memory_space<hbm>>
      tpu.wait_dma2 semaphore(%run_scoped3A : memref<!tpu.dma_semaphore, #tpu.memory_space<semaphore_mem>>) src(%arg7 : memref<128x128xf32, #tpu.memory_space<vmem>>) dst(%dma_wait3A_96 : memref<128x128xf32, #tpu.memory_space<hbm>>)
      tpu.yield
    }) : () -> ()
    %mul3A_73 = arith.constant 640 : i32
    %mul3A_74 = arith.muli %arg1, %mul3A_73 : i32
    %add3A_75 = arith.constant 256 : i32
    %add3A_76 = arith.addi %mul3A_74, %add3A_75 : i32
    "tpu.region"() ({
      %run_scoped3A = tpu.sem_alloc : memref<!tpu.dma_semaphore, #tpu.memory_space<semaphore_mem>>
      %dma_start3A_85 = arith.constant 0 : i32
      %dma_start3A_86 = tpu.memref_slice %arg6[%add3A_76, %dma_start3A_85] : memref<10240x128xf32, #tpu.memory_space<vmem_shared>> -> memref<128x128xf32, #tpu.memory_space<vmem_shared>>
      %dma_start3A_87 = arith.constant 0 : i32
      %dma_start3A_88 = tpu.memref_slice %arg6[%add3A_76, %dma_start3A_87] : memref<10240x128xf32, #tpu.memory_space<vmem_shared>> -> memref<128x128xf32, #tpu.memory_space<vmem_shared>>
      tpu.enqueue_dma source(%dma_start3A_88 : memref<128x128xf32, #tpu.memory_space<vmem_shared>>) target(%arg7 : memref<128x128xf32, #tpu.memory_space<vmem>>) target_semaphore(%run_scoped3A : memref<!tpu.dma_semaphore, #tpu.memory_space<semaphore_mem>>)
      %dma_wait3A_89 = arith.constant 0 : i32
      %dma_wait3A_90 = tpu.memref_slice %arg6[%add3A_76, %dma_wait3A_89] : memref<10240x128xf32, #tpu.memory_space<vmem_shared>> -> memref<128x128xf32, #tpu.memory_space<vmem_shared>>
      %dma_wait3A_91 = arith.constant 0 : i32
      %dma_wait3A_92 = tpu.memref_slice %arg6[%add3A_76, %dma_wait3A_91] : memref<10240x128xf32, #tpu.memory_space<vmem_shared>> -> memref<128x128xf32, #tpu.memory_space<vmem_shared>>
      tpu.wait_dma2 semaphore(%run_scoped3A : memref<!tpu.dma_semaphore, #tpu.memory_space<semaphore_mem>>) src(%dma_wait3A_92 : memref<128x128xf32, #tpu.memory_space<vmem_shared>>) dst(%arg7 : memref<128x128xf32, #tpu.memory_space<vmem>>)
      tpu.yield
    }) : () -> ()
    "tpu.region"() ({
      %run_scoped3A = tpu.sem_alloc : memref<!tpu.dma_semaphore, #tpu.memory_space<semaphore_mem>>
      %dma_start3A_85 = arith.constant 0 : i32
      %dma_start3A_86 = tpu.memref_slice %arg5[%arg0, %add3A_76, %dma_start3A_85] : memref<2x10240x128xf32, #tpu.memory_space<hbm>> -> memref<1x128x128xf32, #tpu.memory_space<hbm>>
      %dma_start3A_87 = tpu.memref_squeeze %dma_start3A_86 : memref<1x128x128xf32, #tpu.memory_space<hbm>> -> memref<128x128xf32, #tpu.memory_space<hbm>>
      %dma_start3A_88 = arith.constant 0 : i32
      %dma_start3A_89 = tpu.memref_slice %arg5[%arg0, %add3A_76, %dma_start3A_88] : memref<2x10240x128xf32, #tpu.memory_space<hbm>> -> memref<1x128x128xf32, #tpu.memory_space<hbm>>
      %dma_start3A_90 = tpu.memref_squeeze %dma_start3A_89 : memref<1x128x128xf32, #tpu.memory_space<hbm>> -> memref<128x128xf32, #tpu.memory_space<hbm>>
      tpu.enqueue_dma source(%arg7 : memref<128x128xf32, #tpu.memory_space<vmem>>) target(%dma_start3A_90 : memref<128x128xf32, #tpu.memory_space<hbm>>) target_semaphore(%run_scoped3A : memref<!tpu.dma_semaphore, #tpu.memory_space<semaphore_mem>>)
      %dma_wait3A_91 = arith.constant 0 : i32
      %dma_wait3A_92 = tpu.memref_slice %arg5[%arg0, %add3A_76, %dma_wait3A_91] : memref<2x10240x128xf32, #tpu.memory_space<hbm>> -> memref<1x128x128xf32, #tpu.memory_space<hbm>>
      %dma_wait3A_93 = tpu.memref_squeeze %dma_wait3A_92 : memref<1x128x128xf32, #tpu.memory_space<hbm>> -> memref<128x128xf32, #tpu.memory_space<hbm>>
      %dma_wait3A_94 = arith.constant 0 : i32
      %dma_wait3A_95 = tpu.memref_slice %arg5[%arg0, %add3A_76, %dma_wait3A_94] : memref<2x10240x128xf32, #tpu.memory_space<hbm>> -> memref<1x128x128xf32, #tpu.memory_space<hbm>>
      %dma_wait3A_96 = tpu.memref_squeeze %dma_wait3A_95 : memref<1x128x128xf32, #tpu.memory_space<hbm>> -> memref<128x128xf32, #tpu.memory_space<hbm>>
      tpu.wait_dma2 semaphore(%run_scoped3A : memref<!tpu.dma_semaphore, #tpu.memory_space<semaphore_mem>>) src(%arg7 : memref<128x128xf32, #tpu.memory_space<vmem>>) dst(%dma_wait3A_96 : memref<128x128xf32, #tpu.memory_space<hbm>>)
      tpu.yield
    }) : () -> ()
    %mul3A_77 = arith.constant 640 : i32
    %mul3A_78 = arith.muli %arg1, %mul3A_77 : i32
    %add3A_79 = arith.constant 384 : i32
    %add3A_80 = arith.addi %mul3A_78, %add3A_79 : i32
    "tpu.region"() ({
      %run_scoped3A = tpu.sem_alloc : memref<!tpu.dma_semaphore, #tpu.memory_space<semaphore_mem>>
      %dma_start3A_85 = arith.constant 0 : i32
      %dma_start3A_86 = tpu.memref_slice %arg6[%add3A_80, %dma_start3A_85] : memref<10240x128xf32, #tpu.memory_space<vmem_shared>> -> memref<128x128xf32, #tpu.memory_space<vmem_shared>>
      %dma_start3A_87 = arith.constant 0 : i32
      %dma_start3A_88 = tpu.memref_slice %arg6[%add3A_80, %dma_start3A_87] : memref<10240x128xf32, #tpu.memory_space<vmem_shared>> -> memref<128x128xf32, #tpu.memory_space<vmem_shared>>
      tpu.enqueue_dma source(%dma_start3A_88 : memref<128x128xf32, #tpu.memory_space<vmem_shared>>) target(%arg7 : memref<128x128xf32, #tpu.memory_space<vmem>>) target_semaphore(%run_scoped3A : memref<!tpu.dma_semaphore, #tpu.memory_space<semaphore_mem>>)
      %dma_wait3A_89 = arith.constant 0 : i32
      %dma_wait3A_90 = tpu.memref_slice %arg6[%add3A_80, %dma_wait3A_89] : memref<10240x128xf32, #tpu.memory_space<vmem_shared>> -> memref<128x128xf32, #tpu.memory_space<vmem_shared>>
      %dma_wait3A_91 = arith.constant 0 : i32
      %dma_wait3A_92 = tpu.memref_slice %arg6[%add3A_80, %dma_wait3A_91] : memref<10240x128xf32, #tpu.memory_space<vmem_shared>> -> memref<128x128xf32, #tpu.memory_space<vmem_shared>>
      tpu.wait_dma2 semaphore(%run_scoped3A : memref<!tpu.dma_semaphore, #tpu.memory_space<semaphore_mem>>) src(%dma_wait3A_92 : memref<128x128xf32, #tpu.memory_space<vmem_shared>>) dst(%arg7 : memref<128x128xf32, #tpu.memory_space<vmem>>)
      tpu.yield
    }) : () -> ()
    "tpu.region"() ({
      %run_scoped3A = tpu.sem_alloc : memref<!tpu.dma_semaphore, #tpu.memory_space<semaphore_mem>>
      %dma_start3A_85 = arith.constant 0 : i32
      %dma_start3A_86 = tpu.memref_slice %arg5[%arg0, %add3A_80, %dma_start3A_85] : memref<2x10240x128xf32, #tpu.memory_space<hbm>> -> memref<1x128x128xf32, #tpu.memory_space<hbm>>
      %dma_start3A_87 = tpu.memref_squeeze %dma_start3A_86 : memref<1x128x128xf32, #tpu.memory_space<hbm>> -> memref<128x128xf32, #tpu.memory_space<hbm>>
      %dma_start3A_88 = arith.constant 0 : i32
      %dma_start3A_89 = tpu.memref_slice %arg5[%arg0, %add3A_80, %dma_start3A_88] : memref<2x10240x128xf32, #tpu.memory_space<hbm>> -> memref<1x128x128xf32, #tpu.memory_space<hbm>>
      %dma_start3A_90 = tpu.memref_squeeze %dma_start3A_89 : memref<1x128x128xf32, #tpu.memory_space<hbm>> -> memref<128x128xf32, #tpu.memory_space<hbm>>
      tpu.enqueue_dma source(%arg7 : memref<128x128xf32, #tpu.memory_space<vmem>>) target(%dma_start3A_90 : memref<128x128xf32, #tpu.memory_space<hbm>>) target_semaphore(%run_scoped3A : memref<!tpu.dma_semaphore, #tpu.memory_space<semaphore_mem>>)
      %dma_wait3A_91 = arith.constant 0 : i32
      %dma_wait3A_92 = tpu.memref_slice %arg5[%arg0, %add3A_80, %dma_wait3A_91] : memref<2x10240x128xf32, #tpu.memory_space<hbm>> -> memref<1x128x128xf32, #tpu.memory_space<hbm>>
      %dma_wait3A_93 = tpu.memref_squeeze %dma_wait3A_92 : memref<1x128x128xf32, #tpu.memory_space<hbm>> -> memref<128x128xf32, #tpu.memory_space<hbm>>
      %dma_wait3A_94 = arith.constant 0 : i32
      %dma_wait3A_95 = tpu.memref_slice %arg5[%arg0, %add3A_80, %dma_wait3A_94] : memref<2x10240x128xf32, #tpu.memory_space<hbm>> -> memref<1x128x128xf32, #tpu.memory_space<hbm>>
      %dma_wait3A_96 = tpu.memref_squeeze %dma_wait3A_95 : memref<1x128x128xf32, #tpu.memory_space<hbm>> -> memref<128x128xf32, #tpu.memory_space<hbm>>
      tpu.wait_dma2 semaphore(%run_scoped3A : memref<!tpu.dma_semaphore, #tpu.memory_space<semaphore_mem>>) src(%arg7 : memref<128x128xf32, #tpu.memory_space<vmem>>) dst(%dma_wait3A_96 : memref<128x128xf32, #tpu.memory_space<hbm>>)
      tpu.yield
    }) : () -> ()
    %mul3A_81 = arith.constant 640 : i32
    %mul3A_82 = arith.muli %arg1, %mul3A_81 : i32
    %add3A_83 = arith.constant 512 : i32
    %add3A_84 = arith.addi %mul3A_82, %add3A_83 : i32
    "tpu.region"() ({
      %run_scoped3A = tpu.sem_alloc : memref<!tpu.dma_semaphore, #tpu.memory_space<semaphore_mem>>
      %dma_start3A_85 = arith.constant 0 : i32
      %dma_start3A_86 = tpu.memref_slice %arg6[%add3A_84, %dma_start3A_85] : memref<10240x128xf32, #tpu.memory_space<vmem_shared>> -> memref<128x128xf32, #tpu.memory_space<vmem_shared>>
      %dma_start3A_87 = arith.constant 0 : i32
      %dma_start3A_88 = tpu.memref_slice %arg6[%add3A_84, %dma_start3A_87] : memref<10240x128xf32, #tpu.memory_space<vmem_shared>> -> memref<128x128xf32, #tpu.memory_space<vmem_shared>>
      tpu.enqueue_dma source(%dma_start3A_88 : memref<128x128xf32, #tpu.memory_space<vmem_shared>>) target(%arg7 : memref<128x128xf32, #tpu.memory_space<vmem>>) target_semaphore(%run_scoped3A : memref<!tpu.dma_semaphore, #tpu.memory_space<semaphore_mem>>)
      %dma_wait3A_89 = arith.constant 0 : i32
      %dma_wait3A_90 = tpu.memref_slice %arg6[%add3A_84, %dma_wait3A_89] : memref<10240x128xf32, #tpu.memory_space<vmem_shared>> -> memref<128x128xf32, #tpu.memory_space<vmem_shared>>
      %dma_wait3A_91 = arith.constant 0 : i32
      %dma_wait3A_92 = tpu.memref_slice %arg6[%add3A_84, %dma_wait3A_91] : memref<10240x128xf32, #tpu.memory_space<vmem_shared>> -> memref<128x128xf32, #tpu.memory_space<vmem_shared>>
      tpu.wait_dma2 semaphore(%run_scoped3A : memref<!tpu.dma_semaphore, #tpu.memory_space<semaphore_mem>>) src(%dma_wait3A_92 : memref<128x128xf32, #tpu.memory_space<vmem_shared>>) dst(%arg7 : memref<128x128xf32, #tpu.memory_space<vmem>>)
      tpu.yield
    }) : () -> ()
    "tpu.region"() ({
      %run_scoped3A = tpu.sem_alloc : memref<!tpu.dma_semaphore, #tpu.memory_space<semaphore_mem>>
      %dma_start3A_85 = arith.constant 0 : i32
      %dma_start3A_86 = tpu.memref_slice %arg5[%arg0, %add3A_84, %dma_start3A_85] : memref<2x10240x128xf32, #tpu.memory_space<hbm>> -> memref<1x128x128xf32, #tpu.memory_space<hbm>>
      %dma_start3A_87 = tpu.memref_squeeze %dma_start3A_86 : memref<1x128x128xf32, #tpu.memory_space<hbm>> -> memref<128x128xf32, #tpu.memory_space<hbm>>
      %dma_start3A_88 = arith.constant 0 : i32
      %dma_start3A_89 = tpu.memref_slice %arg5[%arg0, %add3A_84, %dma_start3A_88] : memref<2x10240x128xf32, #tpu.memory_space<hbm>> -> memref<1x128x128xf32, #tpu.memory_space<hbm>>
      %dma_start3A_90 = tpu.memref_squeeze %dma_start3A_89 : memref<1x128x128xf32, #tpu.memory_space<hbm>> -> memref<128x128xf32, #tpu.memory_space<hbm>>
      tpu.enqueue_dma source(%arg7 : memref<128x128xf32, #tpu.memory_space<vmem>>) target(%dma_start3A_90 : memref<128x128xf32, #tpu.memory_space<hbm>>) target_semaphore(%run_scoped3A : memref<!tpu.dma_semaphore, #tpu.memory_space<semaphore_mem>>)
      %dma_wait3A_91 = arith.constant 0 : i32
      %dma_wait3A_92 = tpu.memref_slice %arg5[%arg0, %add3A_84, %dma_wait3A_91] : memref<2x10240x128xf32, #tpu.memory_space<hbm>> -> memref<1x128x128xf32, #tpu.memory_space<hbm>>
      %dma_wait3A_93 = tpu.memref_squeeze %dma_wait3A_92 : memref<1x128x128xf32, #tpu.memory_space<hbm>> -> memref<128x128xf32, #tpu.memory_space<hbm>>
      %dma_wait3A_94 = arith.constant 0 : i32
      %dma_wait3A_95 = tpu.memref_slice %arg5[%arg0, %add3A_84, %dma_wait3A_94] : memref<2x10240x128xf32, #tpu.memory_space<hbm>> -> memref<1x128x128xf32, #tpu.memory_space<hbm>>
      %dma_wait3A_96 = tpu.memref_squeeze %dma_wait3A_95 : memref<1x128x128xf32, #tpu.memory_space<hbm>> -> memref<128x128xf32, #tpu.memory_space<hbm>>
      tpu.wait_dma2 semaphore(%run_scoped3A : memref<!tpu.dma_semaphore, #tpu.memory_space<semaphore_mem>>) src(%arg7 : memref<128x128xf32, #tpu.memory_space<vmem>>) dst(%dma_wait3A_96 : memref<128x128xf32, #tpu.memory_space<hbm>>)
      tpu.yield
    }) : () -> ()
    return
  }
}

#map = affine_map<(d0, d1) -> (0)>
#map1 = affine_map<(d0, d1) -> (0, 0)>
#map2 = affine_map<(d0, d1) -> (0, 0, 0)>
module attributes {stable_mosaic.version = 14 : i64} {
  func.func @_round(%arg0: i32, %arg1: i32, %arg2: memref<327680xi32, #tpu.memory_space<hbm>>, %arg3: memref<327680xi32, #tpu.memory_space<hbm>>, %arg4: memref<10000x128xf32, #tpu.memory_space<hbm>>, %arg5: memref<2x10240x128xf32, #tpu.memory_space<hbm>>, %arg6: memref<10240x128xf32, #tpu.memory_space<vmem_shared>>, %arg7: memref<128x128xf32, #tpu.memory_space<vmem>>, %arg8: memref<128x128xf32, #tpu.memory_space<vmem>>, %arg9: memref<128xi32, #tpu.memory_space<vmem>>, %arg10: memref<128xi32, #tpu.memory_space<vmem>>, %arg11: memref<128xi32, #tpu.memory_space<vmem>>, %arg12: memref<128xi32, #tpu.memory_space<vmem>>, %arg13: memref<!tpu.dma_semaphore, #tpu.memory_space<semaphore_mem>>, %arg14: memref<!tpu.dma_semaphore, #tpu.memory_space<semaphore_mem>>, %arg15: memref<!tpu.dma_semaphore, #tpu.memory_space<semaphore_mem>>, %arg16: memref<!tpu.dma_semaphore, #tpu.memory_space<semaphore_mem>>) attributes {dimension_semantics = [#tpu.dimension_semantics<core_parallel>, #tpu.dimension_semantics<subcore_parallel>], iteration_bounds = array<i64: 2, 16>, scalar_prefetch = 0 : i64, scratch_operands = 11 : i64, tpu.core_type = #tpu.core_type<sc_vector_subcore>, window_params = [{transform_indices = #map}, {transform_indices = #map}, {transform_indices = #map1}, {transform_indices = #map2}]} {
    %mul3A = arith.constant 16 : i32
    %mul3A_0 = arith.muli %arg0, %mul3A : i32
    %add3A = arith.addi %mul3A_0, %arg1 : i32
    %scan3A = arith.constant 0 : i32
    %scan3A_1 = arith.constant 0 : i32
    %scan3A_2 = arith.constant 128 : i32
    %scan3A_3 = arith.addi %scan3A_1, %scan3A_2 : i32
    %scan3A_4 = arith.constant 1 : i32
    scf.for %scan3A_85 = %scan3A_1 to %scan3A_3 step %scan3A_4  : i32 {
      %broadcast_in_dim3A = arith.constant 0.000000e+00 : f32
      %broadcast_in_dim3A_86 = vector.broadcast %broadcast_in_dim3A : f32 to vector<16xf32>
      %swap3A = arith.index_cast %scan3A_85 : i32 to index
      %swap3A_87 = arith.constant 0 : index
      %swap3A_88 = tpu.vector_load %arg7[%swap3A, %swap3A_87] {strides = array<i32>} : memref<128x128xf32, #tpu.memory_space<vmem>>, vector<1x16xf32>,
      %swap3A_89 = vector.shape_cast %swap3A_88 : vector<1x16xf32> to vector<16xf32>
      %swap3A_90 = vector.shape_cast %broadcast_in_dim3A_86 : vector<16xf32> to vector<1x16xf32>
      tpu.vector_store %arg7[%swap3A, %swap3A_87], %swap3A_90 {strides = array<i32>} : memref<128x128xf32, #tpu.memory_space<vmem>>, vector<1x16xf32>,
      %broadcast_in_dim3A_91 = arith.constant 0.000000e+00 : f32
      %broadcast_in_dim3A_92 = vector.broadcast %broadcast_in_dim3A_91 : f32 to vector<16xf32>
      %swap3A_93 = arith.index_cast %scan3A_85 : i32 to index
      %swap3A_94 = arith.constant 16 : index
      %swap3A_95 = tpu.vector_load %arg7[%swap3A_93, %swap3A_94] {strides = array<i32>} : memref<128x128xf32, #tpu.memory_space<vmem>>, vector<1x16xf32>,
      %swap3A_96 = vector.shape_cast %swap3A_95 : vector<1x16xf32> to vector<16xf32>
      %swap3A_97 = vector.shape_cast %broadcast_in_dim3A_92 : vector<16xf32> to vector<1x16xf32>
      tpu.vector_store %arg7[%swap3A_93, %swap3A_94], %swap3A_97 {strides = array<i32>} : memref<128x128xf32, #tpu.memory_space<vmem>>, vector<1x16xf32>,
      %broadcast_in_dim3A_98 = arith.constant 0.000000e+00 : f32
      %broadcast_in_dim3A_99 = vector.broadcast %broadcast_in_dim3A_98 : f32 to vector<16xf32>
      %swap3A_100 = arith.index_cast %scan3A_85 : i32 to index
      %swap3A_101 = arith.constant 32 : index
      %swap3A_102 = tpu.vector_load %arg7[%swap3A_100, %swap3A_101] {strides = array<i32>} : memref<128x128xf32, #tpu.memory_space<vmem>>, vector<1x16xf32>,
      %swap3A_103 = vector.shape_cast %swap3A_102 : vector<1x16xf32> to vector<16xf32>
      %swap3A_104 = vector.shape_cast %broadcast_in_dim3A_99 : vector<16xf32> to vector<1x16xf32>
      tpu.vector_store %arg7[%swap3A_100, %swap3A_101], %swap3A_104 {strides = array<i32>} : memref<128x128xf32, #tpu.memory_space<vmem>>, vector<1x16xf32>,
      %broadcast_in_dim3A_105 = arith.constant 0.000000e+00 : f32
      %broadcast_in_dim3A_106 = vector.broadcast %broadcast_in_dim3A_105 : f32 to vector<16xf32>
      %swap3A_107 = arith.index_cast %scan3A_85 : i32 to index
      %swap3A_108 = arith.constant 48 : index
      %swap3A_109 = tpu.vector_load %arg7[%swap3A_107, %swap3A_108] {strides = array<i32>} : memref<128x128xf32, #tpu.memory_space<vmem>>, vector<1x16xf32>,
      %swap3A_110 = vector.shape_cast %swap3A_109 : vector<1x16xf32> to vector<16xf32>
      %swap3A_111 = vector.shape_cast %broadcast_in_dim3A_106 : vector<16xf32> to vector<1x16xf32>
      tpu.vector_store %arg7[%swap3A_107, %swap3A_108], %swap3A_111 {strides = array<i32>} : memref<128x128xf32, #tpu.memory_space<vmem>>, vector<1x16xf32>,
      %broadcast_in_dim3A_112 = arith.constant 0.000000e+00 : f32
      %broadcast_in_dim3A_113 = vector.broadcast %broadcast_in_dim3A_112 : f32 to vector<16xf32>
      %swap3A_114 = arith.index_cast %scan3A_85 : i32 to index
      %swap3A_115 = arith.constant 64 : index
      %swap3A_116 = tpu.vector_load %arg7[%swap3A_114, %swap3A_115] {strides = array<i32>} : memref<128x128xf32, #tpu.memory_space<vmem>>, vector<1x16xf32>,
      %swap3A_117 = vector.shape_cast %swap3A_116 : vector<1x16xf32> to vector<16xf32>
      %swap3A_118 = vector.shape_cast %broadcast_in_dim3A_113 : vector<16xf32> to vector<1x16xf32>
      tpu.vector_store %arg7[%swap3A_114, %swap3A_115], %swap3A_118 {strides = array<i32>} : memref<128x128xf32, #tpu.memory_space<vmem>>, vector<1x16xf32>,
      %broadcast_in_dim3A_119 = arith.constant 0.000000e+00 : f32
      %broadcast_in_dim3A_120 = vector.broadcast %broadcast_in_dim3A_119 : f32 to vector<16xf32>
      %swap3A_121 = arith.index_cast %scan3A_85 : i32 to index
      %swap3A_122 = arith.constant 80 : index
      %swap3A_123 = tpu.vector_load %arg7[%swap3A_121, %swap3A_122] {strides = array<i32>} : memref<128x128xf32, #tpu.memory_space<vmem>>, vector<1x16xf32>,
      %swap3A_124 = vector.shape_cast %swap3A_123 : vector<1x16xf32> to vector<16xf32>
      %swap3A_125 = vector.shape_cast %broadcast_in_dim3A_120 : vector<16xf32> to vector<1x16xf32>
      tpu.vector_store %arg7[%swap3A_121, %swap3A_122], %swap3A_125 {strides = array<i32>} : memref<128x128xf32, #tpu.memory_space<vmem>>, vector<1x16xf32>,
      %broadcast_in_dim3A_126 = arith.constant 0.000000e+00 : f32
      %broadcast_in_dim3A_127 = vector.broadcast %broadcast_in_dim3A_126 : f32 to vector<16xf32>
      %swap3A_128 = arith.index_cast %scan3A_85 : i32 to index
      %swap3A_129 = arith.constant 96 : index
      %swap3A_130 = tpu.vector_load %arg7[%swap3A_128, %swap3A_129] {strides = array<i32>} : memref<128x128xf32, #tpu.memory_space<vmem>>, vector<1x16xf32>,
      %swap3A_131 = vector.shape_cast %swap3A_130 : vector<1x16xf32> to vector<16xf32>
      %swap3A_132 = vector.shape_cast %broadcast_in_dim3A_127 : vector<16xf32> to vector<1x16xf32>
      tpu.vector_store %arg7[%swap3A_128, %swap3A_129], %swap3A_132 {strides = array<i32>} : memref<128x128xf32, #tpu.memory_space<vmem>>, vector<1x16xf32>,
      %broadcast_in_dim3A_133 = arith.constant 0.000000e+00 : f32
      %broadcast_in_dim3A_134 = vector.broadcast %broadcast_in_dim3A_133 : f32 to vector<16xf32>
      %swap3A_135 = arith.index_cast %scan3A_85 : i32 to index
      %swap3A_136 = arith.constant 112 : index
      %swap3A_137 = tpu.vector_load %arg7[%swap3A_135, %swap3A_136] {strides = array<i32>} : memref<128x128xf32, #tpu.memory_space<vmem>>, vector<1x16xf32>,
      %swap3A_138 = vector.shape_cast %swap3A_137 : vector<1x16xf32> to vector<16xf32>
      %swap3A_139 = vector.shape_cast %broadcast_in_dim3A_134 : vector<16xf32> to vector<1x16xf32>
      tpu.vector_store %arg7[%swap3A_135, %swap3A_136], %swap3A_139 {strides = array<i32>} : memref<128x128xf32, #tpu.memory_space<vmem>>, vector<1x16xf32>,
    }
    %scan3A_5 = arith.constant 128 : i32
    %mul3A_6 = arith.constant 640 : i32
    %mul3A_7 = arith.muli %arg1, %mul3A_6 : i32
    %add3A_8 = arith.constant 0 : i32
    %add3A_9 = arith.addi %mul3A_7, %add3A_8 : i32
    "tpu.region"() ({
      %run_scoped3A = tpu.sem_alloc : memref<!tpu.dma_semaphore, #tpu.memory_space<semaphore_mem>>
      %dma_start3A_85 = arith.constant 0 : i32
      %dma_start3A_86 = tpu.memref_slice %arg6[%add3A_9, %dma_start3A_85] : memref<10240x128xf32, #tpu.memory_space<vmem_shared>> -> memref<128x128xf32, #tpu.memory_space<vmem_shared>>
      %dma_start3A_87 = arith.constant 0 : i32
      %dma_start3A_88 = tpu.memref_slice %arg6[%add3A_9, %dma_start3A_87] : memref<10240x128xf32, #tpu.memory_space<vmem_shared>> -> memref<128x128xf32, #tpu.memory_space<vmem_shared>>
      tpu.enqueue_dma source(%arg7 : memref<128x128xf32, #tpu.memory_space<vmem>>) target(%dma_start3A_88 : memref<128x128xf32, #tpu.memory_space<vmem_shared>>) target_semaphore(%run_scoped3A : memref<!tpu.dma_semaphore, #tpu.memory_space<semaphore_mem>>)
      %dma_wait3A_89 = arith.constant 0 : i32
      %dma_wait3A_90 = tpu.memref_slice %arg6[%add3A_9, %dma_wait3A_89] : memref<10240x128xf32, #tpu.memory_space<vmem_shared>> -> memref<128x128xf32, #tpu.memory_space<vmem_shared>>
      %dma_wait3A_91 = arith.constant 0 : i32
      %dma_wait3A_92 = tpu.memref_slice %arg6[%add3A_9, %dma_wait3A_91] : memref<10240x128xf32, #tpu.memory_space<vmem_shared>> -> memref<128x128xf32, #tpu.memory_space<vmem_shared>>
      tpu.wait_dma2 semaphore(%run_scoped3A : memref<!tpu.dma_semaphore, #tpu.memory_space<semaphore_mem>>) src(%arg7 : memref<128x128xf32, #tpu.memory_space<vmem>>) dst(%dma_wait3A_92 : memref<128x128xf32, #tpu.memory_space<vmem_shared>>)
      tpu.yield
    }) : () -> ()
    %mul3A_10 = arith.constant 640 : i32
    %mul3A_11 = arith.muli %arg1, %mul3A_10 : i32
    %add3A_12 = arith.constant 128 : i32
    %add3A_13 = arith.addi %mul3A_11, %add3A_12 : i32
    "tpu.region"() ({
      %run_scoped3A = tpu.sem_alloc : memref<!tpu.dma_semaphore, #tpu.memory_space<semaphore_mem>>
      %dma_start3A_85 = arith.constant 0 : i32
      %dma_start3A_86 = tpu.memref_slice %arg6[%add3A_13, %dma_start3A_85] : memref<10240x128xf32, #tpu.memory_space<vmem_shared>> -> memref<128x128xf32, #tpu.memory_space<vmem_shared>>
      %dma_start3A_87 = arith.constant 0 : i32
      %dma_start3A_88 = tpu.memref_slice %arg6[%add3A_13, %dma_start3A_87] : memref<10240x128xf32, #tpu.memory_space<vmem_shared>> -> memref<128x128xf32, #tpu.memory_space<vmem_shared>>
      tpu.enqueue_dma source(%arg7 : memref<128x128xf32, #tpu.memory_space<vmem>>) target(%dma_start3A_88 : memref<128x128xf32, #tpu.memory_space<vmem_shared>>) target_semaphore(%run_scoped3A : memref<!tpu.dma_semaphore, #tpu.memory_space<semaphore_mem>>)
      %dma_wait3A_89 = arith.constant 0 : i32
      %dma_wait3A_90 = tpu.memref_slice %arg6[%add3A_13, %dma_wait3A_89] : memref<10240x128xf32, #tpu.memory_space<vmem_shared>> -> memref<128x128xf32, #tpu.memory_space<vmem_shared>>
      %dma_wait3A_91 = arith.constant 0 : i32
      %dma_wait3A_92 = tpu.memref_slice %arg6[%add3A_13, %dma_wait3A_91] : memref<10240x128xf32, #tpu.memory_space<vmem_shared>> -> memref<128x128xf32, #tpu.memory_space<vmem_shared>>
      tpu.wait_dma2 semaphore(%run_scoped3A : memref<!tpu.dma_semaphore, #tpu.memory_space<semaphore_mem>>) src(%arg7 : memref<128x128xf32, #tpu.memory_space<vmem>>) dst(%dma_wait3A_92 : memref<128x128xf32, #tpu.memory_space<vmem_shared>>)
      tpu.yield
    }) : () -> ()
    %mul3A_14 = arith.constant 640 : i32
    %mul3A_15 = arith.muli %arg1, %mul3A_14 : i32
    %add3A_16 = arith.constant 256 : i32
    %add3A_17 = arith.addi %mul3A_15, %add3A_16 : i32
    "tpu.region"() ({
      %run_scoped3A = tpu.sem_alloc : memref<!tpu.dma_semaphore, #tpu.memory_space<semaphore_mem>>
      %dma_start3A_85 = arith.constant 0 : i32
      %dma_start3A_86 = tpu.memref_slice %arg6[%add3A_17, %dma_start3A_85] : memref<10240x128xf32, #tpu.memory_space<vmem_shared>> -> memref<128x128xf32, #tpu.memory_space<vmem_shared>>
      %dma_start3A_87 = arith.constant 0 : i32
      %dma_start3A_88 = tpu.memref_slice %arg6[%add3A_17, %dma_start3A_87] : memref<10240x128xf32, #tpu.memory_space<vmem_shared>> -> memref<128x128xf32, #tpu.memory_space<vmem_shared>>
      tpu.enqueue_dma source(%arg7 : memref<128x128xf32, #tpu.memory_space<vmem>>) target(%dma_start3A_88 : memref<128x128xf32, #tpu.memory_space<vmem_shared>>) target_semaphore(%run_scoped3A : memref<!tpu.dma_semaphore, #tpu.memory_space<semaphore_mem>>)
      %dma_wait3A_89 = arith.constant 0 : i32
      %dma_wait3A_90 = tpu.memref_slice %arg6[%add3A_17, %dma_wait3A_89] : memref<10240x128xf32, #tpu.memory_space<vmem_shared>> -> memref<128x128xf32, #tpu.memory_space<vmem_shared>>
      %dma_wait3A_91 = arith.constant 0 : i32
      %dma_wait3A_92 = tpu.memref_slice %arg6[%add3A_17, %dma_wait3A_91] : memref<10240x128xf32, #tpu.memory_space<vmem_shared>> -> memref<128x128xf32, #tpu.memory_space<vmem_shared>>
      tpu.wait_dma2 semaphore(%run_scoped3A : memref<!tpu.dma_semaphore, #tpu.memory_space<semaphore_mem>>) src(%arg7 : memref<128x128xf32, #tpu.memory_space<vmem>>) dst(%dma_wait3A_92 : memref<128x128xf32, #tpu.memory_space<vmem_shared>>)
      tpu.yield
    }) : () -> ()
    %mul3A_18 = arith.constant 640 : i32
    %mul3A_19 = arith.muli %arg1, %mul3A_18 : i32
    %add3A_20 = arith.constant 384 : i32
    %add3A_21 = arith.addi %mul3A_19, %add3A_20 : i32
    "tpu.region"() ({
      %run_scoped3A = tpu.sem_alloc : memref<!tpu.dma_semaphore, #tpu.memory_space<semaphore_mem>>
      %dma_start3A_85 = arith.constant 0 : i32
      %dma_start3A_86 = tpu.memref_slice %arg6[%add3A_21, %dma_start3A_85] : memref<10240x128xf32, #tpu.memory_space<vmem_shared>> -> memref<128x128xf32, #tpu.memory_space<vmem_shared>>
      %dma_start3A_87 = arith.constant 0 : i32
      %dma_start3A_88 = tpu.memref_slice %arg6[%add3A_21, %dma_start3A_87] : memref<10240x128xf32, #tpu.memory_space<vmem_shared>> -> memref<128x128xf32, #tpu.memory_space<vmem_shared>>
      tpu.enqueue_dma source(%arg7 : memref<128x128xf32, #tpu.memory_space<vmem>>) target(%dma_start3A_88 : memref<128x128xf32, #tpu.memory_space<vmem_shared>>) target_semaphore(%run_scoped3A : memref<!tpu.dma_semaphore, #tpu.memory_space<semaphore_mem>>)
      %dma_wait3A_89 = arith.constant 0 : i32
      %dma_wait3A_90 = tpu.memref_slice %arg6[%add3A_21, %dma_wait3A_89] : memref<10240x128xf32, #tpu.memory_space<vmem_shared>> -> memref<128x128xf32, #tpu.memory_space<vmem_shared>>
      %dma_wait3A_91 = arith.constant 0 : i32
      %dma_wait3A_92 = tpu.memref_slice %arg6[%add3A_21, %dma_wait3A_91] : memref<10240x128xf32, #tpu.memory_space<vmem_shared>> -> memref<128x128xf32, #tpu.memory_space<vmem_shared>>
      tpu.wait_dma2 semaphore(%run_scoped3A : memref<!tpu.dma_semaphore, #tpu.memory_space<semaphore_mem>>) src(%arg7 : memref<128x128xf32, #tpu.memory_space<vmem>>) dst(%dma_wait3A_92 : memref<128x128xf32, #tpu.memory_space<vmem_shared>>)
      tpu.yield
    }) : () -> ()
    %mul3A_22 = arith.constant 640 : i32
    %mul3A_23 = arith.muli %arg1, %mul3A_22 : i32
    %add3A_24 = arith.constant 512 : i32
    %add3A_25 = arith.addi %mul3A_23, %add3A_24 : i32
    "tpu.region"() ({
      %run_scoped3A = tpu.sem_alloc : memref<!tpu.dma_semaphore, #tpu.memory_space<semaphore_mem>>
      %dma_start3A_85 = arith.constant 0 : i32
      %dma_start3A_86 = tpu.memref_slice %arg6[%add3A_25, %dma_start3A_85] : memref<10240x128xf32, #tpu.memory_space<vmem_shared>> -> memref<128x128xf32, #tpu.memory_space<vmem_shared>>
      %dma_start3A_87 = arith.constant 0 : i32
      %dma_start3A_88 = tpu.memref_slice %arg6[%add3A_25, %dma_start3A_87] : memref<10240x128xf32, #tpu.memory_space<vmem_shared>> -> memref<128x128xf32, #tpu.memory_space<vmem_shared>>
      tpu.enqueue_dma source(%arg7 : memref<128x128xf32, #tpu.memory_space<vmem>>) target(%dma_start3A_88 : memref<128x128xf32, #tpu.memory_space<vmem_shared>>) target_semaphore(%run_scoped3A : memref<!tpu.dma_semaphore, #tpu.memory_space<semaphore_mem>>)
      %dma_wait3A_89 = arith.constant 0 : i32
      %dma_wait3A_90 = tpu.memref_slice %arg6[%add3A_25, %dma_wait3A_89] : memref<10240x128xf32, #tpu.memory_space<vmem_shared>> -> memref<128x128xf32, #tpu.memory_space<vmem_shared>>
      %dma_wait3A_91 = arith.constant 0 : i32
      %dma_wait3A_92 = tpu.memref_slice %arg6[%add3A_25, %dma_wait3A_91] : memref<10240x128xf32, #tpu.memory_space<vmem_shared>> -> memref<128x128xf32, #tpu.memory_space<vmem_shared>>
      tpu.wait_dma2 semaphore(%run_scoped3A : memref<!tpu.dma_semaphore, #tpu.memory_space<semaphore_mem>>) src(%arg7 : memref<128x128xf32, #tpu.memory_space<vmem>>) dst(%dma_wait3A_92 : memref<128x128xf32, #tpu.memory_space<vmem_shared>>)
      tpu.yield
    }) : () -> ()
    %barrier3A = arith.constant 0 : index
    tpu.barrier barrier_id(%barrier3A)
    %mul3A_26 = arith.constant 10240 : i32
    %mul3A_27 = arith.muli %add3A, %mul3A_26 : i32
    %add3A_28 = arith.constant 0 : i32
    %add3A_29 = arith.addi %mul3A_27, %add3A_28 : i32
    "tpu.region"() ({
      %run_scoped3A = tpu.sem_alloc : memref<!tpu.dma_semaphore, #tpu.memory_space<semaphore_mem>>
      %dma_start3A_85 = tpu.memref_slice %arg2[%add3A_29] : memref<327680xi32, #tpu.memory_space<hbm>> -> memref<128xi32, #tpu.memory_space<hbm>>
      %dma_start3A_86 = tpu.memref_slice %arg2[%add3A_29] : memref<327680xi32, #tpu.memory_space<hbm>> -> memref<128xi32, #tpu.memory_space<hbm>>
      tpu.enqueue_dma source(%dma_start3A_86 : memref<128xi32, #tpu.memory_space<hbm>>) target(%arg9 : memref<128xi32, #tpu.memory_space<vmem>>) target_semaphore(%run_scoped3A : memref<!tpu.dma_semaphore, #tpu.memory_space<semaphore_mem>>)
      %dma_wait3A_87 = tpu.memref_slice %arg2[%add3A_29] : memref<327680xi32, #tpu.memory_space<hbm>> -> memref<128xi32, #tpu.memory_space<hbm>>
      %dma_wait3A_88 = tpu.memref_slice %arg2[%add3A_29] : memref<327680xi32, #tpu.memory_space<hbm>> -> memref<128xi32, #tpu.memory_space<hbm>>
      tpu.wait_dma2 semaphore(%run_scoped3A : memref<!tpu.dma_semaphore, #tpu.memory_space<semaphore_mem>>) src(%dma_wait3A_88 : memref<128xi32, #tpu.memory_space<hbm>>) dst(%arg9 : memref<128xi32, #tpu.memory_space<vmem>>)
      tpu.yield
    }) : () -> ()
    %dma_start3A = arith.constant 0 : i32
    %dma_start3A_30 = arith.constant 0 : i32
    %dma_start3A_31 = tpu.memref_slice %arg4[%dma_start3A, %dma_start3A_30] : memref<10000x128xf32, #tpu.memory_space<hbm>> -> memref<10000x128xf32, #tpu.memory_space<hbm>>
    tpu.enqueue_indirect_dma source(%dma_start3A_31 : memref<10000x128xf32, #tpu.memory_space<hbm>>) target(%arg7 : memref<128x128xf32, #tpu.memory_space<vmem>>) offsets(%arg9 : memref<128xi32, #tpu.memory_space<vmem>>) semaphore(%arg13 : memref<!tpu.dma_semaphore, #tpu.memory_space<semaphore_mem>>)
    %add3A_32 = arith.constant 0 : i32
    %add3A_33 = arith.addi %mul3A_27, %add3A_32 : i32
    "tpu.region"() ({
      %run_scoped3A = tpu.sem_alloc : memref<!tpu.dma_semaphore, #tpu.memory_space<semaphore_mem>>
      %dma_start3A_85 = tpu.memref_slice %arg3[%add3A_33] : memref<327680xi32, #tpu.memory_space<hbm>> -> memref<128xi32, #tpu.memory_space<hbm>>
      %dma_start3A_86 = tpu.memref_slice %arg3[%add3A_33] : memref<327680xi32, #tpu.memory_space<hbm>> -> memref<128xi32, #tpu.memory_space<hbm>>
      tpu.enqueue_dma source(%dma_start3A_86 : memref<128xi32, #tpu.memory_space<hbm>>) target(%arg11 : memref<128xi32, #tpu.memory_space<vmem>>) target_semaphore(%run_scoped3A : memref<!tpu.dma_semaphore, #tpu.memory_space<semaphore_mem>>)
      %dma_wait3A_87 = tpu.memref_slice %arg3[%add3A_33] : memref<327680xi32, #tpu.memory_space<hbm>> -> memref<128xi32, #tpu.memory_space<hbm>>
      %dma_wait3A_88 = tpu.memref_slice %arg3[%add3A_33] : memref<327680xi32, #tpu.memory_space<hbm>> -> memref<128xi32, #tpu.memory_space<hbm>>
      tpu.wait_dma2 semaphore(%run_scoped3A : memref<!tpu.dma_semaphore, #tpu.memory_space<semaphore_mem>>) src(%dma_wait3A_88 : memref<128xi32, #tpu.memory_space<hbm>>) dst(%arg11 : memref<128xi32, #tpu.memory_space<vmem>>)
      tpu.yield
    }) : () -> ()
    %dma_wait3A = arith.constant 0 : i32
    %dma_wait3A_34 = arith.constant 0 : i32
    %dma_wait3A_35 = tpu.memref_slice %arg4[%dma_wait3A, %dma_wait3A_34] : memref<10000x128xf32, #tpu.memory_space<hbm>> -> memref<10000x128xf32, #tpu.memory_space<hbm>>
    tpu.wait_indirect_dma semaphore(%arg13 : memref<!tpu.dma_semaphore, #tpu.memory_space<semaphore_mem>>) src(%dma_wait3A_35 : memref<10000x128xf32, #tpu.memory_space<hbm>>) dst(%arg7 : memref<128x128xf32, #tpu.memory_space<vmem>>)
    %dma_start3A_36 = arith.constant 0 : i32
    %dma_start3A_37 = arith.constant 0 : i32
    %dma_start3A_38 = tpu.memref_slice %arg6[%dma_start3A_36, %dma_start3A_37] : memref<10240x128xf32, #tpu.memory_space<vmem_shared>> -> memref<10240x128xf32, #tpu.memory_space<vmem_shared>>
    tpu.enqueue_indirect_dma source(%arg7 : memref<128x128xf32, #tpu.memory_space<vmem>>) target(%dma_start3A_38 : memref<10240x128xf32, #tpu.memory_space<vmem_shared>>) offsets(%arg11 : memref<128xi32, #tpu.memory_space<vmem>>) semaphore(%arg15 : memref<!tpu.dma_semaphore, #tpu.memory_space<semaphore_mem>>) {add = true}
    %add3A_39 = arith.constant 128 : i32
    %add3A_40 = arith.addi %mul3A_27, %add3A_39 : i32
    "tpu.region"() ({
      %run_scoped3A = tpu.sem_alloc : memref<!tpu.dma_semaphore, #tpu.memory_space<semaphore_mem>>
      %dma_start3A_85 = tpu.memref_slice %arg2[%add3A_40] : memref<327680xi32, #tpu.memory_space<hbm>> -> memref<128xi32, #tpu.memory_space<hbm>>
      %dma_start3A_86 = tpu.memref_slice %arg2[%add3A_40] : memref<327680xi32, #tpu.memory_space<hbm>> -> memref<128xi32, #tpu.memory_space<hbm>>
      tpu.enqueue_dma source(%dma_start3A_86 : memref<128xi32, #tpu.memory_space<hbm>>) target(%arg10 : memref<128xi32, #tpu.memory_space<vmem>>) target_semaphore(%run_scoped3A : memref<!tpu.dma_semaphore, #tpu.memory_space<semaphore_mem>>)
      %dma_wait3A_87 = tpu.memref_slice %arg2[%add3A_40] : memref<327680xi32, #tpu.memory_space<hbm>> -> memref<128xi32, #tpu.memory_space<hbm>>
      %dma_wait3A_88 = tpu.memref_slice %arg2[%add3A_40] : memref<327680xi32, #tpu.memory_space<hbm>> -> memref<128xi32, #tpu.memory_space<hbm>>
      tpu.wait_dma2 semaphore(%run_scoped3A : memref<!tpu.dma_semaphore, #tpu.memory_space<semaphore_mem>>) src(%dma_wait3A_88 : memref<128xi32, #tpu.memory_space<hbm>>) dst(%arg10 : memref<128xi32, #tpu.memory_space<vmem>>)
      tpu.yield
    }) : () -> ()
    %dma_start3A_41 = arith.constant 0 : i32
    %dma_start3A_42 = arith.constant 0 : i32
    %dma_start3A_43 = tpu.memref_slice %arg4[%dma_start3A_41, %dma_start3A_42] : memref<10000x128xf32, #tpu.memory_space<hbm>> -> memref<10000x128xf32, #tpu.memory_space<hbm>>
    tpu.enqueue_indirect_dma source(%dma_start3A_43 : memref<10000x128xf32, #tpu.memory_space<hbm>>) target(%arg8 : memref<128x128xf32, #tpu.memory_space<vmem>>) offsets(%arg10 : memref<128xi32, #tpu.memory_space<vmem>>) semaphore(%arg14 : memref<!tpu.dma_semaphore, #tpu.memory_space<semaphore_mem>>)
    %scan3A_44 = arith.constant 0 : i32
    %scan3A_45 = arith.constant 0 : i32
    %scan3A_46 = arith.constant 39 : i32
    %scan3A_47 = arith.addi %scan3A_45, %scan3A_46 : i32
    %scan3A_48 = arith.constant 1 : i32
    scf.for %scan3A_85 = %scan3A_45 to %scan3A_47 step %scan3A_48  : i32 {
      %mul3A_86 = arith.constant 2 : i32
      %mul3A_87 = arith.muli %mul3A_86, %scan3A_85 : i32
      %add3A_88 = arith.constant 1 : i32
      %add3A_89 = arith.addi %mul3A_87, %add3A_88 : i32
      %mul3A_90 = arith.constant 128 : i32
      %mul3A_91 = arith.muli %add3A_89, %mul3A_90 : i32
      %add3A_92 = arith.addi %mul3A_27, %mul3A_91 : i32
      "tpu.region"() ({
        %run_scoped3A = tpu.sem_alloc : memref<!tpu.dma_semaphore, #tpu.memory_space<semaphore_mem>>
        %dma_start3A_134 = tpu.memref_slice %arg3[%add3A_92] : memref<327680xi32, #tpu.memory_space<hbm>> -> memref<128xi32, #tpu.memory_space<hbm>>
        %dma_start3A_135 = tpu.memref_slice %arg3[%add3A_92] : memref<327680xi32, #tpu.memory_space<hbm>> -> memref<128xi32, #tpu.memory_space<hbm>>
        tpu.enqueue_dma source(%dma_start3A_135 : memref<128xi32, #tpu.memory_space<hbm>>) target(%arg12 : memref<128xi32, #tpu.memory_space<vmem>>) target_semaphore(%run_scoped3A : memref<!tpu.dma_semaphore, #tpu.memory_space<semaphore_mem>>)
        %dma_wait3A_136 = tpu.memref_slice %arg3[%add3A_92] : memref<327680xi32, #tpu.memory_space<hbm>> -> memref<128xi32, #tpu.memory_space<hbm>>
        %dma_wait3A_137 = tpu.memref_slice %arg3[%add3A_92] : memref<327680xi32, #tpu.memory_space<hbm>> -> memref<128xi32, #tpu.memory_space<hbm>>
        tpu.wait_dma2 semaphore(%run_scoped3A : memref<!tpu.dma_semaphore, #tpu.memory_space<semaphore_mem>>) src(%dma_wait3A_137 : memref<128xi32, #tpu.memory_space<hbm>>) dst(%arg12 : memref<128xi32, #tpu.memory_space<vmem>>)
        tpu.yield
      }) : () -> ()
      %dma_wait3A_93 = arith.constant 0 : i32
      %dma_wait3A_94 = arith.constant 0 : i32
      %dma_wait3A_95 = tpu.memref_slice %arg4[%dma_wait3A_93, %dma_wait3A_94] : memref<10000x128xf32, #tpu.memory_space<hbm>> -> memref<10000x128xf32, #tpu.memory_space<hbm>>
      tpu.wait_indirect_dma semaphore(%arg14 : memref<!tpu.dma_semaphore, #tpu.memory_space<semaphore_mem>>) src(%dma_wait3A_95 : memref<10000x128xf32, #tpu.memory_space<hbm>>) dst(%arg8 : memref<128x128xf32, #tpu.memory_space<vmem>>)
      %dma_start3A_96 = arith.constant 0 : i32
      %dma_start3A_97 = arith.constant 0 : i32
      %dma_start3A_98 = tpu.memref_slice %arg6[%dma_start3A_96, %dma_start3A_97] : memref<10240x128xf32, #tpu.memory_space<vmem_shared>> -> memref<10240x128xf32, #tpu.memory_space<vmem_shared>>
      tpu.enqueue_indirect_dma source(%arg8 : memref<128x128xf32, #tpu.memory_space<vmem>>) target(%dma_start3A_98 : memref<10240x128xf32, #tpu.memory_space<vmem_shared>>) offsets(%arg12 : memref<128xi32, #tpu.memory_space<vmem>>) semaphore(%arg16 : memref<!tpu.dma_semaphore, #tpu.memory_space<semaphore_mem>>) {add = true}
      %add3A_99 = arith.constant 1 : i32
      %add3A_100 = arith.addi %add3A_89, %add3A_99 : i32
      %mul3A_101 = arith.constant 128 : i32
      %mul3A_102 = arith.muli %add3A_100, %mul3A_101 : i32
      %add3A_103 = arith.addi %mul3A_27, %mul3A_102 : i32
      "tpu.region"() ({
        %run_scoped3A = tpu.sem_alloc : memref<!tpu.dma_semaphore, #tpu.memory_space<semaphore_mem>>
        %dma_start3A_134 = tpu.memref_slice %arg2[%add3A_103] : memref<327680xi32, #tpu.memory_space<hbm>> -> memref<128xi32, #tpu.memory_space<hbm>>
        %dma_start3A_135 = tpu.memref_slice %arg2[%add3A_103] : memref<327680xi32, #tpu.memory_space<hbm>> -> memref<128xi32, #tpu.memory_space<hbm>>
        tpu.enqueue_dma source(%dma_start3A_135 : memref<128xi32, #tpu.memory_space<hbm>>) target(%arg9 : memref<128xi32, #tpu.memory_space<vmem>>) target_semaphore(%run_scoped3A : memref<!tpu.dma_semaphore, #tpu.memory_space<semaphore_mem>>)
        %dma_wait3A_136 = tpu.memref_slice %arg2[%add3A_103] : memref<327680xi32, #tpu.memory_space<hbm>> -> memref<128xi32, #tpu.memory_space<hbm>>
        %dma_wait3A_137 = tpu.memref_slice %arg2[%add3A_103] : memref<327680xi32, #tpu.memory_space<hbm>> -> memref<128xi32, #tpu.memory_space<hbm>>
        tpu.wait_dma2 semaphore(%run_scoped3A : memref<!tpu.dma_semaphore, #tpu.memory_space<semaphore_mem>>) src(%dma_wait3A_137 : memref<128xi32, #tpu.memory_space<hbm>>) dst(%arg9 : memref<128xi32, #tpu.memory_space<vmem>>)
        tpu.yield
      }) : () -> ()
      %dma_wait3A_104 = arith.constant 0 : i32
      %dma_wait3A_105 = arith.constant 0 : i32
      %dma_wait3A_106 = tpu.memref_slice %arg6[%dma_wait3A_104, %dma_wait3A_105] : memref<10240x128xf32, #tpu.memory_space<vmem_shared>> -> memref<10240x128xf32, #tpu.memory_space<vmem_shared>>
      tpu.wait_indirect_dma semaphore(%arg15 : memref<!tpu.dma_semaphore, #tpu.memory_space<semaphore_mem>>) src(%arg7 : memref<128x128xf32, #tpu.memory_space<vmem>>) dst(%dma_wait3A_106 : memref<10240x128xf32, #tpu.memory_space<vmem_shared>>)
      %dma_start3A_107 = arith.constant 0 : i32
      %dma_start3A_108 = arith.constant 0 : i32
      %dma_start3A_109 = tpu.memref_slice %arg4[%dma_start3A_107, %dma_start3A_108] : memref<10000x128xf32, #tpu.memory_space<hbm>> -> memref<10000x128xf32, #tpu.memory_space<hbm>>
      tpu.enqueue_indirect_dma source(%dma_start3A_109 : memref<10000x128xf32, #tpu.memory_space<hbm>>) target(%arg7 : memref<128x128xf32, #tpu.memory_space<vmem>>) offsets(%arg9 : memref<128xi32, #tpu.memory_space<vmem>>) semaphore(%arg13 : memref<!tpu.dma_semaphore, #tpu.memory_space<semaphore_mem>>)
      %mul3A_110 = arith.constant 2 : i32
      %mul3A_111 = arith.muli %mul3A_110, %scan3A_85 : i32
      %add3A_112 = arith.constant 2 : i32
      %add3A_113 = arith.addi %mul3A_111, %add3A_112 : i32
      %mul3A_114 = arith.constant 128 : i32
      %mul3A_115 = arith.muli %add3A_113, %mul3A_114 : i32
      %add3A_116 = arith.addi %mul3A_27, %mul3A_115 : i32
      "tpu.region"() ({
        %run_scoped3A = tpu.sem_alloc : memref<!tpu.dma_semaphore, #tpu.memory_space<semaphore_mem>>
        %dma_start3A_134 = tpu.memref_slice %arg3[%add3A_116] : memref<327680xi32, #tpu.memory_space<hbm>> -> memref<128xi32, #tpu.memory_space<hbm>>
        %dma_start3A_135 = tpu.memref_slice %arg3[%add3A_116] : memref<327680xi32, #tpu.memory_space<hbm>> -> memref<128xi32, #tpu.memory_space<hbm>>
        tpu.enqueue_dma source(%dma_start3A_135 : memref<128xi32, #tpu.memory_space<hbm>>) target(%arg11 : memref<128xi32, #tpu.memory_space<vmem>>) target_semaphore(%run_scoped3A : memref<!tpu.dma_semaphore, #tpu.memory_space<semaphore_mem>>)
        %dma_wait3A_136 = tpu.memref_slice %arg3[%add3A_116] : memref<327680xi32, #tpu.memory_space<hbm>> -> memref<128xi32, #tpu.memory_space<hbm>>
        %dma_wait3A_137 = tpu.memref_slice %arg3[%add3A_116] : memref<327680xi32, #tpu.memory_space<hbm>> -> memref<128xi32, #tpu.memory_space<hbm>>
        tpu.wait_dma2 semaphore(%run_scoped3A : memref<!tpu.dma_semaphore, #tpu.memory_space<semaphore_mem>>) src(%dma_wait3A_137 : memref<128xi32, #tpu.memory_space<hbm>>) dst(%arg11 : memref<128xi32, #tpu.memory_space<vmem>>)
        tpu.yield
      }) : () -> ()
      %dma_wait3A_117 = arith.constant 0 : i32
      %dma_wait3A_118 = arith.constant 0 : i32
      %dma_wait3A_119 = tpu.memref_slice %arg4[%dma_wait3A_117, %dma_wait3A_118] : memref<10000x128xf32, #tpu.memory_space<hbm>> -> memref<10000x128xf32, #tpu.memory_space<hbm>>
      tpu.wait_indirect_dma semaphore(%arg13 : memref<!tpu.dma_semaphore, #tpu.memory_space<semaphore_mem>>) src(%dma_wait3A_119 : memref<10000x128xf32, #tpu.memory_space<hbm>>) dst(%arg7 : memref<128x128xf32, #tpu.memory_space<vmem>>)
      %dma_start3A_120 = arith.constant 0 : i32
      %dma_start3A_121 = arith.constant 0 : i32
      %dma_start3A_122 = tpu.memref_slice %arg6[%dma_start3A_120, %dma_start3A_121] : memref<10240x128xf32, #tpu.memory_space<vmem_shared>> -> memref<10240x128xf32, #tpu.memory_space<vmem_shared>>
      tpu.enqueue_indirect_dma source(%arg7 : memref<128x128xf32, #tpu.memory_space<vmem>>) target(%dma_start3A_122 : memref<10240x128xf32, #tpu.memory_space<vmem_shared>>) offsets(%arg11 : memref<128xi32, #tpu.memory_space<vmem>>) semaphore(%arg15 : memref<!tpu.dma_semaphore, #tpu.memory_space<semaphore_mem>>) {add = true}
      %add3A_123 = arith.constant 1 : i32
      %add3A_124 = arith.addi %add3A_113, %add3A_123 : i32
      %mul3A_125 = arith.constant 128 : i32
      %mul3A_126 = arith.muli %add3A_124, %mul3A_125 : i32
      %add3A_127 = arith.addi %mul3A_27, %mul3A_126 : i32
      "tpu.region"() ({
        %run_scoped3A = tpu.sem_alloc : memref<!tpu.dma_semaphore, #tpu.memory_space<semaphore_mem>>
        %dma_start3A_134 = tpu.memref_slice %arg2[%add3A_127] : memref<327680xi32, #tpu.memory_space<hbm>> -> memref<128xi32, #tpu.memory_space<hbm>>
        %dma_start3A_135 = tpu.memref_slice %arg2[%add3A_127] : memref<327680xi32, #tpu.memory_space<hbm>> -> memref<128xi32, #tpu.memory_space<hbm>>
        tpu.enqueue_dma source(%dma_start3A_135 : memref<128xi32, #tpu.memory_space<hbm>>) target(%arg10 : memref<128xi32, #tpu.memory_space<vmem>>) target_semaphore(%run_scoped3A : memref<!tpu.dma_semaphore, #tpu.memory_space<semaphore_mem>>)
        %dma_wait3A_136 = tpu.memref_slice %arg2[%add3A_127] : memref<327680xi32, #tpu.memory_space<hbm>> -> memref<128xi32, #tpu.memory_space<hbm>>
        %dma_wait3A_137 = tpu.memref_slice %arg2[%add3A_127] : memref<327680xi32, #tpu.memory_space<hbm>> -> memref<128xi32, #tpu.memory_space<hbm>>
        tpu.wait_dma2 semaphore(%run_scoped3A : memref<!tpu.dma_semaphore, #tpu.memory_space<semaphore_mem>>) src(%dma_wait3A_137 : memref<128xi32, #tpu.memory_space<hbm>>) dst(%arg10 : memref<128xi32, #tpu.memory_space<vmem>>)
        tpu.yield
      }) : () -> ()
      %dma_wait3A_128 = arith.constant 0 : i32
      %dma_wait3A_129 = arith.constant 0 : i32
      %dma_wait3A_130 = tpu.memref_slice %arg6[%dma_wait3A_128, %dma_wait3A_129] : memref<10240x128xf32, #tpu.memory_space<vmem_shared>> -> memref<10240x128xf32, #tpu.memory_space<vmem_shared>>
      tpu.wait_indirect_dma semaphore(%arg16 : memref<!tpu.dma_semaphore, #tpu.memory_space<semaphore_mem>>) src(%arg8 : memref<128x128xf32, #tpu.memory_space<vmem>>) dst(%dma_wait3A_130 : memref<10240x128xf32, #tpu.memory_space<vmem_shared>>)
      %dma_start3A_131 = arith.constant 0 : i32
      %dma_start3A_132 = arith.constant 0 : i32
      %dma_start3A_133 = tpu.memref_slice %arg4[%dma_start3A_131, %dma_start3A_132] : memref<10000x128xf32, #tpu.memory_space<hbm>> -> memref<10000x128xf32, #tpu.memory_space<hbm>>
      tpu.enqueue_indirect_dma source(%dma_start3A_133 : memref<10000x128xf32, #tpu.memory_space<hbm>>) target(%arg8 : memref<128x128xf32, #tpu.memory_space<vmem>>) offsets(%arg10 : memref<128xi32, #tpu.memory_space<vmem>>) semaphore(%arg14 : memref<!tpu.dma_semaphore, #tpu.memory_space<semaphore_mem>>)
    }
    %scan3A_49 = arith.constant 39 : i32
    %add3A_50 = arith.constant 10112 : i32
    %add3A_51 = arith.addi %mul3A_27, %add3A_50 : i32
    "tpu.region"() ({
      %run_scoped3A = tpu.sem_alloc : memref<!tpu.dma_semaphore, #tpu.memory_space<semaphore_mem>>
      %dma_start3A_85 = tpu.memref_slice %arg3[%add3A_51] : memref<327680xi32, #tpu.memory_space<hbm>> -> memref<128xi32, #tpu.memory_space<hbm>>
      %dma_start3A_86 = tpu.memref_slice %arg3[%add3A_51] : memref<327680xi32, #tpu.memory_space<hbm>> -> memref<128xi32, #tpu.memory_space<hbm>>
      tpu.enqueue_dma source(%dma_start3A_86 : memref<128xi32, #tpu.memory_space<hbm>>) target(%arg12 : memref<128xi32, #tpu.memory_space<vmem>>) target_semaphore(%run_scoped3A : memref<!tpu.dma_semaphore, #tpu.memory_space<semaphore_mem>>)
      %dma_wait3A_87 = tpu.memref_slice %arg3[%add3A_51] : memref<327680xi32, #tpu.memory_space<hbm>> -> memref<128xi32, #tpu.memory_space<hbm>>
      %dma_wait3A_88 = tpu.memref_slice %arg3[%add3A_51] : memref<327680xi32, #tpu.memory_space<hbm>> -> memref<128xi32, #tpu.memory_space<hbm>>
      tpu.wait_dma2 semaphore(%run_scoped3A : memref<!tpu.dma_semaphore, #tpu.memory_space<semaphore_mem>>) src(%dma_wait3A_88 : memref<128xi32, #tpu.memory_space<hbm>>) dst(%arg12 : memref<128xi32, #tpu.memory_space<vmem>>)
      tpu.yield
    }) : () -> ()
    %dma_wait3A_52 = arith.constant 0 : i32
    %dma_wait3A_53 = arith.constant 0 : i32
    %dma_wait3A_54 = tpu.memref_slice %arg4[%dma_wait3A_52, %dma_wait3A_53] : memref<10000x128xf32, #tpu.memory_space<hbm>> -> memref<10000x128xf32, #tpu.memory_space<hbm>>
    tpu.wait_indirect_dma semaphore(%arg14 : memref<!tpu.dma_semaphore, #tpu.memory_space<semaphore_mem>>) src(%dma_wait3A_54 : memref<10000x128xf32, #tpu.memory_space<hbm>>) dst(%arg8 : memref<128x128xf32, #tpu.memory_space<vmem>>)
    %dma_start3A_55 = arith.constant 0 : i32
    %dma_start3A_56 = arith.constant 0 : i32
    %dma_start3A_57 = tpu.memref_slice %arg6[%dma_start3A_55, %dma_start3A_56] : memref<10240x128xf32, #tpu.memory_space<vmem_shared>> -> memref<10240x128xf32, #tpu.memory_space<vmem_shared>>
    tpu.enqueue_indirect_dma source(%arg8 : memref<128x128xf32, #tpu.memory_space<vmem>>) target(%dma_start3A_57 : memref<10240x128xf32, #tpu.memory_space<vmem_shared>>) offsets(%arg12 : memref<128xi32, #tpu.memory_space<vmem>>) semaphore(%arg16 : memref<!tpu.dma_semaphore, #tpu.memory_space<semaphore_mem>>) {add = true}
    %dma_wait3A_58 = arith.constant 0 : i32
    %dma_wait3A_59 = arith.constant 0 : i32
    %dma_wait3A_60 = tpu.memref_slice %arg6[%dma_wait3A_58, %dma_wait3A_59] : memref<10240x128xf32, #tpu.memory_space<vmem_shared>> -> memref<10240x128xf32, #tpu.memory_space<vmem_shared>>
    tpu.wait_indirect_dma semaphore(%arg15 : memref<!tpu.dma_semaphore, #tpu.memory_space<semaphore_mem>>) src(%arg7 : memref<128x128xf32, #tpu.memory_space<vmem>>) dst(%dma_wait3A_60 : memref<10240x128xf32, #tpu.memory_space<vmem_shared>>)
    %dma_wait3A_61 = arith.constant 0 : i32
    %dma_wait3A_62 = arith.constant 0 : i32
    %dma_wait3A_63 = tpu.memref_slice %arg6[%dma_wait3A_61, %dma_wait3A_62] : memref<10240x128xf32, #tpu.memory_space<vmem_shared>> -> memref<10240x128xf32, #tpu.memory_space<vmem_shared>>
    tpu.wait_indirect_dma semaphore(%arg16 : memref<!tpu.dma_semaphore, #tpu.memory_space<semaphore_mem>>) src(%arg8 : memref<128x128xf32, #tpu.memory_space<vmem>>) dst(%dma_wait3A_63 : memref<10240x128xf32, #tpu.memory_space<vmem_shared>>)
    %barrier3A_64 = arith.constant 0 : index
    tpu.barrier barrier_id(%barrier3A_64)
    %mul3A_65 = arith.constant 640 : i32
    %mul3A_66 = arith.muli %arg1, %mul3A_65 : i32
    %add3A_67 = arith.constant 0 : i32
    %add3A_68 = arith.addi %mul3A_66, %add3A_67 : i32
    "tpu.region"() ({
      %run_scoped3A = tpu.sem_alloc : memref<!tpu.dma_semaphore, #tpu.memory_space<semaphore_mem>>
      %dma_start3A_85 = arith.constant 0 : i32
      %dma_start3A_86 = tpu.memref_slice %arg6[%add3A_68, %dma_start3A_85] : memref<10240x128xf32, #tpu.memory_space<vmem_shared>> -> memref<128x128xf32, #tpu.memory_space<vmem_shared>>
      %dma_start3A_87 = arith.constant 0 : i32
      %dma_start3A_88 = tpu.memref_slice %arg6[%add3A_68, %dma_start3A_87] : memref<10240x128xf32, #tpu.memory_space<vmem_shared>> -> memref<128x128xf32, #tpu.memory_space<vmem_shared>>
      tpu.enqueue_dma source(%dma_start3A_88 : memref<128x128xf32, #tpu.memory_space<vmem_shared>>) target(%arg7 : memref<128x128xf32, #tpu.memory_space<vmem>>) target_semaphore(%run_scoped3A : memref<!tpu.dma_semaphore, #tpu.memory_space<semaphore_mem>>)
      %dma_wait3A_89 = arith.constant 0 : i32
      %dma_wait3A_90 = tpu.memref_slice %arg6[%add3A_68, %dma_wait3A_89] : memref<10240x128xf32, #tpu.memory_space<vmem_shared>> -> memref<128x128xf32, #tpu.memory_space<vmem_shared>>
      %dma_wait3A_91 = arith.constant 0 : i32
      %dma_wait3A_92 = tpu.memref_slice %arg6[%add3A_68, %dma_wait3A_91] : memref<10240x128xf32, #tpu.memory_space<vmem_shared>> -> memref<128x128xf32, #tpu.memory_space<vmem_shared>>
      tpu.wait_dma2 semaphore(%run_scoped3A : memref<!tpu.dma_semaphore, #tpu.memory_space<semaphore_mem>>) src(%dma_wait3A_92 : memref<128x128xf32, #tpu.memory_space<vmem_shared>>) dst(%arg7 : memref<128x128xf32, #tpu.memory_space<vmem>>)
      tpu.yield
    }) : () -> ()
    "tpu.region"() ({
      %run_scoped3A = tpu.sem_alloc : memref<!tpu.dma_semaphore, #tpu.memory_space<semaphore_mem>>
      %dma_start3A_85 = arith.constant 0 : i32
      %dma_start3A_86 = tpu.memref_slice %arg5[%arg0, %add3A_68, %dma_start3A_85] : memref<2x10240x128xf32, #tpu.memory_space<hbm>> -> memref<1x128x128xf32, #tpu.memory_space<hbm>>
      %dma_start3A_87 = tpu.memref_squeeze %dma_start3A_86 : memref<1x128x128xf32, #tpu.memory_space<hbm>> -> memref<128x128xf32, #tpu.memory_space<hbm>>
      %dma_start3A_88 = arith.constant 0 : i32
      %dma_start3A_89 = tpu.memref_slice %arg5[%arg0, %add3A_68, %dma_start3A_88] : memref<2x10240x128xf32, #tpu.memory_space<hbm>> -> memref<1x128x128xf32, #tpu.memory_space<hbm>>
      %dma_start3A_90 = tpu.memref_squeeze %dma_start3A_89 : memref<1x128x128xf32, #tpu.memory_space<hbm>> -> memref<128x128xf32, #tpu.memory_space<hbm>>
      tpu.enqueue_dma source(%arg7 : memref<128x128xf32, #tpu.memory_space<vmem>>) target(%dma_start3A_90 : memref<128x128xf32, #tpu.memory_space<hbm>>) target_semaphore(%run_scoped3A : memref<!tpu.dma_semaphore, #tpu.memory_space<semaphore_mem>>)
      %dma_wait3A_91 = arith.constant 0 : i32
      %dma_wait3A_92 = tpu.memref_slice %arg5[%arg0, %add3A_68, %dma_wait3A_91] : memref<2x10240x128xf32, #tpu.memory_space<hbm>> -> memref<1x128x128xf32, #tpu.memory_space<hbm>>
      %dma_wait3A_93 = tpu.memref_squeeze %dma_wait3A_92 : memref<1x128x128xf32, #tpu.memory_space<hbm>> -> memref<128x128xf32, #tpu.memory_space<hbm>>
      %dma_wait3A_94 = arith.constant 0 : i32
      %dma_wait3A_95 = tpu.memref_slice %arg5[%arg0, %add3A_68, %dma_wait3A_94] : memref<2x10240x128xf32, #tpu.memory_space<hbm>> -> memref<1x128x128xf32, #tpu.memory_space<hbm>>
      %dma_wait3A_96 = tpu.memref_squeeze %dma_wait3A_95 : memref<1x128x128xf32, #tpu.memory_space<hbm>> -> memref<128x128xf32, #tpu.memory_space<hbm>>
      tpu.wait_dma2 semaphore(%run_scoped3A : memref<!tpu.dma_semaphore, #tpu.memory_space<semaphore_mem>>) src(%arg7 : memref<128x128xf32, #tpu.memory_space<vmem>>) dst(%dma_wait3A_96 : memref<128x128xf32, #tpu.memory_space<hbm>>)
      tpu.yield
    }) : () -> ()
    %mul3A_69 = arith.constant 640 : i32
    %mul3A_70 = arith.muli %arg1, %mul3A_69 : i32
    %add3A_71 = arith.constant 128 : i32
    %add3A_72 = arith.addi %mul3A_70, %add3A_71 : i32
    "tpu.region"() ({
      %run_scoped3A = tpu.sem_alloc : memref<!tpu.dma_semaphore, #tpu.memory_space<semaphore_mem>>
      %dma_start3A_85 = arith.constant 0 : i32
      %dma_start3A_86 = tpu.memref_slice %arg6[%add3A_72, %dma_start3A_85] : memref<10240x128xf32, #tpu.memory_space<vmem_shared>> -> memref<128x128xf32, #tpu.memory_space<vmem_shared>>
      %dma_start3A_87 = arith.constant 0 : i32
      %dma_start3A_88 = tpu.memref_slice %arg6[%add3A_72, %dma_start3A_87] : memref<10240x128xf32, #tpu.memory_space<vmem_shared>> -> memref<128x128xf32, #tpu.memory_space<vmem_shared>>
      tpu.enqueue_dma source(%dma_start3A_88 : memref<128x128xf32, #tpu.memory_space<vmem_shared>>) target(%arg7 : memref<128x128xf32, #tpu.memory_space<vmem>>) target_semaphore(%run_scoped3A : memref<!tpu.dma_semaphore, #tpu.memory_space<semaphore_mem>>)
      %dma_wait3A_89 = arith.constant 0 : i32
      %dma_wait3A_90 = tpu.memref_slice %arg6[%add3A_72, %dma_wait3A_89] : memref<10240x128xf32, #tpu.memory_space<vmem_shared>> -> memref<128x128xf32, #tpu.memory_space<vmem_shared>>
      %dma_wait3A_91 = arith.constant 0 : i32
      %dma_wait3A_92 = tpu.memref_slice %arg6[%add3A_72, %dma_wait3A_91] : memref<10240x128xf32, #tpu.memory_space<vmem_shared>> -> memref<128x128xf32, #tpu.memory_space<vmem_shared>>
      tpu.wait_dma2 semaphore(%run_scoped3A : memref<!tpu.dma_semaphore, #tpu.memory_space<semaphore_mem>>) src(%dma_wait3A_92 : memref<128x128xf32, #tpu.memory_space<vmem_shared>>) dst(%arg7 : memref<128x128xf32, #tpu.memory_space<vmem>>)
      tpu.yield
    }) : () -> ()
    "tpu.region"() ({
      %run_scoped3A = tpu.sem_alloc : memref<!tpu.dma_semaphore, #tpu.memory_space<semaphore_mem>>
      %dma_start3A_85 = arith.constant 0 : i32
      %dma_start3A_86 = tpu.memref_slice %arg5[%arg0, %add3A_72, %dma_start3A_85] : memref<2x10240x128xf32, #tpu.memory_space<hbm>> -> memref<1x128x128xf32, #tpu.memory_space<hbm>>
      %dma_start3A_87 = tpu.memref_squeeze %dma_start3A_86 : memref<1x128x128xf32, #tpu.memory_space<hbm>> -> memref<128x128xf32, #tpu.memory_space<hbm>>
      %dma_start3A_88 = arith.constant 0 : i32
      %dma_start3A_89 = tpu.memref_slice %arg5[%arg0, %add3A_72, %dma_start3A_88] : memref<2x10240x128xf32, #tpu.memory_space<hbm>> -> memref<1x128x128xf32, #tpu.memory_space<hbm>>
      %dma_start3A_90 = tpu.memref_squeeze %dma_start3A_89 : memref<1x128x128xf32, #tpu.memory_space<hbm>> -> memref<128x128xf32, #tpu.memory_space<hbm>>
      tpu.enqueue_dma source(%arg7 : memref<128x128xf32, #tpu.memory_space<vmem>>) target(%dma_start3A_90 : memref<128x128xf32, #tpu.memory_space<hbm>>) target_semaphore(%run_scoped3A : memref<!tpu.dma_semaphore, #tpu.memory_space<semaphore_mem>>)
      %dma_wait3A_91 = arith.constant 0 : i32
      %dma_wait3A_92 = tpu.memref_slice %arg5[%arg0, %add3A_72, %dma_wait3A_91] : memref<2x10240x128xf32, #tpu.memory_space<hbm>> -> memref<1x128x128xf32, #tpu.memory_space<hbm>>
      %dma_wait3A_93 = tpu.memref_squeeze %dma_wait3A_92 : memref<1x128x128xf32, #tpu.memory_space<hbm>> -> memref<128x128xf32, #tpu.memory_space<hbm>>
      %dma_wait3A_94 = arith.constant 0 : i32
      %dma_wait3A_95 = tpu.memref_slice %arg5[%arg0, %add3A_72, %dma_wait3A_94] : memref<2x10240x128xf32, #tpu.memory_space<hbm>> -> memref<1x128x128xf32, #tpu.memory_space<hbm>>
      %dma_wait3A_96 = tpu.memref_squeeze %dma_wait3A_95 : memref<1x128x128xf32, #tpu.memory_space<hbm>> -> memref<128x128xf32, #tpu.memory_space<hbm>>
      tpu.wait_dma2 semaphore(%run_scoped3A : memref<!tpu.dma_semaphore, #tpu.memory_space<semaphore_mem>>) src(%arg7 : memref<128x128xf32, #tpu.memory_space<vmem>>) dst(%dma_wait3A_96 : memref<128x128xf32, #tpu.memory_space<hbm>>)
      tpu.yield
    }) : () -> ()
    %mul3A_73 = arith.constant 640 : i32
    %mul3A_74 = arith.muli %arg1, %mul3A_73 : i32
    %add3A_75 = arith.constant 256 : i32
    %add3A_76 = arith.addi %mul3A_74, %add3A_75 : i32
    "tpu.region"() ({
      %run_scoped3A = tpu.sem_alloc : memref<!tpu.dma_semaphore, #tpu.memory_space<semaphore_mem>>
      %dma_start3A_85 = arith.constant 0 : i32
      %dma_start3A_86 = tpu.memref_slice %arg6[%add3A_76, %dma_start3A_85] : memref<10240x128xf32, #tpu.memory_space<vmem_shared>> -> memref<128x128xf32, #tpu.memory_space<vmem_shared>>
      %dma_start3A_87 = arith.constant 0 : i32
      %dma_start3A_88 = tpu.memref_slice %arg6[%add3A_76, %dma_start3A_87] : memref<10240x128xf32, #tpu.memory_space<vmem_shared>> -> memref<128x128xf32, #tpu.memory_space<vmem_shared>>
      tpu.enqueue_dma source(%dma_start3A_88 : memref<128x128xf32, #tpu.memory_space<vmem_shared>>) target(%arg7 : memref<128x128xf32, #tpu.memory_space<vmem>>) target_semaphore(%run_scoped3A : memref<!tpu.dma_semaphore, #tpu.memory_space<semaphore_mem>>)
      %dma_wait3A_89 = arith.constant 0 : i32
      %dma_wait3A_90 = tpu.memref_slice %arg6[%add3A_76, %dma_wait3A_89] : memref<10240x128xf32, #tpu.memory_space<vmem_shared>> -> memref<128x128xf32, #tpu.memory_space<vmem_shared>>
      %dma_wait3A_91 = arith.constant 0 : i32
      %dma_wait3A_92 = tpu.memref_slice %arg6[%add3A_76, %dma_wait3A_91] : memref<10240x128xf32, #tpu.memory_space<vmem_shared>> -> memref<128x128xf32, #tpu.memory_space<vmem_shared>>
      tpu.wait_dma2 semaphore(%run_scoped3A : memref<!tpu.dma_semaphore, #tpu.memory_space<semaphore_mem>>) src(%dma_wait3A_92 : memref<128x128xf32, #tpu.memory_space<vmem_shared>>) dst(%arg7 : memref<128x128xf32, #tpu.memory_space<vmem>>)
      tpu.yield
    }) : () -> ()
    "tpu.region"() ({
      %run_scoped3A = tpu.sem_alloc : memref<!tpu.dma_semaphore, #tpu.memory_space<semaphore_mem>>
      %dma_start3A_85 = arith.constant 0 : i32
      %dma_start3A_86 = tpu.memref_slice %arg5[%arg0, %add3A_76, %dma_start3A_85] : memref<2x10240x128xf32, #tpu.memory_space<hbm>> -> memref<1x128x128xf32, #tpu.memory_space<hbm>>
      %dma_start3A_87 = tpu.memref_squeeze %dma_start3A_86 : memref<1x128x128xf32, #tpu.memory_space<hbm>> -> memref<128x128xf32, #tpu.memory_space<hbm>>
      %dma_start3A_88 = arith.constant 0 : i32
      %dma_start3A_89 = tpu.memref_slice %arg5[%arg0, %add3A_76, %dma_start3A_88] : memref<2x10240x128xf32, #tpu.memory_space<hbm>> -> memref<1x128x128xf32, #tpu.memory_space<hbm>>
      %dma_start3A_90 = tpu.memref_squeeze %dma_start3A_89 : memref<1x128x128xf32, #tpu.memory_space<hbm>> -> memref<128x128xf32, #tpu.memory_space<hbm>>
      tpu.enqueue_dma source(%arg7 : memref<128x128xf32, #tpu.memory_space<vmem>>) target(%dma_start3A_90 : memref<128x128xf32, #tpu.memory_space<hbm>>) target_semaphore(%run_scoped3A : memref<!tpu.dma_semaphore, #tpu.memory_space<semaphore_mem>>)
      %dma_wait3A_91 = arith.constant 0 : i32
      %dma_wait3A_92 = tpu.memref_slice %arg5[%arg0, %add3A_76, %dma_wait3A_91] : memref<2x10240x128xf32, #tpu.memory_space<hbm>> -> memref<1x128x128xf32, #tpu.memory_space<hbm>>
      %dma_wait3A_93 = tpu.memref_squeeze %dma_wait3A_92 : memref<1x128x128xf32, #tpu.memory_space<hbm>> -> memref<128x128xf32, #tpu.memory_space<hbm>>
      %dma_wait3A_94 = arith.constant 0 : i32
      %dma_wait3A_95 = tpu.memref_slice %arg5[%arg0, %add3A_76, %dma_wait3A_94] : memref<2x10240x128xf32, #tpu.memory_space<hbm>> -> memref<1x128x128xf32, #tpu.memory_space<hbm>>
      %dma_wait3A_96 = tpu.memref_squeeze %dma_wait3A_95 : memref<1x128x128xf32, #tpu.memory_space<hbm>> -> memref<128x128xf32, #tpu.memory_space<hbm>>
      tpu.wait_dma2 semaphore(%run_scoped3A : memref<!tpu.dma_semaphore, #tpu.memory_space<semaphore_mem>>) src(%arg7 : memref<128x128xf32, #tpu.memory_space<vmem>>) dst(%dma_wait3A_96 : memref<128x128xf32, #tpu.memory_space<hbm>>)
      tpu.yield
    }) : () -> ()
    %mul3A_77 = arith.constant 640 : i32
    %mul3A_78 = arith.muli %arg1, %mul3A_77 : i32
    %add3A_79 = arith.constant 384 : i32
    %add3A_80 = arith.addi %mul3A_78, %add3A_79 : i32
    "tpu.region"() ({
      %run_scoped3A = tpu.sem_alloc : memref<!tpu.dma_semaphore, #tpu.memory_space<semaphore_mem>>
      %dma_start3A_85 = arith.constant 0 : i32
      %dma_start3A_86 = tpu.memref_slice %arg6[%add3A_80, %dma_start3A_85] : memref<10240x128xf32, #tpu.memory_space<vmem_shared>> -> memref<128x128xf32, #tpu.memory_space<vmem_shared>>
      %dma_start3A_87 = arith.constant 0 : i32
      %dma_start3A_88 = tpu.memref_slice %arg6[%add3A_80, %dma_start3A_87] : memref<10240x128xf32, #tpu.memory_space<vmem_shared>> -> memref<128x128xf32, #tpu.memory_space<vmem_shared>>
      tpu.enqueue_dma source(%dma_start3A_88 : memref<128x128xf32, #tpu.memory_space<vmem_shared>>) target(%arg7 : memref<128x128xf32, #tpu.memory_space<vmem>>) target_semaphore(%run_scoped3A : memref<!tpu.dma_semaphore, #tpu.memory_space<semaphore_mem>>)
      %dma_wait3A_89 = arith.constant 0 : i32
      %dma_wait3A_90 = tpu.memref_slice %arg6[%add3A_80, %dma_wait3A_89] : memref<10240x128xf32, #tpu.memory_space<vmem_shared>> -> memref<128x128xf32, #tpu.memory_space<vmem_shared>>
      %dma_wait3A_91 = arith.constant 0 : i32
      %dma_wait3A_92 = tpu.memref_slice %arg6[%add3A_80, %dma_wait3A_91] : memref<10240x128xf32, #tpu.memory_space<vmem_shared>> -> memref<128x128xf32, #tpu.memory_space<vmem_shared>>
      tpu.wait_dma2 semaphore(%run_scoped3A : memref<!tpu.dma_semaphore, #tpu.memory_space<semaphore_mem>>) src(%dma_wait3A_92 : memref<128x128xf32, #tpu.memory_space<vmem_shared>>) dst(%arg7 : memref<128x128xf32, #tpu.memory_space<vmem>>)
      tpu.yield
    }) : () -> ()
    "tpu.region"() ({
      %run_scoped3A = tpu.sem_alloc : memref<!tpu.dma_semaphore, #tpu.memory_space<semaphore_mem>>
      %dma_start3A_85 = arith.constant 0 : i32
      %dma_start3A_86 = tpu.memref_slice %arg5[%arg0, %add3A_80, %dma_start3A_85] : memref<2x10240x128xf32, #tpu.memory_space<hbm>> -> memref<1x128x128xf32, #tpu.memory_space<hbm>>
      %dma_start3A_87 = tpu.memref_squeeze %dma_start3A_86 : memref<1x128x128xf32, #tpu.memory_space<hbm>> -> memref<128x128xf32, #tpu.memory_space<hbm>>
      %dma_start3A_88 = arith.constant 0 : i32
      %dma_start3A_89 = tpu.memref_slice %arg5[%arg0, %add3A_80, %dma_start3A_88] : memref<2x10240x128xf32, #tpu.memory_space<hbm>> -> memref<1x128x128xf32, #tpu.memory_space<hbm>>
      %dma_start3A_90 = tpu.memref_squeeze %dma_start3A_89 : memref<1x128x128xf32, #tpu.memory_space<hbm>> -> memref<128x128xf32, #tpu.memory_space<hbm>>
      tpu.enqueue_dma source(%arg7 : memref<128x128xf32, #tpu.memory_space<vmem>>) target(%dma_start3A_90 : memref<128x128xf32, #tpu.memory_space<hbm>>) target_semaphore(%run_scoped3A : memref<!tpu.dma_semaphore, #tpu.memory_space<semaphore_mem>>)
      %dma_wait3A_91 = arith.constant 0 : i32
      %dma_wait3A_92 = tpu.memref_slice %arg5[%arg0, %add3A_80, %dma_wait3A_91] : memref<2x10240x128xf32, #tpu.memory_space<hbm>> -> memref<1x128x128xf32, #tpu.memory_space<hbm>>
      %dma_wait3A_93 = tpu.memref_squeeze %dma_wait3A_92 : memref<1x128x128xf32, #tpu.memory_space<hbm>> -> memref<128x128xf32, #tpu.memory_space<hbm>>
      %dma_wait3A_94 = arith.constant 0 : i32
      %dma_wait3A_95 = tpu.memref_slice %arg5[%arg0, %add3A_80, %dma_wait3A_94] : memref<2x10240x128xf32, #tpu.memory_space<hbm>> -> memref<1x128x128xf32, #tpu.memory_space<hbm>>
      %dma_wait3A_96 = tpu.memref_squeeze %dma_wait3A_95 : memref<1x128x128xf32, #tpu.memory_space<hbm>> -> memref<128x128xf32, #tpu.memory_space<hbm>>
      tpu.wait_dma2 semaphore(%run_scoped3A : memref<!tpu.dma_semaphore, #tpu.memory_space<semaphore_mem>>) src(%arg7 : memref<128x128xf32, #tpu.memory_space<vmem>>) dst(%dma_wait3A_96 : memref<128x128xf32, #tpu.memory_space<hbm>>)
      tpu.yield
    }) : () -> ()
    %mul3A_81 = arith.constant 640 : i32
    %mul3A_82 = arith.muli %arg1, %mul3A_81 : i32
    %add3A_83 = arith.constant 512 : i32
    %add3A_84 = arith.addi %mul3A_82, %add3A_83 : i32
    "tpu.region"() ({
      %run_scoped3A = tpu.sem_alloc : memref<!tpu.dma_semaphore, #tpu.memory_space<semaphore_mem>>
      %dma_start3A_85 = arith.constant 0 : i32
      %dma_start3A_86 = tpu.memref_slice %arg6[%add3A_84, %dma_start3A_85] : memref<10240x128xf32, #tpu.memory_space<vmem_shared>> -> memref<128x128xf32, #tpu.memory_space<vmem_shared>>
      %dma_start3A_87 = arith.constant 0 : i32
      %dma_start3A_88 = tpu.memref_slice %arg6[%add3A_84, %dma_start3A_87] : memref<10240x128xf32, #tpu.memory_space<vmem_shared>> -> memref<128x128xf32, #tpu.memory_space<vmem_shared>>
      tpu.enqueue_dma source(%dma_start3A_88 : memref<128x128xf32, #tpu.memory_space<vmem_shared>>) target(%arg7 : memref<128x128xf32, #tpu.memory_space<vmem>>) target_semaphore(%run_scoped3A : memref<!tpu.dma_semaphore, #tpu.memory_space<semaphore_mem>>)
      %dma_wait3A_89 = arith.constant 0 : i32
      %dma_wait3A_90 = tpu.memref_slice %arg6[%add3A_84, %dma_wait3A_89] : memref<10240x128xf32, #tpu.memory_space<vmem_shared>> -> memref<128x128xf32, #tpu.memory_space<vmem_shared>>
      %dma_wait3A_91 = arith.constant 0 : i32
      %dma_wait3A_92 = tpu.memref_slice %arg6[%add3A_84, %dma_wait3A_91] : memref<10240x128xf32, #tpu.memory_space<vmem_shared>> -> memref<128x128xf32, #tpu.memory_space<vmem_shared>>
      tpu.wait_dma2 semaphore(%run_scoped3A : memref<!tpu.dma_semaphore, #tpu.memory_space<semaphore_mem>>) src(%dma_wait3A_92 : memref<128x128xf32, #tpu.memory_space<vmem_shared>>) dst(%arg7 : memref<128x128xf32, #tpu.memory_space<vmem>>)
      tpu.yield
    }) : () -> ()
    "tpu.region"() ({
      %run_scoped3A = tpu.sem_alloc : memref<!tpu.dma_semaphore, #tpu.memory_space<semaphore_mem>>
      %dma_start3A_85 = arith.constant 0 : i32
      %dma_start3A_86 = tpu.memref_slice %arg5[%arg0, %add3A_84, %dma_start3A_85] : memref<2x10240x128xf32, #tpu.memory_space<hbm>> -> memref<1x128x128xf32, #tpu.memory_space<hbm>>
      %dma_start3A_87 = tpu.memref_squeeze %dma_start3A_86 : memref<1x128x128xf32, #tpu.memory_space<hbm>> -> memref<128x128xf32, #tpu.memory_space<hbm>>
      %dma_start3A_88 = arith.constant 0 : i32
      %dma_start3A_89 = tpu.memref_slice %arg5[%arg0, %add3A_84, %dma_start3A_88] : memref<2x10240x128xf32, #tpu.memory_space<hbm>> -> memref<1x128x128xf32, #tpu.memory_space<hbm>>
      %dma_start3A_90 = tpu.memref_squeeze %dma_start3A_89 : memref<1x128x128xf32, #tpu.memory_space<hbm>> -> memref<128x128xf32, #tpu.memory_space<hbm>>
      tpu.enqueue_dma source(%arg7 : memref<128x128xf32, #tpu.memory_space<vmem>>) target(%dma_start3A_90 : memref<128x128xf32, #tpu.memory_space<hbm>>) target_semaphore(%run_scoped3A : memref<!tpu.dma_semaphore, #tpu.memory_space<semaphore_mem>>)
      %dma_wait3A_91 = arith.constant 0 : i32
      %dma_wait3A_92 = tpu.memref_slice %arg5[%arg0, %add3A_84, %dma_wait3A_91] : memref<2x10240x128xf32, #tpu.memory_space<hbm>> -> memref<1x128x128xf32, #tpu.memory_space<hbm>>
      %dma_wait3A_93 = tpu.memref_squeeze %dma_wait3A_92 : memref<1x128x128xf32, #tpu.memory_space<hbm>> -> memref<128x128xf32, #tpu.memory_space<hbm>>
      %dma_wait3A_94 = arith.constant 0 : i32
      %dma_wait3A_95 = tpu.memref_slice %arg5[%arg0, %add3A_84, %dma_wait3A_94] : memref<2x10240x128xf32, #tpu.memory_space<hbm>> -> memref<1x128x128xf32, #tpu.memory_space<hbm>>
      %dma_wait3A_96 = tpu.memref_squeeze %dma_wait3A_95 : memref<1x128x128xf32, #tpu.memory_space<hbm>> -> memref<128x128xf32, #tpu.memory_space<hbm>>
      tpu.wait_dma2 semaphore(%run_scoped3A : memref<!tpu.dma_semaphore, #tpu.memory_space<semaphore_mem>>) src(%arg7 : memref<128x128xf32, #tpu.memory_space<vmem>>) dst(%dma_wait3A_96 : memref<128x128xf32, #tpu.memory_space<hbm>>)
      tpu.yield
    }) : () -> ()
    return
  }
}

#map = affine_map<(d0, d1) -> (0)>
#map1 = affine_map<(d0, d1) -> (0, 0)>
#map2 = affine_map<(d0, d1) -> (0, 0, 0)>
module attributes {stable_mosaic.version = 14 : i64} {
  func.func @_round(%arg0: i32, %arg1: i32, %arg2: memref<327680xi32, #tpu.memory_space<hbm>>, %arg3: memref<327680xi32, #tpu.memory_space<hbm>>, %arg4: memref<10000x128xf32, #tpu.memory_space<hbm>>, %arg5: memref<2x10240x128xf32, #tpu.memory_space<hbm>>, %arg6: memref<10240x128xf32, #tpu.memory_space<vmem_shared>>, %arg7: memref<128x128xf32, #tpu.memory_space<vmem>>, %arg8: memref<128x128xf32, #tpu.memory_space<vmem>>, %arg9: memref<128xi32, #tpu.memory_space<vmem>>, %arg10: memref<128xi32, #tpu.memory_space<vmem>>, %arg11: memref<128xi32, #tpu.memory_space<vmem>>, %arg12: memref<128xi32, #tpu.memory_space<vmem>>, %arg13: memref<!tpu.dma_semaphore, #tpu.memory_space<semaphore_mem>>, %arg14: memref<!tpu.dma_semaphore, #tpu.memory_space<semaphore_mem>>, %arg15: memref<!tpu.dma_semaphore, #tpu.memory_space<semaphore_mem>>, %arg16: memref<!tpu.dma_semaphore, #tpu.memory_space<semaphore_mem>>) attributes {dimension_semantics = [#tpu.dimension_semantics<core_parallel>, #tpu.dimension_semantics<subcore_parallel>], iteration_bounds = array<i64: 2, 16>, scalar_prefetch = 0 : i64, scratch_operands = 11 : i64, tpu.core_type = #tpu.core_type<sc_vector_subcore>, window_params = [{transform_indices = #map}, {transform_indices = #map}, {transform_indices = #map1}, {transform_indices = #map2}]} {
    %mul3A = arith.constant 16 : i32
    %mul3A_0 = arith.muli %arg0, %mul3A : i32
    %add3A = arith.addi %mul3A_0, %arg1 : i32
    %scan3A = arith.constant 0 : i32
    %scan3A_1 = arith.constant 0 : i32
    %scan3A_2 = arith.constant 128 : i32
    %scan3A_3 = arith.addi %scan3A_1, %scan3A_2 : i32
    %scan3A_4 = arith.constant 1 : i32
    scf.for %scan3A_85 = %scan3A_1 to %scan3A_3 step %scan3A_4  : i32 {
      %broadcast_in_dim3A = arith.constant 0.000000e+00 : f32
      %broadcast_in_dim3A_86 = vector.broadcast %broadcast_in_dim3A : f32 to vector<16xf32>
      %swap3A = arith.index_cast %scan3A_85 : i32 to index
      %swap3A_87 = arith.constant 0 : index
      %swap3A_88 = tpu.vector_load %arg7[%swap3A, %swap3A_87] {strides = array<i32>} : memref<128x128xf32, #tpu.memory_space<vmem>>, vector<1x16xf32>,
      %swap3A_89 = vector.shape_cast %swap3A_88 : vector<1x16xf32> to vector<16xf32>
      %swap3A_90 = vector.shape_cast %broadcast_in_dim3A_86 : vector<16xf32> to vector<1x16xf32>
      tpu.vector_store %arg7[%swap3A, %swap3A_87], %swap3A_90 {strides = array<i32>} : memref<128x128xf32, #tpu.memory_space<vmem>>, vector<1x16xf32>,
      %broadcast_in_dim3A_91 = arith.constant 0.000000e+00 : f32
      %broadcast_in_dim3A_92 = vector.broadcast %broadcast_in_dim3A_91 : f32 to vector<16xf32>
      %swap3A_93 = arith.index_cast %scan3A_85 : i32 to index
      %swap3A_94 = arith.constant 16 : index
      %swap3A_95 = tpu.vector_load %arg7[%swap3A_93, %swap3A_94] {strides = array<i32>} : memref<128x128xf32, #tpu.memory_space<vmem>>, vector<1x16xf32>,
      %swap3A_96 = vector.shape_cast %swap3A_95 : vector<1x16xf32> to vector<16xf32>
      %swap3A_97 = vector.shape_cast %broadcast_in_dim3A_92 : vector<16xf32> to vector<1x16xf32>
      tpu.vector_store %arg7[%swap3A_93, %swap3A_94], %swap3A_97 {strides = array<i32>} : memref<128x128xf32, #tpu.memory_space<vmem>>, vector<1x16xf32>,
      %broadcast_in_dim3A_98 = arith.constant 0.000000e+00 : f32
      %broadcast_in_dim3A_99 = vector.broadcast %broadcast_in_dim3A_98 : f32 to vector<16xf32>
      %swap3A_100 = arith.index_cast %scan3A_85 : i32 to index
      %swap3A_101 = arith.constant 32 : index
      %swap3A_102 = tpu.vector_load %arg7[%swap3A_100, %swap3A_101] {strides = array<i32>} : memref<128x128xf32, #tpu.memory_space<vmem>>, vector<1x16xf32>,
      %swap3A_103 = vector.shape_cast %swap3A_102 : vector<1x16xf32> to vector<16xf32>
      %swap3A_104 = vector.shape_cast %broadcast_in_dim3A_99 : vector<16xf32> to vector<1x16xf32>
      tpu.vector_store %arg7[%swap3A_100, %swap3A_101], %swap3A_104 {strides = array<i32>} : memref<128x128xf32, #tpu.memory_space<vmem>>, vector<1x16xf32>,
      %broadcast_in_dim3A_105 = arith.constant 0.000000e+00 : f32
      %broadcast_in_dim3A_106 = vector.broadcast %broadcast_in_dim3A_105 : f32 to vector<16xf32>
      %swap3A_107 = arith.index_cast %scan3A_85 : i32 to index
      %swap3A_108 = arith.constant 48 : index
      %swap3A_109 = tpu.vector_load %arg7[%swap3A_107, %swap3A_108] {strides = array<i32>} : memref<128x128xf32, #tpu.memory_space<vmem>>, vector<1x16xf32>,
      %swap3A_110 = vector.shape_cast %swap3A_109 : vector<1x16xf32> to vector<16xf32>
      %swap3A_111 = vector.shape_cast %broadcast_in_dim3A_106 : vector<16xf32> to vector<1x16xf32>
      tpu.vector_store %arg7[%swap3A_107, %swap3A_108], %swap3A_111 {strides = array<i32>} : memref<128x128xf32, #tpu.memory_space<vmem>>, vector<1x16xf32>,
      %broadcast_in_dim3A_112 = arith.constant 0.000000e+00 : f32
      %broadcast_in_dim3A_113 = vector.broadcast %broadcast_in_dim3A_112 : f32 to vector<16xf32>
      %swap3A_114 = arith.index_cast %scan3A_85 : i32 to index
      %swap3A_115 = arith.constant 64 : index
      %swap3A_116 = tpu.vector_load %arg7[%swap3A_114, %swap3A_115] {strides = array<i32>} : memref<128x128xf32, #tpu.memory_space<vmem>>, vector<1x16xf32>,
      %swap3A_117 = vector.shape_cast %swap3A_116 : vector<1x16xf32> to vector<16xf32>
      %swap3A_118 = vector.shape_cast %broadcast_in_dim3A_113 : vector<16xf32> to vector<1x16xf32>
      tpu.vector_store %arg7[%swap3A_114, %swap3A_115], %swap3A_118 {strides = array<i32>} : memref<128x128xf32, #tpu.memory_space<vmem>>, vector<1x16xf32>,
      %broadcast_in_dim3A_119 = arith.constant 0.000000e+00 : f32
      %broadcast_in_dim3A_120 = vector.broadcast %broadcast_in_dim3A_119 : f32 to vector<16xf32>
      %swap3A_121 = arith.index_cast %scan3A_85 : i32 to index
      %swap3A_122 = arith.constant 80 : index
      %swap3A_123 = tpu.vector_load %arg7[%swap3A_121, %swap3A_122] {strides = array<i32>} : memref<128x128xf32, #tpu.memory_space<vmem>>, vector<1x16xf32>,
      %swap3A_124 = vector.shape_cast %swap3A_123 : vector<1x16xf32> to vector<16xf32>
      %swap3A_125 = vector.shape_cast %broadcast_in_dim3A_120 : vector<16xf32> to vector<1x16xf32>
      tpu.vector_store %arg7[%swap3A_121, %swap3A_122], %swap3A_125 {strides = array<i32>} : memref<128x128xf32, #tpu.memory_space<vmem>>, vector<1x16xf32>,
      %broadcast_in_dim3A_126 = arith.constant 0.000000e+00 : f32
      %broadcast_in_dim3A_127 = vector.broadcast %broadcast_in_dim3A_126 : f32 to vector<16xf32>
      %swap3A_128 = arith.index_cast %scan3A_85 : i32 to index
      %swap3A_129 = arith.constant 96 : index
      %swap3A_130 = tpu.vector_load %arg7[%swap3A_128, %swap3A_129] {strides = array<i32>} : memref<128x128xf32, #tpu.memory_space<vmem>>, vector<1x16xf32>,
      %swap3A_131 = vector.shape_cast %swap3A_130 : vector<1x16xf32> to vector<16xf32>
      %swap3A_132 = vector.shape_cast %broadcast_in_dim3A_127 : vector<16xf32> to vector<1x16xf32>
      tpu.vector_store %arg7[%swap3A_128, %swap3A_129], %swap3A_132 {strides = array<i32>} : memref<128x128xf32, #tpu.memory_space<vmem>>, vector<1x16xf32>,
      %broadcast_in_dim3A_133 = arith.constant 0.000000e+00 : f32
      %broadcast_in_dim3A_134 = vector.broadcast %broadcast_in_dim3A_133 : f32 to vector<16xf32>
      %swap3A_135 = arith.index_cast %scan3A_85 : i32 to index
      %swap3A_136 = arith.constant 112 : index
      %swap3A_137 = tpu.vector_load %arg7[%swap3A_135, %swap3A_136] {strides = array<i32>} : memref<128x128xf32, #tpu.memory_space<vmem>>, vector<1x16xf32>,
      %swap3A_138 = vector.shape_cast %swap3A_137 : vector<1x16xf32> to vector<16xf32>
      %swap3A_139 = vector.shape_cast %broadcast_in_dim3A_134 : vector<16xf32> to vector<1x16xf32>
      tpu.vector_store %arg7[%swap3A_135, %swap3A_136], %swap3A_139 {strides = array<i32>} : memref<128x128xf32, #tpu.memory_space<vmem>>, vector<1x16xf32>,
    }
    %scan3A_5 = arith.constant 128 : i32
    %mul3A_6 = arith.constant 640 : i32
    %mul3A_7 = arith.muli %arg1, %mul3A_6 : i32
    %add3A_8 = arith.constant 0 : i32
    %add3A_9 = arith.addi %mul3A_7, %add3A_8 : i32
    "tpu.region"() ({
      %run_scoped3A = tpu.sem_alloc : memref<!tpu.dma_semaphore, #tpu.memory_space<semaphore_mem>>
      %dma_start3A_85 = arith.constant 0 : i32
      %dma_start3A_86 = tpu.memref_slice %arg6[%add3A_9, %dma_start3A_85] : memref<10240x128xf32, #tpu.memory_space<vmem_shared>> -> memref<128x128xf32, #tpu.memory_space<vmem_shared>>
      %dma_start3A_87 = arith.constant 0 : i32
      %dma_start3A_88 = tpu.memref_slice %arg6[%add3A_9, %dma_start3A_87] : memref<10240x128xf32, #tpu.memory_space<vmem_shared>> -> memref<128x128xf32, #tpu.memory_space<vmem_shared>>
      tpu.enqueue_dma source(%arg7 : memref<128x128xf32, #tpu.memory_space<vmem>>) target(%dma_start3A_88 : memref<128x128xf32, #tpu.memory_space<vmem_shared>>) target_semaphore(%run_scoped3A : memref<!tpu.dma_semaphore, #tpu.memory_space<semaphore_mem>>)
      %dma_wait3A_89 = arith.constant 0 : i32
      %dma_wait3A_90 = tpu.memref_slice %arg6[%add3A_9, %dma_wait3A_89] : memref<10240x128xf32, #tpu.memory_space<vmem_shared>> -> memref<128x128xf32, #tpu.memory_space<vmem_shared>>
      %dma_wait3A_91 = arith.constant 0 : i32
      %dma_wait3A_92 = tpu.memref_slice %arg6[%add3A_9, %dma_wait3A_91] : memref<10240x128xf32, #tpu.memory_space<vmem_shared>> -> memref<128x128xf32, #tpu.memory_space<vmem_shared>>
      tpu.wait_dma2 semaphore(%run_scoped3A : memref<!tpu.dma_semaphore, #tpu.memory_space<semaphore_mem>>) src(%arg7 : memref<128x128xf32, #tpu.memory_space<vmem>>) dst(%dma_wait3A_92 : memref<128x128xf32, #tpu.memory_space<vmem_shared>>)
      tpu.yield
    }) : () -> ()
    %mul3A_10 = arith.constant 640 : i32
    %mul3A_11 = arith.muli %arg1, %mul3A_10 : i32
    %add3A_12 = arith.constant 128 : i32
    %add3A_13 = arith.addi %mul3A_11, %add3A_12 : i32
    "tpu.region"() ({
      %run_scoped3A = tpu.sem_alloc : memref<!tpu.dma_semaphore, #tpu.memory_space<semaphore_mem>>
      %dma_start3A_85 = arith.constant 0 : i32
      %dma_start3A_86 = tpu.memref_slice %arg6[%add3A_13, %dma_start3A_85] : memref<10240x128xf32, #tpu.memory_space<vmem_shared>> -> memref<128x128xf32, #tpu.memory_space<vmem_shared>>
      %dma_start3A_87 = arith.constant 0 : i32
      %dma_start3A_88 = tpu.memref_slice %arg6[%add3A_13, %dma_start3A_87] : memref<10240x128xf32, #tpu.memory_space<vmem_shared>> -> memref<128x128xf32, #tpu.memory_space<vmem_shared>>
      tpu.enqueue_dma source(%arg7 : memref<128x128xf32, #tpu.memory_space<vmem>>) target(%dma_start3A_88 : memref<128x128xf32, #tpu.memory_space<vmem_shared>>) target_semaphore(%run_scoped3A : memref<!tpu.dma_semaphore, #tpu.memory_space<semaphore_mem>>)
      %dma_wait3A_89 = arith.constant 0 : i32
      %dma_wait3A_90 = tpu.memref_slice %arg6[%add3A_13, %dma_wait3A_89] : memref<10240x128xf32, #tpu.memory_space<vmem_shared>> -> memref<128x128xf32, #tpu.memory_space<vmem_shared>>
      %dma_wait3A_91 = arith.constant 0 : i32
      %dma_wait3A_92 = tpu.memref_slice %arg6[%add3A_13, %dma_wait3A_91] : memref<10240x128xf32, #tpu.memory_space<vmem_shared>> -> memref<128x128xf32, #tpu.memory_space<vmem_shared>>
      tpu.wait_dma2 semaphore(%run_scoped3A : memref<!tpu.dma_semaphore, #tpu.memory_space<semaphore_mem>>) src(%arg7 : memref<128x128xf32, #tpu.memory_space<vmem>>) dst(%dma_wait3A_92 : memref<128x128xf32, #tpu.memory_space<vmem_shared>>)
      tpu.yield
    }) : () -> ()
    %mul3A_14 = arith.constant 640 : i32
    %mul3A_15 = arith.muli %arg1, %mul3A_14 : i32
    %add3A_16 = arith.constant 256 : i32
    %add3A_17 = arith.addi %mul3A_15, %add3A_16 : i32
    "tpu.region"() ({
      %run_scoped3A = tpu.sem_alloc : memref<!tpu.dma_semaphore, #tpu.memory_space<semaphore_mem>>
      %dma_start3A_85 = arith.constant 0 : i32
      %dma_start3A_86 = tpu.memref_slice %arg6[%add3A_17, %dma_start3A_85] : memref<10240x128xf32, #tpu.memory_space<vmem_shared>> -> memref<128x128xf32, #tpu.memory_space<vmem_shared>>
      %dma_start3A_87 = arith.constant 0 : i32
      %dma_start3A_88 = tpu.memref_slice %arg6[%add3A_17, %dma_start3A_87] : memref<10240x128xf32, #tpu.memory_space<vmem_shared>> -> memref<128x128xf32, #tpu.memory_space<vmem_shared>>
      tpu.enqueue_dma source(%arg7 : memref<128x128xf32, #tpu.memory_space<vmem>>) target(%dma_start3A_88 : memref<128x128xf32, #tpu.memory_space<vmem_shared>>) target_semaphore(%run_scoped3A : memref<!tpu.dma_semaphore, #tpu.memory_space<semaphore_mem>>)
      %dma_wait3A_89 = arith.constant 0 : i32
      %dma_wait3A_90 = tpu.memref_slice %arg6[%add3A_17, %dma_wait3A_89] : memref<10240x128xf32, #tpu.memory_space<vmem_shared>> -> memref<128x128xf32, #tpu.memory_space<vmem_shared>>
      %dma_wait3A_91 = arith.constant 0 : i32
      %dma_wait3A_92 = tpu.memref_slice %arg6[%add3A_17, %dma_wait3A_91] : memref<10240x128xf32, #tpu.memory_space<vmem_shared>> -> memref<128x128xf32, #tpu.memory_space<vmem_shared>>
      tpu.wait_dma2 semaphore(%run_scoped3A : memref<!tpu.dma_semaphore, #tpu.memory_space<semaphore_mem>>) src(%arg7 : memref<128x128xf32, #tpu.memory_space<vmem>>) dst(%dma_wait3A_92 : memref<128x128xf32, #tpu.memory_space<vmem_shared>>)
      tpu.yield
    }) : () -> ()
    %mul3A_18 = arith.constant 640 : i32
    %mul3A_19 = arith.muli %arg1, %mul3A_18 : i32
    %add3A_20 = arith.constant 384 : i32
    %add3A_21 = arith.addi %mul3A_19, %add3A_20 : i32
    "tpu.region"() ({
      %run_scoped3A = tpu.sem_alloc : memref<!tpu.dma_semaphore, #tpu.memory_space<semaphore_mem>>
      %dma_start3A_85 = arith.constant 0 : i32
      %dma_start3A_86 = tpu.memref_slice %arg6[%add3A_21, %dma_start3A_85] : memref<10240x128xf32, #tpu.memory_space<vmem_shared>> -> memref<128x128xf32, #tpu.memory_space<vmem_shared>>
      %dma_start3A_87 = arith.constant 0 : i32
      %dma_start3A_88 = tpu.memref_slice %arg6[%add3A_21, %dma_start3A_87] : memref<10240x128xf32, #tpu.memory_space<vmem_shared>> -> memref<128x128xf32, #tpu.memory_space<vmem_shared>>
      tpu.enqueue_dma source(%arg7 : memref<128x128xf32, #tpu.memory_space<vmem>>) target(%dma_start3A_88 : memref<128x128xf32, #tpu.memory_space<vmem_shared>>) target_semaphore(%run_scoped3A : memref<!tpu.dma_semaphore, #tpu.memory_space<semaphore_mem>>)
      %dma_wait3A_89 = arith.constant 0 : i32
      %dma_wait3A_90 = tpu.memref_slice %arg6[%add3A_21, %dma_wait3A_89] : memref<10240x128xf32, #tpu.memory_space<vmem_shared>> -> memref<128x128xf32, #tpu.memory_space<vmem_shared>>
      %dma_wait3A_91 = arith.constant 0 : i32
      %dma_wait3A_92 = tpu.memref_slice %arg6[%add3A_21, %dma_wait3A_91] : memref<10240x128xf32, #tpu.memory_space<vmem_shared>> -> memref<128x128xf32, #tpu.memory_space<vmem_shared>>
      tpu.wait_dma2 semaphore(%run_scoped3A : memref<!tpu.dma_semaphore, #tpu.memory_space<semaphore_mem>>) src(%arg7 : memref<128x128xf32, #tpu.memory_space<vmem>>) dst(%dma_wait3A_92 : memref<128x128xf32, #tpu.memory_space<vmem_shared>>)
      tpu.yield
    }) : () -> ()
    %mul3A_22 = arith.constant 640 : i32
    %mul3A_23 = arith.muli %arg1, %mul3A_22 : i32
    %add3A_24 = arith.constant 512 : i32
    %add3A_25 = arith.addi %mul3A_23, %add3A_24 : i32
    "tpu.region"() ({
      %run_scoped3A = tpu.sem_alloc : memref<!tpu.dma_semaphore, #tpu.memory_space<semaphore_mem>>
      %dma_start3A_85 = arith.constant 0 : i32
      %dma_start3A_86 = tpu.memref_slice %arg6[%add3A_25, %dma_start3A_85] : memref<10240x128xf32, #tpu.memory_space<vmem_shared>> -> memref<128x128xf32, #tpu.memory_space<vmem_shared>>
      %dma_start3A_87 = arith.constant 0 : i32
      %dma_start3A_88 = tpu.memref_slice %arg6[%add3A_25, %dma_start3A_87] : memref<10240x128xf32, #tpu.memory_space<vmem_shared>> -> memref<128x128xf32, #tpu.memory_space<vmem_shared>>
      tpu.enqueue_dma source(%arg7 : memref<128x128xf32, #tpu.memory_space<vmem>>) target(%dma_start3A_88 : memref<128x128xf32, #tpu.memory_space<vmem_shared>>) target_semaphore(%run_scoped3A : memref<!tpu.dma_semaphore, #tpu.memory_space<semaphore_mem>>)
      %dma_wait3A_89 = arith.constant 0 : i32
      %dma_wait3A_90 = tpu.memref_slice %arg6[%add3A_25, %dma_wait3A_89] : memref<10240x128xf32, #tpu.memory_space<vmem_shared>> -> memref<128x128xf32, #tpu.memory_space<vmem_shared>>
      %dma_wait3A_91 = arith.constant 0 : i32
      %dma_wait3A_92 = tpu.memref_slice %arg6[%add3A_25, %dma_wait3A_91] : memref<10240x128xf32, #tpu.memory_space<vmem_shared>> -> memref<128x128xf32, #tpu.memory_space<vmem_shared>>
      tpu.wait_dma2 semaphore(%run_scoped3A : memref<!tpu.dma_semaphore, #tpu.memory_space<semaphore_mem>>) src(%arg7 : memref<128x128xf32, #tpu.memory_space<vmem>>) dst(%dma_wait3A_92 : memref<128x128xf32, #tpu.memory_space<vmem_shared>>)
      tpu.yield
    }) : () -> ()
    %barrier3A = arith.constant 0 : index
    tpu.barrier barrier_id(%barrier3A)
    %mul3A_26 = arith.constant 10240 : i32
    %mul3A_27 = arith.muli %add3A, %mul3A_26 : i32
    %add3A_28 = arith.constant 0 : i32
    %add3A_29 = arith.addi %mul3A_27, %add3A_28 : i32
    "tpu.region"() ({
      %run_scoped3A = tpu.sem_alloc : memref<!tpu.dma_semaphore, #tpu.memory_space<semaphore_mem>>
      %dma_start3A_85 = tpu.memref_slice %arg2[%add3A_29] : memref<327680xi32, #tpu.memory_space<hbm>> -> memref<128xi32, #tpu.memory_space<hbm>>
      %dma_start3A_86 = tpu.memref_slice %arg2[%add3A_29] : memref<327680xi32, #tpu.memory_space<hbm>> -> memref<128xi32, #tpu.memory_space<hbm>>
      tpu.enqueue_dma source(%dma_start3A_86 : memref<128xi32, #tpu.memory_space<hbm>>) target(%arg9 : memref<128xi32, #tpu.memory_space<vmem>>) target_semaphore(%run_scoped3A : memref<!tpu.dma_semaphore, #tpu.memory_space<semaphore_mem>>)
      %dma_wait3A_87 = tpu.memref_slice %arg2[%add3A_29] : memref<327680xi32, #tpu.memory_space<hbm>> -> memref<128xi32, #tpu.memory_space<hbm>>
      %dma_wait3A_88 = tpu.memref_slice %arg2[%add3A_29] : memref<327680xi32, #tpu.memory_space<hbm>> -> memref<128xi32, #tpu.memory_space<hbm>>
      tpu.wait_dma2 semaphore(%run_scoped3A : memref<!tpu.dma_semaphore, #tpu.memory_space<semaphore_mem>>) src(%dma_wait3A_88 : memref<128xi32, #tpu.memory_space<hbm>>) dst(%arg9 : memref<128xi32, #tpu.memory_space<vmem>>)
      tpu.yield
    }) : () -> ()
    %dma_start3A = arith.constant 0 : i32
    %dma_start3A_30 = arith.constant 0 : i32
    %dma_start3A_31 = tpu.memref_slice %arg4[%dma_start3A, %dma_start3A_30] : memref<10000x128xf32, #tpu.memory_space<hbm>> -> memref<10000x128xf32, #tpu.memory_space<hbm>>
    tpu.enqueue_indirect_dma source(%dma_start3A_31 : memref<10000x128xf32, #tpu.memory_space<hbm>>) target(%arg7 : memref<128x128xf32, #tpu.memory_space<vmem>>) offsets(%arg9 : memref<128xi32, #tpu.memory_space<vmem>>) semaphore(%arg13 : memref<!tpu.dma_semaphore, #tpu.memory_space<semaphore_mem>>)
    %add3A_32 = arith.constant 0 : i32
    %add3A_33 = arith.addi %mul3A_27, %add3A_32 : i32
    "tpu.region"() ({
      %run_scoped3A = tpu.sem_alloc : memref<!tpu.dma_semaphore, #tpu.memory_space<semaphore_mem>>
      %dma_start3A_85 = tpu.memref_slice %arg3[%add3A_33] : memref<327680xi32, #tpu.memory_space<hbm>> -> memref<128xi32, #tpu.memory_space<hbm>>
      %dma_start3A_86 = tpu.memref_slice %arg3[%add3A_33] : memref<327680xi32, #tpu.memory_space<hbm>> -> memref<128xi32, #tpu.memory_space<hbm>>
      tpu.enqueue_dma source(%dma_start3A_86 : memref<128xi32, #tpu.memory_space<hbm>>) target(%arg11 : memref<128xi32, #tpu.memory_space<vmem>>) target_semaphore(%run_scoped3A : memref<!tpu.dma_semaphore, #tpu.memory_space<semaphore_mem>>)
      %dma_wait3A_87 = tpu.memref_slice %arg3[%add3A_33] : memref<327680xi32, #tpu.memory_space<hbm>> -> memref<128xi32, #tpu.memory_space<hbm>>
      %dma_wait3A_88 = tpu.memref_slice %arg3[%add3A_33] : memref<327680xi32, #tpu.memory_space<hbm>> -> memref<128xi32, #tpu.memory_space<hbm>>
      tpu.wait_dma2 semaphore(%run_scoped3A : memref<!tpu.dma_semaphore, #tpu.memory_space<semaphore_mem>>) src(%dma_wait3A_88 : memref<128xi32, #tpu.memory_space<hbm>>) dst(%arg11 : memref<128xi32, #tpu.memory_space<vmem>>)
      tpu.yield
    }) : () -> ()
    %dma_wait3A = arith.constant 0 : i32
    %dma_wait3A_34 = arith.constant 0 : i32
    %dma_wait3A_35 = tpu.memref_slice %arg4[%dma_wait3A, %dma_wait3A_34] : memref<10000x128xf32, #tpu.memory_space<hbm>> -> memref<10000x128xf32, #tpu.memory_space<hbm>>
    tpu.wait_indirect_dma semaphore(%arg13 : memref<!tpu.dma_semaphore, #tpu.memory_space<semaphore_mem>>) src(%dma_wait3A_35 : memref<10000x128xf32, #tpu.memory_space<hbm>>) dst(%arg7 : memref<128x128xf32, #tpu.memory_space<vmem>>)
    %dma_start3A_36 = arith.constant 0 : i32
    %dma_start3A_37 = arith.constant 0 : i32
    %dma_start3A_38 = tpu.memref_slice %arg6[%dma_start3A_36, %dma_start3A_37] : memref<10240x128xf32, #tpu.memory_space<vmem_shared>> -> memref<10240x128xf32, #tpu.memory_space<vmem_shared>>
    tpu.enqueue_indirect_dma source(%arg7 : memref<128x128xf32, #tpu.memory_space<vmem>>) target(%dma_start3A_38 : memref<10240x128xf32, #tpu.memory_space<vmem_shared>>) offsets(%arg11 : memref<128xi32, #tpu.memory_space<vmem>>) semaphore(%arg15 : memref<!tpu.dma_semaphore, #tpu.memory_space<semaphore_mem>>) {add = true}
    %add3A_39 = arith.constant 128 : i32
    %add3A_40 = arith.addi %mul3A_27, %add3A_39 : i32
    "tpu.region"() ({
      %run_scoped3A = tpu.sem_alloc : memref<!tpu.dma_semaphore, #tpu.memory_space<semaphore_mem>>
      %dma_start3A_85 = tpu.memref_slice %arg2[%add3A_40] : memref<327680xi32, #tpu.memory_space<hbm>> -> memref<128xi32, #tpu.memory_space<hbm>>
      %dma_start3A_86 = tpu.memref_slice %arg2[%add3A_40] : memref<327680xi32, #tpu.memory_space<hbm>> -> memref<128xi32, #tpu.memory_space<hbm>>
      tpu.enqueue_dma source(%dma_start3A_86 : memref<128xi32, #tpu.memory_space<hbm>>) target(%arg10 : memref<128xi32, #tpu.memory_space<vmem>>) target_semaphore(%run_scoped3A : memref<!tpu.dma_semaphore, #tpu.memory_space<semaphore_mem>>)
      %dma_wait3A_87 = tpu.memref_slice %arg2[%add3A_40] : memref<327680xi32, #tpu.memory_space<hbm>> -> memref<128xi32, #tpu.memory_space<hbm>>
      %dma_wait3A_88 = tpu.memref_slice %arg2[%add3A_40] : memref<327680xi32, #tpu.memory_space<hbm>> -> memref<128xi32, #tpu.memory_space<hbm>>
      tpu.wait_dma2 semaphore(%run_scoped3A : memref<!tpu.dma_semaphore, #tpu.memory_space<semaphore_mem>>) src(%dma_wait3A_88 : memref<128xi32, #tpu.memory_space<hbm>>) dst(%arg10 : memref<128xi32, #tpu.memory_space<vmem>>)
      tpu.yield
    }) : () -> ()
    %dma_start3A_41 = arith.constant 0 : i32
    %dma_start3A_42 = arith.constant 0 : i32
    %dma_start3A_43 = tpu.memref_slice %arg4[%dma_start3A_41, %dma_start3A_42] : memref<10000x128xf32, #tpu.memory_space<hbm>> -> memref<10000x128xf32, #tpu.memory_space<hbm>>
    tpu.enqueue_indirect_dma source(%dma_start3A_43 : memref<10000x128xf32, #tpu.memory_space<hbm>>) target(%arg8 : memref<128x128xf32, #tpu.memory_space<vmem>>) offsets(%arg10 : memref<128xi32, #tpu.memory_space<vmem>>) semaphore(%arg14 : memref<!tpu.dma_semaphore, #tpu.memory_space<semaphore_mem>>)
    %scan3A_44 = arith.constant 0 : i32
    %scan3A_45 = arith.constant 0 : i32
    %scan3A_46 = arith.constant 39 : i32
    %scan3A_47 = arith.addi %scan3A_45, %scan3A_46 : i32
    %scan3A_48 = arith.constant 1 : i32
    scf.for %scan3A_85 = %scan3A_45 to %scan3A_47 step %scan3A_48  : i32 {
      %mul3A_86 = arith.constant 2 : i32
      %mul3A_87 = arith.muli %mul3A_86, %scan3A_85 : i32
      %add3A_88 = arith.constant 1 : i32
      %add3A_89 = arith.addi %mul3A_87, %add3A_88 : i32
      %mul3A_90 = arith.constant 128 : i32
      %mul3A_91 = arith.muli %add3A_89, %mul3A_90 : i32
      %add3A_92 = arith.addi %mul3A_27, %mul3A_91 : i32
      "tpu.region"() ({
        %run_scoped3A = tpu.sem_alloc : memref<!tpu.dma_semaphore, #tpu.memory_space<semaphore_mem>>
        %dma_start3A_134 = tpu.memref_slice %arg3[%add3A_92] : memref<327680xi32, #tpu.memory_space<hbm>> -> memref<128xi32, #tpu.memory_space<hbm>>
        %dma_start3A_135 = tpu.memref_slice %arg3[%add3A_92] : memref<327680xi32, #tpu.memory_space<hbm>> -> memref<128xi32, #tpu.memory_space<hbm>>
        tpu.enqueue_dma source(%dma_start3A_135 : memref<128xi32, #tpu.memory_space<hbm>>) target(%arg12 : memref<128xi32, #tpu.memory_space<vmem>>) target_semaphore(%run_scoped3A : memref<!tpu.dma_semaphore, #tpu.memory_space<semaphore_mem>>)
        %dma_wait3A_136 = tpu.memref_slice %arg3[%add3A_92] : memref<327680xi32, #tpu.memory_space<hbm>> -> memref<128xi32, #tpu.memory_space<hbm>>
        %dma_wait3A_137 = tpu.memref_slice %arg3[%add3A_92] : memref<327680xi32, #tpu.memory_space<hbm>> -> memref<128xi32, #tpu.memory_space<hbm>>
        tpu.wait_dma2 semaphore(%run_scoped3A : memref<!tpu.dma_semaphore, #tpu.memory_space<semaphore_mem>>) src(%dma_wait3A_137 : memref<128xi32, #tpu.memory_space<hbm>>) dst(%arg12 : memref<128xi32, #tpu.memory_space<vmem>>)
        tpu.yield
      }) : () -> ()
      %dma_wait3A_93 = arith.constant 0 : i32
      %dma_wait3A_94 = arith.constant 0 : i32
      %dma_wait3A_95 = tpu.memref_slice %arg4[%dma_wait3A_93, %dma_wait3A_94] : memref<10000x128xf32, #tpu.memory_space<hbm>> -> memref<10000x128xf32, #tpu.memory_space<hbm>>
      tpu.wait_indirect_dma semaphore(%arg14 : memref<!tpu.dma_semaphore, #tpu.memory_space<semaphore_mem>>) src(%dma_wait3A_95 : memref<10000x128xf32, #tpu.memory_space<hbm>>) dst(%arg8 : memref<128x128xf32, #tpu.memory_space<vmem>>)
      %dma_start3A_96 = arith.constant 0 : i32
      %dma_start3A_97 = arith.constant 0 : i32
      %dma_start3A_98 = tpu.memref_slice %arg6[%dma_start3A_96, %dma_start3A_97] : memref<10240x128xf32, #tpu.memory_space<vmem_shared>> -> memref<10240x128xf32, #tpu.memory_space<vmem_shared>>
      tpu.enqueue_indirect_dma source(%arg8 : memref<128x128xf32, #tpu.memory_space<vmem>>) target(%dma_start3A_98 : memref<10240x128xf32, #tpu.memory_space<vmem_shared>>) offsets(%arg12 : memref<128xi32, #tpu.memory_space<vmem>>) semaphore(%arg16 : memref<!tpu.dma_semaphore, #tpu.memory_space<semaphore_mem>>) {add = true}
      %add3A_99 = arith.constant 1 : i32
      %add3A_100 = arith.addi %add3A_89, %add3A_99 : i32
      %mul3A_101 = arith.constant 128 : i32
      %mul3A_102 = arith.muli %add3A_100, %mul3A_101 : i32
      %add3A_103 = arith.addi %mul3A_27, %mul3A_102 : i32
      "tpu.region"() ({
        %run_scoped3A = tpu.sem_alloc : memref<!tpu.dma_semaphore, #tpu.memory_space<semaphore_mem>>
        %dma_start3A_134 = tpu.memref_slice %arg2[%add3A_103] : memref<327680xi32, #tpu.memory_space<hbm>> -> memref<128xi32, #tpu.memory_space<hbm>>
        %dma_start3A_135 = tpu.memref_slice %arg2[%add3A_103] : memref<327680xi32, #tpu.memory_space<hbm>> -> memref<128xi32, #tpu.memory_space<hbm>>
        tpu.enqueue_dma source(%dma_start3A_135 : memref<128xi32, #tpu.memory_space<hbm>>) target(%arg9 : memref<128xi32, #tpu.memory_space<vmem>>) target_semaphore(%run_scoped3A : memref<!tpu.dma_semaphore, #tpu.memory_space<semaphore_mem>>)
        %dma_wait3A_136 = tpu.memref_slice %arg2[%add3A_103] : memref<327680xi32, #tpu.memory_space<hbm>> -> memref<128xi32, #tpu.memory_space<hbm>>
        %dma_wait3A_137 = tpu.memref_slice %arg2[%add3A_103] : memref<327680xi32, #tpu.memory_space<hbm>> -> memref<128xi32, #tpu.memory_space<hbm>>
        tpu.wait_dma2 semaphore(%run_scoped3A : memref<!tpu.dma_semaphore, #tpu.memory_space<semaphore_mem>>) src(%dma_wait3A_137 : memref<128xi32, #tpu.memory_space<hbm>>) dst(%arg9 : memref<128xi32, #tpu.memory_space<vmem>>)
        tpu.yield
      }) : () -> ()
      %dma_wait3A_104 = arith.constant 0 : i32
      %dma_wait3A_105 = arith.constant 0 : i32
      %dma_wait3A_106 = tpu.memref_slice %arg6[%dma_wait3A_104, %dma_wait3A_105] : memref<10240x128xf32, #tpu.memory_space<vmem_shared>> -> memref<10240x128xf32, #tpu.memory_space<vmem_shared>>
      tpu.wait_indirect_dma semaphore(%arg15 : memref<!tpu.dma_semaphore, #tpu.memory_space<semaphore_mem>>) src(%arg7 : memref<128x128xf32, #tpu.memory_space<vmem>>) dst(%dma_wait3A_106 : memref<10240x128xf32, #tpu.memory_space<vmem_shared>>)
      %dma_start3A_107 = arith.constant 0 : i32
      %dma_start3A_108 = arith.constant 0 : i32
      %dma_start3A_109 = tpu.memref_slice %arg4[%dma_start3A_107, %dma_start3A_108] : memref<10000x128xf32, #tpu.memory_space<hbm>> -> memref<10000x128xf32, #tpu.memory_space<hbm>>
      tpu.enqueue_indirect_dma source(%dma_start3A_109 : memref<10000x128xf32, #tpu.memory_space<hbm>>) target(%arg7 : memref<128x128xf32, #tpu.memory_space<vmem>>) offsets(%arg9 : memref<128xi32, #tpu.memory_space<vmem>>) semaphore(%arg13 : memref<!tpu.dma_semaphore, #tpu.memory_space<semaphore_mem>>)
      %mul3A_110 = arith.constant 2 : i32
      %mul3A_111 = arith.muli %mul3A_110, %scan3A_85 : i32
      %add3A_112 = arith.constant 2 : i32
      %add3A_113 = arith.addi %mul3A_111, %add3A_112 : i32
      %mul3A_114 = arith.constant 128 : i32
      %mul3A_115 = arith.muli %add3A_113, %mul3A_114 : i32
      %add3A_116 = arith.addi %mul3A_27, %mul3A_115 : i32
      "tpu.region"() ({
        %run_scoped3A = tpu.sem_alloc : memref<!tpu.dma_semaphore, #tpu.memory_space<semaphore_mem>>
        %dma_start3A_134 = tpu.memref_slice %arg3[%add3A_116] : memref<327680xi32, #tpu.memory_space<hbm>> -> memref<128xi32, #tpu.memory_space<hbm>>
        %dma_start3A_135 = tpu.memref_slice %arg3[%add3A_116] : memref<327680xi32, #tpu.memory_space<hbm>> -> memref<128xi32, #tpu.memory_space<hbm>>
        tpu.enqueue_dma source(%dma_start3A_135 : memref<128xi32, #tpu.memory_space<hbm>>) target(%arg11 : memref<128xi32, #tpu.memory_space<vmem>>) target_semaphore(%run_scoped3A : memref<!tpu.dma_semaphore, #tpu.memory_space<semaphore_mem>>)
        %dma_wait3A_136 = tpu.memref_slice %arg3[%add3A_116] : memref<327680xi32, #tpu.memory_space<hbm>> -> memref<128xi32, #tpu.memory_space<hbm>>
        %dma_wait3A_137 = tpu.memref_slice %arg3[%add3A_116] : memref<327680xi32, #tpu.memory_space<hbm>> -> memref<128xi32, #tpu.memory_space<hbm>>
        tpu.wait_dma2 semaphore(%run_scoped3A : memref<!tpu.dma_semaphore, #tpu.memory_space<semaphore_mem>>) src(%dma_wait3A_137 : memref<128xi32, #tpu.memory_space<hbm>>) dst(%arg11 : memref<128xi32, #tpu.memory_space<vmem>>)
        tpu.yield
      }) : () -> ()
      %dma_wait3A_117 = arith.constant 0 : i32
      %dma_wait3A_118 = arith.constant 0 : i32
      %dma_wait3A_119 = tpu.memref_slice %arg4[%dma_wait3A_117, %dma_wait3A_118] : memref<10000x128xf32, #tpu.memory_space<hbm>> -> memref<10000x128xf32, #tpu.memory_space<hbm>>
      tpu.wait_indirect_dma semaphore(%arg13 : memref<!tpu.dma_semaphore, #tpu.memory_space<semaphore_mem>>) src(%dma_wait3A_119 : memref<10000x128xf32, #tpu.memory_space<hbm>>) dst(%arg7 : memref<128x128xf32, #tpu.memory_space<vmem>>)
      %dma_start3A_120 = arith.constant 0 : i32
      %dma_start3A_121 = arith.constant 0 : i32
      %dma_start3A_122 = tpu.memref_slice %arg6[%dma_start3A_120, %dma_start3A_121] : memref<10240x128xf32, #tpu.memory_space<vmem_shared>> -> memref<10240x128xf32, #tpu.memory_space<vmem_shared>>
      tpu.enqueue_indirect_dma source(%arg7 : memref<128x128xf32, #tpu.memory_space<vmem>>) target(%dma_start3A_122 : memref<10240x128xf32, #tpu.memory_space<vmem_shared>>) offsets(%arg11 : memref<128xi32, #tpu.memory_space<vmem>>) semaphore(%arg15 : memref<!tpu.dma_semaphore, #tpu.memory_space<semaphore_mem>>) {add = true}
      %add3A_123 = arith.constant 1 : i32
      %add3A_124 = arith.addi %add3A_113, %add3A_123 : i32
      %mul3A_125 = arith.constant 128 : i32
      %mul3A_126 = arith.muli %add3A_124, %mul3A_125 : i32
      %add3A_127 = arith.addi %mul3A_27, %mul3A_126 : i32
      "tpu.region"() ({
        %run_scoped3A = tpu.sem_alloc : memref<!tpu.dma_semaphore, #tpu.memory_space<semaphore_mem>>
        %dma_start3A_134 = tpu.memref_slice %arg2[%add3A_127] : memref<327680xi32, #tpu.memory_space<hbm>> -> memref<128xi32, #tpu.memory_space<hbm>>
        %dma_start3A_135 = tpu.memref_slice %arg2[%add3A_127] : memref<327680xi32, #tpu.memory_space<hbm>> -> memref<128xi32, #tpu.memory_space<hbm>>
        tpu.enqueue_dma source(%dma_start3A_135 : memref<128xi32, #tpu.memory_space<hbm>>) target(%arg10 : memref<128xi32, #tpu.memory_space<vmem>>) target_semaphore(%run_scoped3A : memref<!tpu.dma_semaphore, #tpu.memory_space<semaphore_mem>>)
        %dma_wait3A_136 = tpu.memref_slice %arg2[%add3A_127] : memref<327680xi32, #tpu.memory_space<hbm>> -> memref<128xi32, #tpu.memory_space<hbm>>
        %dma_wait3A_137 = tpu.memref_slice %arg2[%add3A_127] : memref<327680xi32, #tpu.memory_space<hbm>> -> memref<128xi32, #tpu.memory_space<hbm>>
        tpu.wait_dma2 semaphore(%run_scoped3A : memref<!tpu.dma_semaphore, #tpu.memory_space<semaphore_mem>>) src(%dma_wait3A_137 : memref<128xi32, #tpu.memory_space<hbm>>) dst(%arg10 : memref<128xi32, #tpu.memory_space<vmem>>)
        tpu.yield
      }) : () -> ()
      %dma_wait3A_128 = arith.constant 0 : i32
      %dma_wait3A_129 = arith.constant 0 : i32
      %dma_wait3A_130 = tpu.memref_slice %arg6[%dma_wait3A_128, %dma_wait3A_129] : memref<10240x128xf32, #tpu.memory_space<vmem_shared>> -> memref<10240x128xf32, #tpu.memory_space<vmem_shared>>
      tpu.wait_indirect_dma semaphore(%arg16 : memref<!tpu.dma_semaphore, #tpu.memory_space<semaphore_mem>>) src(%arg8 : memref<128x128xf32, #tpu.memory_space<vmem>>) dst(%dma_wait3A_130 : memref<10240x128xf32, #tpu.memory_space<vmem_shared>>)
      %dma_start3A_131 = arith.constant 0 : i32
      %dma_start3A_132 = arith.constant 0 : i32
      %dma_start3A_133 = tpu.memref_slice %arg4[%dma_start3A_131, %dma_start3A_132] : memref<10000x128xf32, #tpu.memory_space<hbm>> -> memref<10000x128xf32, #tpu.memory_space<hbm>>
      tpu.enqueue_indirect_dma source(%dma_start3A_133 : memref<10000x128xf32, #tpu.memory_space<hbm>>) target(%arg8 : memref<128x128xf32, #tpu.memory_space<vmem>>) offsets(%arg10 : memref<128xi32, #tpu.memory_space<vmem>>) semaphore(%arg14 : memref<!tpu.dma_semaphore, #tpu.memory_space<semaphore_mem>>)
    }
    %scan3A_49 = arith.constant 39 : i32
    %add3A_50 = arith.constant 10112 : i32
    %add3A_51 = arith.addi %mul3A_27, %add3A_50 : i32
    "tpu.region"() ({
      %run_scoped3A = tpu.sem_alloc : memref<!tpu.dma_semaphore, #tpu.memory_space<semaphore_mem>>
      %dma_start3A_85 = tpu.memref_slice %arg3[%add3A_51] : memref<327680xi32, #tpu.memory_space<hbm>> -> memref<128xi32, #tpu.memory_space<hbm>>
      %dma_start3A_86 = tpu.memref_slice %arg3[%add3A_51] : memref<327680xi32, #tpu.memory_space<hbm>> -> memref<128xi32, #tpu.memory_space<hbm>>
      tpu.enqueue_dma source(%dma_start3A_86 : memref<128xi32, #tpu.memory_space<hbm>>) target(%arg12 : memref<128xi32, #tpu.memory_space<vmem>>) target_semaphore(%run_scoped3A : memref<!tpu.dma_semaphore, #tpu.memory_space<semaphore_mem>>)
      %dma_wait3A_87 = tpu.memref_slice %arg3[%add3A_51] : memref<327680xi32, #tpu.memory_space<hbm>> -> memref<128xi32, #tpu.memory_space<hbm>>
      %dma_wait3A_88 = tpu.memref_slice %arg3[%add3A_51] : memref<327680xi32, #tpu.memory_space<hbm>> -> memref<128xi32, #tpu.memory_space<hbm>>
      tpu.wait_dma2 semaphore(%run_scoped3A : memref<!tpu.dma_semaphore, #tpu.memory_space<semaphore_mem>>) src(%dma_wait3A_88 : memref<128xi32, #tpu.memory_space<hbm>>) dst(%arg12 : memref<128xi32, #tpu.memory_space<vmem>>)
      tpu.yield
    }) : () -> ()
    %dma_wait3A_52 = arith.constant 0 : i32
    %dma_wait3A_53 = arith.constant 0 : i32
    %dma_wait3A_54 = tpu.memref_slice %arg4[%dma_wait3A_52, %dma_wait3A_53] : memref<10000x128xf32, #tpu.memory_space<hbm>> -> memref<10000x128xf32, #tpu.memory_space<hbm>>
    tpu.wait_indirect_dma semaphore(%arg14 : memref<!tpu.dma_semaphore, #tpu.memory_space<semaphore_mem>>) src(%dma_wait3A_54 : memref<10000x128xf32, #tpu.memory_space<hbm>>) dst(%arg8 : memref<128x128xf32, #tpu.memory_space<vmem>>)
    %dma_start3A_55 = arith.constant 0 : i32
    %dma_start3A_56 = arith.constant 0 : i32
    %dma_start3A_57 = tpu.memref_slice %arg6[%dma_start3A_55, %dma_start3A_56] : memref<10240x128xf32, #tpu.memory_space<vmem_shared>> -> memref<10240x128xf32, #tpu.memory_space<vmem_shared>>
    tpu.enqueue_indirect_dma source(%arg8 : memref<128x128xf32, #tpu.memory_space<vmem>>) target(%dma_start3A_57 : memref<10240x128xf32, #tpu.memory_space<vmem_shared>>) offsets(%arg12 : memref<128xi32, #tpu.memory_space<vmem>>) semaphore(%arg16 : memref<!tpu.dma_semaphore, #tpu.memory_space<semaphore_mem>>) {add = true}
    %dma_wait3A_58 = arith.constant 0 : i32
    %dma_wait3A_59 = arith.constant 0 : i32
    %dma_wait3A_60 = tpu.memref_slice %arg6[%dma_wait3A_58, %dma_wait3A_59] : memref<10240x128xf32, #tpu.memory_space<vmem_shared>> -> memref<10240x128xf32, #tpu.memory_space<vmem_shared>>
    tpu.wait_indirect_dma semaphore(%arg15 : memref<!tpu.dma_semaphore, #tpu.memory_space<semaphore_mem>>) src(%arg7 : memref<128x128xf32, #tpu.memory_space<vmem>>) dst(%dma_wait3A_60 : memref<10240x128xf32, #tpu.memory_space<vmem_shared>>)
    %dma_wait3A_61 = arith.constant 0 : i32
    %dma_wait3A_62 = arith.constant 0 : i32
    %dma_wait3A_63 = tpu.memref_slice %arg6[%dma_wait3A_61, %dma_wait3A_62] : memref<10240x128xf32, #tpu.memory_space<vmem_shared>> -> memref<10240x128xf32, #tpu.memory_space<vmem_shared>>
    tpu.wait_indirect_dma semaphore(%arg16 : memref<!tpu.dma_semaphore, #tpu.memory_space<semaphore_mem>>) src(%arg8 : memref<128x128xf32, #tpu.memory_space<vmem>>) dst(%dma_wait3A_63 : memref<10240x128xf32, #tpu.memory_space<vmem_shared>>)
    %barrier3A_64 = arith.constant 0 : index
    tpu.barrier barrier_id(%barrier3A_64)
    %mul3A_65 = arith.constant 640 : i32
    %mul3A_66 = arith.muli %arg1, %mul3A_65 : i32
    %add3A_67 = arith.constant 0 : i32
    %add3A_68 = arith.addi %mul3A_66, %add3A_67 : i32
    "tpu.region"() ({
      %run_scoped3A = tpu.sem_alloc : memref<!tpu.dma_semaphore, #tpu.memory_space<semaphore_mem>>
      %dma_start3A_85 = arith.constant 0 : i32
      %dma_start3A_86 = tpu.memref_slice %arg6[%add3A_68, %dma_start3A_85] : memref<10240x128xf32, #tpu.memory_space<vmem_shared>> -> memref<128x128xf32, #tpu.memory_space<vmem_shared>>
      %dma_start3A_87 = arith.constant 0 : i32
      %dma_start3A_88 = tpu.memref_slice %arg6[%add3A_68, %dma_start3A_87] : memref<10240x128xf32, #tpu.memory_space<vmem_shared>> -> memref<128x128xf32, #tpu.memory_space<vmem_shared>>
      tpu.enqueue_dma source(%dma_start3A_88 : memref<128x128xf32, #tpu.memory_space<vmem_shared>>) target(%arg7 : memref<128x128xf32, #tpu.memory_space<vmem>>) target_semaphore(%run_scoped3A : memref<!tpu.dma_semaphore, #tpu.memory_space<semaphore_mem>>)
      %dma_wait3A_89 = arith.constant 0 : i32
      %dma_wait3A_90 = tpu.memref_slice %arg6[%add3A_68, %dma_wait3A_89] : memref<10240x128xf32, #tpu.memory_space<vmem_shared>> -> memref<128x128xf32, #tpu.memory_space<vmem_shared>>
      %dma_wait3A_91 = arith.constant 0 : i32
      %dma_wait3A_92 = tpu.memref_slice %arg6[%add3A_68, %dma_wait3A_91] : memref<10240x128xf32, #tpu.memory_space<vmem_shared>> -> memref<128x128xf32, #tpu.memory_space<vmem_shared>>
      tpu.wait_dma2 semaphore(%run_scoped3A : memref<!tpu.dma_semaphore, #tpu.memory_space<semaphore_mem>>) src(%dma_wait3A_92 : memref<128x128xf32, #tpu.memory_space<vmem_shared>>) dst(%arg7 : memref<128x128xf32, #tpu.memory_space<vmem>>)
      tpu.yield
    }) : () -> ()
    "tpu.region"() ({
      %run_scoped3A = tpu.sem_alloc : memref<!tpu.dma_semaphore, #tpu.memory_space<semaphore_mem>>
      %dma_start3A_85 = arith.constant 0 : i32
      %dma_start3A_86 = tpu.memref_slice %arg5[%arg0, %add3A_68, %dma_start3A_85] : memref<2x10240x128xf32, #tpu.memory_space<hbm>> -> memref<1x128x128xf32, #tpu.memory_space<hbm>>
      %dma_start3A_87 = tpu.memref_squeeze %dma_start3A_86 : memref<1x128x128xf32, #tpu.memory_space<hbm>> -> memref<128x128xf32, #tpu.memory_space<hbm>>
      %dma_start3A_88 = arith.constant 0 : i32
      %dma_start3A_89 = tpu.memref_slice %arg5[%arg0, %add3A_68, %dma_start3A_88] : memref<2x10240x128xf32, #tpu.memory_space<hbm>> -> memref<1x128x128xf32, #tpu.memory_space<hbm>>
      %dma_start3A_90 = tpu.memref_squeeze %dma_start3A_89 : memref<1x128x128xf32, #tpu.memory_space<hbm>> -> memref<128x128xf32, #tpu.memory_space<hbm>>
      tpu.enqueue_dma source(%arg7 : memref<128x128xf32, #tpu.memory_space<vmem>>) target(%dma_start3A_90 : memref<128x128xf32, #tpu.memory_space<hbm>>) target_semaphore(%run_scoped3A : memref<!tpu.dma_semaphore, #tpu.memory_space<semaphore_mem>>)
      %dma_wait3A_91 = arith.constant 0 : i32
      %dma_wait3A_92 = tpu.memref_slice %arg5[%arg0, %add3A_68, %dma_wait3A_91] : memref<2x10240x128xf32, #tpu.memory_space<hbm>> -> memref<1x128x128xf32, #tpu.memory_space<hbm>>
      %dma_wait3A_93 = tpu.memref_squeeze %dma_wait3A_92 : memref<1x128x128xf32, #tpu.memory_space<hbm>> -> memref<128x128xf32, #tpu.memory_space<hbm>>
      %dma_wait3A_94 = arith.constant 0 : i32
      %dma_wait3A_95 = tpu.memref_slice %arg5[%arg0, %add3A_68, %dma_wait3A_94] : memref<2x10240x128xf32, #tpu.memory_space<hbm>> -> memref<1x128x128xf32, #tpu.memory_space<hbm>>
      %dma_wait3A_96 = tpu.memref_squeeze %dma_wait3A_95 : memref<1x128x128xf32, #tpu.memory_space<hbm>> -> memref<128x128xf32, #tpu.memory_space<hbm>>
      tpu.wait_dma2 semaphore(%run_scoped3A : memref<!tpu.dma_semaphore, #tpu.memory_space<semaphore_mem>>) src(%arg7 : memref<128x128xf32, #tpu.memory_space<vmem>>) dst(%dma_wait3A_96 : memref<128x128xf32, #tpu.memory_space<hbm>>)
      tpu.yield
    }) : () -> ()
    %mul3A_69 = arith.constant 640 : i32
    %mul3A_70 = arith.muli %arg1, %mul3A_69 : i32
    %add3A_71 = arith.constant 128 : i32
    %add3A_72 = arith.addi %mul3A_70, %add3A_71 : i32
    "tpu.region"() ({
      %run_scoped3A = tpu.sem_alloc : memref<!tpu.dma_semaphore, #tpu.memory_space<semaphore_mem>>
      %dma_start3A_85 = arith.constant 0 : i32
      %dma_start3A_86 = tpu.memref_slice %arg6[%add3A_72, %dma_start3A_85] : memref<10240x128xf32, #tpu.memory_space<vmem_shared>> -> memref<128x128xf32, #tpu.memory_space<vmem_shared>>
      %dma_start3A_87 = arith.constant 0 : i32
      %dma_start3A_88 = tpu.memref_slice %arg6[%add3A_72, %dma_start3A_87] : memref<10240x128xf32, #tpu.memory_space<vmem_shared>> -> memref<128x128xf32, #tpu.memory_space<vmem_shared>>
      tpu.enqueue_dma source(%dma_start3A_88 : memref<128x128xf32, #tpu.memory_space<vmem_shared>>) target(%arg7 : memref<128x128xf32, #tpu.memory_space<vmem>>) target_semaphore(%run_scoped3A : memref<!tpu.dma_semaphore, #tpu.memory_space<semaphore_mem>>)
      %dma_wait3A_89 = arith.constant 0 : i32
      %dma_wait3A_90 = tpu.memref_slice %arg6[%add3A_72, %dma_wait3A_89] : memref<10240x128xf32, #tpu.memory_space<vmem_shared>> -> memref<128x128xf32, #tpu.memory_space<vmem_shared>>
      %dma_wait3A_91 = arith.constant 0 : i32
      %dma_wait3A_92 = tpu.memref_slice %arg6[%add3A_72, %dma_wait3A_91] : memref<10240x128xf32, #tpu.memory_space<vmem_shared>> -> memref<128x128xf32, #tpu.memory_space<vmem_shared>>
      tpu.wait_dma2 semaphore(%run_scoped3A : memref<!tpu.dma_semaphore, #tpu.memory_space<semaphore_mem>>) src(%dma_wait3A_92 : memref<128x128xf32, #tpu.memory_space<vmem_shared>>) dst(%arg7 : memref<128x128xf32, #tpu.memory_space<vmem>>)
      tpu.yield
    }) : () -> ()
    "tpu.region"() ({
      %run_scoped3A = tpu.sem_alloc : memref<!tpu.dma_semaphore, #tpu.memory_space<semaphore_mem>>
      %dma_start3A_85 = arith.constant 0 : i32
      %dma_start3A_86 = tpu.memref_slice %arg5[%arg0, %add3A_72, %dma_start3A_85] : memref<2x10240x128xf32, #tpu.memory_space<hbm>> -> memref<1x128x128xf32, #tpu.memory_space<hbm>>
      %dma_start3A_87 = tpu.memref_squeeze %dma_start3A_86 : memref<1x128x128xf32, #tpu.memory_space<hbm>> -> memref<128x128xf32, #tpu.memory_space<hbm>>
      %dma_start3A_88 = arith.constant 0 : i32
      %dma_start3A_89 = tpu.memref_slice %arg5[%arg0, %add3A_72, %dma_start3A_88] : memref<2x10240x128xf32, #tpu.memory_space<hbm>> -> memref<1x128x128xf32, #tpu.memory_space<hbm>>
      %dma_start3A_90 = tpu.memref_squeeze %dma_start3A_89 : memref<1x128x128xf32, #tpu.memory_space<hbm>> -> memref<128x128xf32, #tpu.memory_space<hbm>>
      tpu.enqueue_dma source(%arg7 : memref<128x128xf32, #tpu.memory_space<vmem>>) target(%dma_start3A_90 : memref<128x128xf32, #tpu.memory_space<hbm>>) target_semaphore(%run_scoped3A : memref<!tpu.dma_semaphore, #tpu.memory_space<semaphore_mem>>)
      %dma_wait3A_91 = arith.constant 0 : i32
      %dma_wait3A_92 = tpu.memref_slice %arg5[%arg0, %add3A_72, %dma_wait3A_91] : memref<2x10240x128xf32, #tpu.memory_space<hbm>> -> memref<1x128x128xf32, #tpu.memory_space<hbm>>
      %dma_wait3A_93 = tpu.memref_squeeze %dma_wait3A_92 : memref<1x128x128xf32, #tpu.memory_space<hbm>> -> memref<128x128xf32, #tpu.memory_space<hbm>>
      %dma_wait3A_94 = arith.constant 0 : i32
      %dma_wait3A_95 = tpu.memref_slice %arg5[%arg0, %add3A_72, %dma_wait3A_94] : memref<2x10240x128xf32, #tpu.memory_space<hbm>> -> memref<1x128x128xf32, #tpu.memory_space<hbm>>
      %dma_wait3A_96 = tpu.memref_squeeze %dma_wait3A_95 : memref<1x128x128xf32, #tpu.memory_space<hbm>> -> memref<128x128xf32, #tpu.memory_space<hbm>>
      tpu.wait_dma2 semaphore(%run_scoped3A : memref<!tpu.dma_semaphore, #tpu.memory_space<semaphore_mem>>) src(%arg7 : memref<128x128xf32, #tpu.memory_space<vmem>>) dst(%dma_wait3A_96 : memref<128x128xf32, #tpu.memory_space<hbm>>)
      tpu.yield
    }) : () -> ()
    %mul3A_73 = arith.constant 640 : i32
    %mul3A_74 = arith.muli %arg1, %mul3A_73 : i32
    %add3A_75 = arith.constant 256 : i32
    %add3A_76 = arith.addi %mul3A_74, %add3A_75 : i32
    "tpu.region"() ({
      %run_scoped3A = tpu.sem_alloc : memref<!tpu.dma_semaphore, #tpu.memory_space<semaphore_mem>>
      %dma_start3A_85 = arith.constant 0 : i32
      %dma_start3A_86 = tpu.memref_slice %arg6[%add3A_76, %dma_start3A_85] : memref<10240x128xf32, #tpu.memory_space<vmem_shared>> -> memref<128x128xf32, #tpu.memory_space<vmem_shared>>
      %dma_start3A_87 = arith.constant 0 : i32
      %dma_start3A_88 = tpu.memref_slice %arg6[%add3A_76, %dma_start3A_87] : memref<10240x128xf32, #tpu.memory_space<vmem_shared>> -> memref<128x128xf32, #tpu.memory_space<vmem_shared>>
      tpu.enqueue_dma source(%dma_start3A_88 : memref<128x128xf32, #tpu.memory_space<vmem_shared>>) target(%arg7 : memref<128x128xf32, #tpu.memory_space<vmem>>) target_semaphore(%run_scoped3A : memref<!tpu.dma_semaphore, #tpu.memory_space<semaphore_mem>>)
      %dma_wait3A_89 = arith.constant 0 : i32
      %dma_wait3A_90 = tpu.memref_slice %arg6[%add3A_76, %dma_wait3A_89] : memref<10240x128xf32, #tpu.memory_space<vmem_shared>> -> memref<128x128xf32, #tpu.memory_space<vmem_shared>>
      %dma_wait3A_91 = arith.constant 0 : i32
      %dma_wait3A_92 = tpu.memref_slice %arg6[%add3A_76, %dma_wait3A_91] : memref<10240x128xf32, #tpu.memory_space<vmem_shared>> -> memref<128x128xf32, #tpu.memory_space<vmem_shared>>
      tpu.wait_dma2 semaphore(%run_scoped3A : memref<!tpu.dma_semaphore, #tpu.memory_space<semaphore_mem>>) src(%dma_wait3A_92 : memref<128x128xf32, #tpu.memory_space<vmem_shared>>) dst(%arg7 : memref<128x128xf32, #tpu.memory_space<vmem>>)
      tpu.yield
    }) : () -> ()
    "tpu.region"() ({
      %run_scoped3A = tpu.sem_alloc : memref<!tpu.dma_semaphore, #tpu.memory_space<semaphore_mem>>
      %dma_start3A_85 = arith.constant 0 : i32
      %dma_start3A_86 = tpu.memref_slice %arg5[%arg0, %add3A_76, %dma_start3A_85] : memref<2x10240x128xf32, #tpu.memory_space<hbm>> -> memref<1x128x128xf32, #tpu.memory_space<hbm>>
      %dma_start3A_87 = tpu.memref_squeeze %dma_start3A_86 : memref<1x128x128xf32, #tpu.memory_space<hbm>> -> memref<128x128xf32, #tpu.memory_space<hbm>>
      %dma_start3A_88 = arith.constant 0 : i32
      %dma_start3A_89 = tpu.memref_slice %arg5[%arg0, %add3A_76, %dma_start3A_88] : memref<2x10240x128xf32, #tpu.memory_space<hbm>> -> memref<1x128x128xf32, #tpu.memory_space<hbm>>
      %dma_start3A_90 = tpu.memref_squeeze %dma_start3A_89 : memref<1x128x128xf32, #tpu.memory_space<hbm>> -> memref<128x128xf32, #tpu.memory_space<hbm>>
      tpu.enqueue_dma source(%arg7 : memref<128x128xf32, #tpu.memory_space<vmem>>) target(%dma_start3A_90 : memref<128x128xf32, #tpu.memory_space<hbm>>) target_semaphore(%run_scoped3A : memref<!tpu.dma_semaphore, #tpu.memory_space<semaphore_mem>>)
      %dma_wait3A_91 = arith.constant 0 : i32
      %dma_wait3A_92 = tpu.memref_slice %arg5[%arg0, %add3A_76, %dma_wait3A_91] : memref<2x10240x128xf32, #tpu.memory_space<hbm>> -> memref<1x128x128xf32, #tpu.memory_space<hbm>>
      %dma_wait3A_93 = tpu.memref_squeeze %dma_wait3A_92 : memref<1x128x128xf32, #tpu.memory_space<hbm>> -> memref<128x128xf32, #tpu.memory_space<hbm>>
      %dma_wait3A_94 = arith.constant 0 : i32
      %dma_wait3A_95 = tpu.memref_slice %arg5[%arg0, %add3A_76, %dma_wait3A_94] : memref<2x10240x128xf32, #tpu.memory_space<hbm>> -> memref<1x128x128xf32, #tpu.memory_space<hbm>>
      %dma_wait3A_96 = tpu.memref_squeeze %dma_wait3A_95 : memref<1x128x128xf32, #tpu.memory_space<hbm>> -> memref<128x128xf32, #tpu.memory_space<hbm>>
      tpu.wait_dma2 semaphore(%run_scoped3A : memref<!tpu.dma_semaphore, #tpu.memory_space<semaphore_mem>>) src(%arg7 : memref<128x128xf32, #tpu.memory_space<vmem>>) dst(%dma_wait3A_96 : memref<128x128xf32, #tpu.memory_space<hbm>>)
      tpu.yield
    }) : () -> ()
    %mul3A_77 = arith.constant 640 : i32
    %mul3A_78 = arith.muli %arg1, %mul3A_77 : i32
    %add3A_79 = arith.constant 384 : i32
    %add3A_80 = arith.addi %mul3A_78, %add3A_79 : i32
    "tpu.region"() ({
      %run_scoped3A = tpu.sem_alloc : memref<!tpu.dma_semaphore, #tpu.memory_space<semaphore_mem>>
      %dma_start3A_85 = arith.constant 0 : i32
      %dma_start3A_86 = tpu.memref_slice %arg6[%add3A_80, %dma_start3A_85] : memref<10240x128xf32, #tpu.memory_space<vmem_shared>> -> memref<128x128xf32, #tpu.memory_space<vmem_shared>>
      %dma_start3A_87 = arith.constant 0 : i32
      %dma_start3A_88 = tpu.memref_slice %arg6[%add3A_80, %dma_start3A_87] : memref<10240x128xf32, #tpu.memory_space<vmem_shared>> -> memref<128x128xf32, #tpu.memory_space<vmem_shared>>
      tpu.enqueue_dma source(%dma_start3A_88 : memref<128x128xf32, #tpu.memory_space<vmem_shared>>) target(%arg7 : memref<128x128xf32, #tpu.memory_space<vmem>>) target_semaphore(%run_scoped3A : memref<!tpu.dma_semaphore, #tpu.memory_space<semaphore_mem>>)
      %dma_wait3A_89 = arith.constant 0 : i32
      %dma_wait3A_90 = tpu.memref_slice %arg6[%add3A_80, %dma_wait3A_89] : memref<10240x128xf32, #tpu.memory_space<vmem_shared>> -> memref<128x128xf32, #tpu.memory_space<vmem_shared>>
      %dma_wait3A_91 = arith.constant 0 : i32
      %dma_wait3A_92 = tpu.memref_slice %arg6[%add3A_80, %dma_wait3A_91] : memref<10240x128xf32, #tpu.memory_space<vmem_shared>> -> memref<128x128xf32, #tpu.memory_space<vmem_shared>>
      tpu.wait_dma2 semaphore(%run_scoped3A : memref<!tpu.dma_semaphore, #tpu.memory_space<semaphore_mem>>) src(%dma_wait3A_92 : memref<128x128xf32, #tpu.memory_space<vmem_shared>>) dst(%arg7 : memref<128x128xf32, #tpu.memory_space<vmem>>)
      tpu.yield
    }) : () -> ()
    "tpu.region"() ({
      %run_scoped3A = tpu.sem_alloc : memref<!tpu.dma_semaphore, #tpu.memory_space<semaphore_mem>>
      %dma_start3A_85 = arith.constant 0 : i32
      %dma_start3A_86 = tpu.memref_slice %arg5[%arg0, %add3A_80, %dma_start3A_85] : memref<2x10240x128xf32, #tpu.memory_space<hbm>> -> memref<1x128x128xf32, #tpu.memory_space<hbm>>
      %dma_start3A_87 = tpu.memref_squeeze %dma_start3A_86 : memref<1x128x128xf32, #tpu.memory_space<hbm>> -> memref<128x128xf32, #tpu.memory_space<hbm>>
      %dma_start3A_88 = arith.constant 0 : i32
      %dma_start3A_89 = tpu.memref_slice %arg5[%arg0, %add3A_80, %dma_start3A_88] : memref<2x10240x128xf32, #tpu.memory_space<hbm>> -> memref<1x128x128xf32, #tpu.memory_space<hbm>>
      %dma_start3A_90 = tpu.memref_squeeze %dma_start3A_89 : memref<1x128x128xf32, #tpu.memory_space<hbm>> -> memref<128x128xf32, #tpu.memory_space<hbm>>
      tpu.enqueue_dma source(%arg7 : memref<128x128xf32, #tpu.memory_space<vmem>>) target(%dma_start3A_90 : memref<128x128xf32, #tpu.memory_space<hbm>>) target_semaphore(%run_scoped3A : memref<!tpu.dma_semaphore, #tpu.memory_space<semaphore_mem>>)
      %dma_wait3A_91 = arith.constant 0 : i32
      %dma_wait3A_92 = tpu.memref_slice %arg5[%arg0, %add3A_80, %dma_wait3A_91] : memref<2x10240x128xf32, #tpu.memory_space<hbm>> -> memref<1x128x128xf32, #tpu.memory_space<hbm>>
      %dma_wait3A_93 = tpu.memref_squeeze %dma_wait3A_92 : memref<1x128x128xf32, #tpu.memory_space<hbm>> -> memref<128x128xf32, #tpu.memory_space<hbm>>
      %dma_wait3A_94 = arith.constant 0 : i32
      %dma_wait3A_95 = tpu.memref_slice %arg5[%arg0, %add3A_80, %dma_wait3A_94] : memref<2x10240x128xf32, #tpu.memory_space<hbm>> -> memref<1x128x128xf32, #tpu.memory_space<hbm>>
      %dma_wait3A_96 = tpu.memref_squeeze %dma_wait3A_95 : memref<1x128x128xf32, #tpu.memory_space<hbm>> -> memref<128x128xf32, #tpu.memory_space<hbm>>
      tpu.wait_dma2 semaphore(%run_scoped3A : memref<!tpu.dma_semaphore, #tpu.memory_space<semaphore_mem>>) src(%arg7 : memref<128x128xf32, #tpu.memory_space<vmem>>) dst(%dma_wait3A_96 : memref<128x128xf32, #tpu.memory_space<hbm>>)
      tpu.yield
    }) : () -> ()
    %mul3A_81 = arith.constant 640 : i32
    %mul3A_82 = arith.muli %arg1, %mul3A_81 : i32
    %add3A_83 = arith.constant 512 : i32
    %add3A_84 = arith.addi %mul3A_82, %add3A_83 : i32
    "tpu.region"() ({
      %run_scoped3A = tpu.sem_alloc : memref<!tpu.dma_semaphore, #tpu.memory_space<semaphore_mem>>
      %dma_start3A_85 = arith.constant 0 : i32
      %dma_start3A_86 = tpu.memref_slice %arg6[%add3A_84, %dma_start3A_85] : memref<10240x128xf32, #tpu.memory_space<vmem_shared>> -> memref<128x128xf32, #tpu.memory_space<vmem_shared>>
      %dma_start3A_87 = arith.constant 0 : i32
      %dma_start3A_88 = tpu.memref_slice %arg6[%add3A_84, %dma_start3A_87] : memref<10240x128xf32, #tpu.memory_space<vmem_shared>> -> memref<128x128xf32, #tpu.memory_space<vmem_shared>>
      tpu.enqueue_dma source(%dma_start3A_88 : memref<128x128xf32, #tpu.memory_space<vmem_shared>>) target(%arg7 : memref<128x128xf32, #tpu.memory_space<vmem>>) target_semaphore(%run_scoped3A : memref<!tpu.dma_semaphore, #tpu.memory_space<semaphore_mem>>)
      %dma_wait3A_89 = arith.constant 0 : i32
      %dma_wait3A_90 = tpu.memref_slice %arg6[%add3A_84, %dma_wait3A_89] : memref<10240x128xf32, #tpu.memory_space<vmem_shared>> -> memref<128x128xf32, #tpu.memory_space<vmem_shared>>
      %dma_wait3A_91 = arith.constant 0 : i32
      %dma_wait3A_92 = tpu.memref_slice %arg6[%add3A_84, %dma_wait3A_91] : memref<10240x128xf32, #tpu.memory_space<vmem_shared>> -> memref<128x128xf32, #tpu.memory_space<vmem_shared>>
      tpu.wait_dma2 semaphore(%run_scoped3A : memref<!tpu.dma_semaphore, #tpu.memory_space<semaphore_mem>>) src(%dma_wait3A_92 : memref<128x128xf32, #tpu.memory_space<vmem_shared>>) dst(%arg7 : memref<128x128xf32, #tpu.memory_space<vmem>>)
      tpu.yield
    }) : () -> ()
    "tpu.region"() ({
      %run_scoped3A = tpu.sem_alloc : memref<!tpu.dma_semaphore, #tpu.memory_space<semaphore_mem>>
      %dma_start3A_85 = arith.constant 0 : i32
      %dma_start3A_86 = tpu.memref_slice %arg5[%arg0, %add3A_84, %dma_start3A_85] : memref<2x10240x128xf32, #tpu.memory_space<hbm>> -> memref<1x128x128xf32, #tpu.memory_space<hbm>>
      %dma_start3A_87 = tpu.memref_squeeze %dma_start3A_86 : memref<1x128x128xf32, #tpu.memory_space<hbm>> -> memref<128x128xf32, #tpu.memory_space<hbm>>
      %dma_start3A_88 = arith.constant 0 : i32
      %dma_start3A_89 = tpu.memref_slice %arg5[%arg0, %add3A_84, %dma_start3A_88] : memref<2x10240x128xf32, #tpu.memory_space<hbm>> -> memref<1x128x128xf32, #tpu.memory_space<hbm>>
      %dma_start3A_90 = tpu.memref_squeeze %dma_start3A_89 : memref<1x128x128xf32, #tpu.memory_space<hbm>> -> memref<128x128xf32, #tpu.memory_space<hbm>>
      tpu.enqueue_dma source(%arg7 : memref<128x128xf32, #tpu.memory_space<vmem>>) target(%dma_start3A_90 : memref<128x128xf32, #tpu.memory_space<hbm>>) target_semaphore(%run_scoped3A : memref<!tpu.dma_semaphore, #tpu.memory_space<semaphore_mem>>)
      %dma_wait3A_91 = arith.constant 0 : i32
      %dma_wait3A_92 = tpu.memref_slice %arg5[%arg0, %add3A_84, %dma_wait3A_91] : memref<2x10240x128xf32, #tpu.memory_space<hbm>> -> memref<1x128x128xf32, #tpu.memory_space<hbm>>
      %dma_wait3A_93 = tpu.memref_squeeze %dma_wait3A_92 : memref<1x128x128xf32, #tpu.memory_space<hbm>> -> memref<128x128xf32, #tpu.memory_space<hbm>>
      %dma_wait3A_94 = arith.constant 0 : i32
      %dma_wait3A_95 = tpu.memref_slice %arg5[%arg0, %add3A_84, %dma_wait3A_94] : memref<2x10240x128xf32, #tpu.memory_space<hbm>> -> memref<1x128x128xf32, #tpu.memory_space<hbm>>
      %dma_wait3A_96 = tpu.memref_squeeze %dma_wait3A_95 : memref<1x128x128xf32, #tpu.memory_space<hbm>> -> memref<128x128xf32, #tpu.memory_space<hbm>>
      tpu.wait_dma2 semaphore(%run_scoped3A : memref<!tpu.dma_semaphore, #tpu.memory_space<semaphore_mem>>) src(%arg7 : memref<128x128xf32, #tpu.memory_space<vmem>>) dst(%dma_wait3A_96 : memref<128x128xf32, #tpu.memory_space<hbm>>)
      tpu.yield
    }) : () -> ()
    return
  }
}

module attributes {stable_mosaic.version = 14 : i64} {
  func.func @_mlp_body(%arg0: memref<10000x128xf32, #tpu.memory_space<vmem>>, %arg1: memref<128x64xf32, #tpu.memory_space<vmem>>, %arg2: memref<64xf32, #tpu.memory_space<vmem>>, %arg3: memref<64x128xf32, #tpu.memory_space<vmem>>, %arg4: memref<128xf32, #tpu.memory_space<vmem>>, %arg5: memref<10000x2xf32, #tpu.memory_space<vmem>>, %arg6: memref<10000x128xf32, #tpu.memory_space<vmem>>, %arg7: memref<10000x1xf32, #tpu.memory_space<vmem>>, %arg8: memref<10000x1xf32, #tpu.memory_space<vmem>>) attributes {dimension_semantics = [], scalar_prefetch = 0 : i64, scratch_operands = 0 : i64, tpu.core_type = #tpu.core_type<tc>} {
    %get3A = arith.constant 0 : index
    %get3A_0 = arith.constant 0 : index
    %get3A_1 = vector.load %arg0[%get3A, %get3A_0] : memref<10000x128xf32, #tpu.memory_space<vmem>>, vector<10000x128xf32>
    %get3A_2 = arith.constant 0 : index
    %get3A_3 = arith.constant 0 : index
    %get3A_4 = vector.load %arg1[%get3A_2, %get3A_3] : memref<128x64xf32, #tpu.memory_space<vmem>>, vector<128x64xf32>
    %dot_general3A = arith.constant dense<0.000000e+00> : vector<10000x64xf32>
    %dot_general3A_5 = tpu.matmul %get3A_1, %get3A_4, %dot_general3A {dimension_numbers = #tpu.dot_dimension_numbers<[1], [0], [0], [1], [0, 0, 1, 1], [], []>, transpose_lhs_hint = false} : vector<10000x128xf32>, vector<128x64xf32>, vector<10000x64xf32> -> vector<10000x64xf32>
    %get3A_6 = arith.constant 0 : index
    %get3A_7 = vector.load %arg2[%get3A_6] : memref<64xf32, #tpu.memory_space<vmem>>, vector<64xf32>
    %broadcast_in_dim3A = vector.shape_cast %get3A_7 : vector<64xf32> to vector<1x64xf32>
    %add3A = vector.broadcast %broadcast_in_dim3A : vector<1x64xf32> to vector<10000x64xf32>
    %add3A_8 = arith.addf %dot_general3A_5, %add3A : vector<10000x64xf32>
    %reduce_sum3A = arith.constant dense<0.000000e+00> : vector<64xf32>
    %reduce_sum3A_9 = vector.multi_reduction <add>, %add3A_8, %reduce_sum3A [0] : vector<10000x64xf32> to vector<64xf32>
    %broadcast_in_dim3A_10 = vector.shape_cast %reduce_sum3A_9 : vector<64xf32> to vector<1x64xf32>
    %div3A = arith.constant 1.000000e+04 : f32
    %div3A_11 = vector.broadcast %div3A : f32 to vector<1x64xf32>
    %div3A_12 = arith.divf %broadcast_in_dim3A_10, %div3A_11 : vector<1x64xf32>
    %sub3A = vector.broadcast %div3A_12 : vector<1x64xf32> to vector<10000x64xf32>
    %sub3A_13 = arith.subf %add3A_8, %sub3A : vector<10000x64xf32>
    %square3A = arith.mulf %sub3A_13, %sub3A_13 : vector<10000x64xf32>
    %reduce_sum3A_14 = arith.constant dense<0.000000e+00> : vector<64xf32>
    %reduce_sum3A_15 = vector.multi_reduction <add>, %square3A, %reduce_sum3A_14 [0] : vector<10000x64xf32> to vector<64xf32>
    %broadcast_in_dim3A_16 = vector.shape_cast %reduce_sum3A_15 : vector<64xf32> to vector<1x64xf32>
    %div3A_17 = arith.constant 1.000000e+04 : f32
    %div3A_18 = vector.broadcast %div3A_17 : f32 to vector<1x64xf32>
    %div3A_19 = arith.divf %broadcast_in_dim3A_16, %div3A_18 : vector<1x64xf32>
    %sub3A_20 = vector.broadcast %div3A_12 : vector<1x64xf32> to vector<10000x64xf32>
    %sub3A_21 = arith.subf %add3A_8, %sub3A_20 : vector<10000x64xf32>
    %add3A_22 = arith.constant 1.000000e-10 : f32
    %add3A_23 = vector.broadcast %add3A_22 : f32 to vector<1x64xf32>
    %add3A_24 = arith.addf %div3A_19, %add3A_23 : vector<1x64xf32>
    %rsqrt3A = math.rsqrt %add3A_24 : vector<1x64xf32>
    %mul3A = vector.broadcast %rsqrt3A : vector<1x64xf32> to vector<10000x64xf32>
    %mul3A_25 = arith.mulf %sub3A_21, %mul3A : vector<10000x64xf32>
    %max3A = arith.constant 0.000000e+00 : f32
    %max3A_26 = vector.broadcast %max3A : f32 to vector<10000x64xf32>
    %max3A_27 = arith.maximumf %mul3A_25, %max3A_26 : vector<10000x64xf32>
    %get3A_28 = arith.constant 0 : index
    %get3A_29 = arith.constant 0 : index
    %get3A_30 = vector.load %arg3[%get3A_28, %get3A_29] : memref<64x128xf32, #tpu.memory_space<vmem>>, vector<64x128xf32>
    %dot_general3A_31 = arith.constant dense<0.000000e+00> : vector<10000x128xf32>
    %dot_general3A_32 = tpu.matmul %max3A_27, %get3A_30, %dot_general3A_31 {dimension_numbers = #tpu.dot_dimension_numbers<[1], [0], [0], [1], [0, 0, 1, 1], [], []>, transpose_lhs_hint = false} : vector<10000x64xf32>, vector<64x128xf32>, vector<10000x128xf32> -> vector<10000x128xf32>
    %get3A_33 = arith.constant 0 : index
    %get3A_34 = vector.load %arg4[%get3A_33] : memref<128xf32, #tpu.memory_space<vmem>>, vector<128xf32>
    %broadcast_in_dim3A_35 = vector.shape_cast %get3A_34 : vector<128xf32> to vector<1x128xf32>
    %add3A_36 = vector.broadcast %broadcast_in_dim3A_35 : vector<1x128xf32> to vector<10000x128xf32>
    %add3A_37 = arith.addf %dot_general3A_32, %add3A_36 : vector<10000x128xf32>
    %get3A_38 = arith.constant 0 : index
    %get3A_39 = arith.constant 0 : index
    %get3A_40 = vector.load %arg5[%get3A_38, %get3A_39] : memref<10000x2xf32, #tpu.memory_space<vmem>>, vector<10000x2xf32>
    %reduce_sum3A_41 = arith.constant dense<0.000000e+00> : vector<10000xf32>
    %reduce_sum3A_42 = vector.multi_reduction <add>, %get3A_40, %reduce_sum3A_41 [1] : vector<10000x2xf32> to vector<10000xf32>
    %broadcast_in_dim3A_43 = vector.shape_cast %reduce_sum3A_42 : vector<10000xf32> to vector<10000x1xf32>
    %add3A_44 = arith.constant 1.000000e+00 : f32
    %add3A_45 = vector.broadcast %add3A_44 : f32 to vector<10000x1xf32>
    %add3A_46 = arith.addf %broadcast_in_dim3A_43, %add3A_45 : vector<10000x1xf32>
    %div3A_47 = arith.constant 1.000000e+00 : f32
    %div3A_48 = vector.broadcast %div3A_47 : f32 to vector<10000x1xf32>
    %div3A_49 = arith.divf %div3A_48, %add3A_46 : vector<10000x1xf32>
    %rsqrt3A_50 = math.rsqrt %add3A_46 : vector<10000x1xf32>
    %swap3A = arith.constant 0 : index
    %swap3A_51 = arith.constant 0 : index
    %swap3A_52 = vector.load %arg7[%swap3A, %swap3A_51] : memref<10000x1xf32, #tpu.memory_space<vmem>>, vector<10000x1xf32>
    tpu.vector_store %arg7[%swap3A, %swap3A_51], %rsqrt3A_50 {strides = array<i32>} : memref<10000x1xf32, #tpu.memory_space<vmem>>, vector<10000x1xf32>,
    %swap3A_53 = arith.constant 0 : index
    %swap3A_54 = arith.constant 0 : index
    %swap3A_55 = vector.load %arg8[%swap3A_53, %swap3A_54] : memref<10000x1xf32, #tpu.memory_space<vmem>>, vector<10000x1xf32>
    tpu.vector_store %arg8[%swap3A_53, %swap3A_54], %div3A_49 {strides = array<i32>} : memref<10000x1xf32, #tpu.memory_space<vmem>>, vector<10000x1xf32>,
    %mul3A_56 = vector.broadcast %rsqrt3A_50 : vector<10000x1xf32> to vector<10000x128xf32>
    %mul3A_57 = arith.mulf %add3A_37, %mul3A_56 : vector<10000x128xf32>
    %swap3A_58 = arith.constant 0 : index
    %swap3A_59 = arith.constant 0 : index
    %swap3A_60 = vector.load %arg6[%swap3A_58, %swap3A_59] : memref<10000x128xf32, #tpu.memory_space<vmem>>, vector<10000x128xf32>
    tpu.vector_store %arg6[%swap3A_58, %swap3A_59], %mul3A_57 {strides = array<i32>} : memref<10000x128xf32, #tpu.memory_space<vmem>>, vector<10000x128xf32>,
    return
  }
}

module attributes {stable_mosaic.version = 14 : i64} {
  func.func @_combine_body(%arg0: memref<10000x1xf32, #tpu.memory_space<vmem>>, %arg1: memref<10000x128xf32, #tpu.memory_space<vmem>>, %arg2: memref<2x10240x128xf32, #tpu.memory_space<vmem>>, %arg3: memref<10000x128xf32, #tpu.memory_space<vmem>>) attributes {dimension_semantics = [], scalar_prefetch = 0 : i64, scratch_operands = 0 : i64, tpu.core_type = #tpu.core_type<tc>} {
    %get3A = arith.constant 0 : index
    %get3A_0 = arith.constant 0 : index
    %get3A_1 = arith.constant 0 : index
    %get3A_2 = vector.load %arg2[%get3A, %get3A_0, %get3A_1] : memref<2x10240x128xf32, #tpu.memory_space<vmem>>, vector<1x10000x128xf32>
    %get3A_3 = vector.shape_cast %get3A_2 : vector<1x10000x128xf32> to vector<10000x128xf32>
    %get3A_4 = arith.constant 1 : index
    %get3A_5 = arith.constant 0 : index
    %get3A_6 = arith.constant 0 : index
    %get3A_7 = vector.load %arg2[%get3A_4, %get3A_5, %get3A_6] : memref<2x10240x128xf32, #tpu.memory_space<vmem>>, vector<1x10000x128xf32>
    %get3A_8 = vector.shape_cast %get3A_7 : vector<1x10000x128xf32> to vector<10000x128xf32>
    %get3A_9 = arith.constant 0 : index
    %get3A_10 = arith.constant 0 : index
    %get3A_11 = vector.load %arg0[%get3A_9, %get3A_10] : memref<10000x1xf32, #tpu.memory_space<vmem>>, vector<10000x1xf32>
    %get3A_12 = arith.constant 0 : index
    %get3A_13 = arith.constant 0 : index
    %get3A_14 = vector.load %arg1[%get3A_12, %get3A_13] : memref<10000x128xf32, #tpu.memory_space<vmem>>, vector<10000x128xf32>
    %add3A = arith.addf %get3A_14, %get3A_3 : vector<10000x128xf32>
    %add3A_15 = arith.addf %add3A, %get3A_8 : vector<10000x128xf32>
    %mul3A = vector.broadcast %get3A_11 : vector<10000x1xf32> to vector<10000x128xf32>
    %mul3A_16 = arith.mulf %mul3A, %add3A_15 : vector<10000x128xf32>
    %swap3A = arith.constant 0 : index
    %swap3A_17 = arith.constant 0 : index
    %swap3A_18 = vector.load %arg3[%swap3A, %swap3A_17] : memref<10000x128xf32, #tpu.memory_space<vmem>>, vector<10000x128xf32>
    tpu.vector_store %arg3[%swap3A, %swap3A_17], %mul3A_16 {strides = array<i32>} : memref<10000x128xf32, #tpu.memory_space<vmem>>, vector<10000x128xf32>,
    return
  }
}

module attributes {stable_mosaic.version = 14 : i64} {
  func.func @_combine_body(%arg0: memref<10000x1xf32, #tpu.memory_space<vmem>>, %arg1: memref<10000x128xf32, #tpu.memory_space<vmem>>, %arg2: memref<2x10240x128xf32, #tpu.memory_space<vmem>>, %arg3: memref<10000x128xf32, #tpu.memory_space<vmem>>) attributes {dimension_semantics = [], scalar_prefetch = 0 : i64, scratch_operands = 0 : i64, tpu.core_type = #tpu.core_type<tc>} {
    %get3A = arith.constant 0 : index
    %get3A_0 = arith.constant 0 : index
    %get3A_1 = arith.constant 0 : index
    %get3A_2 = vector.load %arg2[%get3A, %get3A_0, %get3A_1] : memref<2x10240x128xf32, #tpu.memory_space<vmem>>, vector<1x10000x128xf32>
    %get3A_3 = vector.shape_cast %get3A_2 : vector<1x10000x128xf32> to vector<10000x128xf32>
    %get3A_4 = arith.constant 1 : index
    %get3A_5 = arith.constant 0 : index
    %get3A_6 = arith.constant 0 : index
    %get3A_7 = vector.load %arg2[%get3A_4, %get3A_5, %get3A_6] : memref<2x10240x128xf32, #tpu.memory_space<vmem>>, vector<1x10000x128xf32>
    %get3A_8 = vector.shape_cast %get3A_7 : vector<1x10000x128xf32> to vector<10000x128xf32>
    %get3A_9 = arith.constant 0 : index
    %get3A_10 = arith.constant 0 : index
    %get3A_11 = vector.load %arg0[%get3A_9, %get3A_10] : memref<10000x1xf32, #tpu.memory_space<vmem>>, vector<10000x1xf32>
    %get3A_12 = arith.constant 0 : index
    %get3A_13 = arith.constant 0 : index
    %get3A_14 = vector.load %arg1[%get3A_12, %get3A_13] : memref<10000x128xf32, #tpu.memory_space<vmem>>, vector<10000x128xf32>
    %add3A = arith.addf %get3A_14, %get3A_3 : vector<10000x128xf32>
    %add3A_15 = arith.addf %add3A, %get3A_8 : vector<10000x128xf32>
    %mul3A = vector.broadcast %get3A_11 : vector<10000x1xf32> to vector<10000x128xf32>
    %mul3A_16 = arith.mulf %mul3A, %add3A_15 : vector<10000x128xf32>
    %swap3A = arith.constant 0 : index
    %swap3A_17 = arith.constant 0 : index
    %swap3A_18 = vector.load %arg3[%swap3A, %swap3A_17] : memref<10000x128xf32, #tpu.memory_space<vmem>>, vector<10000x128xf32>
    tpu.vector_store %arg3[%swap3A, %swap3A_17], %mul3A_16 {strides = array<i32>} : memref<10000x128xf32, #tpu.memory_space<vmem>>, vector<10000x128xf32>,
    return
  }
}

</mosaic_0001>

<sc_bundles>
// kernel: kernel.14.cloned.1.call-start
scs
__scs_entry_jumppad:
0x0: {  	(pc) =	sbr.rel $0x88, $3  }
0x1: {  	(tag) =	ssettag $0x0;
	lr =	simm.s32 $0x1  }
0x2: {  	[smem:$0x3F9B] =	sst lr;
	_ =	strace $0xD0000000  }
0x3: {  	_ = 	snop  }
0x4: {  	_ = 	snop  }
0x5: {  	_ = 	snop  }
0x6: {  	_ = 	snop  }
0x7: {  	_ = 	snop  }
__scs_overlays_trampoline_lowered:
0x8: {  	[smem:$0x3FAA] =	sst s0  }
0x9: {  	[smem:$0x3FAB] =	sst s1  }
0xa: {  	[smem:$0x3FAC] =	sst s2  }
0xb: {  	[smem:$0x3FAD] =	sst s3  }
0xc: {  	[smem:$0x3FAE] =	sst s4  }
0xd: {  	[smem:$0x3FAF] =	sst s5  }
0xe: {  	[smem:$0x3FB0] =	sst s6  }
0xf: {  	[smem:$0x3FB1] =	sst s7  }
0x10: {  	[smem:$0x3FB2] =	sst s8  }
0x11: {  	[smem:$0x3FB3] =	sst s9;
	s0 =	simm.s32 @!p0 $0x0  }
0x12: {  	s1 =	sld [smem:$0x3F99];
	s0 =	simm.s32 @p0 $0x1  }
0x13: {  	[smem:$0x3FB4] =	sst s0;
	s0 =	simm.s32 @!p1 $0x0  }
0x14: {  	s2 =	sld [smem:$0x3F98];
	s0 =	simm.s32 @p1 $0x1  }
0x15: {  	[smem:$0x3FB5] =	sst s0;
	s0 =	simm.s32 @!p2 $0x0  }
0x16: {  	s3 =	sld [smem:$0x3FDB];
	s0 =	simm.s32 @p2 $0x1  }
0x17: {  	s4 =	simm.s32 $0x1BF5;
	[smem:$0x3FB7] =	sst s0  }
0x18: {  	s0 =	sld [smem:$0x3F9A];
	_ =	swait.ge [sflag:s4], $0x0  }
0x19: {  	s7 =	sld [smem:$0x3F9B]  }
0x1a: {  	s8 =	sadd.s32 $0xFFFFE003, lr  }
0x1b: {  	s9 =	sadd.s32 $0xFFFFFEF7, lr;
	s5 =	simm.s32 $0xFFFFFFFF;
	p2 =	slt.u32 s8, $0xFFFFF086  }
0x1c: {  	p1 =	slt.u32 s9, $0xF7A;
	s5 =	simm.s32 @!p2 $0x0  }
0x1d: {  	s5 =	simm.s32 @p1 $0x1;
	p0 =	seq.s32 s7, s2  }
0x1e: {  	s7 =	smul.u32 @!p0 $0xF7A, s2;
	p2 =	seq.s32 @!p0 s5, $0x0  }
0x1f: {  	s9 =	smul.u32 $0xF7A, s1;
	s8 =	simm.s32 @!p0 $0x1BF5;
	p2 =	por !p2, p0  }
0x20: {  	[sflag:s8] =	ssyncset.s32 @!p0 $0xFFFFF086;
	s6 =	sadd.s32 @!p0 s3, s7;
	s7 =	simm.s32 @!p0 $0x108  }
0x21: {  	s3 =	sadd.s32 s3, s9;
	s6 =	sadd.s32 @!p0 $0x88, s6;
	s7 =	simm.s32 @p2 $0x1082  }
0x22: {  	[simem:s7], [sflag:s8] =	dma.local @!p0 [hbm:s6], $0xF7A  }
0x23: {  	s9 =	sor.u32 $0xD0000000, s2;
	s6 =	simm.s32 $0x108;
	_ =	swait.ge @!p0 [sflag:s8], $0x0  }
0x24: {  	s3 =	sadd.s32 $0x88, s3;
	s6 =	simm.s32 @!p1 $0x1082;
	[sflag:s4] =	ssyncset.s32 $0xFFFFF086  }
0x25: {  	[simem:s6], [sflag:s4] =	dma.local [hbm:s3], $0xF7A  }
0x26: {  	[smem:$0x3F9B] =	sst s1;
	(tag) =	ssettag s2;
	_ =	strace s9  }
0x27: {  	s1 =	sld [smem:$0x3FAB]  }
0x28: {  	s2 =	sld [smem:$0x3FAC]  }
0x29: {  	s4 =	sld [smem:$0x3FAE]  }
0x2a: {  	p0 =	seq.s32 s5, $0x0;
	s5 =	sld [smem:$0x3FAF]  }
0x2b: {  	s6 =	sld [smem:$0x3FB0]  }
0x2c: {  	s7 =	sld [smem:$0x3FB1]  }
0x2d: {  	s3 =	simm.s32 $0x108;
	s8 =	sld [smem:$0x3FB2]  }
0x2e: {  	s3 =	simm.s32 @!p0 $0x1082;
	s9 =	sld [smem:$0x3FB3]  }
0x2f: {  	lr =	sadd.s32 s0, s3;
	s0 =	sld [smem:$0x3FAA]  }
0x30: {  	s3 =	sld [smem:$0x3FAD]  }
0x31: {  	[smem:$0x3FB6] =	sst s10  }
0x32: {  	s10 =	sld [smem:$0x3FB4];
	_ =	sdelay $0x3  }
0x33: {  	p0 =	seq.s32 s10, $0x1;
	s10 =	sld [smem:$0x3FB6];
	_ =	sdelay $0x3  }
0x34: {  	[smem:$0x3FB6] =	sst s10  }
0x35: {  	s10 =	sld [smem:$0x3FB5];
	_ =	sdelay $0x3  }
0x36: {  	p1 =	seq.s32 s10, $0x1;
	s10 =	sld [smem:$0x3FB6];
	_ =	sdelay $0x3  }
0x37: {  	[smem:$0x3FB6] =	sst s10  }
0x38: {  	s10 =	sld [smem:$0x3FB7]  }
0x39: {  	_ = 	snop;
	(pc) =	sbr.ind lr, $3  }
0x3a: {  	_ = 	snop  }
0x3b: {  	_ = 	snop  }
0x3c: {  	p2 =	seq.s32 s10, $0x1;
	s10 =	sld [smem:$0x3FB6]  }
0x3d: {  	_ =	shalt  }
0x3e: {  	_ =	shalt  }
0x3f: {  	_ =	shalt  }
0x40: {  	_ =	shalt  }
0x41: {  	_ =	shalt  }
0x42: {  	_ =	shalt  }
0x43: {  	_ =	shalt  }
0x44: {  	_ =	shalt  }
0x45: {  	_ =	shalt  }
0x46: {  	_ =	shalt  }
0x47: {  	_ =	shalt  }
0x48: {  	_ =	shalt  }
0x49: {  	_ =	shalt  }
0x4a: {  	_ =	shalt  }
0x4b: {  	_ =	shalt  }
0x4c: {  	_ =	shalt  }
0x4d: {  	_ =	shalt  }
0x4e: {  	_ =	shalt  }
0x4f: {  	_ =	shalt  }
0x50: {  	_ =	shalt  }
0x51: {  	_ =	shalt  }
0x52: {  	_ =	shalt  }
0x53: {  	_ =	shalt  }
0x54: {  	_ =	shalt  }
0x55: {  	_ =	shalt  }
0x56: {  	_ =	shalt  }
0x57: {  	_ =	shalt  }
0x58: {  	_ =	shalt  }
0x59: {  	_ =	shalt  }
0x5a: {  	_ =	shalt  }
0x5b: {  	_ =	shalt  }
0x5c: {  	_ =	shalt  }
0x5d: {  	_ =	shalt  }
0x5e: {  	_ =	shalt  }
0x5f: {  	_ =	shalt  }
0x60: {  	_ =	shalt  }
0x61: {  	_ =	shalt  }
0x62: {  	_ =	shalt  }
0x63: {  	_ =	shalt  }
0x64: {  	_ =	shalt  }
0x65: {  	_ =	shalt  }
0x66: {  	_ =	shalt  }
0x67: {  	_ =	shalt  }
0x68: {  	_ =	shalt  }
0x69: {  	_ =	shalt  }
0x6a: {  	_ =	shalt  }
0x6b: {  	_ =	shalt  }
0x6c: {  	_ =	shalt  }
0x6d: {  	_ =	shalt  }
0x6e: {  	_ =	shalt  }
0x6f: {  	_ =	shalt  }
0x70: {  	_ =	shalt  }
0x71: {  	_ =	shalt  }
0x72: {  	_ =	shalt  }
0x73: {  	_ =	shalt  }
0x74: {  	_ =	shalt  }
0x75: {  	_ =	shalt  }
0x76: {  	_ =	shalt  }
0x77: {  	_ =	shalt  }
0x78: {  	_ =	shalt  }
0x79: {  	_ =	shalt  }
0x7a: {  	_ =	shalt  }
0x7b: {  	_ =	shalt  }
0x7c: {  	_ =	shalt  }
0x7d: {  	_ =	shalt  }
0x7e: {  	_ =	shalt  }
0x7f: {  	_ =	shalt  }
0x80: {  	_ =	shalt  }
0x81: {  	_ =	shalt  }
0x82: {  	_ =	shalt  }
0x83: {  	_ =	shalt  }
0x84: {  	_ =	shalt  }
0x85: {  	_ =	shalt  }
0x86: {  	_ =	shalt  }
0x87: {  	_ =	shalt  }
.Lfunc_end0:
.L_simem_size_0:
called_computation_lowered:
.L_overlay_start_0:
0x88: {  	s2 =	sld [smem:$0x3FD9]  }
0x89: {  	s3 =	sld [smem:$0x3FFE];
	_ =	sdelay $0x1  }
0x8a: {  	s1 =	srdreg.scid  }
0x8b: {  	s0 =	sand.u32 $0x1, s1  }
0x8c: {  	s17 =	sshll.u32 s0, $0xA;
	s2 =	sadd.s32 s3, s2  }
0x8d: {  	s2 =	sadd.s32 s2, s17  }
0x8e: {  	[smem:$0x3FC2] =	sst s2  }
0x8f: {  	_ = 	snop  }
0x90: {  	s2 =	sld [smem:$0x3FD0];
	(tm) =	ssettm $0x1  }
0x91: {  	s18 =	sld [smem:$0x3FFB];
	_ =	sdelay $0x3  }
0x92: {  	_ =	strace s18  }
0x93: {  	s3 =	sld [smem:$0x3FFC];
	_ =	sdelay $0x3  }
0x94: {  	_ =	strace s3  }
0x95: {  	s3 =	sld [smem:$0x3FFD];
	_ =	sdelay $0x3  }
0x96: {  	_ =	strace s3  }
0x97: {  	_ =	strace $0x8FFFFFFF  }
0x98: {  	s19 =	sld [smem:$0x3FDB];
	_ =	sdelay $0x1  }
0x99: {  	s4 =	simm.s32 $_scs_section_size  }
0x9a: {  	s5 =	simm.s32 $_size__tile_overlayer_lowered;
	s6 =	simm.s32 $_tile_overlayer_lowered  }
0x9b: {  	s22 =	simm.s32 $0x1BFF;
	s21 =	sshll.u32 s6, $0x1;
	s3 =	sadd.s32 s4, s19  }
0x9c: {  	s7 =	simm.s32 $0x0;
	s20 =	sshll.u32 s5, $0x1;
	s5 =	sadd.s32 s21, s3  }
0x9d: {  	[timem:s7], [sflag:s22] =	dma.local [hbm:s5], s20  }
0x9e: {  	_ =	swait.ge [sflag:s22], s20  }
0x9f: {  	s4 =	ssub.s32 $0x0, s20;
	[sflag:s22] =	ssyncset.done $0x0  }
0xa0: {  	[sflag:s22] =	ssyncadd.s32 s4;
	_ =	sdelay $0x1  }
0xa1: {  	s23 =	simm.s32 $0x1B8B  }
0xa2: {  	_ =	swait.ge [sflag:s23], $0x1  }
0xa3: {  	[sflag:s23] =	ssyncset.done $0x0  }
0xa4: {  	s25 =	simm.s32 $0x1B8E;
	s24 =	sld [smem:$0x3FFE];
	[sflag:s23] =	ssyncadd.s32 $0xFFFFFFFF  }
0xa5: {  	s26 =	simm.s32 $execute0_lowered;
	[smem:$0x3FD2] =	sst s25  }
0xa6: {  	s5 =	sshll.u32 s26, $0x1;
	_ =	strace $0x80000046;
	[dreg:$0x1] =	wrdreg $0xFFFFFFFF  }
0xa7: {  	s28 =	simm.s32 $_size_execute0_lowered;
	s3 =	sadd.s32 s3, s5;
	[dreg:$0x0] =	wrdreg $0x0  }
0xa8: {  	s5 =	sshll.u32 s28, $0x1;
	[dreg:$0x2] =	wrdreg s3  }
0xa9: {  	[dreg:$0x3] =	wrdreg s5  }
0xaa: {  	[dreg:$0x4] =	wrdreg $0xC0  }
0xab: {  	_ =	task [dreg:s7], $0x5FFFF  }
0xac: {  	[dreg:$0x1] =	wrdreg $0xFFFFFFFF  }
0xad: {  	[dreg:$0x0] =	wrdreg $0x60  }
0xae: {  	[dreg:$0x2] =	wrdreg s24  }
0xaf: {  	[dreg:$0x3] =	wrdreg s2  }
0xb0: {  	[dreg:$0x4] =	wrdreg $0x0  }
0xb1: {  	[dreg:$0x5] =	wrdreg $0x9  }
0xb2: {  	_ =	task.clear_ibuf [dreg:s7], $0x6FFFF;
	_ =	strace $0x90000046  }
0xb3: {  	s29 =	simm.s32 $0x9;
	_ =	strace $0x80000048  }
0xb4: {  	_ =	swait.ge [sflag:s29], $0x1  }
0xb5: {  	[sflag:s29] =	ssyncadd.s32 $0xFFFFFFFF  }
0xb6: {  	_ =	strace $0x90000048  }
0xb7: {  	_ =	sfence  }
0xb8: {  	s30 =	sld [smem:$0x0];
	_ =	sdelay $0x2  }
0xb9: {  	s31 =	sshll.u32 s1, $0xD;
	s1 =	sshrl.u32 s1, $0x2  }
0xba: {  	s3 =	sand.u32 $0x4000, s31;
	s1 =	sadd.s32 s1, s30  }
0xbb: {  	s0 =	sor.u32 s3, s0;
	s1 =	sshll.u32 s1, $0x11  }
0xbc: {  	s0 =	sor.u32 s1, s0  }
0xbd: {  	s0 =	sadd.s32 $0x8F2B, s0  }
0xbe: {  	[sflag:s0] =	ssyncadd.remote.s32 $0x1  }
0xbf: {  	_ =	sfence.sel $0xFFFF  }
0xc0: {  	[dreg:$0x0] =	wrdreg $0xFFFFFFFF;
	(pc) =	sbr.abs _section_cstart, $3  }
0xc1: {  	[dreg:$0x1] =	wrdreg $0xFFFFFFFF  }
0xc2: {  	_ =	task.clear_ibuf [dreg:s7], $0x2FFFF;
	_ =	strace $0x9FFFFFFF  }
0xc3: {  	(tm) =	ssettm $0x7FFFFFFF  }
tec
execute0_lowered:
.L_overlay_start_1:
0x0: {  	(tag) =	ssettag $0x1  }
0x1: {  	s4 =	rddreg [dreg:$0x0]  }
0x2: {  	s6 =	rddreg [dreg:$0x1]  }
0x3: {  	s0 =	srdreg.scid;
	s2 =	rddreg [dreg:$0x2]  }
0x4: {  	s1 =	rddreg [dreg:$0x3];
	s3 =	simm.s32 $0x0;
	s13 =	simm.s32 $0x300  }
0x5: {  	s14 =	simm.s32 $0x380;
	s15 =	simm.s32 $0x80;
	s5 =	sand.u32 $0x1, s0  }
0x6: {  	s16 =	simm.s32 $0x400;
	s0 =	stileid.u32;
	s7 =	smul.u32 $0x2800, s5  }
0x7: {  	s17 =	simm.s32 $0x0;
	[smem:$0x7FF] =	sst s3;
	s10 =	smul.u32 $0x5000, s5  }
0x8: {  	s8 =	sshrl.u32 s0, $0x3;
	s9 =	sshll.u32 s0, $0x7;
	s29 =	smul.u32 $0xA00, s0  }
0x9: {  	_ =	strace $0x80000047;
	s5 =	ssub.s32 $0x2, s5;
	s8 =	smul.u32 $0x1400, s8  }
0xa: {  	s12 =	smul.u32 $0x500, s0;
	s28 =	sand.u32 $0x380, s9;
	s11 =	sshrl.u32 s5, $0x1  }
0xb: {  	s30 =	sadd.s32 s10, s4;
	s11 =	ssub.s32 s5, s11;
	s7 =	sadd.s32 s7, s8  }
0xc: {  	s31 =	sadd.s32 s10, s6;
	s10 =	simm.s32 $0x480;
	s7 =	sor.u32 s28, s7  }
0xd: {  	s8 =	sshrl.u32 s29, $0x2;
	s9 =	sadd.s32 s12, s30;
	s7 =	sshrl.u32 s7, $0x3  }
0xe: {  	s6 =	smax.u32 s11, $0x1;
	s11 =	simm.s32 $0x1;
	s7 =	sadd.s32 s7, s4  }
0xf: {  	s4 =	sadd.s32 s8, s2;
	s8 =	sadd.s32 s12, s31;
	s12 =	simm.s32 $0x280  }
0x10: {  	v0 =	vimm.f32 $1.000000000e+00;
	v1 =	vimm.f32 $0.0e+00;
	s5 =	sadd.s32 $0xDC00, s7;
	s7 =	sadd.s32 $0xE600, s9;
	s9 =	sadd.s32 $0x3C00, s9  }
.LBB2_1:
0x11: {  	[tilespmem:$0x400] =	vst v0  }
0x12: {  	[tilespmem:$0x410] =	vst v0  }
0x13: {  	[tilespmem:$0x420] =	vst v0  }
0x14: {  	[tilespmem:$0x430] =	vst v0  }
0x15: {  	[tilespmem:$0x440] =	vst v0  }
0x16: {  	[tilespmem:$0x450] =	vst v0  }
0x17: {  	[tilespmem:$0x460] =	vst v0  }
0x18: {  	[tilespmem:$0x470] =	vst v0  }
0x19: {  	[tilespmem:$0x480] =	vst v1  }
0x1a: {  	[tilespmem:$0x490] =	vst v1  }
0x1b: {  	[tilespmem:$0x4A0] =	vst v1  }
0x1c: {  	[tilespmem:$0x4B0] =	vst v1  }
0x1d: {  	[tilespmem:$0x4C0] =	vst v1  }
0x1e: {  	[tilespmem:$0x4D0] =	vst v1  }
0x1f: {  	[tilespmem:$0x4E0] =	vst v1  }
0x20: {  	[tilespmem:$0x4F0] =	vst v1  }
0x21: {  	[tilespmem:$0x500] =	vst v1  }
0x22: {  	[tilespmem:$0x510] =	vst v1  }
0x23: {  	[tilespmem:$0x520] =	vst v1  }
0x24: {  	[tilespmem:$0x530] =	vst v1  }
0x25: {  	[tilespmem:$0x540] =	vst v1  }
0x26: {  	[tilespmem:$0x550] =	vst v1  }
0x27: {  	[tilespmem:$0x560] =	vst v1  }
0x28: {  	[tilespmem:$0x570] =	vst v1  }
0x29: {  	[tilespmem:$0x580] =	vst v1  }
0x2a: {  	[tilespmem:$0x590] =	vst v1  }
0x2b: {  	[tilespmem:$0x5A0] =	vst v1  }
0x2c: {  	[tilespmem:$0x5B0] =	vst v1  }
0x2d: {  	[tilespmem:$0x5C0] =	vst v1  }
0x2e: {  	[tilespmem:$0x5D0] =	vst v1  }
0x2f: {  	[tilespmem:$0x5E0] =	vst v1  }
0x30: {  	[tilespmem:$0x5F0] =	vst v1  }
0x31: {  	[tilespmem:$0x600] =	vst v1  }
0x32: {  	[tilespmem:$0x610] =	vst v1  }
0x33: {  	[tilespmem:$0x620] =	vst v1  }
0x34: {  	[tilespmem:$0x630] =	vst v1  }
0x35: {  	[tilespmem:$0x640] =	vst v1  }
0x36: {  	[tilespmem:$0x650] =	vst v1  }
0x37: {  	[tilespmem:$0x660] =	vst v1  }
0x38: {  	[tilespmem:$0x670] =	vst v1  }
0x39: {  	[tilespmem:$0x680] =	vst v1  }
0x3a: {  	[tilespmem:$0x690] =	vst v1  }
0x3b: {  	[tilespmem:$0x6A0] =	vst v1  }
0x3c: {  	[tilespmem:$0x6B0] =	vst v1  }
0x3d: {  	[tilespmem:$0x6C0] =	vst v1  }
0x3e: {  	[tilespmem:$0x6D0] =	vst v1  }
0x3f: {  	[tilespmem:$0x6E0] =	vst v1  }
0x40: {  	[tilespmem:$0x6F0] =	vst v1  }
0x41: {  	[spmem:s4] =	stream.linear.scatter [tilespmem:s10], [sflag:$0x1], $0x280, $0x38;
	[tilespmem:$0x700] =	vst v63  }
0x42: {  	_ =	swait.ge [sflag:s11], $0x280  }
0x43: {  	[sflag:s11] =	ssyncset.done $0x0  }
0x44: {  	[sflag:s11] =	ssyncadd.s32 $0xFFFFFD80  }
0x45: {  	s18 =	sadd.s32 $0x0, s9;
	[bflag:$0x0] =	sbarrier.arrive $0xFFFF  }
0x46: {  	[tilespmem:s12], [sflag:$0x1] =	stream.linear.gather [hbm4b:s18+s3], $0x80, $0x38;
	[tilespmem:$0x700] =	vst v63  }
0x47: {  	_ =	swait.ge [sflag:s11], $0x80  }
0x48: {  	[sflag:s11] =	ssyncset.done $0x0  }
0x49: {  	s31 =	sadd.s32 $0x0, s8;
	[sflag:s11] =	ssyncadd.s32 $0xFFFFFF80  }
0x4a: {  	[tilespmem:s13], [sflag:$0x1] =	stream.linear.gather [hbm4b:s31+s3], $0x80, $0x38;
	[tilespmem:$0x700] =	vst v63  }
0x4b: {  	_ =	swait.ge [sflag:s11], $0x80  }
0x4c: {  	[sflag:s11] =	ssyncset.done $0x0  }
0x4d: {  	[sflag:s11] =	ssyncadd.s32 $0xFFFFFF80  }
0x4e: {  	v2 =	vld [tilespmem:$0x370]  }
0x4f: {  	v3 =	vld [tilespmem:$0x350]  }
0x50: {  	v8 =	vld [tilespmem:$0x330]  }
0x51: {  	v5 =	vld [tilespmem:$0x2C0]  }
0x52: {  	v11 =	vld [tilespmem:$0x2A0]  }
0x53: {  	v9 =	vld [tilespmem:$0x2B0]  }
0x54: {  	v12 =	vld [tilespmem:$0x320]  }
0x55: {  	v6 =	vld [tilespmem:$0x300]  }
0x56: {  	v7 =	vld [tilespmem:$0x360]  }
0x57: {  	v4 =	vld [tilespmem:$0x290]  }
0x58: {  	vm0 =	veq.s32 v9, v8;
	v9 =	vld [tilespmem:$0x2E0]  }
0x59: {  	v10 =	vld [tilespmem:$0x280];
	vm1 =	veq.s32 v11, v12;
	v8 =	vsel vm0, $0x2710, v8  }
0x5a: {  	v11 =	vsel vm1, $0x2710, v12;
	[tilespmem:$0x3B0] =	vst v8;
	v8 =	vld [tilespmem:$0x340]  }
0x5b: {  	s19 =	simm.s32 $0x10;
	s18 =	simm.s32 $0x0;
	[tilespmem:$0x3A0] =	vst v11;
	v11 =	vld [tilespmem:$0x2D0]  }
.LBB2_2:
0x5c: {  	p0 =	sne.s32 s19, $0x4F0;
	v12 =	vld [tilespmem:$0x2F0];
	s20 =	smov.u32 s19;
	s19 =	sadd.s32 $0x10, s19  }
0x5d: {  	v13 =	vld [tilespmem:$0x310];
	vm0 =	veq.s32 v9, v7  }
0x5e: {  	vm1 =	veq.s32 v10, v6;
	v7 =	vsel vm0, $0x2710, v7  }
0x5f: {  	v6 =	vsel vm1, $0x2710, v6;
	vm0 =	veq.s32 v5, v8;
	[tilespmem:$0x3E0] =	vst v7  }
0x60: {  	[tilespmem:$0x380] =	vst v6;
	v5 =	vsel vm0, $0x2710, v8;
	vm0 =	veq.s32 v11, v3  }
0x61: {  	[tilespmem:$0x3C0] =	vst v5;
	v3 =	vsel vm0, $0x2710, v3;
	vm0 =	veq.s32 v12, v2  }
0x62: {  	vm1 =	veq.s32 v4, v13;
	[tilespmem:$0x3D0] =	vst v3;
	v2 =	vsel vm0, $0x2710, v2  }
0x63: {  	v3 =	vsel vm1, $0x2710, v13;
	[tilespmem:$0x3F0] =	vst v2  }
0x64: {  	s21 =	sadd.s32 s18, s7;
	s18 =	smov.u32 s20;
	[tilespmem:$0x390] =	vst v3  }
0x65: {  	[hbm4b:s21+s3] =	stream.linear.scatter [tilespmem:s14], [sflag:$0x1], $0x80, $0x38;
	[tilespmem:$0x700] =	vst v63  }
0x66: {  	_ =	swait.ge [sflag:s11], $0x80  }
0x67: {  	[sflag:s11] =	ssyncset.done $0x0  }
0x68: {  	[sflag:s11] =	ssyncadd.s32 $0xFFFFFF80  }
0x69: {  	[spmem:s2] =	stream.indirect.scatter.add.f32 [tilespmem:s16], [sflag:$0x1], $0x1, s14, s15, $0xb8;
	[tilespmem:$0x700] =	vst v63  }
0x6a: {  	_ =	swait.ge [sflag:s11], $0x80  }
0x6b: {  	s20 =	sadd.s32 s18, s9;
	[sflag:s11] =	ssyncset.done $0x0  }
0x6c: {  	[sflag:s11] =	ssyncadd.s32 $0xFFFFFF80  }
0x6d: {  	[tilespmem:s12], [sflag:$0x1] =	stream.linear.gather [hbm4b:s20+s3], $0x80, $0x38;
	[tilespmem:$0x700] =	vst v63  }
0x6e: {  	_ =	swait.ge [sflag:s11], $0x80  }
0x6f: {  	[sflag:s11] =	ssyncset.done $0x0  }
0x70: {  	s20 =	sadd.s32 s18, s8;
	[sflag:s11] =	ssyncadd.s32 $0xFFFFFF80  }
0x71: {  	[tilespmem:s13], [sflag:$0x1] =	stream.linear.gather [hbm4b:s20+s3], $0x80, $0x38;
	[tilespmem:$0x700] =	vst v63  }
0x72: {  	_ =	swait.ge [sflag:s11], $0x80  }
0x73: {  	[sflag:s11] =	ssyncset.done $0x0  }
0x74: {  	[sflag:s11] =	ssyncadd.s32 $0xFFFFFF80  }
0x75: {  	v2 =	vld [tilespmem:$0x370]  }
0x76: {  	v3 =	vld [tilespmem:$0x350]  }
0x77: {  	v8 =	vld [tilespmem:$0x330]  }
0x78: {  	v5 =	vld [tilespmem:$0x2C0]  }
0x79: {  	v11 =	vld [tilespmem:$0x2A0]  }
0x7a: {  	v9 =	vld [tilespmem:$0x2B0]  }
0x7b: {  	v12 =	vld [tilespmem:$0x320]  }
0x7c: {  	v6 =	vld [tilespmem:$0x300]  }
0x7d: {  	v7 =	vld [tilespmem:$0x360]  }
.Ltmp0:
0x7e: {  	v4 =	vld [tilespmem:$0x290];
	(pc) =	sbr.rel @p0 .LBB2_2-.Ltmp0, $4  }
0x7f: {  	vm0 =	veq.s32 v9, v8;
	v9 =	vld [tilespmem:$0x2E0]  }
0x80: {  	v10 =	vld [tilespmem:$0x280];
	vm1 =	veq.s32 v11, v12;
	v8 =	vsel vm0, $0x2710, v8  }
0x81: {  	v11 =	vsel vm1, $0x2710, v12;
	[tilespmem:$0x3B0] =	vst v8;
	v8 =	vld [tilespmem:$0x340]  }
0x82: {  	[tilespmem:$0x3A0] =	vst v11;
	v11 =	vld [tilespmem:$0x2D0]  }
0x83: {  	v12 =	vld [tilespmem:$0x2F0]  }
0x84: {  	v13 =	vld [tilespmem:$0x310];
	vm0 =	veq.s32 v9, v7  }
0x85: {  	vm1 =	veq.s32 v10, v6;
	v7 =	vsel vm0, $0x2710, v7  }
0x86: {  	v6 =	vsel vm1, $0x2710, v6;
	vm12 =	veq.s32 v5, v8;
	[tilespmem:$0x3E0] =	vst v7  }
0x87: {  	[tilespmem:$0x380] =	vst v6;
	v5 =	vsel vm12, $0x2710, v8;
	vm13 =	veq.s32 v11, v3  }
0x88: {  	[tilespmem:$0x3C0] =	vst v5;
	v3 =	vsel vm13, $0x2710, v3;
	vm14 =	veq.s32 v12, v2  }
0x89: {  	vm15 =	veq.s32 v4, v13;
	[tilespmem:$0x3D0] =	vst v3;
	v2 =	vsel vm14, $0x2710, v2  }
0x8a: {  	v3 =	vsel vm15, $0x2710, v13;
	[tilespmem:$0x3F0] =	vst v2  }
0x8b: {  	s18 =	sadd.s32 s18, s7;
	[tilespmem:$0x390] =	vst v3  }
0x8c: {  	[hbm4b:s18+s3] =	stream.linear.scatter [tilespmem:s14], [sflag:$0x1], $0x80, $0x38;
	[tilespmem:$0x700] =	vst v63  }
0x8d: {  	_ =	swait.ge [sflag:s11], $0x80  }
0x8e: {  	[sflag:s11] =	ssyncset.done $0x0  }
0x8f: {  	[sflag:s11] =	ssyncadd.s32 $0xFFFFFF80  }
0x90: {  	[spmem:s2] =	stream.indirect.scatter.add.f32 [tilespmem:s16], [sflag:$0x1], $0x1, s14, s15, $0xb8;
	[tilespmem:$0x700] =	vst v63  }
0x91: {  	_ =	swait.ge [sflag:s11], $0x80  }
0x92: {  	[sflag:s11] =	ssyncset.done $0x0  }
0x93: {  	[sflag:s11] =	ssyncadd.s32 $0xFFFFFF80  }
0x94: {  	[bflag:$0x0] =	sbarrier.arrive $0xFFFF  }
0x95: {  	[tilespmem:s10], [sflag:$0x1] =	stream.linear.gather [spmem:s4], $0x280, $0x38;
	[tilespmem:$0x700] =	vst v63  }
0x96: {  	s17 =	sadd.s32 $0x1, s17;
	_ =	swait.ge [sflag:s11], $0x280  }
0x97: {  	p0 =	sne.s32 s17, s6;
	[sflag:s11] =	ssyncset.done $0x0  }
.Ltmp1:
0x98: {  	[sflag:s11] =	ssyncadd.s32 $0xFFFFFD80;
	(pc) =	sbr.rel @p0 .LBB2_1-.Ltmp1, $4  }
0x99: {  	[hbm4b:s5+s15] =	stream.strided.scatter [tilespmem:s10], [sflag:$0x1], $0x280, s16, s15, $0x38;
	[tilespmem:$0x700] =	vst v63  }
0x9a: {  	_ =	swait.ge [sflag:s11], $0x280  }
0x9b: {  	[sflag:s11] =	ssyncset.done $0x0  }
0x9c: {  	[sflag:s11] =	ssyncadd.s32 $0xFFFFFD80  }
0x9d: {  	_ =	sfence.sel $0x180000  }
0x9e: {  	[bflag:$0x0] =	sbarrier.arrive $0xFFFF  }
0x9f: {  	p0 =	sne.s32 s0, $0x0;
	_ =	strace $0x90000047  }
0xa0: {  	s0 =	sadd.s32 @!p0 $0x100000, s1;
	[bflag:$0x2] =	sbarrier.arrive $0xFFFF  }
0xa1: {  	[sflag:s0] =	ssyncadd.tile.s32 @!p0 $0x1;
	_ =	shalt  }
.Lfunc_end2:
_tile_overlayer_lowered:
.L_overlay_start_2:
0xa2: {  	(tag) =	ssettag $0x2  }
0xa3: {  	s0 =	rddreg [dreg:$0x0];
	s2 =	stileid.u32  }
0xa4: {  	s1 =	rddreg [dreg:$0x1];
	p0 =	sne.s32 s2, $0x0  }
0xa5: {  	s3 =	rddreg [dreg:$0x2];
	[bflag:$0x3] =	sbarrier.arrive $0xFFFF;
	s2 =	simm.s32 @!p0 $0x1C01  }
0xa6: {  	[timem:s3], [sflag:s2] =	dma.local @!p0 [hbm:s0], s1  }
0xa7: {  	s0 =	simm.s32 @!p0 $0x1  }
0xa8: {  	_ =	swait.ge @!p0 [sflag:s0], s1  }
0xa9: {  	s1 =	ssub.s32 @!p0 $0x0, s1;
	[sflag:s0] =	ssyncset.done @!p0 $0x0  }
0xaa: {  	[sflag:s0] =	ssyncadd.s32 @!p0 s1  }
0xab: {  	[bflag:$0x3] =	sbarrier.arrive $0xFFFF  }
0xac: {  	_ =	shalt  }

// kernel: kernel.17.cloned.1.call-start
scs
__scs_entry_jumppad:
0x0: {  	(pc) =	sbr.rel $0x88, $3  }
0x1: {  	(tag) =	ssettag $0x0;
	lr =	simm.s32 $0x1  }
0x2: {  	[smem:$0x3F9B] =	sst lr;
	_ =	strace $0xD0000000  }
0x3: {  	_ = 	snop  }
0x4: {  	_ = 	snop  }
0x5: {  	_ = 	snop  }
0x6: {  	_ = 	snop  }
0x7: {  	_ = 	snop  }
__scs_overlays_trampoline_lowered:
0x8: {  	[smem:$0x3FAA] =	sst s0  }
0x9: {  	[smem:$0x3FAB] =	sst s1  }
0xa: {  	[smem:$0x3FAC] =	sst s2  }
0xb: {  	[smem:$0x3FAD] =	sst s3  }
0xc: {  	[smem:$0x3FAE] =	sst s4  }
0xd: {  	[smem:$0x3FAF] =	sst s5  }
0xe: {  	[smem:$0x3FB0] =	sst s6  }
0xf: {  	[smem:$0x3FB1] =	sst s7  }
0x10: {  	[smem:$0x3FB2] =	sst s8  }
0x11: {  	[smem:$0x3FB3] =	sst s9;
	s0 =	simm.s32 @!p0 $0x0  }
0x12: {  	s1 =	sld [smem:$0x3F99];
	s0 =	simm.s32 @p0 $0x1  }
0x13: {  	[smem:$0x3FB4] =	sst s0;
	s0 =	simm.s32 @!p1 $0x0  }
0x14: {  	s2 =	sld [smem:$0x3F98];
	s0 =	simm.s32 @p1 $0x1  }
0x15: {  	[smem:$0x3FB5] =	sst s0;
	s0 =	simm.s32 @!p2 $0x0  }
0x16: {  	s3 =	sld [smem:$0x3FDB];
	s0 =	simm.s32 @p2 $0x1  }
0x17: {  	s4 =	simm.s32 $0x1BF5;
	[smem:$0x3FB7] =	sst s0  }
0x18: {  	s0 =	sld [smem:$0x3F9A];
	_ =	swait.ge [sflag:s4], $0x0  }
0x19: {  	s7 =	sld [smem:$0x3F9B]  }
0x1a: {  	s8 =	sadd.s32 $0xFFFFE003, lr  }
0x1b: {  	s9 =	sadd.s32 $0xFFFFFEF7, lr;
	s5 =	simm.s32 $0xFFFFFFFF;
	p2 =	slt.u32 s8, $0xFFFFF086  }
0x1c: {  	p1 =	slt.u32 s9, $0xF7A;
	s5 =	simm.s32 @!p2 $0x0  }
0x1d: {  	s5 =	simm.s32 @p1 $0x1;
	p0 =	seq.s32 s7, s2  }
0x1e: {  	s7 =	smul.u32 @!p0 $0xF7A, s2;
	p2 =	seq.s32 @!p0 s5, $0x0  }
0x1f: {  	s9 =	smul.u32 $0xF7A, s1;
	s8 =	simm.s32 @!p0 $0x1BF5;
	p2 =	por !p2, p0  }
0x20: {  	[sflag:s8] =	ssyncset.s32 @!p0 $0xFFFFF086;
	s6 =	sadd.s32 @!p0 s3, s7;
	s7 =	simm.s32 @!p0 $0x108  }
0x21: {  	s3 =	sadd.s32 s3, s9;
	s6 =	sadd.s32 @!p0 $0x88, s6;
	s7 =	simm.s32 @p2 $0x1082  }
0x22: {  	[simem:s7], [sflag:s8] =	dma.local @!p0 [hbm:s6], $0xF7A  }
0x23: {  	s9 =	sor.u32 $0xD0000000, s2;
	s6 =	simm.s32 $0x108;
	_ =	swait.ge @!p0 [sflag:s8], $0x0  }
0x24: {  	s3 =	sadd.s32 $0x88, s3;
	s6 =	simm.s32 @!p1 $0x1082;
	[sflag:s4] =	ssyncset.s32 $0xFFFFF086  }
0x25: {  	[simem:s6], [sflag:s4] =	dma.local [hbm:s3], $0xF7A  }
0x26: {  	[smem:$0x3F9B] =	sst s1;
	(tag) =	ssettag s2;
	_ =	strace s9  }
0x27: {  	s1 =	sld [smem:$0x3FAB]  }
0x28: {  	s2 =	sld [smem:$0x3FAC]  }
0x29: {  	s4 =	sld [smem:$0x3FAE]  }
0x2a: {  	p0 =	seq.s32 s5, $0x0;
	s5 =	sld [smem:$0x3FAF]  }
0x2b: {  	s6 =	sld [smem:$0x3FB0]  }
0x2c: {  	s7 =	sld [smem:$0x3FB1]  }
0x2d: {  	s3 =	simm.s32 $0x108;
	s8 =	sld [smem:$0x3FB2]  }
0x2e: {  	s3 =	simm.s32 @!p0 $0x1082;
	s9 =	sld [smem:$0x3FB3]  }
0x2f: {  	lr =	sadd.s32 s0, s3;
	s0 =	sld [smem:$0x3FAA]  }
0x30: {  	s3 =	sld [smem:$0x3FAD]  }
0x31: {  	[smem:$0x3FB6] =	sst s10  }
0x32: {  	s10 =	sld [smem:$0x3FB4];
	_ =	sdelay $0x3  }
0x33: {  	p0 =	seq.s32 s10, $0x1;
	s10 =	sld [smem:$0x3FB6];
	_ =	sdelay $0x3  }
0x34: {  	[smem:$0x3FB6] =	sst s10  }
0x35: {  	s10 =	sld [smem:$0x3FB5];
	_ =	sdelay $0x3  }
0x36: {  	p1 =	seq.s32 s10, $0x1;
	s10 =	sld [smem:$0x3FB6];
	_ =	sdelay $0x3  }
0x37: {  	[smem:$0x3FB6] =	sst s10  }
0x38: {  	s10 =	sld [smem:$0x3FB7]  }
0x39: {  	_ = 	snop;
	(pc) =	sbr.ind lr, $3  }
0x3a: {  	_ = 	snop  }
0x3b: {  	_ = 	snop  }
0x3c: {  	p2 =	seq.s32 s10, $0x1;
	s10 =	sld [smem:$0x3FB6]  }
0x3d: {  	_ =	shalt  }
0x3e: {  	_ =	shalt  }
0x3f: {  	_ =	shalt  }
0x40: {  	_ =	shalt  }
0x41: {  	_ =	shalt  }
0x42: {  	_ =	shalt  }
0x43: {  	_ =	shalt  }
0x44: {  	_ =	shalt  }
0x45: {  	_ =	shalt  }
0x46: {  	_ =	shalt  }
0x47: {  	_ =	shalt  }
0x48: {  	_ =	shalt  }
0x49: {  	_ =	shalt  }
0x4a: {  	_ =	shalt  }
0x4b: {  	_ =	shalt  }
0x4c: {  	_ =	shalt  }
0x4d: {  	_ =	shalt  }
0x4e: {  	_ =	shalt  }
0x4f: {  	_ =	shalt  }
0x50: {  	_ =	shalt  }
0x51: {  	_ =	shalt  }
0x52: {  	_ =	shalt  }
0x53: {  	_ =	shalt  }
0x54: {  	_ =	shalt  }
0x55: {  	_ =	shalt  }
0x56: {  	_ =	shalt  }
0x57: {  	_ =	shalt  }
0x58: {  	_ =	shalt  }
0x59: {  	_ =	shalt  }
0x5a: {  	_ =	shalt  }
0x5b: {  	_ =	shalt  }
0x5c: {  	_ =	shalt  }
0x5d: {  	_ =	shalt  }
0x5e: {  	_ =	shalt  }
0x5f: {  	_ =	shalt  }
0x60: {  	_ =	shalt  }
0x61: {  	_ =	shalt  }
0x62: {  	_ =	shalt  }
0x63: {  	_ =	shalt  }
0x64: {  	_ =	shalt  }
0x65: {  	_ =	shalt  }
0x66: {  	_ =	shalt  }
0x67: {  	_ =	shalt  }
0x68: {  	_ =	shalt  }
0x69: {  	_ =	shalt  }
0x6a: {  	_ =	shalt  }
0x6b: {  	_ =	shalt  }
0x6c: {  	_ =	shalt  }
0x6d: {  	_ =	shalt  }
0x6e: {  	_ =	shalt  }
0x6f: {  	_ =	shalt  }
0x70: {  	_ =	shalt  }
0x71: {  	_ =	shalt  }
0x72: {  	_ =	shalt  }
0x73: {  	_ =	shalt  }
0x74: {  	_ =	shalt  }
0x75: {  	_ =	shalt  }
0x76: {  	_ =	shalt  }
0x77: {  	_ =	shalt  }
0x78: {  	_ =	shalt  }
0x79: {  	_ =	shalt  }
0x7a: {  	_ =	shalt  }
0x7b: {  	_ =	shalt  }
0x7c: {  	_ =	shalt  }
0x7d: {  	_ =	shalt  }
0x7e: {  	_ =	shalt  }
0x7f: {  	_ =	shalt  }
0x80: {  	_ =	shalt  }
0x81: {  	_ =	shalt  }
0x82: {  	_ =	shalt  }
0x83: {  	_ =	shalt  }
0x84: {  	_ =	shalt  }
0x85: {  	_ =	shalt  }
0x86: {  	_ =	shalt  }
0x87: {  	_ =	shalt  }
.Lfunc_end0:
.L_simem_size_0:
called_computation.1_lowered:
.L_overlay_start_0:
0x88: {  	s2 =	sld [smem:$0x3FD9]  }
0x89: {  	s3 =	sld [smem:$0x3FFE];
	_ =	sdelay $0x1  }
0x8a: {  	s1 =	srdreg.scid  }
0x8b: {  	s0 =	sand.u32 $0x1, s1  }
0x8c: {  	s17 =	sshll.u32 s0, $0xA;
	s2 =	sadd.s32 s3, s2  }
0x8d: {  	s2 =	sadd.s32 s2, s17  }
0x8e: {  	[smem:$0x3FC2] =	sst s2  }
0x8f: {  	_ = 	snop  }
0x90: {  	s2 =	sld [smem:$0x3FD0];
	(tm) =	ssettm $0x1  }
0x91: {  	s18 =	sld [smem:$0x3FFB];
	_ =	sdelay $0x3  }
0x92: {  	_ =	strace s18  }
0x93: {  	s3 =	sld [smem:$0x3FFC];
	_ =	sdelay $0x3  }
0x94: {  	_ =	strace s3  }
0x95: {  	s3 =	sld [smem:$0x3FFD];
	_ =	sdelay $0x3  }
0x96: {  	_ =	strace s3  }
0x97: {  	_ =	strace $0x8FFFFFFF  }
0x98: {  	s19 =	sld [smem:$0x3FDB];
	_ =	sdelay $0x1  }
0x99: {  	s4 =	simm.s32 $_scs_section_size  }
0x9a: {  	s5 =	simm.s32 $_size__tile_overlayer_lowered;
	s6 =	simm.s32 $_tile_overlayer_lowered  }
0x9b: {  	s22 =	simm.s32 $0x1BFF;
	s21 =	sshll.u32 s6, $0x1;
	s3 =	sadd.s32 s4, s19  }
0x9c: {  	s7 =	simm.s32 $0x0;
	s20 =	sshll.u32 s5, $0x1;
	s5 =	sadd.s32 s21, s3  }
0x9d: {  	[timem:s7], [sflag:s22] =	dma.local [hbm:s5], s20  }
0x9e: {  	_ =	swait.ge [sflag:s22], s20  }
0x9f: {  	s4 =	ssub.s32 $0x0, s20;
	[sflag:s22] =	ssyncset.done $0x0  }
0xa0: {  	[sflag:s22] =	ssyncadd.s32 s4;
	_ =	sdelay $0x1  }
0xa1: {  	s23 =	simm.s32 $0x1B8B  }
0xa2: {  	_ =	swait.ge [sflag:s23], $0x1  }
0xa3: {  	[sflag:s23] =	ssyncset.done $0x0  }
0xa4: {  	s25 =	simm.s32 $0x1B8E;
	s24 =	sld [smem:$0x3FFE];
	[sflag:s23] =	ssyncadd.s32 $0xFFFFFFFF  }
0xa5: {  	s26 =	simm.s32 $execute0_lowered;
	[smem:$0x3FD2] =	sst s25  }
0xa6: {  	s5 =	sshll.u32 s26, $0x1;
	_ =	strace $0x80000049;
	[dreg:$0x1] =	wrdreg $0xFFFFFFFF  }
0xa7: {  	s28 =	simm.s32 $_size_execute0_lowered;
	s3 =	sadd.s32 s3, s5;
	[dreg:$0x0] =	wrdreg $0x0  }
0xa8: {  	s5 =	sshll.u32 s28, $0x1;
	[dreg:$0x2] =	wrdreg s3  }
0xa9: {  	[dreg:$0x3] =	wrdreg s5  }
0xaa: {  	[dreg:$0x4] =	wrdreg $0xC0  }
0xab: {  	_ =	task [dreg:s7], $0x5FFFF  }
0xac: {  	[dreg:$0x1] =	wrdreg $0xFFFFFFFF  }
0xad: {  	[dreg:$0x0] =	wrdreg $0x60  }
0xae: {  	[dreg:$0x2] =	wrdreg s24  }
0xaf: {  	[dreg:$0x3] =	wrdreg s2  }
0xb0: {  	[dreg:$0x4] =	wrdreg $0x0  }
0xb1: {  	[dreg:$0x5] =	wrdreg $0x9  }
0xb2: {  	_ =	task.clear_ibuf [dreg:s7], $0x6FFFF;
	_ =	strace $0x90000049  }
0xb3: {  	s29 =	simm.s32 $0x9;
	_ =	strace $0x8000004B  }
0xb4: {  	_ =	swait.ge [sflag:s29], $0x1  }
0xb5: {  	[sflag:s29] =	ssyncadd.s32 $0xFFFFFFFF  }
0xb6: {  	_ =	strace $0x9000004B  }
0xb7: {  	_ =	sfence  }
0xb8: {  	s30 =	sld [smem:$0x0];
	_ =	sdelay $0x2  }
0xb9: {  	s31 =	sshll.u32 s1, $0xD;
	s1 =	sshrl.u32 s1, $0x2  }
0xba: {  	s3 =	sand.u32 $0x4000, s31;
	s1 =	sadd.s32 s1, s30  }
0xbb: {  	s0 =	sor.u32 s3, s0;
	s1 =	sshll.u32 s1, $0x11  }
0xbc: {  	s0 =	sor.u32 s1, s0  }
0xbd: {  	s0 =	sadd.s32 $0x8F2B, s0  }
0xbe: {  	[sflag:s0] =	ssyncadd.remote.s32 $0x1  }
0xbf: {  	_ =	sfence.sel $0xFFFF  }
0xc0: {  	[dreg:$0x0] =	wrdreg $0xFFFFFFFF;
	(pc) =	sbr.abs _section_cstart, $3  }
0xc1: {  	[dreg:$0x1] =	wrdreg $0xFFFFFFFF  }
0xc2: {  	_ =	task.clear_ibuf [dreg:s7], $0x2FFFF;
	_ =	strace $0x9FFFFFFF  }
0xc3: {  	(tm) =	ssettm $0x7FFFFFFF  }
tec
execute0_lowered:
.L_overlay_start_1:
0x0: {  	(tag) =	ssettag $0x1  }
0x1: {  	s0 =	rddreg [dreg:$0x0]  }
0x2: {  	s1 =	rddreg [dreg:$0x1]  }
0x3: {  	s2 =	rddreg [dreg:$0x2];
	s4 =	simm.s32 $0x0  }
0x4: {  	s3 =	srdreg.scid;
	s20 =	stileid.u32;
	s28 =	simm.s32 $0x80  }
0x5: {  	s29 =	simm.s32 $0x1C100;
	s30 =	simm.s32 $0x1;
	s31 =	simm.s32 $0x1C080  }
0x6: {  	[smem:$0x7FF] =	sst s4;
	s3 =	sand.u32 $0x1, s3;
	s6 =	smul.u32 $0x50000, s20  }
0x7: {  	s10 =	sadd.s32 $0x3C00, s0;
	s11 =	sadd.s32 $0xE600, s0;
	s12 =	smul.u32 $0x14000, s20  }
0x8: {  	s0 =	sadd.s32 $0x18600, s0;
	s22 =	smul.u32 $0x2800, s20;
	_ =	strace $0x8000004A  }
0x9: {  	s5 =	ssub.s32 $0x2, s3;
	s8 =	sshll.u32 s3, $0x4;
	s19 =	smul.u32 $0x140000, s3  }
0xa: {  	s3 =	smul.u32 $0x28000, s3;
	s7 =	sshrl.u32 s5, $0x1;
	s6 =	sshrl.u32 s6, $0x2  }
0xb: {  	s24 =	sor.u32 s20, s8;
	s14 =	sadd.s32 $0x4000, s12;
	s15 =	sadd.s32 $0x8000, s12  }
0xc: {  	s16 =	sadd.s32 $0xC000, s12;
	s17 =	sadd.s32 $0x10000, s12;
	s13 =	ssub.s32 s5, s7  }
0xd: {  	s5 =	sadd.s32 s6, s2;
	s8 =	smul.u32 $0x2800, s24;
	s6 =	sadd.s32 s14, s2  }
0xe: {  	s7 =	sadd.s32 s15, s2;
	s9 =	sadd.s32 s17, s2;
	s12 =	sadd.s32 s12, s19  }
0xf: {  	s14 =	sadd.s32 s19, s14;
	s26 =	sadd.s32 s19, s15;
	s12 =	sshrl.u32 s12, $0x3  }
0x10: {  	s25 =	sshrl.u32 s14, $0x3;
	s18 =	sshrl.u32 s8, $0x3;
	s12 =	sadd.s32 s0, s12  }
0x11: {  	s15 =	sshrl.u32 s26, $0x3;
	s21 =	sadd.s32 s10, s18;
	[dreg:$0x8] =	wrdreg s12  }
0x12: {  	s14 =	simm.s32 $0x4;
	s18 =	sadd.s32 s11, s18;
	[dreg:$0x4] =	wrdreg s21  }
0x13: {  	s8 =	sadd.s32 s16, s2;
	s12 =	sadd.s32 s0, s25;
	[dreg:$0x5] =	wrdreg s18  }
0x14: {  	s25 =	sadd.s32 s22, s3;
	s21 =	sadd.s32 $0x10, s21;
	[dreg:$0x9] =	wrdreg s12  }
0x15: {  	s18 =	sadd.s32 $0x4F0, s18;
	s12 =	sadd.s32 s0, s15;
	[dreg:$0x6] =	wrdreg s21  }
0x16: {  	s3 =	sor.u32 $0x180, s25;
	s26 =	sor.u32 $0x100, s25;
	[dreg:$0x7] =	wrdreg s18  }
0x17: {  	s18 =	sadd.s32 s19, s16;
	s21 =	sadd.s32 s19, s17;
	[dreg:$0xa] =	wrdreg s12  }
0x18: {  	s19 =	smax.u32 s13, $0x1;
	s3 =	sshrl.u32 s3, $0x3;
	s12 =	sshrl.u32 s26, $0x3  }
0x19: {  	s26 =	simm.s32 $0x1C000;
	s13 =	simm.s32 $0x3;
	s23 =	sshrl.u32 s18, $0x3  }
0x1a: {  	s24 =	sshrl.u32 s21, $0x3;
	s20 =	sadd.s32 s3, s10;
	s21 =	sadd.s32 s12, s11  }
0x1b: {  	s22 =	sadd.s32 s12, s10;
	s3 =	simm.s32 $0x1C180;
	s12 =	simm.s32 $0x2  }
0x1c: {  	s17 =	sadd.s32 s0, s23;
	s18 =	sadd.s32 s0, s24;
	s0 =	sor.u32 $0x80, s25  }
0x1d: {  	s10 =	simm.s32 $0x0;
	s24 =	simm.s32 $0x14000;
	s0 =	sshrl.u32 s0, $0x3  }
0x1e: {  	v0 =	vimm.f32 $0.0e+00;
	s25 =	simm.s32 $0x5;
	s23 =	sadd.s32 s0, s11;
	s0 =	simm.s32 $0x18000  }
.LBB2_1:
0x1f: {  	s15 =	simm.s32 $0x0;
	s11 =	simm.s32 $0x200  }
.LBB2_2:
0x20: {  	p0 =	sne.s32 s11, $0xFE00;
	[tilespmem:s15+$0x14070] =	vst v0  }
0x21: {  	[tilespmem:s15+$0x14000] =	vst v0  }
0x22: {  	[tilespmem:s15+$0x14010] =	vst v0  }
.Ltmp0:
0x23: {  	[tilespmem:s15+$0x14020] =	vst v0;
	(pc) =	sbr.rel @p0 .LBB2_2-.Ltmp0, $4  }
0x24: {  	[tilespmem:s15+$0x14030] =	vst v0  }
0x25: {  	[tilespmem:s15+$0x14040] =	vst v0  }
0x26: {  	[tilespmem:s15+$0x14050] =	vst v0  }
0x27: {  	[tilespmem:s15+$0x14060] =	vst v0;
	s15 =	sshra.s32 s11, $0x2;
	s11 =	sadd.s32 $0x200, s11  }
0x28: {  	[tilespmem:s15+$0x14070] =	vst v0  }
0x29: {  	[tilespmem:s15+$0x14000] =	vst v0  }
0x2a: {  	[tilespmem:s15+$0x14010] =	vst v0  }
0x2b: {  	[tilespmem:s15+$0x14020] =	vst v0  }
0x2c: {  	[tilespmem:s15+$0x14030] =	vst v0  }
0x2d: {  	[tilespmem:s15+$0x14040] =	vst v0  }
0x2e: {  	[tilespmem:s15+$0x14050] =	vst v0  }
0x2f: {  	[tilespmem:s15+$0x14060] =	vst v0  }
0x30: {  	[spmem:s5] =	stream.linear.scatter [tilespmem:s24], [sflag:$0x5], $0x4000, $0x38;
	[tilespmem:$0x1C200] =	vst v63  }
0x31: {  	_ =	swait.ge [sflag:s25], $0x4000  }
0x32: {  	[sflag:s25] =	ssyncset.done $0x0  }
0x33: {  	[sflag:s25] =	ssyncadd.s32 $0xFFFFC000  }
0x34: {  	[spmem:s6] =	stream.linear.scatter [tilespmem:s24], [sflag:$0x5], $0x4000, $0x38;
	[tilespmem:$0x1C200] =	vst v63  }
0x35: {  	_ =	swait.ge [sflag:s25], $0x4000  }
0x36: {  	[sflag:s25] =	ssyncset.done $0x0  }
0x37: {  	[sflag:s25] =	ssyncadd.s32 $0xFFFFC000  }
0x38: {  	[spmem:s7] =	stream.linear.scatter [tilespmem:s24], [sflag:$0x5], $0x4000, $0x38;
	[tilespmem:$0x1C200] =	vst v63  }
0x39: {  	_ =	swait.ge [sflag:s25], $0x4000  }
0x3a: {  	[sflag:s25] =	ssyncset.done $0x0  }
0x3b: {  	[sflag:s25] =	ssyncadd.s32 $0xFFFFC000  }
0x3c: {  	[spmem:s8] =	stream.linear.scatter [tilespmem:s24], [sflag:$0x5], $0x4000, $0x38;
	[tilespmem:$0x1C200] =	vst v63  }
0x3d: {  	_ =	swait.ge [sflag:s25], $0x4000  }
0x3e: {  	[sflag:s25] =	ssyncset.done $0x0  }
0x3f: {  	[sflag:s25] =	ssyncadd.s32 $0xFFFFC000  }
0x40: {  	[spmem:s9] =	stream.linear.scatter [tilespmem:s24], [sflag:$0x5], $0x4000, $0x38;
	[tilespmem:$0x1C200] =	vst v63  }
0x41: {  	_ =	swait.ge [sflag:s25], $0x4000  }
0x42: {  	[sflag:s25] =	ssyncset.done $0x0  }
0x43: {  	[sflag:s25] =	ssyncadd.s32 $0xFFFFC000  }
0x44: {  	[bflag:$0x0] =	sbarrier.arrive $0xFFFF  }
0x45: {  	s11 =	simm.s32 $0x0;
	s16 =	rddreg [dreg:$0x4]  }
0x46: {  	[tilespmem:s26], [sflag:$0x5] =	stream.linear.gather [hbm4b:s16+s11], $0x80, $0x38;
	[tilespmem:$0x1C200] =	vst v63  }
0x47: {  	_ =	swait.ge [sflag:s25], $0x80  }
0x48: {  	[sflag:s25] =	ssyncset.done $0x0  }
0x49: {  	[sflag:s25] =	ssyncadd.s32 $0xFFFFFF80  }
0x4a: {  	[tilespmem:s24], [sflag:$0x1] =	stream.indirect.gather [hbm4b:s1+s28], $0x80, s26, s28, $0xb8;
	[tilespmem:$0x1C200] =	vst v63  }
0x4b: {  	s16 =	rddreg [dreg:$0x5]  }
0x4c: {  	[tilespmem:s29], [sflag:$0x5] =	stream.linear.gather [hbm4b:s16+s11], $0x80, $0x38;
	[tilespmem:$0x1C200] =	vst v63  }
0x4d: {  	_ =	swait.ge [sflag:s25], $0x80  }
0x4e: {  	[sflag:s25] =	ssyncset.done $0x0  }
0x4f: {  	[sflag:s25] =	ssyncadd.s32 $0xFFFFFF80  }
0x50: {  	_ =	swait.ge [sflag:s30], $0x4000  }
0x51: {  	[sflag:s30] =	ssyncset.done $0x0  }
0x52: {  	[sflag:s30] =	ssyncadd.s32 $0xFFFFC000  }
0x53: {  	[spmem:s2] =	stream.indirect.scatter.add.f32 [tilespmem:s24], [sflag:$0x3], $0x80, s29, s28, $0xb8;
	[tilespmem:$0x1C200] =	vst v63  }
0x54: {  	s16 =	rddreg [dreg:$0x6]  }
0x55: {  	[tilespmem:s31], [sflag:$0x5] =	stream.linear.gather [hbm4b:s16+s11], $0x80, $0x38;
	[tilespmem:$0x1C200] =	vst v63  }
0x56: {  	_ =	swait.ge [sflag:s25], $0x80  }
0x57: {  	[sflag:s25] =	ssyncset.done $0x0  }
0x58: {  	[sflag:s25] =	ssyncadd.s32 $0xFFFFFF80  }
0x59: {  	[tilespmem:s0], [sflag:$0x2] =	stream.indirect.gather [hbm4b:s1+s28], $0x80, s31, s28, $0xb8;
	[tilespmem:$0x1C200] =	vst v63  }
0x5a: {  	s15 =	sadd.s32 $0x0, s23  }
0x5b: {  	[tilespmem:s3], [sflag:$0x5] =	stream.linear.gather [hbm4b:s15+s4], $0x80, $0x38;
	[tilespmem:$0x1C200] =	vst v63  }
0x5c: {  	_ =	swait.ge [sflag:s25], $0x80  }
0x5d: {  	[sflag:s25] =	ssyncset.done $0x0  }
0x5e: {  	[sflag:s25] =	ssyncadd.s32 $0xFFFFFF80  }
0x5f: {  	_ =	swait.ge [sflag:s12], $0x4000  }
0x60: {  	[sflag:s12] =	ssyncset.done $0x0  }
0x61: {  	[sflag:s12] =	ssyncadd.s32 $0xFFFFC000  }
0x62: {  	[spmem:s2] =	stream.indirect.scatter.add.f32 [tilespmem:s0], [sflag:$0x4], $0x80, s3, s28, $0xb8;
	[tilespmem:$0x1C200] =	vst v63  }
0x63: {  	s16 =	sadd.s32 $0x0, s22  }
0x64: {  	[tilespmem:s26], [sflag:$0x5] =	stream.linear.gather [hbm4b:s16+s4], $0x80, $0x38;
	[tilespmem:$0x1C200] =	vst v63  }
0x65: {  	_ =	swait.ge [sflag:s25], $0x80  }
0x66: {  	[sflag:s25] =	ssyncset.done $0x0  }
0x67: {  	[sflag:s25] =	ssyncadd.s32 $0xFFFFFF80  }
0x68: {  	_ =	swait.ge [sflag:s13], $0x4000  }
0x69: {  	[sflag:s13] =	ssyncset.done $0x0  }
0x6a: {  	[sflag:s13] =	ssyncadd.s32 $0xFFFFC000  }
0x6b: {  	[tilespmem:s24], [sflag:$0x1] =	stream.indirect.gather [hbm4b:s1+s28], $0x80, s26, s28, $0xb8;
	[tilespmem:$0x1C200] =	vst v63  }
0x6c: {  	s15 =	sadd.s32 $0x0, s21  }
0x6d: {  	[tilespmem:s29], [sflag:$0x5] =	stream.linear.gather [hbm4b:s15+s4], $0x80, $0x38;
	[tilespmem:$0x1C200] =	vst v63  }
0x6e: {  	_ =	swait.ge [sflag:s25], $0x80  }
0x6f: {  	[sflag:s25] =	ssyncset.done $0x0  }
0x70: {  	[sflag:s25] =	ssyncadd.s32 $0xFFFFFF80  }
0x71: {  	_ =	swait.ge [sflag:s30], $0x4000  }
0x72: {  	[sflag:s30] =	ssyncset.done $0x0  }
0x73: {  	[sflag:s30] =	ssyncadd.s32 $0xFFFFC000  }
0x74: {  	[spmem:s2] =	stream.indirect.scatter.add.f32 [tilespmem:s24], [sflag:$0x3], $0x80, s29, s28, $0xb8;
	[tilespmem:$0x1C200] =	vst v63  }
0x75: {  	s16 =	sadd.s32 $0x0, s20  }
0x76: {  	[tilespmem:s31], [sflag:$0x5] =	stream.linear.gather [hbm4b:s16+s4], $0x80, $0x38;
	[tilespmem:$0x1C200] =	vst v63  }
0x77: {  	_ =	swait.ge [sflag:s25], $0x80  }
0x78: {  	[sflag:s25] =	ssyncset.done $0x0  }
0x79: {  	[sflag:s25] =	ssyncadd.s32 $0xFFFFFF80  }
0x7a: {  	_ =	swait.ge [sflag:s14], $0x4000  }
0x7b: {  	[sflag:s14] =	ssyncset.done $0x0  }
0x7c: {  	s15 =	simm.s32 $0x20;
	[sflag:s14] =	ssyncadd.s32 $0xFFFFC000  }
.LBB2_4:
0x7d: {  	[tilespmem:s0], [sflag:$0x2] =	stream.indirect.gather [hbm4b:s1+s28], $0x80, s31, s28, $0xb8;
	[tilespmem:$0x1C200] =	vst v63  }
0x7e: {  	s11 =	smov.u32 s15  }
0x7f: {  	p0 =	sne.s32 s15, $0x4C0;
	s15 =	sadd.s32 $0x20, s15;
	s16 =	sadd.s32 s11, s23  }
0x80: {  	[tilespmem:s3], [sflag:$0x5] =	stream.linear.gather [hbm4b:s16+s4], $0x80, $0x38;
	[tilespmem:$0x1C200] =	vst v63  }
0x81: {  	_ =	swait.ge [sflag:s25], $0x80  }
0x82: {  	[sflag:s25] =	ssyncset.done $0x0  }
0x83: {  	[sflag:s25] =	ssyncadd.s32 $0xFFFFFF80  }
0x84: {  	_ =	swait.ge [sflag:s12], $0x4000  }
0x85: {  	[sflag:s12] =	ssyncset.done $0x0  }
0x86: {  	[sflag:s12] =	ssyncadd.s32 $0xFFFFC000  }
0x87: {  	[spmem:s2] =	stream.indirect.scatter.add.f32 [tilespmem:s0], [sflag:$0x4], $0x80, s3, s28, $0xb8;
	[tilespmem:$0x1C200] =	vst v63  }
0x88: {  	s16 =	sadd.s32 s11, s22  }
0x89: {  	[tilespmem:s26], [sflag:$0x5] =	stream.linear.gather [hbm4b:s16+s4], $0x80, $0x38;
	[tilespmem:$0x1C200] =	vst v63  }
0x8a: {  	_ =	swait.ge [sflag:s25], $0x80  }
0x8b: {  	[sflag:s25] =	ssyncset.done $0x0  }
0x8c: {  	[sflag:s25] =	ssyncadd.s32 $0xFFFFFF80  }
0x8d: {  	_ =	swait.ge [sflag:s13], $0x4000  }
0x8e: {  	[sflag:s13] =	ssyncset.done $0x0  }
0x8f: {  	[sflag:s13] =	ssyncadd.s32 $0xFFFFC000  }
0x90: {  	[tilespmem:s24], [sflag:$0x1] =	stream.indirect.gather [hbm4b:s1+s28], $0x80, s26, s28, $0xb8;
	[tilespmem:$0x1C200] =	vst v63  }
0x91: {  	s16 =	sadd.s32 s11, s21  }
0x92: {  	[tilespmem:s29], [sflag:$0x5] =	stream.linear.gather [hbm4b:s16+s4], $0x80, $0x38;
	[tilespmem:$0x1C200] =	vst v63  }
0x93: {  	_ =	swait.ge [sflag:s25], $0x80  }
0x94: {  	[sflag:s25] =	ssyncset.done $0x0  }
0x95: {  	[sflag:s25] =	ssyncadd.s32 $0xFFFFFF80  }
0x96: {  	_ =	swait.ge [sflag:s30], $0x4000  }
0x97: {  	[sflag:s30] =	ssyncset.done $0x0  }
0x98: {  	[sflag:s30] =	ssyncadd.s32 $0xFFFFC000  }
0x99: {  	[spmem:s2] =	stream.indirect.scatter.add.f32 [tilespmem:s24], [sflag:$0x3], $0x80, s29, s28, $0xb8;
	[tilespmem:$0x1C200] =	vst v63  }
0x9a: {  	s11 =	sadd.s32 s11, s20  }
0x9b: {  	[tilespmem:s31], [sflag:$0x5] =	stream.linear.gather [hbm4b:s11+s4], $0x80, $0x38;
	[tilespmem:$0x1C200] =	vst v63  }
0x9c: {  	_ =	swait.ge [sflag:s25], $0x80  }
.Ltmp1:
0x9d: {  	[sflag:s25] =	ssyncset.done $0x0;
	(pc) =	sbr.rel @p0 .LBB2_4-.Ltmp1, $4  }
0x9e: {  	[sflag:s25] =	ssyncadd.s32 $0xFFFFFF80  }
0x9f: {  	_ =	swait.ge [sflag:s14], $0x4000  }
0xa0: {  	[sflag:s14] =	ssyncset.done $0x0  }
0xa1: {  	[sflag:s14] =	ssyncadd.s32 $0xFFFFC000  }
0xa2: {  	[tilespmem:s0], [sflag:$0x2] =	stream.indirect.gather [hbm4b:s1+s28], $0x80, s31, s28, $0xb8;
	[tilespmem:$0x1C200] =	vst v63  }
0xa3: {  	s11 =	rddreg [dreg:$0x7]  }
0xa4: {  	[tilespmem:s3], [sflag:$0x5] =	stream.linear.gather [hbm4b:s11+s4], $0x80, $0x38;
	[tilespmem:$0x1C200] =	vst v63  }
0xa5: {  	_ =	swait.ge [sflag:s25], $0x80  }
0xa6: {  	[sflag:s25] =	ssyncset.done $0x0  }
0xa7: {  	[sflag:s25] =	ssyncadd.s32 $0xFFFFFF80  }
0xa8: {  	_ =	swait.ge [sflag:s12], $0x4000  }
0xa9: {  	[sflag:s12] =	ssyncset.done $0x0  }
0xaa: {  	[sflag:s12] =	ssyncadd.s32 $0xFFFFC000  }
0xab: {  	[spmem:s2] =	stream.indirect.scatter.add.f32 [tilespmem:s0], [sflag:$0x4], $0x80, s3, s28, $0xb8;
	[tilespmem:$0x1C200] =	vst v63  }
0xac: {  	_ =	swait.ge [sflag:s13], $0x4000  }
0xad: {  	[sflag:s13] =	ssyncset.done $0x0  }
0xae: {  	[sflag:s13] =	ssyncadd.s32 $0xFFFFC000  }
0xaf: {  	_ =	swait.ge [sflag:s14], $0x4000  }
0xb0: {  	[sflag:s14] =	ssyncset.done $0x0  }
0xb1: {  	[sflag:s14] =	ssyncadd.s32 $0xFFFFC000  }
0xb2: {  	[bflag:$0x0] =	sbarrier.arrive $0xFFFF  }
0xb3: {  	[tilespmem:s24], [sflag:$0x5] =	stream.linear.gather [spmem:s5], $0x4000, $0x38;
	[tilespmem:$0x1C200] =	vst v63  }
0xb4: {  	_ =	swait.ge [sflag:s25], $0x4000  }
0xb5: {  	[sflag:s25] =	ssyncset.done $0x0  }
0xb6: {  	s16 =	rddreg [dreg:$0x8];
	[sflag:s25] =	ssyncadd.s32 $0xFFFFC000  }
0xb7: {  	[hbm4b:s16+s4] =	stream.linear.scatter [tilespmem:s24], [sflag:$0x5], $0x4000, $0x38;
	[tilespmem:$0x1C200] =	vst v63  }
0xb8: {  	_ =	swait.ge [sflag:s25], $0x4000  }
0xb9: {  	[sflag:s25] =	ssyncset.done $0x0  }
0xba: {  	[sflag:s25] =	ssyncadd.s32 $0xFFFFC000  }
0xbb: {  	[tilespmem:s24], [sflag:$0x5] =	stream.linear.gather [spmem:s6], $0x4000, $0x38;
	[tilespmem:$0x1C200] =	vst v63  }
0xbc: {  	_ =	swait.ge [sflag:s25], $0x4000  }
0xbd: {  	[sflag:s25] =	ssyncset.done $0x0  }
0xbe: {  	s15 =	rddreg [dreg:$0x9];
	[sflag:s25] =	ssyncadd.s32 $0xFFFFC000  }
0xbf: {  	[hbm4b:s15+s4] =	stream.linear.scatter [tilespmem:s24], [sflag:$0x5], $0x4000, $0x38;
	[tilespmem:$0x1C200] =	vst v63  }
0xc0: {  	_ =	swait.ge [sflag:s25], $0x4000  }
0xc1: {  	[sflag:s25] =	ssyncset.done $0x0  }
0xc2: {  	[sflag:s25] =	ssyncadd.s32 $0xFFFFC000  }
0xc3: {  	[tilespmem:s24], [sflag:$0x5] =	stream.linear.gather [spmem:s7], $0x4000, $0x38;
	[tilespmem:$0x1C200] =	vst v63  }
0xc4: {  	_ =	swait.ge [sflag:s25], $0x4000  }
0xc5: {  	[sflag:s25] =	ssyncset.done $0x0  }
0xc6: {  	s16 =	rddreg [dreg:$0xa];
	[sflag:s25] =	ssyncadd.s32 $0xFFFFC000  }
0xc7: {  	[hbm4b:s16+s4] =	stream.linear.scatter [tilespmem:s24], [sflag:$0x5], $0x4000, $0x38;
	[tilespmem:$0x1C200] =	vst v63  }
0xc8: {  	_ =	swait.ge [sflag:s25], $0x4000  }
0xc9: {  	[sflag:s25] =	ssyncset.done $0x0  }
0xca: {  	[sflag:s25] =	ssyncadd.s32 $0xFFFFC000  }
0xcb: {  	[tilespmem:s24], [sflag:$0x5] =	stream.linear.gather [spmem:s8], $0x4000, $0x38;
	[tilespmem:$0x1C200] =	vst v63  }
0xcc: {  	_ =	swait.ge [sflag:s25], $0x4000  }
0xcd: {  	[sflag:s25] =	ssyncset.done $0x0  }
0xce: {  	[sflag:s25] =	ssyncadd.s32 $0xFFFFC000  }
0xcf: {  	[hbm4b:s17+s4] =	stream.linear.scatter [tilespmem:s24], [sflag:$0x5], $0x4000, $0x38;
	[tilespmem:$0x1C200] =	vst v63  }
0xd0: {  	_ =	swait.ge [sflag:s25], $0x4000  }
0xd1: {  	[sflag:s25] =	ssyncset.done $0x0  }
0xd2: {  	[sflag:s25] =	ssyncadd.s32 $0xFFFFC000  }
0xd3: {  	[tilespmem:s24], [sflag:$0x5] =	stream.linear.gather [spmem:s9], $0x4000, $0x38;
	[tilespmem:$0x1C200] =	vst v63  }
0xd4: {  	s10 =	sadd.s32 $0x1, s10;
	_ =	swait.ge [sflag:s25], $0x4000  }
0xd5: {  	p0 =	sne.s32 s10, s19;
	[sflag:s25] =	ssyncset.done $0x0  }
.Ltmp2:
0xd6: {  	[sflag:s25] =	ssyncadd.s32 $0xFFFFC000;
	(pc) =	sbr.rel @p0 .LBB2_1-.Ltmp2, $4  }
0xd7: {  	[hbm4b:s18+s4] =	stream.linear.scatter [tilespmem:s24], [sflag:$0x5], $0x4000, $0x38;
	[tilespmem:$0x1C200] =	vst v63  }
0xd8: {  	_ =	swait.ge [sflag:s25], $0x4000  }
0xd9: {  	[sflag:s25] =	ssyncset.done $0x0  }
0xda: {  	[sflag:s25] =	ssyncadd.s32 $0xFFFFC000  }
0xdb: {  	_ =	sfence.sel $0x180000  }
0xdc: {  	[bflag:$0x0] =	sbarrier.arrive $0xFFFF  }
0xdd: {  	_ =	strace $0x9000004A  }
0xde: {  	s0 =	stileid.u32;
	[bflag:$0x2] =	sbarrier.arrive $0xFFFF  }
0xdf: {  	p0 =	sne.s32 s0, $0x0;
	s0 =	rddreg [dreg:$0x3]  }
0xe0: {  	s0 =	sadd.s32 @!p0 $0x100000, s0  }
0xe1: {  	[sflag:s0] =	ssyncadd.tile.s32 @!p0 $0x1;
	_ =	shalt  }
.Lfunc_end2:
_tile_overlayer_lowered:
.L_overlay_start_2:
0xe2: {  	(tag) =	ssettag $0x2  }
0xe3: {  	s0 =	rddreg [dreg:$0x0];
	s2 =	stileid.u32  }
0xe4: {  	s1 =	rddreg [dreg:$0x1];
	p0 =	sne.s32 s2, $0x0  }
0xe5: {  	s3 =	rddreg [dreg:$0x2];
	[bflag:$0x3] =	sbarrier.arrive $0xFFFF;
	s2 =	simm.s32 @!p0 $0x1C05  }
0xe6: {  	[timem:s3], [sflag:s2] =	dma.local @!p0 [hbm:s0], s1  }
0xe7: {  	s0 =	simm.s32 @!p0 $0x5  }
0xe8: {  	_ =	swait.ge @!p0 [sflag:s0], s1  }
0xe9: {  	s1 =	ssub.s32 @!p0 $0x0, s1;
	[sflag:s0] =	ssyncset.done @!p0 $0x0  }
0xea: {  	[sflag:s0] =	ssyncadd.s32 @!p0 s1  }
0xeb: {  	[bflag:$0x3] =	sbarrier.arrive $0xFFFF  }
0xec: {  	_ =	shalt  }

// kernel: kernel.20.cloned.1.call-start
scs
__scs_entry_jumppad:
0x0: {  	(pc) =	sbr.rel $0x88, $3  }
0x1: {  	(tag) =	ssettag $0x0;
	lr =	simm.s32 $0x1  }
0x2: {  	[smem:$0x3F9B] =	sst lr;
	_ =	strace $0xD0000000  }
0x3: {  	_ = 	snop  }
0x4: {  	_ = 	snop  }
0x5: {  	_ = 	snop  }
0x6: {  	_ = 	snop  }
0x7: {  	_ = 	snop  }
__scs_overlays_trampoline_lowered:
0x8: {  	[smem:$0x3FAA] =	sst s0  }
0x9: {  	[smem:$0x3FAB] =	sst s1  }
0xa: {  	[smem:$0x3FAC] =	sst s2  }
0xb: {  	[smem:$0x3FAD] =	sst s3  }
0xc: {  	[smem:$0x3FAE] =	sst s4  }
0xd: {  	[smem:$0x3FAF] =	sst s5  }
0xe: {  	[smem:$0x3FB0] =	sst s6  }
0xf: {  	[smem:$0x3FB1] =	sst s7  }
0x10: {  	[smem:$0x3FB2] =	sst s8  }
0x11: {  	[smem:$0x3FB3] =	sst s9;
	s0 =	simm.s32 @!p0 $0x0  }
0x12: {  	s1 =	sld [smem:$0x3F99];
	s0 =	simm.s32 @p0 $0x1  }
0x13: {  	[smem:$0x3FB4] =	sst s0;
	s0 =	simm.s32 @!p1 $0x0  }
0x14: {  	s2 =	sld [smem:$0x3F98];
	s0 =	simm.s32 @p1 $0x1  }
0x15: {  	[smem:$0x3FB5] =	sst s0;
	s0 =	simm.s32 @!p2 $0x0  }
0x16: {  	s3 =	sld [smem:$0x3FDB];
	s0 =	simm.s32 @p2 $0x1  }
0x17: {  	s4 =	simm.s32 $0x1BF5;
	[smem:$0x3FB7] =	sst s0  }
0x18: {  	s0 =	sld [smem:$0x3F9A];
	_ =	swait.ge [sflag:s4], $0x0  }
0x19: {  	s7 =	sld [smem:$0x3F9B]  }
0x1a: {  	s8 =	sadd.s32 $0xFFFFE003, lr  }
0x1b: {  	s9 =	sadd.s32 $0xFFFFFEF7, lr;
	s5 =	simm.s32 $0xFFFFFFFF;
	p2 =	slt.u32 s8, $0xFFFFF086  }
0x1c: {  	p1 =	slt.u32 s9, $0xF7A;
	s5 =	simm.s32 @!p2 $0x0  }
0x1d: {  	s5 =	simm.s32 @p1 $0x1;
	p0 =	seq.s32 s7, s2  }
0x1e: {  	s7 =	smul.u32 @!p0 $0xF7A, s2;
	p2 =	seq.s32 @!p0 s5, $0x0  }
0x1f: {  	s9 =	smul.u32 $0xF7A, s1;
	s8 =	simm.s32 @!p0 $0x1BF5;
	p2 =	por !p2, p0  }
0x20: {  	[sflag:s8] =	ssyncset.s32 @!p0 $0xFFFFF086;
	s6 =	sadd.s32 @!p0 s3, s7;
	s7 =	simm.s32 @!p0 $0x108  }
0x21: {  	s3 =	sadd.s32 s3, s9;
	s6 =	sadd.s32 @!p0 $0x88, s6;
	s7 =	simm.s32 @p2 $0x1082  }
0x22: {  	[simem:s7], [sflag:s8] =	dma.local @!p0 [hbm:s6], $0xF7A  }
0x23: {  	s9 =	sor.u32 $0xD0000000, s2;
	s6 =	simm.s32 $0x108;
	_ =	swait.ge @!p0 [sflag:s8], $0x0  }
0x24: {  	s3 =	sadd.s32 $0x88, s3;
	s6 =	simm.s32 @!p1 $0x1082;
	[sflag:s4] =	ssyncset.s32 $0xFFFFF086  }
0x25: {  	[simem:s6], [sflag:s4] =	dma.local [hbm:s3], $0xF7A  }
0x26: {  	[smem:$0x3F9B] =	sst s1;
	(tag) =	ssettag s2;
	_ =	strace s9  }
0x27: {  	s1 =	sld [smem:$0x3FAB]  }
0x28: {  	s2 =	sld [smem:$0x3FAC]  }
0x29: {  	s4 =	sld [smem:$0x3FAE]  }
0x2a: {  	p0 =	seq.s32 s5, $0x0;
	s5 =	sld [smem:$0x3FAF]  }
0x2b: {  	s6 =	sld [smem:$0x3FB0]  }
0x2c: {  	s7 =	sld [smem:$0x3FB1]  }
0x2d: {  	s3 =	simm.s32 $0x108;
	s8 =	sld [smem:$0x3FB2]  }
0x2e: {  	s3 =	simm.s32 @!p0 $0x1082;
	s9 =	sld [smem:$0x3FB3]  }
0x2f: {  	lr =	sadd.s32 s0, s3;
	s0 =	sld [smem:$0x3FAA]  }
0x30: {  	s3 =	sld [smem:$0x3FAD]  }
0x31: {  	[smem:$0x3FB6] =	sst s10  }
0x32: {  	s10 =	sld [smem:$0x3FB4];
	_ =	sdelay $0x3  }
0x33: {  	p0 =	seq.s32 s10, $0x1;
	s10 =	sld [smem:$0x3FB6];
	_ =	sdelay $0x3  }
0x34: {  	[smem:$0x3FB6] =	sst s10  }
0x35: {  	s10 =	sld [smem:$0x3FB5];
	_ =	sdelay $0x3  }
0x36: {  	p1 =	seq.s32 s10, $0x1;
	s10 =	sld [smem:$0x3FB6];
	_ =	sdelay $0x3  }
0x37: {  	[smem:$0x3FB6] =	sst s10  }
0x38: {  	s10 =	sld [smem:$0x3FB7]  }
0x39: {  	_ = 	snop;
	(pc) =	sbr.ind lr, $3  }
0x3a: {  	_ = 	snop  }
0x3b: {  	_ = 	snop  }
0x3c: {  	p2 =	seq.s32 s10, $0x1;
	s10 =	sld [smem:$0x3FB6]  }
0x3d: {  	_ =	shalt  }
0x3e: {  	_ =	shalt  }
0x3f: {  	_ =	shalt  }
0x40: {  	_ =	shalt  }
0x41: {  	_ =	shalt  }
0x42: {  	_ =	shalt  }
0x43: {  	_ =	shalt  }
0x44: {  	_ =	shalt  }
0x45: {  	_ =	shalt  }
0x46: {  	_ =	shalt  }
0x47: {  	_ =	shalt  }
0x48: {  	_ =	shalt  }
0x49: {  	_ =	shalt  }
0x4a: {  	_ =	shalt  }
0x4b: {  	_ =	shalt  }
0x4c: {  	_ =	shalt  }
0x4d: {  	_ =	shalt  }
0x4e: {  	_ =	shalt  }
0x4f: {  	_ =	shalt  }
0x50: {  	_ =	shalt  }
0x51: {  	_ =	shalt  }
0x52: {  	_ =	shalt  }
0x53: {  	_ =	shalt  }
0x54: {  	_ =	shalt  }
0x55: {  	_ =	shalt  }
0x56: {  	_ =	shalt  }
0x57: {  	_ =	shalt  }
0x58: {  	_ =	shalt  }
0x59: {  	_ =	shalt  }
0x5a: {  	_ =	shalt  }
0x5b: {  	_ =	shalt  }
0x5c: {  	_ =	shalt  }
0x5d: {  	_ =	shalt  }
0x5e: {  	_ =	shalt  }
0x5f: {  	_ =	shalt  }
0x60: {  	_ =	shalt  }
0x61: {  	_ =	shalt  }
0x62: {  	_ =	shalt  }
0x63: {  	_ =	shalt  }
0x64: {  	_ =	shalt  }
0x65: {  	_ =	shalt  }
0x66: {  	_ =	shalt  }
0x67: {  	_ =	shalt  }
0x68: {  	_ =	shalt  }
0x69: {  	_ =	shalt  }
0x6a: {  	_ =	shalt  }
0x6b: {  	_ =	shalt  }
0x6c: {  	_ =	shalt  }
0x6d: {  	_ =	shalt  }
0x6e: {  	_ =	shalt  }
0x6f: {  	_ =	shalt  }
0x70: {  	_ =	shalt  }
0x71: {  	_ =	shalt  }
0x72: {  	_ =	shalt  }
0x73: {  	_ =	shalt  }
0x74: {  	_ =	shalt  }
0x75: {  	_ =	shalt  }
0x76: {  	_ =	shalt  }
0x77: {  	_ =	shalt  }
0x78: {  	_ =	shalt  }
0x79: {  	_ =	shalt  }
0x7a: {  	_ =	shalt  }
0x7b: {  	_ =	shalt  }
0x7c: {  	_ =	shalt  }
0x7d: {  	_ =	shalt  }
0x7e: {  	_ =	shalt  }
0x7f: {  	_ =	shalt  }
0x80: {  	_ =	shalt  }
0x81: {  	_ =	shalt  }
0x82: {  	_ =	shalt  }
0x83: {  	_ =	shalt  }
0x84: {  	_ =	shalt  }
0x85: {  	_ =	shalt  }
0x86: {  	_ =	shalt  }
0x87: {  	_ =	shalt  }
.Lfunc_end0:
.L_simem_size_0:
called_computation.2_lowered:
.L_overlay_start_0:
0x88: {  	s2 =	sld [smem:$0x3FD9]  }
0x89: {  	s3 =	sld [smem:$0x3FFE];
	_ =	sdelay $0x1  }
0x8a: {  	s1 =	srdreg.scid  }
0x8b: {  	s0 =	sand.u32 $0x1, s1  }
0x8c: {  	s17 =	sshll.u32 s0, $0xA;
	s2 =	sadd.s32 s3, s2  }
0x8d: {  	s2 =	sadd.s32 s2, s17  }
0x8e: {  	[smem:$0x3FC2] =	sst s2  }
0x8f: {  	_ = 	snop  }
0x90: {  	s2 =	sld [smem:$0x3FD0];
	(tm) =	ssettm $0x1  }
0x91: {  	s18 =	sld [smem:$0x3FFB];
	_ =	sdelay $0x3  }
0x92: {  	_ =	strace s18  }
0x93: {  	s3 =	sld [smem:$0x3FFC];
	_ =	sdelay $0x3  }
0x94: {  	_ =	strace s3  }
0x95: {  	s3 =	sld [smem:$0x3FFD];
	_ =	sdelay $0x3  }
0x96: {  	_ =	strace s3  }
0x97: {  	_ =	strace $0x8FFFFFFF  }
0x98: {  	s19 =	sld [smem:$0x3FDB];
	_ =	sdelay $0x1  }
0x99: {  	s4 =	simm.s32 $_scs_section_size  }
0x9a: {  	s5 =	simm.s32 $_size__tile_overlayer_lowered;
	s6 =	simm.s32 $_tile_overlayer_lowered  }
0x9b: {  	s22 =	simm.s32 $0x1BFF;
	s21 =	sshll.u32 s6, $0x1;
	s3 =	sadd.s32 s4, s19  }
0x9c: {  	s7 =	simm.s32 $0x0;
	s20 =	sshll.u32 s5, $0x1;
	s5 =	sadd.s32 s21, s3  }
0x9d: {  	[timem:s7], [sflag:s22] =	dma.local [hbm:s5], s20  }
0x9e: {  	_ =	swait.ge [sflag:s22], s20  }
0x9f: {  	s4 =	ssub.s32 $0x0, s20;
	[sflag:s22] =	ssyncset.done $0x0  }
0xa0: {  	[sflag:s22] =	ssyncadd.s32 s4;
	_ =	sdelay $0x1  }
0xa1: {  	s23 =	simm.s32 $0x1B8B  }
0xa2: {  	_ =	swait.ge [sflag:s23], $0x1  }
0xa3: {  	[sflag:s23] =	ssyncset.done $0x0  }
0xa4: {  	s25 =	simm.s32 $0x1B8E;
	s24 =	sld [smem:$0x3FFE];
	[sflag:s23] =	ssyncadd.s32 $0xFFFFFFFF  }
0xa5: {  	s26 =	simm.s32 $execute0_lowered;
	[smem:$0x3FD2] =	sst s25  }
0xa6: {  	s5 =	sshll.u32 s26, $0x1;
	_ =	strace $0x8000004C;
	[dreg:$0x1] =	wrdreg $0xFFFFFFFF  }
0xa7: {  	s28 =	simm.s32 $_size_execute0_lowered;
	s3 =	sadd.s32 s3, s5;
	[dreg:$0x0] =	wrdreg $0x0  }
0xa8: {  	s5 =	sshll.u32 s28, $0x1;
	[dreg:$0x2] =	wrdreg s3  }
0xa9: {  	[dreg:$0x3] =	wrdreg s5  }
0xaa: {  	[dreg:$0x4] =	wrdreg $0xC0  }
0xab: {  	_ =	task [dreg:s7], $0x5FFFF  }
0xac: {  	[dreg:$0x1] =	wrdreg $0xFFFFFFFF  }
0xad: {  	[dreg:$0x0] =	wrdreg $0x60  }
0xae: {  	[dreg:$0x2] =	wrdreg s24  }
0xaf: {  	[dreg:$0x3] =	wrdreg s2  }
0xb0: {  	[dreg:$0x4] =	wrdreg $0x0  }
0xb1: {  	[dreg:$0x5] =	wrdreg $0x9  }
0xb2: {  	_ =	task.clear_ibuf [dreg:s7], $0x6FFFF;
	_ =	strace $0x9000004C  }
0xb3: {  	s29 =	simm.s32 $0x9;
	_ =	strace $0x8000004E  }
0xb4: {  	_ =	swait.ge [sflag:s29], $0x1  }
0xb5: {  	[sflag:s29] =	ssyncadd.s32 $0xFFFFFFFF  }
0xb6: {  	_ =	strace $0x9000004E  }
0xb7: {  	_ =	sfence  }
0xb8: {  	s30 =	sld [smem:$0x0];
	_ =	sdelay $0x2  }
0xb9: {  	s31 =	sshll.u32 s1, $0xD;
	s1 =	sshrl.u32 s1, $0x2  }
0xba: {  	s3 =	sand.u32 $0x4000, s31;
	s1 =	sadd.s32 s1, s30  }
0xbb: {  	s0 =	sor.u32 s3, s0;
	s1 =	sshll.u32 s1, $0x11  }
0xbc: {  	s0 =	sor.u32 s1, s0  }
0xbd: {  	s0 =	sadd.s32 $0x8F2B, s0  }
0xbe: {  	[sflag:s0] =	ssyncadd.remote.s32 $0x1  }
0xbf: {  	_ =	sfence.sel $0xFFFF  }
0xc0: {  	[dreg:$0x0] =	wrdreg $0xFFFFFFFF;
	(pc) =	sbr.abs _section_cstart, $3  }
0xc1: {  	[dreg:$0x1] =	wrdreg $0xFFFFFFFF  }
0xc2: {  	_ =	task.clear_ibuf [dreg:s7], $0x2FFFF;
	_ =	strace $0x9FFFFFFF  }
0xc3: {  	(tm) =	ssettm $0x7FFFFFFF  }
tec
execute0_lowered:
.L_overlay_start_1:
0x0: {  	(tag) =	ssettag $0x1  }
0x1: {  	s0 =	rddreg [dreg:$0x0]  }
0x2: {  	s1 =	rddreg [dreg:$0x1]  }
0x3: {  	s2 =	rddreg [dreg:$0x2];
	s4 =	simm.s32 $0x0  }
0x4: {  	s3 =	srdreg.scid;
	s20 =	stileid.u32;
	s28 =	simm.s32 $0x80  }
0x5: {  	s29 =	simm.s32 $0x1C100;
	s30 =	simm.s32 $0x1;
	s31 =	simm.s32 $0x1C080  }
0x6: {  	[smem:$0x7FF] =	sst s4;
	s3 =	sand.u32 $0x1, s3;
	s6 =	smul.u32 $0x50000, s20  }
0x7: {  	s10 =	sadd.s32 $0x3C00, s0;
	s11 =	sadd.s32 $0xE600, s0;
	s12 =	smul.u32 $0x14000, s20  }
0x8: {  	s0 =	sadd.s32 $0x18600, s0;
	s22 =	smul.u32 $0x2800, s20;
	_ =	strace $0x8000004D  }
0x9: {  	s5 =	ssub.s32 $0x2, s3;
	s8 =	sshll.u32 s3, $0x4;
	s19 =	smul.u32 $0x140000, s3  }
0xa: {  	s3 =	smul.u32 $0x28000, s3;
	s7 =	sshrl.u32 s5, $0x1;
	s6 =	sshrl.u32 s6, $0x2  }
0xb: {  	s24 =	sor.u32 s20, s8;
	s14 =	sadd.s32 $0x4000, s12;
	s15 =	sadd.s32 $0x8000, s12  }
0xc: {  	s16 =	sadd.s32 $0xC000, s12;
	s17 =	sadd.s32 $0x10000, s12;
	s13 =	ssub.s32 s5, s7  }
0xd: {  	s5 =	sadd.s32 s6, s2;
	s8 =	smul.u32 $0x2800, s24;
	s6 =	sadd.s32 s14, s2  }
0xe: {  	s7 =	sadd.s32 s15, s2;
	s9 =	sadd.s32 s17, s2;
	s12 =	sadd.s32 s12, s19  }
0xf: {  	s14 =	sadd.s32 s19, s14;
	s26 =	sadd.s32 s19, s15;
	s12 =	sshrl.u32 s12, $0x3  }
0x10: {  	s25 =	sshrl.u32 s14, $0x3;
	s18 =	sshrl.u32 s8, $0x3;
	s12 =	sadd.s32 s0, s12  }
0x11: {  	s15 =	sshrl.u32 s26, $0x3;
	s21 =	sadd.s32 s10, s18;
	[dreg:$0x8] =	wrdreg s12  }
0x12: {  	s14 =	simm.s32 $0x4;
	s18 =	sadd.s32 s11, s18;
	[dreg:$0x4] =	wrdreg s21  }
0x13: {  	s8 =	sadd.s32 s16, s2;
	s12 =	sadd.s32 s0, s25;
	[dreg:$0x5] =	wrdreg s18  }
0x14: {  	s25 =	sadd.s32 s22, s3;
	s21 =	sadd.s32 $0x10, s21;
	[dreg:$0x9] =	wrdreg s12  }
0x15: {  	s18 =	sadd.s32 $0x4F0, s18;
	s12 =	sadd.s32 s0, s15;
	[dreg:$0x6] =	wrdreg s21  }
0x16: {  	s3 =	sor.u32 $0x180, s25;
	s26 =	sor.u32 $0x100, s25;
	[dreg:$0x7] =	wrdreg s18  }
0x17: {  	s18 =	sadd.s32 s19, s16;
	s21 =	sadd.s32 s19, s17;
	[dreg:$0xa] =	wrdreg s12  }
0x18: {  	s19 =	smax.u32 s13, $0x1;
	s3 =	sshrl.u32 s3, $0x3;
	s12 =	sshrl.u32 s26, $0x3  }
0x19: {  	s26 =	simm.s32 $0x1C000;
	s13 =	simm.s32 $0x3;
	s23 =	sshrl.u32 s18, $0x3  }
0x1a: {  	s24 =	sshrl.u32 s21, $0x3;
	s20 =	sadd.s32 s3, s10;
	s21 =	sadd.s32 s12, s11  }
0x1b: {  	s22 =	sadd.s32 s12, s10;
	s3 =	simm.s32 $0x1C180;
	s12 =	simm.s32 $0x2  }
0x1c: {  	s17 =	sadd.s32 s0, s23;
	s18 =	sadd.s32 s0, s24;
	s0 =	sor.u32 $0x80, s25  }
0x1d: {  	s10 =	simm.s32 $0x0;
	s24 =	simm.s32 $0x14000;
	s0 =	sshrl.u32 s0, $0x3  }
0x1e: {  	v0 =	vimm.f32 $0.0e+00;
	s25 =	simm.s32 $0x5;
	s23 =	sadd.s32 s0, s11;
	s0 =	simm.s32 $0x18000  }
.LBB2_1:
0x1f: {  	s15 =	simm.s32 $0x0;
	s11 =	simm.s32 $0x200  }
.LBB2_2:
0x20: {  	p0 =	sne.s32 s11, $0xFE00;
	[tilespmem:s15+$0x14070] =	vst v0  }
0x21: {  	[tilespmem:s15+$0x14000] =	vst v0  }
0x22: {  	[tilespmem:s15+$0x14010] =	vst v0  }
.Ltmp0:
0x23: {  	[tilespmem:s15+$0x14020] =	vst v0;
	(pc) =	sbr.rel @p0 .LBB2_2-.Ltmp0, $4  }
0x24: {  	[tilespmem:s15+$0x14030] =	vst v0  }
0x25: {  	[tilespmem:s15+$0x14040] =	vst v0  }
0x26: {  	[tilespmem:s15+$0x14050] =	vst v0  }
0x27: {  	[tilespmem:s15+$0x14060] =	vst v0;
	s15 =	sshra.s32 s11, $0x2;
	s11 =	sadd.s32 $0x200, s11  }
0x28: {  	[tilespmem:s15+$0x14070] =	vst v0  }
0x29: {  	[tilespmem:s15+$0x14000] =	vst v0  }
0x2a: {  	[tilespmem:s15+$0x14010] =	vst v0  }
0x2b: {  	[tilespmem:s15+$0x14020] =	vst v0  }
0x2c: {  	[tilespmem:s15+$0x14030] =	vst v0  }
0x2d: {  	[tilespmem:s15+$0x14040] =	vst v0  }
0x2e: {  	[tilespmem:s15+$0x14050] =	vst v0  }
0x2f: {  	[tilespmem:s15+$0x14060] =	vst v0  }
0x30: {  	[spmem:s5] =	stream.linear.scatter [tilespmem:s24], [sflag:$0x5], $0x4000, $0x38;
	[tilespmem:$0x1C200] =	vst v63  }
0x31: {  	_ =	swait.ge [sflag:s25], $0x4000  }
0x32: {  	[sflag:s25] =	ssyncset.done $0x0  }
0x33: {  	[sflag:s25] =	ssyncadd.s32 $0xFFFFC000  }
0x34: {  	[spmem:s6] =	stream.linear.scatter [tilespmem:s24], [sflag:$0x5], $0x4000, $0x38;
	[tilespmem:$0x1C200] =	vst v63  }
0x35: {  	_ =	swait.ge [sflag:s25], $0x4000  }
0x36: {  	[sflag:s25] =	ssyncset.done $0x0  }
0x37: {  	[sflag:s25] =	ssyncadd.s32 $0xFFFFC000  }
0x38: {  	[spmem:s7] =	stream.linear.scatter [tilespmem:s24], [sflag:$0x5], $0x4000, $0x38;
	[tilespmem:$0x1C200] =	vst v63  }
0x39: {  	_ =	swait.ge [sflag:s25], $0x4000  }
0x3a: {  	[sflag:s25] =	ssyncset.done $0x0  }
0x3b: {  	[sflag:s25] =	ssyncadd.s32 $0xFFFFC000  }
0x3c: {  	[spmem:s8] =	stream.linear.scatter [tilespmem:s24], [sflag:$0x5], $0x4000, $0x38;
	[tilespmem:$0x1C200] =	vst v63  }
0x3d: {  	_ =	swait.ge [sflag:s25], $0x4000  }
0x3e: {  	[sflag:s25] =	ssyncset.done $0x0  }
0x3f: {  	[sflag:s25] =	ssyncadd.s32 $0xFFFFC000  }
0x40: {  	[spmem:s9] =	stream.linear.scatter [tilespmem:s24], [sflag:$0x5], $0x4000, $0x38;
	[tilespmem:$0x1C200] =	vst v63  }
0x41: {  	_ =	swait.ge [sflag:s25], $0x4000  }
0x42: {  	[sflag:s25] =	ssyncset.done $0x0  }
0x43: {  	[sflag:s25] =	ssyncadd.s32 $0xFFFFC000  }
0x44: {  	[bflag:$0x0] =	sbarrier.arrive $0xFFFF  }
0x45: {  	s11 =	simm.s32 $0x0;
	s16 =	rddreg [dreg:$0x4]  }
0x46: {  	[tilespmem:s26], [sflag:$0x5] =	stream.linear.gather [hbm4b:s16+s11], $0x80, $0x38;
	[tilespmem:$0x1C200] =	vst v63  }
0x47: {  	_ =	swait.ge [sflag:s25], $0x80  }
0x48: {  	[sflag:s25] =	ssyncset.done $0x0  }
0x49: {  	[sflag:s25] =	ssyncadd.s32 $0xFFFFFF80  }
0x4a: {  	[tilespmem:s24], [sflag:$0x1] =	stream.indirect.gather [hbm4b:s1+s28], $0x80, s26, s28, $0xb8;
	[tilespmem:$0x1C200] =	vst v63  }
0x4b: {  	s16 =	rddreg [dreg:$0x5]  }
0x4c: {  	[tilespmem:s29], [sflag:$0x5] =	stream.linear.gather [hbm4b:s16+s11], $0x80, $0x38;
	[tilespmem:$0x1C200] =	vst v63  }
0x4d: {  	_ =	swait.ge [sflag:s25], $0x80  }
0x4e: {  	[sflag:s25] =	ssyncset.done $0x0  }
0x4f: {  	[sflag:s25] =	ssyncadd.s32 $0xFFFFFF80  }
0x50: {  	_ =	swait.ge [sflag:s30], $0x4000  }
0x51: {  	[sflag:s30] =	ssyncset.done $0x0  }
0x52: {  	[sflag:s30] =	ssyncadd.s32 $0xFFFFC000  }
0x53: {  	[spmem:s2] =	stream.indirect.scatter.add.f32 [tilespmem:s24], [sflag:$0x3], $0x80, s29, s28, $0xb8;
	[tilespmem:$0x1C200] =	vst v63  }
0x54: {  	s16 =	rddreg [dreg:$0x6]  }
0x55: {  	[tilespmem:s31], [sflag:$0x5] =	stream.linear.gather [hbm4b:s16+s11], $0x80, $0x38;
	[tilespmem:$0x1C200] =	vst v63  }
0x56: {  	_ =	swait.ge [sflag:s25], $0x80  }
0x57: {  	[sflag:s25] =	ssyncset.done $0x0  }
0x58: {  	[sflag:s25] =	ssyncadd.s32 $0xFFFFFF80  }
0x59: {  	[tilespmem:s0], [sflag:$0x2] =	stream.indirect.gather [hbm4b:s1+s28], $0x80, s31, s28, $0xb8;
	[tilespmem:$0x1C200] =	vst v63  }
0x5a: {  	s15 =	sadd.s32 $0x0, s23  }
0x5b: {  	[tilespmem:s3], [sflag:$0x5] =	stream.linear.gather [hbm4b:s15+s4], $0x80, $0x38;
	[tilespmem:$0x1C200] =	vst v63  }
0x5c: {  	_ =	swait.ge [sflag:s25], $0x80  }
0x5d: {  	[sflag:s25] =	ssyncset.done $0x0  }
0x5e: {  	[sflag:s25] =	ssyncadd.s32 $0xFFFFFF80  }
0x5f: {  	_ =	swait.ge [sflag:s12], $0x4000  }
0x60: {  	[sflag:s12] =	ssyncset.done $0x0  }
0x61: {  	[sflag:s12] =	ssyncadd.s32 $0xFFFFC000  }
0x62: {  	[spmem:s2] =	stream.indirect.scatter.add.f32 [tilespmem:s0], [sflag:$0x4], $0x80, s3, s28, $0xb8;
	[tilespmem:$0x1C200] =	vst v63  }
0x63: {  	s16 =	sadd.s32 $0x0, s22  }
0x64: {  	[tilespmem:s26], [sflag:$0x5] =	stream.linear.gather [hbm4b:s16+s4], $0x80, $0x38;
	[tilespmem:$0x1C200] =	vst v63  }
0x65: {  	_ =	swait.ge [sflag:s25], $0x80  }
0x66: {  	[sflag:s25] =	ssyncset.done $0x0  }
0x67: {  	[sflag:s25] =	ssyncadd.s32 $0xFFFFFF80  }
0x68: {  	_ =	swait.ge [sflag:s13], $0x4000  }
0x69: {  	[sflag:s13] =	ssyncset.done $0x0  }
0x6a: {  	[sflag:s13] =	ssyncadd.s32 $0xFFFFC000  }
0x6b: {  	[tilespmem:s24], [sflag:$0x1] =	stream.indirect.gather [hbm4b:s1+s28], $0x80, s26, s28, $0xb8;
	[tilespmem:$0x1C200] =	vst v63  }
0x6c: {  	s15 =	sadd.s32 $0x0, s21  }
0x6d: {  	[tilespmem:s29], [sflag:$0x5] =	stream.linear.gather [hbm4b:s15+s4], $0x80, $0x38;
	[tilespmem:$0x1C200] =	vst v63  }
0x6e: {  	_ =	swait.ge [sflag:s25], $0x80  }
0x6f: {  	[sflag:s25] =	ssyncset.done $0x0  }
0x70: {  	[sflag:s25] =	ssyncadd.s32 $0xFFFFFF80  }
0x71: {  	_ =	swait.ge [sflag:s30], $0x4000  }
0x72: {  	[sflag:s30] =	ssyncset.done $0x0  }
0x73: {  	[sflag:s30] =	ssyncadd.s32 $0xFFFFC000  }
0x74: {  	[spmem:s2] =	stream.indirect.scatter.add.f32 [tilespmem:s24], [sflag:$0x3], $0x80, s29, s28, $0xb8;
	[tilespmem:$0x1C200] =	vst v63  }
0x75: {  	s16 =	sadd.s32 $0x0, s20  }
0x76: {  	[tilespmem:s31], [sflag:$0x5] =	stream.linear.gather [hbm4b:s16+s4], $0x80, $0x38;
	[tilespmem:$0x1C200] =	vst v63  }
0x77: {  	_ =	swait.ge [sflag:s25], $0x80  }
0x78: {  	[sflag:s25] =	ssyncset.done $0x0  }
0x79: {  	[sflag:s25] =	ssyncadd.s32 $0xFFFFFF80  }
0x7a: {  	_ =	swait.ge [sflag:s14], $0x4000  }
0x7b: {  	[sflag:s14] =	ssyncset.done $0x0  }
0x7c: {  	s15 =	simm.s32 $0x20;
	[sflag:s14] =	ssyncadd.s32 $0xFFFFC000  }
.LBB2_4:
0x7d: {  	[tilespmem:s0], [sflag:$0x2] =	stream.indirect.gather [hbm4b:s1+s28], $0x80, s31, s28, $0xb8;
	[tilespmem:$0x1C200] =	vst v63  }
0x7e: {  	s11 =	smov.u32 s15  }
0x7f: {  	p0 =	sne.s32 s15, $0x4C0;
	s15 =	sadd.s32 $0x20, s15;
	s16 =	sadd.s32 s11, s23  }
0x80: {  	[tilespmem:s3], [sflag:$0x5] =	stream.linear.gather [hbm4b:s16+s4], $0x80, $0x38;
	[tilespmem:$0x1C200] =	vst v63  }
0x81: {  	_ =	swait.ge [sflag:s25], $0x80  }
0x82: {  	[sflag:s25] =	ssyncset.done $0x0  }
0x83: {  	[sflag:s25] =	ssyncadd.s32 $0xFFFFFF80  }
0x84: {  	_ =	swait.ge [sflag:s12], $0x4000  }
0x85: {  	[sflag:s12] =	ssyncset.done $0x0  }
0x86: {  	[sflag:s12] =	ssyncadd.s32 $0xFFFFC000  }
0x87: {  	[spmem:s2] =	stream.indirect.scatter.add.f32 [tilespmem:s0], [sflag:$0x4], $0x80, s3, s28, $0xb8;
	[tilespmem:$0x1C200] =	vst v63  }
0x88: {  	s16 =	sadd.s32 s11, s22  }
0x89: {  	[tilespmem:s26], [sflag:$0x5] =	stream.linear.gather [hbm4b:s16+s4], $0x80, $0x38;
	[tilespmem:$0x1C200] =	vst v63  }
0x8a: {  	_ =	swait.ge [sflag:s25], $0x80  }
0x8b: {  	[sflag:s25] =	ssyncset.done $0x0  }
0x8c: {  	[sflag:s25] =	ssyncadd.s32 $0xFFFFFF80  }
0x8d: {  	_ =	swait.ge [sflag:s13], $0x4000  }
0x8e: {  	[sflag:s13] =	ssyncset.done $0x0  }
0x8f: {  	[sflag:s13] =	ssyncadd.s32 $0xFFFFC000  }
0x90: {  	[tilespmem:s24], [sflag:$0x1] =	stream.indirect.gather [hbm4b:s1+s28], $0x80, s26, s28, $0xb8;
	[tilespmem:$0x1C200] =	vst v63  }
0x91: {  	s16 =	sadd.s32 s11, s21  }
0x92: {  	[tilespmem:s29], [sflag:$0x5] =	stream.linear.gather [hbm4b:s16+s4], $0x80, $0x38;
	[tilespmem:$0x1C200] =	vst v63  }
0x93: {  	_ =	swait.ge [sflag:s25], $0x80  }
0x94: {  	[sflag:s25] =	ssyncset.done $0x0  }
0x95: {  	[sflag:s25] =	ssyncadd.s32 $0xFFFFFF80  }
0x96: {  	_ =	swait.ge [sflag:s30], $0x4000  }
0x97: {  	[sflag:s30] =	ssyncset.done $0x0  }
0x98: {  	[sflag:s30] =	ssyncadd.s32 $0xFFFFC000  }
0x99: {  	[spmem:s2] =	stream.indirect.scatter.add.f32 [tilespmem:s24], [sflag:$0x3], $0x80, s29, s28, $0xb8;
	[tilespmem:$0x1C200] =	vst v63  }
0x9a: {  	s11 =	sadd.s32 s11, s20  }
0x9b: {  	[tilespmem:s31], [sflag:$0x5] =	stream.linear.gather [hbm4b:s11+s4], $0x80, $0x38;
	[tilespmem:$0x1C200] =	vst v63  }
0x9c: {  	_ =	swait.ge [sflag:s25], $0x80  }
.Ltmp1:
0x9d: {  	[sflag:s25] =	ssyncset.done $0x0;
	(pc) =	sbr.rel @p0 .LBB2_4-.Ltmp1, $4  }
0x9e: {  	[sflag:s25] =	ssyncadd.s32 $0xFFFFFF80  }
0x9f: {  	_ =	swait.ge [sflag:s14], $0x4000  }
0xa0: {  	[sflag:s14] =	ssyncset.done $0x0  }
0xa1: {  	[sflag:s14] =	ssyncadd.s32 $0xFFFFC000  }
0xa2: {  	[tilespmem:s0], [sflag:$0x2] =	stream.indirect.gather [hbm4b:s1+s28], $0x80, s31, s28, $0xb8;
	[tilespmem:$0x1C200] =	vst v63  }
0xa3: {  	s11 =	rddreg [dreg:$0x7]  }
0xa4: {  	[tilespmem:s3], [sflag:$0x5] =	stream.linear.gather [hbm4b:s11+s4], $0x80, $0x38;
	[tilespmem:$0x1C200] =	vst v63  }
0xa5: {  	_ =	swait.ge [sflag:s25], $0x80  }
0xa6: {  	[sflag:s25] =	ssyncset.done $0x0  }
0xa7: {  	[sflag:s25] =	ssyncadd.s32 $0xFFFFFF80  }
0xa8: {  	_ =	swait.ge [sflag:s12], $0x4000  }
0xa9: {  	[sflag:s12] =	ssyncset.done $0x0  }
0xaa: {  	[sflag:s12] =	ssyncadd.s32 $0xFFFFC000  }
0xab: {  	[spmem:s2] =	stream.indirect.scatter.add.f32 [tilespmem:s0], [sflag:$0x4], $0x80, s3, s28, $0xb8;
	[tilespmem:$0x1C200] =	vst v63  }
0xac: {  	_ =	swait.ge [sflag:s13], $0x4000  }
0xad: {  	[sflag:s13] =	ssyncset.done $0x0  }
0xae: {  	[sflag:s13] =	ssyncadd.s32 $0xFFFFC000  }
0xaf: {  	_ =	swait.ge [sflag:s14], $0x4000  }
0xb0: {  	[sflag:s14] =	ssyncset.done $0x0  }
0xb1: {  	[sflag:s14] =	ssyncadd.s32 $0xFFFFC000  }
0xb2: {  	[bflag:$0x0] =	sbarrier.arrive $0xFFFF  }
0xb3: {  	[tilespmem:s24], [sflag:$0x5] =	stream.linear.gather [spmem:s5], $0x4000, $0x38;
	[tilespmem:$0x1C200] =	vst v63  }
0xb4: {  	_ =	swait.ge [sflag:s25], $0x4000  }
0xb5: {  	[sflag:s25] =	ssyncset.done $0x0  }
0xb6: {  	s16 =	rddreg [dreg:$0x8];
	[sflag:s25] =	ssyncadd.s32 $0xFFFFC000  }
0xb7: {  	[hbm4b:s16+s4] =	stream.linear.scatter [tilespmem:s24], [sflag:$0x5], $0x4000, $0x38;
	[tilespmem:$0x1C200] =	vst v63  }
0xb8: {  	_ =	swait.ge [sflag:s25], $0x4000  }
0xb9: {  	[sflag:s25] =	ssyncset.done $0x0  }
0xba: {  	[sflag:s25] =	ssyncadd.s32 $0xFFFFC000  }
0xbb: {  	[tilespmem:s24], [sflag:$0x5] =	stream.linear.gather [spmem:s6], $0x4000, $0x38;
	[tilespmem:$0x1C200] =	vst v63  }
0xbc: {  	_ =	swait.ge [sflag:s25], $0x4000  }
0xbd: {  	[sflag:s25] =	ssyncset.done $0x0  }
0xbe: {  	s15 =	rddreg [dreg:$0x9];
	[sflag:s25] =	ssyncadd.s32 $0xFFFFC000  }
0xbf: {  	[hbm4b:s15+s4] =	stream.linear.scatter [tilespmem:s24], [sflag:$0x5], $0x4000, $0x38;
	[tilespmem:$0x1C200] =	vst v63  }
0xc0: {  	_ =	swait.ge [sflag:s25], $0x4000  }
0xc1: {  	[sflag:s25] =	ssyncset.done $0x0  }
0xc2: {  	[sflag:s25] =	ssyncadd.s32 $0xFFFFC000  }
0xc3: {  	[tilespmem:s24], [sflag:$0x5] =	stream.linear.gather [spmem:s7], $0x4000, $0x38;
	[tilespmem:$0x1C200] =	vst v63  }
0xc4: {  	_ =	swait.ge [sflag:s25], $0x4000  }
0xc5: {  	[sflag:s25] =	ssyncset.done $0x0  }
0xc6: {  	s16 =	rddreg [dreg:$0xa];
	[sflag:s25] =	ssyncadd.s32 $0xFFFFC000  }
0xc7: {  	[hbm4b:s16+s4] =	stream.linear.scatter [tilespmem:s24], [sflag:$0x5], $0x4000, $0x38;
	[tilespmem:$0x1C200] =	vst v63  }
0xc8: {  	_ =	swait.ge [sflag:s25], $0x4000  }
0xc9: {  	[sflag:s25] =	ssyncset.done $0x0  }
0xca: {  	[sflag:s25] =	ssyncadd.s32 $0xFFFFC000  }
0xcb: {  	[tilespmem:s24], [sflag:$0x5] =	stream.linear.gather [spmem:s8], $0x4000, $0x38;
	[tilespmem:$0x1C200] =	vst v63  }
0xcc: {  	_ =	swait.ge [sflag:s25], $0x4000  }
0xcd: {  	[sflag:s25] =	ssyncset.done $0x0  }
0xce: {  	[sflag:s25] =	ssyncadd.s32 $0xFFFFC000  }
0xcf: {  	[hbm4b:s17+s4] =	stream.linear.scatter [tilespmem:s24], [sflag:$0x5], $0x4000, $0x38;
	[tilespmem:$0x1C200] =	vst v63  }
0xd0: {  	_ =	swait.ge [sflag:s25], $0x4000  }
0xd1: {  	[sflag:s25] =	ssyncset.done $0x0  }
0xd2: {  	[sflag:s25] =	ssyncadd.s32 $0xFFFFC000  }
0xd3: {  	[tilespmem:s24], [sflag:$0x5] =	stream.linear.gather [spmem:s9], $0x4000, $0x38;
	[tilespmem:$0x1C200] =	vst v63  }
0xd4: {  	s10 =	sadd.s32 $0x1, s10;
	_ =	swait.ge [sflag:s25], $0x4000  }
0xd5: {  	p0 =	sne.s32 s10, s19;
	[sflag:s25] =	ssyncset.done $0x0  }
.Ltmp2:
0xd6: {  	[sflag:s25] =	ssyncadd.s32 $0xFFFFC000;
	(pc) =	sbr.rel @p0 .LBB2_1-.Ltmp2, $4  }
0xd7: {  	[hbm4b:s18+s4] =	stream.linear.scatter [tilespmem:s24], [sflag:$0x5], $0x4000, $0x38;
	[tilespmem:$0x1C200] =	vst v63  }
0xd8: {  	_ =	swait.ge [sflag:s25], $0x4000  }
0xd9: {  	[sflag:s25] =	ssyncset.done $0x0  }
0xda: {  	[sflag:s25] =	ssyncadd.s32 $0xFFFFC000  }
0xdb: {  	_ =	sfence.sel $0x180000  }
0xdc: {  	[bflag:$0x0] =	sbarrier.arrive $0xFFFF  }
0xdd: {  	_ =	strace $0x9000004D  }
0xde: {  	s0 =	stileid.u32;
	[bflag:$0x2] =	sbarrier.arrive $0xFFFF  }
0xdf: {  	p0 =	sne.s32 s0, $0x0;
	s0 =	rddreg [dreg:$0x3]  }
0xe0: {  	s0 =	sadd.s32 @!p0 $0x100000, s0  }
0xe1: {  	[sflag:s0] =	ssyncadd.tile.s32 @!p0 $0x1;
	_ =	shalt  }
.Lfunc_end2:
_tile_overlayer_lowered:
.L_overlay_start_2:
0xe2: {  	(tag) =	ssettag $0x2  }
0xe3: {  	s0 =	rddreg [dreg:$0x0];
	s2 =	stileid.u32  }
0xe4: {  	s1 =	rddreg [dreg:$0x1];
	p0 =	sne.s32 s2, $0x0  }
0xe5: {  	s3 =	rddreg [dreg:$0x2];
	[bflag:$0x3] =	sbarrier.arrive $0xFFFF;
	s2 =	simm.s32 @!p0 $0x1C05  }
0xe6: {  	[timem:s3], [sflag:s2] =	dma.local @!p0 [hbm:s0], s1  }
0xe7: {  	s0 =	simm.s32 @!p0 $0x5  }
0xe8: {  	_ =	swait.ge @!p0 [sflag:s0], s1  }
0xe9: {  	s1 =	ssub.s32 @!p0 $0x0, s1;
	[sflag:s0] =	ssyncset.done @!p0 $0x0  }
0xea: {  	[sflag:s0] =	ssyncadd.s32 @!p0 s1  }
0xeb: {  	[bflag:$0x3] =	sbarrier.arrive $0xFFFF  }
0xec: {  	_ =	shalt  }

// kernel: kernel.23.cloned.1.call-start
scs
__scs_entry_jumppad:
0x0: {  	(pc) =	sbr.rel $0x88, $3  }
0x1: {  	(tag) =	ssettag $0x0;
	lr =	simm.s32 $0x1  }
0x2: {  	[smem:$0x3F9B] =	sst lr;
	_ =	strace $0xD0000000  }
0x3: {  	_ = 	snop  }
0x4: {  	_ = 	snop  }
0x5: {  	_ = 	snop  }
0x6: {  	_ = 	snop  }
0x7: {  	_ = 	snop  }
__scs_overlays_trampoline_lowered:
0x8: {  	[smem:$0x3FAA] =	sst s0  }
0x9: {  	[smem:$0x3FAB] =	sst s1  }
0xa: {  	[smem:$0x3FAC] =	sst s2  }
0xb: {  	[smem:$0x3FAD] =	sst s3  }
0xc: {  	[smem:$0x3FAE] =	sst s4  }
0xd: {  	[smem:$0x3FAF] =	sst s5  }
0xe: {  	[smem:$0x3FB0] =	sst s6  }
0xf: {  	[smem:$0x3FB1] =	sst s7  }
0x10: {  	[smem:$0x3FB2] =	sst s8  }
0x11: {  	[smem:$0x3FB3] =	sst s9;
	s0 =	simm.s32 @!p0 $0x0  }
0x12: {  	s1 =	sld [smem:$0x3F99];
	s0 =	simm.s32 @p0 $0x1  }
0x13: {  	[smem:$0x3FB4] =	sst s0;
	s0 =	simm.s32 @!p1 $0x0  }
0x14: {  	s2 =	sld [smem:$0x3F98];
	s0 =	simm.s32 @p1 $0x1  }
0x15: {  	[smem:$0x3FB5] =	sst s0;
	s0 =	simm.s32 @!p2 $0x0  }
0x16: {  	s3 =	sld [smem:$0x3FDB];
	s0 =	simm.s32 @p2 $0x1  }
0x17: {  	s4 =	simm.s32 $0x1BF5;
	[smem:$0x3FB7] =	sst s0  }
0x18: {  	s0 =	sld [smem:$0x3F9A];
	_ =	swait.ge [sflag:s4], $0x0  }
0x19: {  	s7 =	sld [smem:$0x3F9B]  }
0x1a: {  	s8 =	sadd.s32 $0xFFFFE003, lr  }
0x1b: {  	s9 =	sadd.s32 $0xFFFFFEF7, lr;
	s5 =	simm.s32 $0xFFFFFFFF;
	p2 =	slt.u32 s8, $0xFFFFF086  }
0x1c: {  	p1 =	slt.u32 s9, $0xF7A;
	s5 =	simm.s32 @!p2 $0x0  }
0x1d: {  	s5 =	simm.s32 @p1 $0x1;
	p0 =	seq.s32 s7, s2  }
0x1e: {  	s7 =	smul.u32 @!p0 $0xF7A, s2;
	p2 =	seq.s32 @!p0 s5, $0x0  }
0x1f: {  	s9 =	smul.u32 $0xF7A, s1;
	s8 =	simm.s32 @!p0 $0x1BF5;
	p2 =	por !p2, p0  }
0x20: {  	[sflag:s8] =	ssyncset.s32 @!p0 $0xFFFFF086;
	s6 =	sadd.s32 @!p0 s3, s7;
	s7 =	simm.s32 @!p0 $0x108  }
0x21: {  	s3 =	sadd.s32 s3, s9;
	s6 =	sadd.s32 @!p0 $0x88, s6;
	s7 =	simm.s32 @p2 $0x1082  }
0x22: {  	[simem:s7], [sflag:s8] =	dma.local @!p0 [hbm:s6], $0xF7A  }
0x23: {  	s9 =	sor.u32 $0xD0000000, s2;
	s6 =	simm.s32 $0x108;
	_ =	swait.ge @!p0 [sflag:s8], $0x0  }
0x24: {  	s3 =	sadd.s32 $0x88, s3;
	s6 =	simm.s32 @!p1 $0x1082;
	[sflag:s4] =	ssyncset.s32 $0xFFFFF086  }
0x25: {  	[simem:s6], [sflag:s4] =	dma.local [hbm:s3], $0xF7A  }
0x26: {  	[smem:$0x3F9B] =	sst s1;
	(tag) =	ssettag s2;
	_ =	strace s9  }
0x27: {  	s1 =	sld [smem:$0x3FAB]  }
0x28: {  	s2 =	sld [smem:$0x3FAC]  }
0x29: {  	s4 =	sld [smem:$0x3FAE]  }
0x2a: {  	p0 =	seq.s32 s5, $0x0;
	s5 =	sld [smem:$0x3FAF]  }
0x2b: {  	s6 =	sld [smem:$0x3FB0]  }
0x2c: {  	s7 =	sld [smem:$0x3FB1]  }
0x2d: {  	s3 =	simm.s32 $0x108;
	s8 =	sld [smem:$0x3FB2]  }
0x2e: {  	s3 =	simm.s32 @!p0 $0x1082;
	s9 =	sld [smem:$0x3FB3]  }
0x2f: {  	lr =	sadd.s32 s0, s3;
	s0 =	sld [smem:$0x3FAA]  }
0x30: {  	s3 =	sld [smem:$0x3FAD]  }
0x31: {  	[smem:$0x3FB6] =	sst s10  }
0x32: {  	s10 =	sld [smem:$0x3FB4];
	_ =	sdelay $0x3  }
0x33: {  	p0 =	seq.s32 s10, $0x1;
	s10 =	sld [smem:$0x3FB6];
	_ =	sdelay $0x3  }
0x34: {  	[smem:$0x3FB6] =	sst s10  }
0x35: {  	s10 =	sld [smem:$0x3FB5];
	_ =	sdelay $0x3  }
0x36: {  	p1 =	seq.s32 s10, $0x1;
	s10 =	sld [smem:$0x3FB6];
	_ =	sdelay $0x3  }
0x37: {  	[smem:$0x3FB6] =	sst s10  }
0x38: {  	s10 =	sld [smem:$0x3FB7]  }
0x39: {  	_ = 	snop;
	(pc) =	sbr.ind lr, $3  }
0x3a: {  	_ = 	snop  }
0x3b: {  	_ = 	snop  }
0x3c: {  	p2 =	seq.s32 s10, $0x1;
	s10 =	sld [smem:$0x3FB6]  }
0x3d: {  	_ =	shalt  }
0x3e: {  	_ =	shalt  }
0x3f: {  	_ =	shalt  }
0x40: {  	_ =	shalt  }
0x41: {  	_ =	shalt  }
0x42: {  	_ =	shalt  }
0x43: {  	_ =	shalt  }
0x44: {  	_ =	shalt  }
0x45: {  	_ =	shalt  }
0x46: {  	_ =	shalt  }
0x47: {  	_ =	shalt  }
0x48: {  	_ =	shalt  }
0x49: {  	_ =	shalt  }
0x4a: {  	_ =	shalt  }
0x4b: {  	_ =	shalt  }
0x4c: {  	_ =	shalt  }
0x4d: {  	_ =	shalt  }
0x4e: {  	_ =	shalt  }
0x4f: {  	_ =	shalt  }
0x50: {  	_ =	shalt  }
0x51: {  	_ =	shalt  }
0x52: {  	_ =	shalt  }
0x53: {  	_ =	shalt  }
0x54: {  	_ =	shalt  }
0x55: {  	_ =	shalt  }
0x56: {  	_ =	shalt  }
0x57: {  	_ =	shalt  }
0x58: {  	_ =	shalt  }
0x59: {  	_ =	shalt  }
0x5a: {  	_ =	shalt  }
0x5b: {  	_ =	shalt  }
0x5c: {  	_ =	shalt  }
0x5d: {  	_ =	shalt  }
0x5e: {  	_ =	shalt  }
0x5f: {  	_ =	shalt  }
0x60: {  	_ =	shalt  }
0x61: {  	_ =	shalt  }
0x62: {  	_ =	shalt  }
0x63: {  	_ =	shalt  }
0x64: {  	_ =	shalt  }
0x65: {  	_ =	shalt  }
0x66: {  	_ =	shalt  }
0x67: {  	_ =	shalt  }
0x68: {  	_ =	shalt  }
0x69: {  	_ =	shalt  }
0x6a: {  	_ =	shalt  }
0x6b: {  	_ =	shalt  }
0x6c: {  	_ =	shalt  }
0x6d: {  	_ =	shalt  }
0x6e: {  	_ =	shalt  }
0x6f: {  	_ =	shalt  }
0x70: {  	_ =	shalt  }
0x71: {  	_ =	shalt  }
0x72: {  	_ =	shalt  }
0x73: {  	_ =	shalt  }
0x74: {  	_ =	shalt  }
0x75: {  	_ =	shalt  }
0x76: {  	_ =	shalt  }
0x77: {  	_ =	shalt  }
0x78: {  	_ =	shalt  }
0x79: {  	_ =	shalt  }
0x7a: {  	_ =	shalt  }
0x7b: {  	_ =	shalt  }
0x7c: {  	_ =	shalt  }
0x7d: {  	_ =	shalt  }
0x7e: {  	_ =	shalt  }
0x7f: {  	_ =	shalt  }
0x80: {  	_ =	shalt  }
0x81: {  	_ =	shalt  }
0x82: {  	_ =	shalt  }
0x83: {  	_ =	shalt  }
0x84: {  	_ =	shalt  }
0x85: {  	_ =	shalt  }
0x86: {  	_ =	shalt  }
0x87: {  	_ =	shalt  }
.Lfunc_end0:
.L_simem_size_0:
called_computation.3_lowered:
.L_overlay_start_0:
0x88: {  	s2 =	sld [smem:$0x3FD9]  }
0x89: {  	s3 =	sld [smem:$0x3FFE];
	_ =	sdelay $0x1  }
0x8a: {  	s1 =	srdreg.scid  }
0x8b: {  	s0 =	sand.u32 $0x1, s1  }
0x8c: {  	s17 =	sshll.u32 s0, $0xA;
	s2 =	sadd.s32 s3, s2  }
0x8d: {  	s2 =	sadd.s32 s2, s17  }
0x8e: {  	[smem:$0x3FC2] =	sst s2  }
0x8f: {  	_ = 	snop  }
0x90: {  	s2 =	sld [smem:$0x3FD0];
	(tm) =	ssettm $0x1  }
0x91: {  	s18 =	sld [smem:$0x3FFB];
	_ =	sdelay $0x3  }
0x92: {  	_ =	strace s18  }
0x93: {  	s3 =	sld [smem:$0x3FFC];
	_ =	sdelay $0x3  }
0x94: {  	_ =	strace s3  }
0x95: {  	s3 =	sld [smem:$0x3FFD];
	_ =	sdelay $0x3  }
0x96: {  	_ =	strace s3  }
0x97: {  	_ =	strace $0x8FFFFFFF  }
0x98: {  	s19 =	sld [smem:$0x3FDB];
	_ =	sdelay $0x1  }
0x99: {  	s4 =	simm.s32 $_scs_section_size  }
0x9a: {  	s5 =	simm.s32 $_size__tile_overlayer_lowered;
	s6 =	simm.s32 $_tile_overlayer_lowered  }
0x9b: {  	s22 =	simm.s32 $0x1BFF;
	s21 =	sshll.u32 s6, $0x1;
	s3 =	sadd.s32 s4, s19  }
0x9c: {  	s7 =	simm.s32 $0x0;
	s20 =	sshll.u32 s5, $0x1;
	s5 =	sadd.s32 s21, s3  }
0x9d: {  	[timem:s7], [sflag:s22] =	dma.local [hbm:s5], s20  }
0x9e: {  	_ =	swait.ge [sflag:s22], s20  }
0x9f: {  	s4 =	ssub.s32 $0x0, s20;
	[sflag:s22] =	ssyncset.done $0x0  }
0xa0: {  	[sflag:s22] =	ssyncadd.s32 s4;
	_ =	sdelay $0x1  }
0xa1: {  	s23 =	simm.s32 $0x1B8B  }
0xa2: {  	_ =	swait.ge [sflag:s23], $0x1  }
0xa3: {  	[sflag:s23] =	ssyncset.done $0x0  }
0xa4: {  	s25 =	simm.s32 $0x1B8E;
	s24 =	sld [smem:$0x3FFE];
	[sflag:s23] =	ssyncadd.s32 $0xFFFFFFFF  }
0xa5: {  	s26 =	simm.s32 $execute0_lowered;
	[smem:$0x3FD2] =	sst s25  }
0xa6: {  	s5 =	sshll.u32 s26, $0x1;
	_ =	strace $0x8000004F;
	[dreg:$0x1] =	wrdreg $0xFFFFFFFF  }
0xa7: {  	s28 =	simm.s32 $_size_execute0_lowered;
	s3 =	sadd.s32 s3, s5;
	[dreg:$0x0] =	wrdreg $0x0  }
0xa8: {  	s5 =	sshll.u32 s28, $0x1;
	[dreg:$0x2] =	wrdreg s3  }
0xa9: {  	[dreg:$0x3] =	wrdreg s5  }
0xaa: {  	[dreg:$0x4] =	wrdreg $0xC0  }
0xab: {  	_ =	task [dreg:s7], $0x5FFFF  }
0xac: {  	[dreg:$0x1] =	wrdreg $0xFFFFFFFF  }
0xad: {  	[dreg:$0x0] =	wrdreg $0x60  }
0xae: {  	[dreg:$0x2] =	wrdreg s24  }
0xaf: {  	[dreg:$0x3] =	wrdreg s2  }
0xb0: {  	[dreg:$0x4] =	wrdreg $0x0  }
0xb1: {  	[dreg:$0x5] =	wrdreg $0x9  }
0xb2: {  	_ =	task.clear_ibuf [dreg:s7], $0x6FFFF;
	_ =	strace $0x9000004F  }
0xb3: {  	s29 =	simm.s32 $0x9;
	_ =	strace $0x80000051  }
0xb4: {  	_ =	swait.ge [sflag:s29], $0x1  }
0xb5: {  	[sflag:s29] =	ssyncadd.s32 $0xFFFFFFFF  }
0xb6: {  	_ =	strace $0x90000051  }
0xb7: {  	_ =	sfence  }
0xb8: {  	s30 =	sld [smem:$0x0];
	_ =	sdelay $0x2  }
0xb9: {  	s31 =	sshll.u32 s1, $0xD;
	s1 =	sshrl.u32 s1, $0x2  }
0xba: {  	s3 =	sand.u32 $0x4000, s31;
	s1 =	sadd.s32 s1, s30  }
0xbb: {  	s0 =	sor.u32 s3, s0;
	s1 =	sshll.u32 s1, $0x11  }
0xbc: {  	s0 =	sor.u32 s1, s0  }
0xbd: {  	s0 =	sadd.s32 $0x8F2B, s0  }
0xbe: {  	[sflag:s0] =	ssyncadd.remote.s32 $0x1  }
0xbf: {  	_ =	sfence.sel $0xFFFF  }
0xc0: {  	[dreg:$0x0] =	wrdreg $0xFFFFFFFF;
	(pc) =	sbr.abs _section_cstart, $3  }
0xc1: {  	[dreg:$0x1] =	wrdreg $0xFFFFFFFF  }
0xc2: {  	_ =	task.clear_ibuf [dreg:s7], $0x2FFFF;
	_ =	strace $0x9FFFFFFF  }
0xc3: {  	(tm) =	ssettm $0x7FFFFFFF  }
tec
execute0_lowered:
.L_overlay_start_1:
0x0: {  	(tag) =	ssettag $0x1  }
0x1: {  	s0 =	rddreg [dreg:$0x0]  }
0x2: {  	s1 =	rddreg [dreg:$0x1]  }
0x3: {  	s2 =	rddreg [dreg:$0x2];
	s4 =	simm.s32 $0x0  }
0x4: {  	s3 =	srdreg.scid;
	s20 =	stileid.u32;
	s28 =	simm.s32 $0x80  }
0x5: {  	s29 =	simm.s32 $0x1C100;
	s30 =	simm.s32 $0x1;
	s31 =	simm.s32 $0x1C080  }
0x6: {  	[smem:$0x7FF] =	sst s4;
	s3 =	sand.u32 $0x1, s3;
	s6 =	smul.u32 $0x50000, s20  }
0x7: {  	s10 =	sadd.s32 $0x3C00, s0;
	s11 =	sadd.s32 $0xE600, s0;
	s12 =	smul.u32 $0x14000, s20  }
0x8: {  	s0 =	sadd.s32 $0x18600, s0;
	s22 =	smul.u32 $0x2800, s20;
	_ =	strace $0x80000050  }
0x9: {  	s5 =	ssub.s32 $0x2, s3;
	s8 =	sshll.u32 s3, $0x4;
	s19 =	smul.u32 $0x140000, s3  }
0xa: {  	s3 =	smul.u32 $0x28000, s3;
	s7 =	sshrl.u32 s5, $0x1;
	s6 =	sshrl.u32 s6, $0x2  }
0xb: {  	s24 =	sor.u32 s20, s8;
	s14 =	sadd.s32 $0x4000, s12;
	s15 =	sadd.s32 $0x8000, s12  }
0xc: {  	s16 =	sadd.s32 $0xC000, s12;
	s17 =	sadd.s32 $0x10000, s12;
	s13 =	ssub.s32 s5, s7  }
0xd: {  	s5 =	sadd.s32 s6, s2;
	s8 =	smul.u32 $0x2800, s24;
	s6 =	sadd.s32 s14, s2  }
0xe: {  	s7 =	sadd.s32 s15, s2;
	s9 =	sadd.s32 s17, s2;
	s12 =	sadd.s32 s12, s19  }
0xf: {  	s14 =	sadd.s32 s19, s14;
	s26 =	sadd.s32 s19, s15;
	s12 =	sshrl.u32 s12, $0x3  }
0x10: {  	s25 =	sshrl.u32 s14, $0x3;
	s18 =	sshrl.u32 s8, $0x3;
	s12 =	sadd.s32 s0, s12  }
0x11: {  	s15 =	sshrl.u32 s26, $0x3;
	s21 =	sadd.s32 s10, s18;
	[dreg:$0x8] =	wrdreg s12  }
0x12: {  	s14 =	simm.s32 $0x4;
	s18 =	sadd.s32 s11, s18;
	[dreg:$0x4] =	wrdreg s21  }
0x13: {  	s8 =	sadd.s32 s16, s2;
	s12 =	sadd.s32 s0, s25;
	[dreg:$0x5] =	wrdreg s18  }
0x14: {  	s25 =	sadd.s32 s22, s3;
	s21 =	sadd.s32 $0x10, s21;
	[dreg:$0x9] =	wrdreg s12  }
0x15: {  	s18 =	sadd.s32 $0x4F0, s18;
	s12 =	sadd.s32 s0, s15;
	[dreg:$0x6] =	wrdreg s21  }
0x16: {  	s3 =	sor.u32 $0x180, s25;
	s26 =	sor.u32 $0x100, s25;
	[dreg:$0x7] =	wrdreg s18  }
0x17: {  	s18 =	sadd.s32 s19, s16;
	s21 =	sadd.s32 s19, s17;
	[dreg:$0xa] =	wrdreg s12  }
0x18: {  	s19 =	smax.u32 s13, $0x1;
	s3 =	sshrl.u32 s3, $0x3;
	s12 =	sshrl.u32 s26, $0x3  }
0x19: {  	s26 =	simm.s32 $0x1C000;
	s13 =	simm.s32 $0x3;
	s23 =	sshrl.u32 s18, $0x3  }
0x1a: {  	s24 =	sshrl.u32 s21, $0x3;
	s20 =	sadd.s32 s3, s10;
	s21 =	sadd.s32 s12, s11  }
0x1b: {  	s22 =	sadd.s32 s12, s10;
	s3 =	simm.s32 $0x1C180;
	s12 =	simm.s32 $0x2  }
0x1c: {  	s17 =	sadd.s32 s0, s23;
	s18 =	sadd.s32 s0, s24;
	s0 =	sor.u32 $0x80, s25  }
0x1d: {  	s10 =	simm.s32 $0x0;
	s24 =	simm.s32 $0x14000;
	s0 =	sshrl.u32 s0, $0x3  }
0x1e: {  	v0 =	vimm.f32 $0.0e+00;
	s25 =	simm.s32 $0x5;
	s23 =	sadd.s32 s0, s11;
	s0 =	simm.s32 $0x18000  }
.LBB2_1:
0x1f: {  	s15 =	simm.s32 $0x0;
	s11 =	simm.s32 $0x200  }
.LBB2_2:
0x20: {  	p0 =	sne.s32 s11, $0xFE00;
	[tilespmem:s15+$0x14070] =	vst v0  }
0x21: {  	[tilespmem:s15+$0x14000] =	vst v0  }
0x22: {  	[tilespmem:s15+$0x14010] =	vst v0  }
.Ltmp0:
0x23: {  	[tilespmem:s15+$0x14020] =	vst v0;
	(pc) =	sbr.rel @p0 .LBB2_2-.Ltmp0, $4  }
0x24: {  	[tilespmem:s15+$0x14030] =	vst v0  }
0x25: {  	[tilespmem:s15+$0x14040] =	vst v0  }
0x26: {  	[tilespmem:s15+$0x14050] =	vst v0  }
0x27: {  	[tilespmem:s15+$0x14060] =	vst v0;
	s15 =	sshra.s32 s11, $0x2;
	s11 =	sadd.s32 $0x200, s11  }
0x28: {  	[tilespmem:s15+$0x14070] =	vst v0  }
0x29: {  	[tilespmem:s15+$0x14000] =	vst v0  }
0x2a: {  	[tilespmem:s15+$0x14010] =	vst v0  }
0x2b: {  	[tilespmem:s15+$0x14020] =	vst v0  }
0x2c: {  	[tilespmem:s15+$0x14030] =	vst v0  }
0x2d: {  	[tilespmem:s15+$0x14040] =	vst v0  }
0x2e: {  	[tilespmem:s15+$0x14050] =	vst v0  }
0x2f: {  	[tilespmem:s15+$0x14060] =	vst v0  }
0x30: {  	[spmem:s5] =	stream.linear.scatter [tilespmem:s24], [sflag:$0x5], $0x4000, $0x38;
	[tilespmem:$0x1C200] =	vst v63  }
0x31: {  	_ =	swait.ge [sflag:s25], $0x4000  }
0x32: {  	[sflag:s25] =	ssyncset.done $0x0  }
0x33: {  	[sflag:s25] =	ssyncadd.s32 $0xFFFFC000  }
0x34: {  	[spmem:s6] =	stream.linear.scatter [tilespmem:s24], [sflag:$0x5], $0x4000, $0x38;
	[tilespmem:$0x1C200] =	vst v63  }
0x35: {  	_ =	swait.ge [sflag:s25], $0x4000  }
0x36: {  	[sflag:s25] =	ssyncset.done $0x0  }
0x37: {  	[sflag:s25] =	ssyncadd.s32 $0xFFFFC000  }
0x38: {  	[spmem:s7] =	stream.linear.scatter [tilespmem:s24], [sflag:$0x5], $0x4000, $0x38;
	[tilespmem:$0x1C200] =	vst v63  }
0x39: {  	_ =	swait.ge [sflag:s25], $0x4000  }
0x3a: {  	[sflag:s25] =	ssyncset.done $0x0  }
0x3b: {  	[sflag:s25] =	ssyncadd.s32 $0xFFFFC000  }
0x3c: {  	[spmem:s8] =	stream.linear.scatter [tilespmem:s24], [sflag:$0x5], $0x4000, $0x38;
	[tilespmem:$0x1C200] =	vst v63  }
0x3d: {  	_ =	swait.ge [sflag:s25], $0x4000  }
0x3e: {  	[sflag:s25] =	ssyncset.done $0x0  }
0x3f: {  	[sflag:s25] =	ssyncadd.s32 $0xFFFFC000  }
0x40: {  	[spmem:s9] =	stream.linear.scatter [tilespmem:s24], [sflag:$0x5], $0x4000, $0x38;
	[tilespmem:$0x1C200] =	vst v63  }
0x41: {  	_ =	swait.ge [sflag:s25], $0x4000  }
0x42: {  	[sflag:s25] =	ssyncset.done $0x0  }
0x43: {  	[sflag:s25] =	ssyncadd.s32 $0xFFFFC000  }
0x44: {  	[bflag:$0x0] =	sbarrier.arrive $0xFFFF  }
0x45: {  	s11 =	simm.s32 $0x0;
	s16 =	rddreg [dreg:$0x4]  }
0x46: {  	[tilespmem:s26], [sflag:$0x5] =	stream.linear.gather [hbm4b:s16+s11], $0x80, $0x38;
	[tilespmem:$0x1C200] =	vst v63  }
0x47: {  	_ =	swait.ge [sflag:s25], $0x80  }
0x48: {  	[sflag:s25] =	ssyncset.done $0x0  }
0x49: {  	[sflag:s25] =	ssyncadd.s32 $0xFFFFFF80  }
0x4a: {  	[tilespmem:s24], [sflag:$0x1] =	stream.indirect.gather [hbm4b:s1+s28], $0x80, s26, s28, $0xb8;
	[tilespmem:$0x1C200] =	vst v63  }
0x4b: {  	s16 =	rddreg [dreg:$0x5]  }
0x4c: {  	[tilespmem:s29], [sflag:$0x5] =	stream.linear.gather [hbm4b:s16+s11], $0x80, $0x38;
	[tilespmem:$0x1C200] =	vst v63  }
0x4d: {  	_ =	swait.ge [sflag:s25], $0x80  }
0x4e: {  	[sflag:s25] =	ssyncset.done $0x0  }
0x4f: {  	[sflag:s25] =	ssyncadd.s32 $0xFFFFFF80  }
0x50: {  	_ =	swait.ge [sflag:s30], $0x4000  }
0x51: {  	[sflag:s30] =	ssyncset.done $0x0  }
0x52: {  	[sflag:s30] =	ssyncadd.s32 $0xFFFFC000  }
0x53: {  	[spmem:s2] =	stream.indirect.scatter.add.f32 [tilespmem:s24], [sflag:$0x3], $0x80, s29, s28, $0xb8;
	[tilespmem:$0x1C200] =	vst v63  }
0x54: {  	s16 =	rddreg [dreg:$0x6]  }
0x55: {  	[tilespmem:s31], [sflag:$0x5] =	stream.linear.gather [hbm4b:s16+s11], $0x80, $0x38;
	[tilespmem:$0x1C200] =	vst v63  }
0x56: {  	_ =	swait.ge [sflag:s25], $0x80  }
0x57: {  	[sflag:s25] =	ssyncset.done $0x0  }
0x58: {  	[sflag:s25] =	ssyncadd.s32 $0xFFFFFF80  }
0x59: {  	[tilespmem:s0], [sflag:$0x2] =	stream.indirect.gather [hbm4b:s1+s28], $0x80, s31, s28, $0xb8;
	[tilespmem:$0x1C200] =	vst v63  }
0x5a: {  	s15 =	sadd.s32 $0x0, s23  }
0x5b: {  	[tilespmem:s3], [sflag:$0x5] =	stream.linear.gather [hbm4b:s15+s4], $0x80, $0x38;
	[tilespmem:$0x1C200] =	vst v63  }
0x5c: {  	_ =	swait.ge [sflag:s25], $0x80  }
0x5d: {  	[sflag:s25] =	ssyncset.done $0x0  }
0x5e: {  	[sflag:s25] =	ssyncadd.s32 $0xFFFFFF80  }
0x5f: {  	_ =	swait.ge [sflag:s12], $0x4000  }
0x60: {  	[sflag:s12] =	ssyncset.done $0x0  }
0x61: {  	[sflag:s12] =	ssyncadd.s32 $0xFFFFC000  }
0x62: {  	[spmem:s2] =	stream.indirect.scatter.add.f32 [tilespmem:s0], [sflag:$0x4], $0x80, s3, s28, $0xb8;
	[tilespmem:$0x1C200] =	vst v63  }
0x63: {  	s16 =	sadd.s32 $0x0, s22  }
0x64: {  	[tilespmem:s26], [sflag:$0x5] =	stream.linear.gather [hbm4b:s16+s4], $0x80, $0x38;
	[tilespmem:$0x1C200] =	vst v63  }
0x65: {  	_ =	swait.ge [sflag:s25], $0x80  }
0x66: {  	[sflag:s25] =	ssyncset.done $0x0  }
0x67: {  	[sflag:s25] =	ssyncadd.s32 $0xFFFFFF80  }
0x68: {  	_ =	swait.ge [sflag:s13], $0x4000  }
0x69: {  	[sflag:s13] =	ssyncset.done $0x0  }
0x6a: {  	[sflag:s13] =	ssyncadd.s32 $0xFFFFC000  }
0x6b: {  	[tilespmem:s24], [sflag:$0x1] =	stream.indirect.gather [hbm4b:s1+s28], $0x80, s26, s28, $0xb8;
	[tilespmem:$0x1C200] =	vst v63  }
0x6c: {  	s15 =	sadd.s32 $0x0, s21  }
0x6d: {  	[tilespmem:s29], [sflag:$0x5] =	stream.linear.gather [hbm4b:s15+s4], $0x80, $0x38;
	[tilespmem:$0x1C200] =	vst v63  }
0x6e: {  	_ =	swait.ge [sflag:s25], $0x80  }
0x6f: {  	[sflag:s25] =	ssyncset.done $0x0  }
0x70: {  	[sflag:s25] =	ssyncadd.s32 $0xFFFFFF80  }
0x71: {  	_ =	swait.ge [sflag:s30], $0x4000  }
0x72: {  	[sflag:s30] =	ssyncset.done $0x0  }
0x73: {  	[sflag:s30] =	ssyncadd.s32 $0xFFFFC000  }
0x74: {  	[spmem:s2] =	stream.indirect.scatter.add.f32 [tilespmem:s24], [sflag:$0x3], $0x80, s29, s28, $0xb8;
	[tilespmem:$0x1C200] =	vst v63  }
0x75: {  	s16 =	sadd.s32 $0x0, s20  }
0x76: {  	[tilespmem:s31], [sflag:$0x5] =	stream.linear.gather [hbm4b:s16+s4], $0x80, $0x38;
	[tilespmem:$0x1C200] =	vst v63  }
0x77: {  	_ =	swait.ge [sflag:s25], $0x80  }
0x78: {  	[sflag:s25] =	ssyncset.done $0x0  }
0x79: {  	[sflag:s25] =	ssyncadd.s32 $0xFFFFFF80  }
0x7a: {  	_ =	swait.ge [sflag:s14], $0x4000  }
0x7b: {  	[sflag:s14] =	ssyncset.done $0x0  }
0x7c: {  	s15 =	simm.s32 $0x20;
	[sflag:s14] =	ssyncadd.s32 $0xFFFFC000  }
.LBB2_4:
0x7d: {  	[tilespmem:s0], [sflag:$0x2] =	stream.indirect.gather [hbm4b:s1+s28], $0x80, s31, s28, $0xb8;
	[tilespmem:$0x1C200] =	vst v63  }
0x7e: {  	s11 =	smov.u32 s15  }
0x7f: {  	p0 =	sne.s32 s15, $0x4C0;
	s15 =	sadd.s32 $0x20, s15;
	s16 =	sadd.s32 s11, s23  }
0x80: {  	[tilespmem:s3], [sflag:$0x5] =	stream.linear.gather [hbm4b:s16+s4], $0x80, $0x38;
	[tilespmem:$0x1C200] =	vst v63  }
0x81: {  	_ =	swait.ge [sflag:s25], $0x80  }
0x82: {  	[sflag:s25] =	ssyncset.done $0x0  }
0x83: {  	[sflag:s25] =	ssyncadd.s32 $0xFFFFFF80  }
0x84: {  	_ =	swait.ge [sflag:s12], $0x4000  }
0x85: {  	[sflag:s12] =	ssyncset.done $0x0  }
0x86: {  	[sflag:s12] =	ssyncadd.s32 $0xFFFFC000  }
0x87: {  	[spmem:s2] =	stream.indirect.scatter.add.f32 [tilespmem:s0], [sflag:$0x4], $0x80, s3, s28, $0xb8;
	[tilespmem:$0x1C200] =	vst v63  }
0x88: {  	s16 =	sadd.s32 s11, s22  }
0x89: {  	[tilespmem:s26], [sflag:$0x5] =	stream.linear.gather [hbm4b:s16+s4], $0x80, $0x38;
	[tilespmem:$0x1C200] =	vst v63  }
0x8a: {  	_ =	swait.ge [sflag:s25], $0x80  }
0x8b: {  	[sflag:s25] =	ssyncset.done $0x0  }
0x8c: {  	[sflag:s25] =	ssyncadd.s32 $0xFFFFFF80  }
0x8d: {  	_ =	swait.ge [sflag:s13], $0x4000  }
0x8e: {  	[sflag:s13] =	ssyncset.done $0x0  }
0x8f: {  	[sflag:s13] =	ssyncadd.s32 $0xFFFFC000  }
0x90: {  	[tilespmem:s24], [sflag:$0x1] =	stream.indirect.gather [hbm4b:s1+s28], $0x80, s26, s28, $0xb8;
	[tilespmem:$0x1C200] =	vst v63  }
0x91: {  	s16 =	sadd.s32 s11, s21  }
0x92: {  	[tilespmem:s29], [sflag:$0x5] =	stream.linear.gather [hbm4b:s16+s4], $0x80, $0x38;
	[tilespmem:$0x1C200] =	vst v63  }
0x93: {  	_ =	swait.ge [sflag:s25], $0x80  }
0x94: {  	[sflag:s25] =	ssyncset.done $0x0  }
0x95: {  	[sflag:s25] =	ssyncadd.s32 $0xFFFFFF80  }
0x96: {  	_ =	swait.ge [sflag:s30], $0x4000  }
0x97: {  	[sflag:s30] =	ssyncset.done $0x0  }
0x98: {  	[sflag:s30] =	ssyncadd.s32 $0xFFFFC000  }
0x99: {  	[spmem:s2] =	stream.indirect.scatter.add.f32 [tilespmem:s24], [sflag:$0x3], $0x80, s29, s28, $0xb8;
	[tilespmem:$0x1C200] =	vst v63  }
0x9a: {  	s11 =	sadd.s32 s11, s20  }
0x9b: {  	[tilespmem:s31], [sflag:$0x5] =	stream.linear.gather [hbm4b:s11+s4], $0x80, $0x38;
	[tilespmem:$0x1C200] =	vst v63  }
0x9c: {  	_ =	swait.ge [sflag:s25], $0x80  }
.Ltmp1:
0x9d: {  	[sflag:s25] =	ssyncset.done $0x0;
	(pc) =	sbr.rel @p0 .LBB2_4-.Ltmp1, $4  }
0x9e: {  	[sflag:s25] =	ssyncadd.s32 $0xFFFFFF80  }
0x9f: {  	_ =	swait.ge [sflag:s14], $0x4000  }
0xa0: {  	[sflag:s14] =	ssyncset.done $0x0  }
0xa1: {  	[sflag:s14] =	ssyncadd.s32 $0xFFFFC000  }
0xa2: {  	[tilespmem:s0], [sflag:$0x2] =	stream.indirect.gather [hbm4b:s1+s28], $0x80, s31, s28, $0xb8;
	[tilespmem:$0x1C200] =	vst v63  }
0xa3: {  	s11 =	rddreg [dreg:$0x7]  }
0xa4: {  	[tilespmem:s3], [sflag:$0x5] =	stream.linear.gather [hbm4b:s11+s4], $0x80, $0x38;
	[tilespmem:$0x1C200] =	vst v63  }
0xa5: {  	_ =	swait.ge [sflag:s25], $0x80  }
0xa6: {  	[sflag:s25] =	ssyncset.done $0x0  }
0xa7: {  	[sflag:s25] =	ssyncadd.s32 $0xFFFFFF80  }
0xa8: {  	_ =	swait.ge [sflag:s12], $0x4000  }
0xa9: {  	[sflag:s12] =	ssyncset.done $0x0  }
0xaa: {  	[sflag:s12] =	ssyncadd.s32 $0xFFFFC000  }
0xab: {  	[spmem:s2] =	stream.indirect.scatter.add.f32 [tilespmem:s0], [sflag:$0x4], $0x80, s3, s28, $0xb8;
	[tilespmem:$0x1C200] =	vst v63  }
0xac: {  	_ =	swait.ge [sflag:s13], $0x4000  }
0xad: {  	[sflag:s13] =	ssyncset.done $0x0  }
0xae: {  	[sflag:s13] =	ssyncadd.s32 $0xFFFFC000  }
0xaf: {  	_ =	swait.ge [sflag:s14], $0x4000  }
0xb0: {  	[sflag:s14] =	ssyncset.done $0x0  }
0xb1: {  	[sflag:s14] =	ssyncadd.s32 $0xFFFFC000  }
0xb2: {  	[bflag:$0x0] =	sbarrier.arrive $0xFFFF  }
0xb3: {  	[tilespmem:s24], [sflag:$0x5] =	stream.linear.gather [spmem:s5], $0x4000, $0x38;
	[tilespmem:$0x1C200] =	vst v63  }
0xb4: {  	_ =	swait.ge [sflag:s25], $0x4000  }
0xb5: {  	[sflag:s25] =	ssyncset.done $0x0  }
0xb6: {  	s16 =	rddreg [dreg:$0x8];
	[sflag:s25] =	ssyncadd.s32 $0xFFFFC000  }
0xb7: {  	[hbm4b:s16+s4] =	stream.linear.scatter [tilespmem:s24], [sflag:$0x5], $0x4000, $0x38;
	[tilespmem:$0x1C200] =	vst v63  }
0xb8: {  	_ =	swait.ge [sflag:s25], $0x4000  }
0xb9: {  	[sflag:s25] =	ssyncset.done $0x0  }
0xba: {  	[sflag:s25] =	ssyncadd.s32 $0xFFFFC000  }
0xbb: {  	[tilespmem:s24], [sflag:$0x5] =	stream.linear.gather [spmem:s6], $0x4000, $0x38;
	[tilespmem:$0x1C200] =	vst v63  }
0xbc: {  	_ =	swait.ge [sflag:s25], $0x4000  }
0xbd: {  	[sflag:s25] =	ssyncset.done $0x0  }
0xbe: {  	s15 =	rddreg [dreg:$0x9];
	[sflag:s25] =	ssyncadd.s32 $0xFFFFC000  }
0xbf: {  	[hbm4b:s15+s4] =	stream.linear.scatter [tilespmem:s24], [sflag:$0x5], $0x4000, $0x38;
	[tilespmem:$0x1C200] =	vst v63  }
0xc0: {  	_ =	swait.ge [sflag:s25], $0x4000  }
0xc1: {  	[sflag:s25] =	ssyncset.done $0x0  }
0xc2: {  	[sflag:s25] =	ssyncadd.s32 $0xFFFFC000  }
0xc3: {  	[tilespmem:s24], [sflag:$0x5] =	stream.linear.gather [spmem:s7], $0x4000, $0x38;
	[tilespmem:$0x1C200] =	vst v63  }
0xc4: {  	_ =	swait.ge [sflag:s25], $0x4000  }
0xc5: {  	[sflag:s25] =	ssyncset.done $0x0  }
0xc6: {  	s16 =	rddreg [dreg:$0xa];
	[sflag:s25] =	ssyncadd.s32 $0xFFFFC000  }
0xc7: {  	[hbm4b:s16+s4] =	stream.linear.scatter [tilespmem:s24], [sflag:$0x5], $0x4000, $0x38;
	[tilespmem:$0x1C200] =	vst v63  }
0xc8: {  	_ =	swait.ge [sflag:s25], $0x4000  }
0xc9: {  	[sflag:s25] =	ssyncset.done $0x0  }
0xca: {  	[sflag:s25] =	ssyncadd.s32 $0xFFFFC000  }
0xcb: {  	[tilespmem:s24], [sflag:$0x5] =	stream.linear.gather [spmem:s8], $0x4000, $0x38;
	[tilespmem:$0x1C200] =	vst v63  }
0xcc: {  	_ =	swait.ge [sflag:s25], $0x4000  }
0xcd: {  	[sflag:s25] =	ssyncset.done $0x0  }
0xce: {  	[sflag:s25] =	ssyncadd.s32 $0xFFFFC000  }
0xcf: {  	[hbm4b:s17+s4] =	stream.linear.scatter [tilespmem:s24], [sflag:$0x5], $0x4000, $0x38;
	[tilespmem:$0x1C200] =	vst v63  }
0xd0: {  	_ =	swait.ge [sflag:s25], $0x4000  }
0xd1: {  	[sflag:s25] =	ssyncset.done $0x0  }
0xd2: {  	[sflag:s25] =	ssyncadd.s32 $0xFFFFC000  }
0xd3: {  	[tilespmem:s24], [sflag:$0x5] =	stream.linear.gather [spmem:s9], $0x4000, $0x38;
	[tilespmem:$0x1C200] =	vst v63  }
0xd4: {  	s10 =	sadd.s32 $0x1, s10;
	_ =	swait.ge [sflag:s25], $0x4000  }
0xd5: {  	p0 =	sne.s32 s10, s19;
	[sflag:s25] =	ssyncset.done $0x0  }
.Ltmp2:
0xd6: {  	[sflag:s25] =	ssyncadd.s32 $0xFFFFC000;
	(pc) =	sbr.rel @p0 .LBB2_1-.Ltmp2, $4  }
0xd7: {  	[hbm4b:s18+s4] =	stream.linear.scatter [tilespmem:s24], [sflag:$0x5], $0x4000, $0x38;
	[tilespmem:$0x1C200] =	vst v63  }
0xd8: {  	_ =	swait.ge [sflag:s25], $0x4000  }
0xd9: {  	[sflag:s25] =	ssyncset.done $0x0  }
0xda: {  	[sflag:s25] =	ssyncadd.s32 $0xFFFFC000  }
0xdb: {  	_ =	sfence.sel $0x180000  }
0xdc: {  	[bflag:$0x0] =	sbarrier.arrive $0xFFFF  }
0xdd: {  	_ =	strace $0x90000050  }
0xde: {  	s0 =	stileid.u32;
	[bflag:$0x2] =	sbarrier.arrive $0xFFFF  }
0xdf: {  	p0 =	sne.s32 s0, $0x0;
	s0 =	rddreg [dreg:$0x3]  }
0xe0: {  	s0 =	sadd.s32 @!p0 $0x100000, s0  }
0xe1: {  	[sflag:s0] =	ssyncadd.tile.s32 @!p0 $0x1;
	_ =	shalt  }
.Lfunc_end2:
_tile_overlayer_lowered:
.L_overlay_start_2:
0xe2: {  	(tag) =	ssettag $0x2  }
0xe3: {  	s0 =	rddreg [dreg:$0x0];
	s2 =	stileid.u32  }
0xe4: {  	s1 =	rddreg [dreg:$0x1];
	p0 =	sne.s32 s2, $0x0  }
0xe5: {  	s3 =	rddreg [dreg:$0x2];
	[bflag:$0x3] =	sbarrier.arrive $0xFFFF;
	s2 =	simm.s32 @!p0 $0x1C05  }
0xe6: {  	[timem:s3], [sflag:s2] =	dma.local @!p0 [hbm:s0], s1  }
0xe7: {  	s0 =	simm.s32 @!p0 $0x5  }
0xe8: {  	_ =	swait.ge @!p0 [sflag:s0], s1  }
0xe9: {  	s1 =	ssub.s32 @!p0 $0x0, s1;
	[sflag:s0] =	ssyncset.done @!p0 $0x0  }
0xea: {  	[sflag:s0] =	ssyncadd.s32 @!p0 s1  }
0xeb: {  	[bflag:$0x3] =	sbarrier.arrive $0xFFFF  }
0xec: {  	_ =	shalt  }

// kernel: kernel.26.cloned.1.call-start
scs
__scs_entry_jumppad:
0x0: {  	(pc) =	sbr.rel $0x88, $3  }
0x1: {  	(tag) =	ssettag $0x0;
	lr =	simm.s32 $0x1  }
0x2: {  	[smem:$0x3F9B] =	sst lr;
	_ =	strace $0xD0000000  }
0x3: {  	_ = 	snop  }
0x4: {  	_ = 	snop  }
0x5: {  	_ = 	snop  }
0x6: {  	_ = 	snop  }
0x7: {  	_ = 	snop  }
__scs_overlays_trampoline_lowered:
0x8: {  	[smem:$0x3FAA] =	sst s0  }
0x9: {  	[smem:$0x3FAB] =	sst s1  }
0xa: {  	[smem:$0x3FAC] =	sst s2  }
0xb: {  	[smem:$0x3FAD] =	sst s3  }
0xc: {  	[smem:$0x3FAE] =	sst s4  }
0xd: {  	[smem:$0x3FAF] =	sst s5  }
0xe: {  	[smem:$0x3FB0] =	sst s6  }
0xf: {  	[smem:$0x3FB1] =	sst s7  }
0x10: {  	[smem:$0x3FB2] =	sst s8  }
0x11: {  	[smem:$0x3FB3] =	sst s9;
	s0 =	simm.s32 @!p0 $0x0  }
0x12: {  	s1 =	sld [smem:$0x3F99];
	s0 =	simm.s32 @p0 $0x1  }
0x13: {  	[smem:$0x3FB4] =	sst s0;
	s0 =	simm.s32 @!p1 $0x0  }
0x14: {  	s2 =	sld [smem:$0x3F98];
	s0 =	simm.s32 @p1 $0x1  }
0x15: {  	[smem:$0x3FB5] =	sst s0;
	s0 =	simm.s32 @!p2 $0x0  }
0x16: {  	s3 =	sld [smem:$0x3FDB];
	s0 =	simm.s32 @p2 $0x1  }
0x17: {  	s4 =	simm.s32 $0x1BF5;
	[smem:$0x3FB7] =	sst s0  }
0x18: {  	s0 =	sld [smem:$0x3F9A];
	_ =	swait.ge [sflag:s4], $0x0  }
0x19: {  	s7 =	sld [smem:$0x3F9B]  }
0x1a: {  	s8 =	sadd.s32 $0xFFFFE003, lr  }
0x1b: {  	s9 =	sadd.s32 $0xFFFFFEF7, lr;
	s5 =	simm.s32 $0xFFFFFFFF;
	p2 =	slt.u32 s8, $0xFFFFF086  }
0x1c: {  	p1 =	slt.u32 s9, $0xF7A;
	s5 =	simm.s32 @!p2 $0x0  }
0x1d: {  	s5 =	simm.s32 @p1 $0x1;
	p0 =	seq.s32 s7, s2  }
0x1e: {  	s7 =	smul.u32 @!p0 $0xF7A, s2;
	p2 =	seq.s32 @!p0 s5, $0x0  }
0x1f: {  	s9 =	smul.u32 $0xF7A, s1;
	s8 =	simm.s32 @!p0 $0x1BF5;
	p2 =	por !p2, p0  }
0x20: {  	[sflag:s8] =	ssyncset.s32 @!p0 $0xFFFFF086;
	s6 =	sadd.s32 @!p0 s3, s7;
	s7 =	simm.s32 @!p0 $0x108  }
0x21: {  	s3 =	sadd.s32 s3, s9;
	s6 =	sadd.s32 @!p0 $0x88, s6;
	s7 =	simm.s32 @p2 $0x1082  }
0x22: {  	[simem:s7], [sflag:s8] =	dma.local @!p0 [hbm:s6], $0xF7A  }
0x23: {  	s9 =	sor.u32 $0xD0000000, s2;
	s6 =	simm.s32 $0x108;
	_ =	swait.ge @!p0 [sflag:s8], $0x0  }
0x24: {  	s3 =	sadd.s32 $0x88, s3;
	s6 =	simm.s32 @!p1 $0x1082;
	[sflag:s4] =	ssyncset.s32 $0xFFFFF086  }
0x25: {  	[simem:s6], [sflag:s4] =	dma.local [hbm:s3], $0xF7A  }
0x26: {  	[smem:$0x3F9B] =	sst s1;
	(tag) =	ssettag s2;
	_ =	strace s9  }
0x27: {  	s1 =	sld [smem:$0x3FAB]  }
0x28: {  	s2 =	sld [smem:$0x3FAC]  }
0x29: {  	s4 =	sld [smem:$0x3FAE]  }
0x2a: {  	p0 =	seq.s32 s5, $0x0;
	s5 =	sld [smem:$0x3FAF]  }
0x2b: {  	s6 =	sld [smem:$0x3FB0]  }
0x2c: {  	s7 =	sld [smem:$0x3FB1]  }
0x2d: {  	s3 =	simm.s32 $0x108;
	s8 =	sld [smem:$0x3FB2]  }
0x2e: {  	s3 =	simm.s32 @!p0 $0x1082;
	s9 =	sld [smem:$0x3FB3]  }
0x2f: {  	lr =	sadd.s32 s0, s3;
	s0 =	sld [smem:$0x3FAA]  }
0x30: {  	s3 =	sld [smem:$0x3FAD]  }
0x31: {  	[smem:$0x3FB6] =	sst s10  }
0x32: {  	s10 =	sld [smem:$0x3FB4];
	_ =	sdelay $0x3  }
0x33: {  	p0 =	seq.s32 s10, $0x1;
	s10 =	sld [smem:$0x3FB6];
	_ =	sdelay $0x3  }
0x34: {  	[smem:$0x3FB6] =	sst s10  }
0x35: {  	s10 =	sld [smem:$0x3FB5];
	_ =	sdelay $0x3  }
0x36: {  	p1 =	seq.s32 s10, $0x1;
	s10 =	sld [smem:$0x3FB6];
	_ =	sdelay $0x3  }
0x37: {  	[smem:$0x3FB6] =	sst s10  }
0x38: {  	s10 =	sld [smem:$0x3FB7]  }
0x39: {  	_ = 	snop;
	(pc) =	sbr.ind lr, $3  }
0x3a: {  	_ = 	snop  }
0x3b: {  	_ = 	snop  }
0x3c: {  	p2 =	seq.s32 s10, $0x1;
	s10 =	sld [smem:$0x3FB6]  }
0x3d: {  	_ =	shalt  }
0x3e: {  	_ =	shalt  }
0x3f: {  	_ =	shalt  }
0x40: {  	_ =	shalt  }
0x41: {  	_ =	shalt  }
0x42: {  	_ =	shalt  }
0x43: {  	_ =	shalt  }
0x44: {  	_ =	shalt  }
0x45: {  	_ =	shalt  }
0x46: {  	_ =	shalt  }
0x47: {  	_ =	shalt  }
0x48: {  	_ =	shalt  }
0x49: {  	_ =	shalt  }
0x4a: {  	_ =	shalt  }
0x4b: {  	_ =	shalt  }
0x4c: {  	_ =	shalt  }
0x4d: {  	_ =	shalt  }
0x4e: {  	_ =	shalt  }
0x4f: {  	_ =	shalt  }
0x50: {  	_ =	shalt  }
0x51: {  	_ =	shalt  }
0x52: {  	_ =	shalt  }
0x53: {  	_ =	shalt  }
0x54: {  	_ =	shalt  }
0x55: {  	_ =	shalt  }
0x56: {  	_ =	shalt  }
0x57: {  	_ =	shalt  }
0x58: {  	_ =	shalt  }
0x59: {  	_ =	shalt  }
0x5a: {  	_ =	shalt  }
0x5b: {  	_ =	shalt  }
0x5c: {  	_ =	shalt  }
0x5d: {  	_ =	shalt  }
0x5e: {  	_ =	shalt  }
0x5f: {  	_ =	shalt  }
0x60: {  	_ =	shalt  }
0x61: {  	_ =	shalt  }
0x62: {  	_ =	shalt  }
0x63: {  	_ =	shalt  }
0x64: {  	_ =	shalt  }
0x65: {  	_ =	shalt  }
0x66: {  	_ =	shalt  }
0x67: {  	_ =	shalt  }
0x68: {  	_ =	shalt  }
0x69: {  	_ =	shalt  }
0x6a: {  	_ =	shalt  }
0x6b: {  	_ =	shalt  }
0x6c: {  	_ =	shalt  }
0x6d: {  	_ =	shalt  }
0x6e: {  	_ =	shalt  }
0x6f: {  	_ =	shalt  }
0x70: {  	_ =	shalt  }
0x71: {  	_ =	shalt  }
0x72: {  	_ =	shalt  }
0x73: {  	_ =	shalt  }
0x74: {  	_ =	shalt  }
0x75: {  	_ =	shalt  }
0x76: {  	_ =	shalt  }
0x77: {  	_ =	shalt  }
0x78: {  	_ =	shalt  }
0x79: {  	_ =	shalt  }
0x7a: {  	_ =	shalt  }
0x7b: {  	_ =	shalt  }
0x7c: {  	_ =	shalt  }
0x7d: {  	_ =	shalt  }
0x7e: {  	_ =	shalt  }
0x7f: {  	_ =	shalt  }
0x80: {  	_ =	shalt  }
0x81: {  	_ =	shalt  }
0x82: {  	_ =	shalt  }
0x83: {  	_ =	shalt  }
0x84: {  	_ =	shalt  }
0x85: {  	_ =	shalt  }
0x86: {  	_ =	shalt  }
0x87: {  	_ =	shalt  }
.Lfunc_end0:
.L_simem_size_0:
called_computation.4_lowered:
.L_overlay_start_0:
0x88: {  	s2 =	sld [smem:$0x3FD9]  }
0x89: {  	s3 =	sld [smem:$0x3FFE];
	_ =	sdelay $0x1  }
0x8a: {  	s1 =	srdreg.scid  }
0x8b: {  	s0 =	sand.u32 $0x1, s1  }
0x8c: {  	s17 =	sshll.u32 s0, $0xA;
	s2 =	sadd.s32 s3, s2  }
0x8d: {  	s2 =	sadd.s32 s2, s17  }
0x8e: {  	[smem:$0x3FC2] =	sst s2  }
0x8f: {  	_ = 	snop  }
0x90: {  	s2 =	sld [smem:$0x3FD0];
	(tm) =	ssettm $0x1  }
0x91: {  	s18 =	sld [smem:$0x3FFB];
	_ =	sdelay $0x3  }
0x92: {  	_ =	strace s18  }
0x93: {  	s3 =	sld [smem:$0x3FFC];
	_ =	sdelay $0x3  }
0x94: {  	_ =	strace s3  }
0x95: {  	s3 =	sld [smem:$0x3FFD];
	_ =	sdelay $0x3  }
0x96: {  	_ =	strace s3  }
0x97: {  	_ =	strace $0x8FFFFFFF  }
0x98: {  	s19 =	sld [smem:$0x3FDB];
	_ =	sdelay $0x1  }
0x99: {  	s4 =	simm.s32 $_scs_section_size  }
0x9a: {  	s5 =	simm.s32 $_size__tile_overlayer_lowered;
	s6 =	simm.s32 $_tile_overlayer_lowered  }
0x9b: {  	s22 =	simm.s32 $0x1BFF;
	s21 =	sshll.u32 s6, $0x1;
	s3 =	sadd.s32 s4, s19  }
0x9c: {  	s7 =	simm.s32 $0x0;
	s20 =	sshll.u32 s5, $0x1;
	s5 =	sadd.s32 s21, s3  }
0x9d: {  	[timem:s7], [sflag:s22] =	dma.local [hbm:s5], s20  }
0x9e: {  	_ =	swait.ge [sflag:s22], s20  }
0x9f: {  	s4 =	ssub.s32 $0x0, s20;
	[sflag:s22] =	ssyncset.done $0x0  }
0xa0: {  	[sflag:s22] =	ssyncadd.s32 s4;
	_ =	sdelay $0x1  }
0xa1: {  	s23 =	simm.s32 $0x1B8B  }
0xa2: {  	_ =	swait.ge [sflag:s23], $0x1  }
0xa3: {  	[sflag:s23] =	ssyncset.done $0x0  }
0xa4: {  	s25 =	simm.s32 $0x1B8E;
	s24 =	sld [smem:$0x3FFE];
	[sflag:s23] =	ssyncadd.s32 $0xFFFFFFFF  }
0xa5: {  	s26 =	simm.s32 $execute0_lowered;
	[smem:$0x3FD2] =	sst s25  }
0xa6: {  	s5 =	sshll.u32 s26, $0x1;
	_ =	strace $0x80000052;
	[dreg:$0x1] =	wrdreg $0xFFFFFFFF  }
0xa7: {  	s28 =	simm.s32 $_size_execute0_lowered;
	s3 =	sadd.s32 s3, s5;
	[dreg:$0x0] =	wrdreg $0x0  }
0xa8: {  	s5 =	sshll.u32 s28, $0x1;
	[dreg:$0x2] =	wrdreg s3  }
0xa9: {  	[dreg:$0x3] =	wrdreg s5  }
0xaa: {  	[dreg:$0x4] =	wrdreg $0xC0  }
0xab: {  	_ =	task [dreg:s7], $0x5FFFF  }
0xac: {  	[dreg:$0x1] =	wrdreg $0xFFFFFFFF  }
0xad: {  	[dreg:$0x0] =	wrdreg $0x60  }
0xae: {  	[dreg:$0x2] =	wrdreg s24  }
0xaf: {  	[dreg:$0x3] =	wrdreg s2  }
0xb0: {  	[dreg:$0x4] =	wrdreg $0x0  }
0xb1: {  	[dreg:$0x5] =	wrdreg $0x9  }
0xb2: {  	_ =	task.clear_ibuf [dreg:s7], $0x6FFFF;
	_ =	strace $0x90000052  }
0xb3: {  	s29 =	simm.s32 $0x9;
	_ =	strace $0x80000054  }
0xb4: {  	_ =	swait.ge [sflag:s29], $0x1  }
0xb5: {  	[sflag:s29] =	ssyncadd.s32 $0xFFFFFFFF  }
0xb6: {  	_ =	strace $0x90000054  }
0xb7: {  	_ =	sfence  }
0xb8: {  	s30 =	sld [smem:$0x0];
	_ =	sdelay $0x2  }
0xb9: {  	s31 =	sshll.u32 s1, $0xD;
	s1 =	sshrl.u32 s1, $0x2  }
0xba: {  	s3 =	sand.u32 $0x4000, s31;
	s1 =	sadd.s32 s1, s30  }
0xbb: {  	s0 =	sor.u32 s3, s0;
	s1 =	sshll.u32 s1, $0x11  }
0xbc: {  	s0 =	sor.u32 s1, s0  }
0xbd: {  	s0 =	sadd.s32 $0x8F2B, s0  }
0xbe: {  	[sflag:s0] =	ssyncadd.remote.s32 $0x1  }
0xbf: {  	_ =	sfence.sel $0xFFFF  }
0xc0: {  	[dreg:$0x0] =	wrdreg $0xFFFFFFFF;
	(pc) =	sbr.abs _section_cstart, $3  }
0xc1: {  	[dreg:$0x1] =	wrdreg $0xFFFFFFFF  }
0xc2: {  	_ =	task.clear_ibuf [dreg:s7], $0x2FFFF;
	_ =	strace $0x9FFFFFFF  }
0xc3: {  	(tm) =	ssettm $0x7FFFFFFF  }
tec
execute0_lowered:
.L_overlay_start_1:
0x0: {  	(tag) =	ssettag $0x1  }
0x1: {  	s0 =	rddreg [dreg:$0x0]  }
0x2: {  	s1 =	rddreg [dreg:$0x1]  }
0x3: {  	s2 =	rddreg [dreg:$0x2];
	s4 =	simm.s32 $0x0  }
0x4: {  	s3 =	srdreg.scid;
	s20 =	stileid.u32;
	s28 =	simm.s32 $0x80  }
0x5: {  	s29 =	simm.s32 $0x1C100;
	s30 =	simm.s32 $0x1;
	s31 =	simm.s32 $0x1C080  }
0x6: {  	[smem:$0x7FF] =	sst s4;
	s3 =	sand.u32 $0x1, s3;
	s6 =	smul.u32 $0x50000, s20  }
0x7: {  	s10 =	sadd.s32 $0x3C00, s0;
	s11 =	sadd.s32 $0xE600, s0;
	s12 =	smul.u32 $0x14000, s20  }
0x8: {  	s0 =	sadd.s32 $0x18600, s0;
	s22 =	smul.u32 $0x2800, s20;
	_ =	strace $0x80000053  }
0x9: {  	s5 =	ssub.s32 $0x2, s3;
	s8 =	sshll.u32 s3, $0x4;
	s19 =	smul.u32 $0x140000, s3  }
0xa: {  	s3 =	smul.u32 $0x28000, s3;
	s7 =	sshrl.u32 s5, $0x1;
	s6 =	sshrl.u32 s6, $0x2  }
0xb: {  	s24 =	sor.u32 s20, s8;
	s14 =	sadd.s32 $0x4000, s12;
	s15 =	sadd.s32 $0x8000, s12  }
0xc: {  	s16 =	sadd.s32 $0xC000, s12;
	s17 =	sadd.s32 $0x10000, s12;
	s13 =	ssub.s32 s5, s7  }
0xd: {  	s5 =	sadd.s32 s6, s2;
	s8 =	smul.u32 $0x2800, s24;
	s6 =	sadd.s32 s14, s2  }
0xe: {  	s7 =	sadd.s32 s15, s2;
	s9 =	sadd.s32 s17, s2;
	s12 =	sadd.s32 s12, s19  }
0xf: {  	s14 =	sadd.s32 s19, s14;
	s26 =	sadd.s32 s19, s15;
	s12 =	sshrl.u32 s12, $0x3  }
0x10: {  	s25 =	sshrl.u32 s14, $0x3;
	s18 =	sshrl.u32 s8, $0x3;
	s12 =	sadd.s32 s0, s12  }
0x11: {  	s15 =	sshrl.u32 s26, $0x3;
	s21 =	sadd.s32 s10, s18;
	[dreg:$0x8] =	wrdreg s12  }
0x12: {  	s14 =	simm.s32 $0x4;
	s18 =	sadd.s32 s11, s18;
	[dreg:$0x4] =	wrdreg s21  }
0x13: {  	s8 =	sadd.s32 s16, s2;
	s12 =	sadd.s32 s0, s25;
	[dreg:$0x5] =	wrdreg s18  }
0x14: {  	s25 =	sadd.s32 s22, s3;
	s21 =	sadd.s32 $0x10, s21;
	[dreg:$0x9] =	wrdreg s12  }
0x15: {  	s18 =	sadd.s32 $0x4F0, s18;
	s12 =	sadd.s32 s0, s15;
	[dreg:$0x6] =	wrdreg s21  }
0x16: {  	s3 =	sor.u32 $0x180, s25;
	s26 =	sor.u32 $0x100, s25;
	[dreg:$0x7] =	wrdreg s18  }
0x17: {  	s18 =	sadd.s32 s19, s16;
	s21 =	sadd.s32 s19, s17;
	[dreg:$0xa] =	wrdreg s12  }
0x18: {  	s19 =	smax.u32 s13, $0x1;
	s3 =	sshrl.u32 s3, $0x3;
	s12 =	sshrl.u32 s26, $0x3  }
0x19: {  	s26 =	simm.s32 $0x1C000;
	s13 =	simm.s32 $0x3;
	s23 =	sshrl.u32 s18, $0x3  }
0x1a: {  	s24 =	sshrl.u32 s21, $0x3;
	s20 =	sadd.s32 s3, s10;
	s21 =	sadd.s32 s12, s11  }
0x1b: {  	s22 =	sadd.s32 s12, s10;
	s3 =	simm.s32 $0x1C180;
	s12 =	simm.s32 $0x2  }
0x1c: {  	s17 =	sadd.s32 s0, s23;
	s18 =	sadd.s32 s0, s24;
	s0 =	sor.u32 $0x80, s25  }
0x1d: {  	s10 =	simm.s32 $0x0;
	s24 =	simm.s32 $0x14000;
	s0 =	sshrl.u32 s0, $0x3  }
0x1e: {  	v0 =	vimm.f32 $0.0e+00;
	s25 =	simm.s32 $0x5;
	s23 =	sadd.s32 s0, s11;
	s0 =	simm.s32 $0x18000  }
.LBB2_1:
0x1f: {  	s15 =	simm.s32 $0x0;
	s11 =	simm.s32 $0x200  }
.LBB2_2:
0x20: {  	p0 =	sne.s32 s11, $0xFE00;
	[tilespmem:s15+$0x14070] =	vst v0  }
0x21: {  	[tilespmem:s15+$0x14000] =	vst v0  }
0x22: {  	[tilespmem:s15+$0x14010] =	vst v0  }
.Ltmp0:
0x23: {  	[tilespmem:s15+$0x14020] =	vst v0;
	(pc) =	sbr.rel @p0 .LBB2_2-.Ltmp0, $4  }
0x24: {  	[tilespmem:s15+$0x14030] =	vst v0  }
0x25: {  	[tilespmem:s15+$0x14040] =	vst v0  }
0x26: {  	[tilespmem:s15+$0x14050] =	vst v0  }
0x27: {  	[tilespmem:s15+$0x14060] =	vst v0;
	s15 =	sshra.s32 s11, $0x2;
	s11 =	sadd.s32 $0x200, s11  }
0x28: {  	[tilespmem:s15+$0x14070] =	vst v0  }
0x29: {  	[tilespmem:s15+$0x14000] =	vst v0  }
0x2a: {  	[tilespmem:s15+$0x14010] =	vst v0  }
0x2b: {  	[tilespmem:s15+$0x14020] =	vst v0  }
0x2c: {  	[tilespmem:s15+$0x14030] =	vst v0  }
0x2d: {  	[tilespmem:s15+$0x14040] =	vst v0  }
0x2e: {  	[tilespmem:s15+$0x14050] =	vst v0  }
0x2f: {  	[tilespmem:s15+$0x14060] =	vst v0  }
0x30: {  	[spmem:s5] =	stream.linear.scatter [tilespmem:s24], [sflag:$0x5], $0x4000, $0x38;
	[tilespmem:$0x1C200] =	vst v63  }
0x31: {  	_ =	swait.ge [sflag:s25], $0x4000  }
0x32: {  	[sflag:s25] =	ssyncset.done $0x0  }
0x33: {  	[sflag:s25] =	ssyncadd.s32 $0xFFFFC000  }
0x34: {  	[spmem:s6] =	stream.linear.scatter [tilespmem:s24], [sflag:$0x5], $0x4000, $0x38;
	[tilespmem:$0x1C200] =	vst v63  }
0x35: {  	_ =	swait.ge [sflag:s25], $0x4000  }
0x36: {  	[sflag:s25] =	ssyncset.done $0x0  }
0x37: {  	[sflag:s25] =	ssyncadd.s32 $0xFFFFC000  }
0x38: {  	[spmem:s7] =	stream.linear.scatter [tilespmem:s24], [sflag:$0x5], $0x4000, $0x38;
	[tilespmem:$0x1C200] =	vst v63  }
0x39: {  	_ =	swait.ge [sflag:s25], $0x4000  }
0x3a: {  	[sflag:s25] =	ssyncset.done $0x0  }
0x3b: {  	[sflag:s25] =	ssyncadd.s32 $0xFFFFC000  }
0x3c: {  	[spmem:s8] =	stream.linear.scatter [tilespmem:s24], [sflag:$0x5], $0x4000, $0x38;
	[tilespmem:$0x1C200] =	vst v63  }
0x3d: {  	_ =	swait.ge [sflag:s25], $0x4000  }
0x3e: {  	[sflag:s25] =	ssyncset.done $0x0  }
0x3f: {  	[sflag:s25] =	ssyncadd.s32 $0xFFFFC000  }
0x40: {  	[spmem:s9] =	stream.linear.scatter [tilespmem:s24], [sflag:$0x5], $0x4000, $0x38;
	[tilespmem:$0x1C200] =	vst v63  }
0x41: {  	_ =	swait.ge [sflag:s25], $0x4000  }
0x42: {  	[sflag:s25] =	ssyncset.done $0x0  }
0x43: {  	[sflag:s25] =	ssyncadd.s32 $0xFFFFC000  }
0x44: {  	[bflag:$0x0] =	sbarrier.arrive $0xFFFF  }
0x45: {  	s11 =	simm.s32 $0x0;
	s16 =	rddreg [dreg:$0x4]  }
0x46: {  	[tilespmem:s26], [sflag:$0x5] =	stream.linear.gather [hbm4b:s16+s11], $0x80, $0x38;
	[tilespmem:$0x1C200] =	vst v63  }
0x47: {  	_ =	swait.ge [sflag:s25], $0x80  }
0x48: {  	[sflag:s25] =	ssyncset.done $0x0  }
0x49: {  	[sflag:s25] =	ssyncadd.s32 $0xFFFFFF80  }
0x4a: {  	[tilespmem:s24], [sflag:$0x1] =	stream.indirect.gather [hbm4b:s1+s28], $0x80, s26, s28, $0xb8;
	[tilespmem:$0x1C200] =	vst v63  }
0x4b: {  	s16 =	rddreg [dreg:$0x5]  }
0x4c: {  	[tilespmem:s29], [sflag:$0x5] =	stream.linear.gather [hbm4b:s16+s11], $0x80, $0x38;
	[tilespmem:$0x1C200] =	vst v63  }
0x4d: {  	_ =	swait.ge [sflag:s25], $0x80  }
0x4e: {  	[sflag:s25] =	ssyncset.done $0x0  }
0x4f: {  	[sflag:s25] =	ssyncadd.s32 $0xFFFFFF80  }
0x50: {  	_ =	swait.ge [sflag:s30], $0x4000  }
0x51: {  	[sflag:s30] =	ssyncset.done $0x0  }
0x52: {  	[sflag:s30] =	ssyncadd.s32 $0xFFFFC000  }
0x53: {  	[spmem:s2] =	stream.indirect.scatter.add.f32 [tilespmem:s24], [sflag:$0x3], $0x80, s29, s28, $0xb8;
	[tilespmem:$0x1C200] =	vst v63  }
0x54: {  	s16 =	rddreg [dreg:$0x6]  }
0x55: {  	[tilespmem:s31], [sflag:$0x5] =	stream.linear.gather [hbm4b:s16+s11], $0x80, $0x38;
	[tilespmem:$0x1C200] =	vst v63  }
0x56: {  	_ =	swait.ge [sflag:s25], $0x80  }
0x57: {  	[sflag:s25] =	ssyncset.done $0x0  }
0x58: {  	[sflag:s25] =	ssyncadd.s32 $0xFFFFFF80  }
0x59: {  	[tilespmem:s0], [sflag:$0x2] =	stream.indirect.gather [hbm4b:s1+s28], $0x80, s31, s28, $0xb8;
	[tilespmem:$0x1C200] =	vst v63  }
0x5a: {  	s15 =	sadd.s32 $0x0, s23  }
0x5b: {  	[tilespmem:s3], [sflag:$0x5] =	stream.linear.gather [hbm4b:s15+s4], $0x80, $0x38;
	[tilespmem:$0x1C200] =	vst v63  }
0x5c: {  	_ =	swait.ge [sflag:s25], $0x80  }
0x5d: {  	[sflag:s25] =	ssyncset.done $0x0  }
0x5e: {  	[sflag:s25] =	ssyncadd.s32 $0xFFFFFF80  }
0x5f: {  	_ =	swait.ge [sflag:s12], $0x4000  }
0x60: {  	[sflag:s12] =	ssyncset.done $0x0  }
0x61: {  	[sflag:s12] =	ssyncadd.s32 $0xFFFFC000  }
0x62: {  	[spmem:s2] =	stream.indirect.scatter.add.f32 [tilespmem:s0], [sflag:$0x4], $0x80, s3, s28, $0xb8;
	[tilespmem:$0x1C200] =	vst v63  }
0x63: {  	s16 =	sadd.s32 $0x0, s22  }
0x64: {  	[tilespmem:s26], [sflag:$0x5] =	stream.linear.gather [hbm4b:s16+s4], $0x80, $0x38;
	[tilespmem:$0x1C200] =	vst v63  }
0x65: {  	_ =	swait.ge [sflag:s25], $0x80  }
0x66: {  	[sflag:s25] =	ssyncset.done $0x0  }
0x67: {  	[sflag:s25] =	ssyncadd.s32 $0xFFFFFF80  }
0x68: {  	_ =	swait.ge [sflag:s13], $0x4000  }
0x69: {  	[sflag:s13] =	ssyncset.done $0x0  }
0x6a: {  	[sflag:s13] =	ssyncadd.s32 $0xFFFFC000  }
0x6b: {  	[tilespmem:s24], [sflag:$0x1] =	stream.indirect.gather [hbm4b:s1+s28], $0x80, s26, s28, $0xb8;
	[tilespmem:$0x1C200] =	vst v63  }
0x6c: {  	s15 =	sadd.s32 $0x0, s21  }
0x6d: {  	[tilespmem:s29], [sflag:$0x5] =	stream.linear.gather [hbm4b:s15+s4], $0x80, $0x38;
	[tilespmem:$0x1C200] =	vst v63  }
0x6e: {  	_ =	swait.ge [sflag:s25], $0x80  }
0x6f: {  	[sflag:s25] =	ssyncset.done $0x0  }
0x70: {  	[sflag:s25] =	ssyncadd.s32 $0xFFFFFF80  }
0x71: {  	_ =	swait.ge [sflag:s30], $0x4000  }
0x72: {  	[sflag:s30] =	ssyncset.done $0x0  }
0x73: {  	[sflag:s30] =	ssyncadd.s32 $0xFFFFC000  }
0x74: {  	[spmem:s2] =	stream.indirect.scatter.add.f32 [tilespmem:s24], [sflag:$0x3], $0x80, s29, s28, $0xb8;
	[tilespmem:$0x1C200] =	vst v63  }
0x75: {  	s16 =	sadd.s32 $0x0, s20  }
0x76: {  	[tilespmem:s31], [sflag:$0x5] =	stream.linear.gather [hbm4b:s16+s4], $0x80, $0x38;
	[tilespmem:$0x1C200] =	vst v63  }
0x77: {  	_ =	swait.ge [sflag:s25], $0x80  }
0x78: {  	[sflag:s25] =	ssyncset.done $0x0  }
0x79: {  	[sflag:s25] =	ssyncadd.s32 $0xFFFFFF80  }
0x7a: {  	_ =	swait.ge [sflag:s14], $0x4000  }
0x7b: {  	[sflag:s14] =	ssyncset.done $0x0  }
0x7c: {  	s15 =	simm.s32 $0x20;
	[sflag:s14] =	ssyncadd.s32 $0xFFFFC000  }
.LBB2_4:
0x7d: {  	[tilespmem:s0], [sflag:$0x2] =	stream.indirect.gather [hbm4b:s1+s28], $0x80, s31, s28, $0xb8;
	[tilespmem:$0x1C200] =	vst v63  }
0x7e: {  	s11 =	smov.u32 s15  }
0x7f: {  	p0 =	sne.s32 s15, $0x4C0;
	s15 =	sadd.s32 $0x20, s15;
	s16 =	sadd.s32 s11, s23  }
0x80: {  	[tilespmem:s3], [sflag:$0x5] =	stream.linear.gather [hbm4b:s16+s4], $0x80, $0x38;
	[tilespmem:$0x1C200] =	vst v63  }
0x81: {  	_ =	swait.ge [sflag:s25], $0x80  }
0x82: {  	[sflag:s25] =	ssyncset.done $0x0  }
0x83: {  	[sflag:s25] =	ssyncadd.s32 $0xFFFFFF80  }
0x84: {  	_ =	swait.ge [sflag:s12], $0x4000  }
0x85: {  	[sflag:s12] =	ssyncset.done $0x0  }
0x86: {  	[sflag:s12] =	ssyncadd.s32 $0xFFFFC000  }
0x87: {  	[spmem:s2] =	stream.indirect.scatter.add.f32 [tilespmem:s0], [sflag:$0x4], $0x80, s3, s28, $0xb8;
	[tilespmem:$0x1C200] =	vst v63  }
0x88: {  	s16 =	sadd.s32 s11, s22  }
0x89: {  	[tilespmem:s26], [sflag:$0x5] =	stream.linear.gather [hbm4b:s16+s4], $0x80, $0x38;
	[tilespmem:$0x1C200] =	vst v63  }
0x8a: {  	_ =	swait.ge [sflag:s25], $0x80  }
0x8b: {  	[sflag:s25] =	ssyncset.done $0x0  }
0x8c: {  	[sflag:s25] =	ssyncadd.s32 $0xFFFFFF80  }
0x8d: {  	_ =	swait.ge [sflag:s13], $0x4000  }
0x8e: {  	[sflag:s13] =	ssyncset.done $0x0  }
0x8f: {  	[sflag:s13] =	ssyncadd.s32 $0xFFFFC000  }
0x90: {  	[tilespmem:s24], [sflag:$0x1] =	stream.indirect.gather [hbm4b:s1+s28], $0x80, s26, s28, $0xb8;
	[tilespmem:$0x1C200] =	vst v63  }
0x91: {  	s16 =	sadd.s32 s11, s21  }
0x92: {  	[tilespmem:s29], [sflag:$0x5] =	stream.linear.gather [hbm4b:s16+s4], $0x80, $0x38;
	[tilespmem:$0x1C200] =	vst v63  }
0x93: {  	_ =	swait.ge [sflag:s25], $0x80  }
0x94: {  	[sflag:s25] =	ssyncset.done $0x0  }
0x95: {  	[sflag:s25] =	ssyncadd.s32 $0xFFFFFF80  }
0x96: {  	_ =	swait.ge [sflag:s30], $0x4000  }
0x97: {  	[sflag:s30] =	ssyncset.done $0x0  }
0x98: {  	[sflag:s30] =	ssyncadd.s32 $0xFFFFC000  }
0x99: {  	[spmem:s2] =	stream.indirect.scatter.add.f32 [tilespmem:s24], [sflag:$0x3], $0x80, s29, s28, $0xb8;
	[tilespmem:$0x1C200] =	vst v63  }
0x9a: {  	s11 =	sadd.s32 s11, s20  }
0x9b: {  	[tilespmem:s31], [sflag:$0x5] =	stream.linear.gather [hbm4b:s11+s4], $0x80, $0x38;
	[tilespmem:$0x1C200] =	vst v63  }
0x9c: {  	_ =	swait.ge [sflag:s25], $0x80  }
.Ltmp1:
0x9d: {  	[sflag:s25] =	ssyncset.done $0x0;
	(pc) =	sbr.rel @p0 .LBB2_4-.Ltmp1, $4  }
0x9e: {  	[sflag:s25] =	ssyncadd.s32 $0xFFFFFF80  }
0x9f: {  	_ =	swait.ge [sflag:s14], $0x4000  }
0xa0: {  	[sflag:s14] =	ssyncset.done $0x0  }
0xa1: {  	[sflag:s14] =	ssyncadd.s32 $0xFFFFC000  }
0xa2: {  	[tilespmem:s0], [sflag:$0x2] =	stream.indirect.gather [hbm4b:s1+s28], $0x80, s31, s28, $0xb8;
	[tilespmem:$0x1C200] =	vst v63  }
0xa3: {  	s11 =	rddreg [dreg:$0x7]  }
0xa4: {  	[tilespmem:s3], [sflag:$0x5] =	stream.linear.gather [hbm4b:s11+s4], $0x80, $0x38;
	[tilespmem:$0x1C200] =	vst v63  }
0xa5: {  	_ =	swait.ge [sflag:s25], $0x80  }
0xa6: {  	[sflag:s25] =	ssyncset.done $0x0  }
0xa7: {  	[sflag:s25] =	ssyncadd.s32 $0xFFFFFF80  }
0xa8: {  	_ =	swait.ge [sflag:s12], $0x4000  }
0xa9: {  	[sflag:s12] =	ssyncset.done $0x0  }
0xaa: {  	[sflag:s12] =	ssyncadd.s32 $0xFFFFC000  }
0xab: {  	[spmem:s2] =	stream.indirect.scatter.add.f32 [tilespmem:s0], [sflag:$0x4], $0x80, s3, s28, $0xb8;
	[tilespmem:$0x1C200] =	vst v63  }
0xac: {  	_ =	swait.ge [sflag:s13], $0x4000  }
0xad: {  	[sflag:s13] =	ssyncset.done $0x0  }
0xae: {  	[sflag:s13] =	ssyncadd.s32 $0xFFFFC000  }
0xaf: {  	_ =	swait.ge [sflag:s14], $0x4000  }
0xb0: {  	[sflag:s14] =	ssyncset.done $0x0  }
0xb1: {  	[sflag:s14] =	ssyncadd.s32 $0xFFFFC000  }
0xb2: {  	[bflag:$0x0] =	sbarrier.arrive $0xFFFF  }
0xb3: {  	[tilespmem:s24], [sflag:$0x5] =	stream.linear.gather [spmem:s5], $0x4000, $0x38;
	[tilespmem:$0x1C200] =	vst v63  }
0xb4: {  	_ =	swait.ge [sflag:s25], $0x4000  }
0xb5: {  	[sflag:s25] =	ssyncset.done $0x0  }
0xb6: {  	s16 =	rddreg [dreg:$0x8];
	[sflag:s25] =	ssyncadd.s32 $0xFFFFC000  }
0xb7: {  	[hbm4b:s16+s4] =	stream.linear.scatter [tilespmem:s24], [sflag:$0x5], $0x4000, $0x38;
	[tilespmem:$0x1C200] =	vst v63  }
0xb8: {  	_ =	swait.ge [sflag:s25], $0x4000  }
0xb9: {  	[sflag:s25] =	ssyncset.done $0x0  }
0xba: {  	[sflag:s25] =	ssyncadd.s32 $0xFFFFC000  }
0xbb: {  	[tilespmem:s24], [sflag:$0x5] =	stream.linear.gather [spmem:s6], $0x4000, $0x38;
	[tilespmem:$0x1C200] =	vst v63  }
0xbc: {  	_ =	swait.ge [sflag:s25], $0x4000  }
0xbd: {  	[sflag:s25] =	ssyncset.done $0x0  }
0xbe: {  	s15 =	rddreg [dreg:$0x9];
	[sflag:s25] =	ssyncadd.s32 $0xFFFFC000  }
0xbf: {  	[hbm4b:s15+s4] =	stream.linear.scatter [tilespmem:s24], [sflag:$0x5], $0x4000, $0x38;
	[tilespmem:$0x1C200] =	vst v63  }
0xc0: {  	_ =	swait.ge [sflag:s25], $0x4000  }
0xc1: {  	[sflag:s25] =	ssyncset.done $0x0  }
0xc2: {  	[sflag:s25] =	ssyncadd.s32 $0xFFFFC000  }
0xc3: {  	[tilespmem:s24], [sflag:$0x5] =	stream.linear.gather [spmem:s7], $0x4000, $0x38;
	[tilespmem:$0x1C200] =	vst v63  }
0xc4: {  	_ =	swait.ge [sflag:s25], $0x4000  }
0xc5: {  	[sflag:s25] =	ssyncset.done $0x0  }
0xc6: {  	s16 =	rddreg [dreg:$0xa];
	[sflag:s25] =	ssyncadd.s32 $0xFFFFC000  }
0xc7: {  	[hbm4b:s16+s4] =	stream.linear.scatter [tilespmem:s24], [sflag:$0x5], $0x4000, $0x38;
	[tilespmem:$0x1C200] =	vst v63  }
0xc8: {  	_ =	swait.ge [sflag:s25], $0x4000  }
0xc9: {  	[sflag:s25] =	ssyncset.done $0x0  }
0xca: {  	[sflag:s25] =	ssyncadd.s32 $0xFFFFC000  }
0xcb: {  	[tilespmem:s24], [sflag:$0x5] =	stream.linear.gather [spmem:s8], $0x4000, $0x38;
	[tilespmem:$0x1C200] =	vst v63  }
0xcc: {  	_ =	swait.ge [sflag:s25], $0x4000  }
0xcd: {  	[sflag:s25] =	ssyncset.done $0x0  }
0xce: {  	[sflag:s25] =	ssyncadd.s32 $0xFFFFC000  }
0xcf: {  	[hbm4b:s17+s4] =	stream.linear.scatter [tilespmem:s24], [sflag:$0x5], $0x4000, $0x38;
	[tilespmem:$0x1C200] =	vst v63  }
0xd0: {  	_ =	swait.ge [sflag:s25], $0x4000  }
0xd1: {  	[sflag:s25] =	ssyncset.done $0x0  }
0xd2: {  	[sflag:s25] =	ssyncadd.s32 $0xFFFFC000  }
0xd3: {  	[tilespmem:s24], [sflag:$0x5] =	stream.linear.gather [spmem:s9], $0x4000, $0x38;
	[tilespmem:$0x1C200] =	vst v63  }
0xd4: {  	s10 =	sadd.s32 $0x1, s10;
	_ =	swait.ge [sflag:s25], $0x4000  }
0xd5: {  	p0 =	sne.s32 s10, s19;
	[sflag:s25] =	ssyncset.done $0x0  }
.Ltmp2:
0xd6: {  	[sflag:s25] =	ssyncadd.s32 $0xFFFFC000;
	(pc) =	sbr.rel @p0 .LBB2_1-.Ltmp2, $4  }
0xd7: {  	[hbm4b:s18+s4] =	stream.linear.scatter [tilespmem:s24], [sflag:$0x5], $0x4000, $0x38;
	[tilespmem:$0x1C200] =	vst v63  }
0xd8: {  	_ =	swait.ge [sflag:s25], $0x4000  }
0xd9: {  	[sflag:s25] =	ssyncset.done $0x0  }
0xda: {  	[sflag:s25] =	ssyncadd.s32 $0xFFFFC000  }
0xdb: {  	_ =	sfence.sel $0x180000  }
0xdc: {  	[bflag:$0x0] =	sbarrier.arrive $0xFFFF  }
0xdd: {  	_ =	strace $0x90000053  }
0xde: {  	s0 =	stileid.u32;
	[bflag:$0x2] =	sbarrier.arrive $0xFFFF  }
0xdf: {  	p0 =	sne.s32 s0, $0x0;
	s0 =	rddreg [dreg:$0x3]  }
0xe0: {  	s0 =	sadd.s32 @!p0 $0x100000, s0  }
0xe1: {  	[sflag:s0] =	ssyncadd.tile.s32 @!p0 $0x1;
	_ =	shalt  }
.Lfunc_end2:
_tile_overlayer_lowered:
.L_overlay_start_2:
0xe2: {  	(tag) =	ssettag $0x2  }
0xe3: {  	s0 =	rddreg [dreg:$0x0];
	s2 =	stileid.u32  }
0xe4: {  	s1 =	rddreg [dreg:$0x1];
	p0 =	sne.s32 s2, $0x0  }
0xe5: {  	s3 =	rddreg [dreg:$0x2];
	[bflag:$0x3] =	sbarrier.arrive $0xFFFF;
	s2 =	simm.s32 @!p0 $0x1C05  }
0xe6: {  	[timem:s3], [sflag:s2] =	dma.local @!p0 [hbm:s0], s1  }
0xe7: {  	s0 =	simm.s32 @!p0 $0x5  }
0xe8: {  	_ =	swait.ge @!p0 [sflag:s0], s1  }
0xe9: {  	s1 =	ssub.s32 @!p0 $0x0, s1;
	[sflag:s0] =	ssyncset.done @!p0 $0x0  }
0xea: {  	[sflag:s0] =	ssyncadd.s32 @!p0 s1  }
0xeb: {  	[bflag:$0x3] =	sbarrier.arrive $0xFFFF  }
0xec: {  	_ =	shalt  }

// kernel: kernel.29.cloned.1.call-start
scs
__scs_entry_jumppad:
0x0: {  	(pc) =	sbr.rel $0x88, $3  }
0x1: {  	(tag) =	ssettag $0x0;
	lr =	simm.s32 $0x1  }
0x2: {  	[smem:$0x3F9B] =	sst lr;
	_ =	strace $0xD0000000  }
0x3: {  	_ = 	snop  }
0x4: {  	_ = 	snop  }
0x5: {  	_ = 	snop  }
0x6: {  	_ = 	snop  }
0x7: {  	_ = 	snop  }
__scs_overlays_trampoline_lowered:
0x8: {  	[smem:$0x3FAA] =	sst s0  }
0x9: {  	[smem:$0x3FAB] =	sst s1  }
0xa: {  	[smem:$0x3FAC] =	sst s2  }
0xb: {  	[smem:$0x3FAD] =	sst s3  }
0xc: {  	[smem:$0x3FAE] =	sst s4  }
0xd: {  	[smem:$0x3FAF] =	sst s5  }
0xe: {  	[smem:$0x3FB0] =	sst s6  }
0xf: {  	[smem:$0x3FB1] =	sst s7  }
0x10: {  	[smem:$0x3FB2] =	sst s8  }
0x11: {  	[smem:$0x3FB3] =	sst s9;
	s0 =	simm.s32 @!p0 $0x0  }
0x12: {  	s1 =	sld [smem:$0x3F99];
	s0 =	simm.s32 @p0 $0x1  }
0x13: {  	[smem:$0x3FB4] =	sst s0;
	s0 =	simm.s32 @!p1 $0x0  }
0x14: {  	s2 =	sld [smem:$0x3F98];
	s0 =	simm.s32 @p1 $0x1  }
0x15: {  	[smem:$0x3FB5] =	sst s0;
	s0 =	simm.s32 @!p2 $0x0  }
0x16: {  	s3 =	sld [smem:$0x3FDB];
	s0 =	simm.s32 @p2 $0x1  }
0x17: {  	s4 =	simm.s32 $0x1BF5;
	[smem:$0x3FB7] =	sst s0  }
0x18: {  	s0 =	sld [smem:$0x3F9A];
	_ =	swait.ge [sflag:s4], $0x0  }
0x19: {  	s7 =	sld [smem:$0x3F9B]  }
0x1a: {  	s8 =	sadd.s32 $0xFFFFE003, lr  }
0x1b: {  	s9 =	sadd.s32 $0xFFFFFEF7, lr;
	s5 =	simm.s32 $0xFFFFFFFF;
	p2 =	slt.u32 s8, $0xFFFFF086  }
0x1c: {  	p1 =	slt.u32 s9, $0xF7A;
	s5 =	simm.s32 @!p2 $0x0  }
0x1d: {  	s5 =	simm.s32 @p1 $0x1;
	p0 =	seq.s32 s7, s2  }
0x1e: {  	s7 =	smul.u32 @!p0 $0xF7A, s2;
	p2 =	seq.s32 @!p0 s5, $0x0  }
0x1f: {  	s9 =	smul.u32 $0xF7A, s1;
	s8 =	simm.s32 @!p0 $0x1BF5;
	p2 =	por !p2, p0  }
0x20: {  	[sflag:s8] =	ssyncset.s32 @!p0 $0xFFFFF086;
	s6 =	sadd.s32 @!p0 s3, s7;
	s7 =	simm.s32 @!p0 $0x108  }
0x21: {  	s3 =	sadd.s32 s3, s9;
	s6 =	sadd.s32 @!p0 $0x88, s6;
	s7 =	simm.s32 @p2 $0x1082  }
0x22: {  	[simem:s7], [sflag:s8] =	dma.local @!p0 [hbm:s6], $0xF7A  }
0x23: {  	s9 =	sor.u32 $0xD0000000, s2;
	s6 =	simm.s32 $0x108;
	_ =	swait.ge @!p0 [sflag:s8], $0x0  }
0x24: {  	s3 =	sadd.s32 $0x88, s3;
	s6 =	simm.s32 @!p1 $0x1082;
	[sflag:s4] =	ssyncset.s32 $0xFFFFF086  }
0x25: {  	[simem:s6], [sflag:s4] =	dma.local [hbm:s3], $0xF7A  }
0x26: {  	[smem:$0x3F9B] =	sst s1;
	(tag) =	ssettag s2;
	_ =	strace s9  }
0x27: {  	s1 =	sld [smem:$0x3FAB]  }
0x28: {  	s2 =	sld [smem:$0x3FAC]  }
0x29: {  	s4 =	sld [smem:$0x3FAE]  }
0x2a: {  	p0 =	seq.s32 s5, $0x0;
	s5 =	sld [smem:$0x3FAF]  }
0x2b: {  	s6 =	sld [smem:$0x3FB0]  }
0x2c: {  	s7 =	sld [smem:$0x3FB1]  }
0x2d: {  	s3 =	simm.s32 $0x108;
	s8 =	sld [smem:$0x3FB2]  }
0x2e: {  	s3 =	simm.s32 @!p0 $0x1082;
	s9 =	sld [smem:$0x3FB3]  }
0x2f: {  	lr =	sadd.s32 s0, s3;
	s0 =	sld [smem:$0x3FAA]  }
0x30: {  	s3 =	sld [smem:$0x3FAD]  }
0x31: {  	[smem:$0x3FB6] =	sst s10  }
0x32: {  	s10 =	sld [smem:$0x3FB4];
	_ =	sdelay $0x3  }
0x33: {  	p0 =	seq.s32 s10, $0x1;
	s10 =	sld [smem:$0x3FB6];
	_ =	sdelay $0x3  }
0x34: {  	[smem:$0x3FB6] =	sst s10  }
0x35: {  	s10 =	sld [smem:$0x3FB5];
	_ =	sdelay $0x3  }
0x36: {  	p1 =	seq.s32 s10, $0x1;
	s10 =	sld [smem:$0x3FB6];
	_ =	sdelay $0x3  }
0x37: {  	[smem:$0x3FB6] =	sst s10  }
0x38: {  	s10 =	sld [smem:$0x3FB7]  }
0x39: {  	_ = 	snop;
	(pc) =	sbr.ind lr, $3  }
0x3a: {  	_ = 	snop  }
0x3b: {  	_ = 	snop  }
0x3c: {  	p2 =	seq.s32 s10, $0x1;
	s10 =	sld [smem:$0x3FB6]  }
0x3d: {  	_ =	shalt  }
0x3e: {  	_ =	shalt  }
0x3f: {  	_ =	shalt  }
0x40: {  	_ =	shalt  }
0x41: {  	_ =	shalt  }
0x42: {  	_ =	shalt  }
0x43: {  	_ =	shalt  }
0x44: {  	_ =	shalt  }
0x45: {  	_ =	shalt  }
0x46: {  	_ =	shalt  }
0x47: {  	_ =	shalt  }
0x48: {  	_ =	shalt  }
0x49: {  	_ =	shalt  }
0x4a: {  	_ =	shalt  }
0x4b: {  	_ =	shalt  }
0x4c: {  	_ =	shalt  }
0x4d: {  	_ =	shalt  }
0x4e: {  	_ =	shalt  }
0x4f: {  	_ =	shalt  }
0x50: {  	_ =	shalt  }
0x51: {  	_ =	shalt  }
0x52: {  	_ =	shalt  }
0x53: {  	_ =	shalt  }
0x54: {  	_ =	shalt  }
0x55: {  	_ =	shalt  }
0x56: {  	_ =	shalt  }
0x57: {  	_ =	shalt  }
0x58: {  	_ =	shalt  }
0x59: {  	_ =	shalt  }
0x5a: {  	_ =	shalt  }
0x5b: {  	_ =	shalt  }
0x5c: {  	_ =	shalt  }
0x5d: {  	_ =	shalt  }
0x5e: {  	_ =	shalt  }
0x5f: {  	_ =	shalt  }
0x60: {  	_ =	shalt  }
0x61: {  	_ =	shalt  }
0x62: {  	_ =	shalt  }
0x63: {  	_ =	shalt  }
0x64: {  	_ =	shalt  }
0x65: {  	_ =	shalt  }
0x66: {  	_ =	shalt  }
0x67: {  	_ =	shalt  }
0x68: {  	_ =	shalt  }
0x69: {  	_ =	shalt  }
0x6a: {  	_ =	shalt  }
0x6b: {  	_ =	shalt  }
0x6c: {  	_ =	shalt  }
0x6d: {  	_ =	shalt  }
0x6e: {  	_ =	shalt  }
0x6f: {  	_ =	shalt  }
0x70: {  	_ =	shalt  }
0x71: {  	_ =	shalt  }
0x72: {  	_ =	shalt  }
0x73: {  	_ =	shalt  }
0x74: {  	_ =	shalt  }
0x75: {  	_ =	shalt  }
0x76: {  	_ =	shalt  }
0x77: {  	_ =	shalt  }
0x78: {  	_ =	shalt  }
0x79: {  	_ =	shalt  }
0x7a: {  	_ =	shalt  }
0x7b: {  	_ =	shalt  }
0x7c: {  	_ =	shalt  }
0x7d: {  	_ =	shalt  }
0x7e: {  	_ =	shalt  }
0x7f: {  	_ =	shalt  }
0x80: {  	_ =	shalt  }
0x81: {  	_ =	shalt  }
0x82: {  	_ =	shalt  }
0x83: {  	_ =	shalt  }
0x84: {  	_ =	shalt  }
0x85: {  	_ =	shalt  }
0x86: {  	_ =	shalt  }
0x87: {  	_ =	shalt  }
.Lfunc_end0:
.L_simem_size_0:
called_computation.5_lowered:
.L_overlay_start_0:
0x88: {  	s2 =	sld [smem:$0x3FD9]  }
0x89: {  	s3 =	sld [smem:$0x3FFE];
	_ =	sdelay $0x1  }
0x8a: {  	s1 =	srdreg.scid  }
0x8b: {  	s0 =	sand.u32 $0x1, s1  }
0x8c: {  	s17 =	sshll.u32 s0, $0xA;
	s2 =	sadd.s32 s3, s2  }
0x8d: {  	s2 =	sadd.s32 s2, s17  }
0x8e: {  	[smem:$0x3FC2] =	sst s2  }
0x8f: {  	_ = 	snop  }
0x90: {  	s2 =	sld [smem:$0x3FD0];
	(tm) =	ssettm $0x1  }
0x91: {  	s18 =	sld [smem:$0x3FFB];
	_ =	sdelay $0x3  }
0x92: {  	_ =	strace s18  }
0x93: {  	s3 =	sld [smem:$0x3FFC];
	_ =	sdelay $0x3  }
0x94: {  	_ =	strace s3  }
0x95: {  	s3 =	sld [smem:$0x3FFD];
	_ =	sdelay $0x3  }
0x96: {  	_ =	strace s3  }
0x97: {  	_ =	strace $0x8FFFFFFF  }
0x98: {  	s19 =	sld [smem:$0x3FDB];
	_ =	sdelay $0x1  }
0x99: {  	s4 =	simm.s32 $_scs_section_size  }
0x9a: {  	s5 =	simm.s32 $_size__tile_overlayer_lowered;
	s6 =	simm.s32 $_tile_overlayer_lowered  }
0x9b: {  	s22 =	simm.s32 $0x1BFF;
	s21 =	sshll.u32 s6, $0x1;
	s3 =	sadd.s32 s4, s19  }
0x9c: {  	s7 =	simm.s32 $0x0;
	s20 =	sshll.u32 s5, $0x1;
	s5 =	sadd.s32 s21, s3  }
0x9d: {  	[timem:s7], [sflag:s22] =	dma.local [hbm:s5], s20  }
0x9e: {  	_ =	swait.ge [sflag:s22], s20  }
0x9f: {  	s4 =	ssub.s32 $0x0, s20;
	[sflag:s22] =	ssyncset.done $0x0  }
0xa0: {  	[sflag:s22] =	ssyncadd.s32 s4;
	_ =	sdelay $0x1  }
0xa1: {  	s23 =	simm.s32 $0x1B8B  }
0xa2: {  	_ =	swait.ge [sflag:s23], $0x1  }
0xa3: {  	[sflag:s23] =	ssyncset.done $0x0  }
0xa4: {  	s25 =	simm.s32 $0x1B8E;
	s24 =	sld [smem:$0x3FFE];
	[sflag:s23] =	ssyncadd.s32 $0xFFFFFFFF  }
0xa5: {  	s26 =	simm.s32 $execute0_lowered;
	[smem:$0x3FD2] =	sst s25  }
0xa6: {  	s5 =	sshll.u32 s26, $0x1;
	_ =	strace $0x80000055;
	[dreg:$0x1] =	wrdreg $0xFFFFFFFF  }
0xa7: {  	s28 =	simm.s32 $_size_execute0_lowered;
	s3 =	sadd.s32 s3, s5;
	[dreg:$0x0] =	wrdreg $0x0  }
0xa8: {  	s5 =	sshll.u32 s28, $0x1;
	[dreg:$0x2] =	wrdreg s3  }
0xa9: {  	[dreg:$0x3] =	wrdreg s5  }
0xaa: {  	[dreg:$0x4] =	wrdreg $0xC0  }
0xab: {  	_ =	task [dreg:s7], $0x5FFFF  }
0xac: {  	[dreg:$0x1] =	wrdreg $0xFFFFFFFF  }
0xad: {  	[dreg:$0x0] =	wrdreg $0x60  }
0xae: {  	[dreg:$0x2] =	wrdreg s24  }
0xaf: {  	[dreg:$0x3] =	wrdreg s2  }
0xb0: {  	[dreg:$0x4] =	wrdreg $0x0  }
0xb1: {  	[dreg:$0x5] =	wrdreg $0x9  }
0xb2: {  	_ =	task.clear_ibuf [dreg:s7], $0x6FFFF;
	_ =	strace $0x90000055  }
0xb3: {  	s29 =	simm.s32 $0x9;
	_ =	strace $0x80000057  }
0xb4: {  	_ =	swait.ge [sflag:s29], $0x1  }
0xb5: {  	[sflag:s29] =	ssyncadd.s32 $0xFFFFFFFF  }
0xb6: {  	_ =	strace $0x90000057  }
0xb7: {  	_ =	sfence  }
0xb8: {  	s30 =	sld [smem:$0x0];
	_ =	sdelay $0x2  }
0xb9: {  	s31 =	sshll.u32 s1, $0xD;
	s1 =	sshrl.u32 s1, $0x2  }
0xba: {  	s3 =	sand.u32 $0x4000, s31;
	s1 =	sadd.s32 s1, s30  }
0xbb: {  	s0 =	sor.u32 s3, s0;
	s1 =	sshll.u32 s1, $0x11  }
0xbc: {  	s0 =	sor.u32 s1, s0  }
0xbd: {  	s0 =	sadd.s32 $0x8F2B, s0  }
0xbe: {  	[sflag:s0] =	ssyncadd.remote.s32 $0x1  }
0xbf: {  	_ =	sfence.sel $0xFFFF  }
0xc0: {  	[dreg:$0x0] =	wrdreg $0xFFFFFFFF;
	(pc) =	sbr.abs _section_cstart, $3  }
0xc1: {  	[dreg:$0x1] =	wrdreg $0xFFFFFFFF  }
0xc2: {  	_ =	task.clear_ibuf [dreg:s7], $0x2FFFF;
	_ =	strace $0x9FFFFFFF  }
0xc3: {  	(tm) =	ssettm $0x7FFFFFFF  }
tec
execute0_lowered:
.L_overlay_start_1:
0x0: {  	(tag) =	ssettag $0x1  }
0x1: {  	s0 =	rddreg [dreg:$0x0]  }
0x2: {  	s1 =	rddreg [dreg:$0x1]  }
0x3: {  	s2 =	rddreg [dreg:$0x2];
	s4 =	simm.s32 $0x0  }
0x4: {  	s3 =	srdreg.scid;
	s20 =	stileid.u32;
	s28 =	simm.s32 $0x80  }
0x5: {  	s29 =	simm.s32 $0x1C100;
	s30 =	simm.s32 $0x1;
	s31 =	simm.s32 $0x1C080  }
0x6: {  	[smem:$0x7FF] =	sst s4;
	s3 =	sand.u32 $0x1, s3;
	s6 =	smul.u32 $0x50000, s20  }
0x7: {  	s10 =	sadd.s32 $0x3C00, s0;
	s11 =	sadd.s32 $0xE600, s0;
	s12 =	smul.u32 $0x14000, s20  }
0x8: {  	s0 =	sadd.s32 $0x18600, s0;
	s22 =	smul.u32 $0x2800, s20;
	_ =	strace $0x80000056  }
0x9: {  	s5 =	ssub.s32 $0x2, s3;
	s8 =	sshll.u32 s3, $0x4;
	s19 =	smul.u32 $0x140000, s3  }
0xa: {  	s3 =	smul.u32 $0x28000, s3;
	s7 =	sshrl.u32 s5, $0x1;
	s6 =	sshrl.u32 s6, $0x2  }
0xb: {  	s24 =	sor.u32 s20, s8;
	s14 =	sadd.s32 $0x4000, s12;
	s15 =	sadd.s32 $0x8000, s12  }
0xc: {  	s16 =	sadd.s32 $0xC000, s12;
	s17 =	sadd.s32 $0x10000, s12;
	s13 =	ssub.s32 s5, s7  }
0xd: {  	s5 =	sadd.s32 s6, s2;
	s8 =	smul.u32 $0x2800, s24;
	s6 =	sadd.s32 s14, s2  }
0xe: {  	s7 =	sadd.s32 s15, s2;
	s9 =	sadd.s32 s17, s2;
	s12 =	sadd.s32 s12, s19  }
0xf: {  	s14 =	sadd.s32 s19, s14;
	s26 =	sadd.s32 s19, s15;
	s12 =	sshrl.u32 s12, $0x3  }
0x10: {  	s25 =	sshrl.u32 s14, $0x3;
	s18 =	sshrl.u32 s8, $0x3;
	s12 =	sadd.s32 s0, s12  }
0x11: {  	s15 =	sshrl.u32 s26, $0x3;
	s21 =	sadd.s32 s10, s18;
	[dreg:$0x8] =	wrdreg s12  }
0x12: {  	s14 =	simm.s32 $0x4;
	s18 =	sadd.s32 s11, s18;
	[dreg:$0x4] =	wrdreg s21  }
0x13: {  	s8 =	sadd.s32 s16, s2;
	s12 =	sadd.s32 s0, s25;
	[dreg:$0x5] =	wrdreg s18  }
0x14: {  	s25 =	sadd.s32 s22, s3;
	s21 =	sadd.s32 $0x10, s21;
	[dreg:$0x9] =	wrdreg s12  }
0x15: {  	s18 =	sadd.s32 $0x4F0, s18;
	s12 =	sadd.s32 s0, s15;
	[dreg:$0x6] =	wrdreg s21  }
0x16: {  	s3 =	sor.u32 $0x180, s25;
	s26 =	sor.u32 $0x100, s25;
	[dreg:$0x7] =	wrdreg s18  }
0x17: {  	s18 =	sadd.s32 s19, s16;
	s21 =	sadd.s32 s19, s17;
	[dreg:$0xa] =	wrdreg s12  }
0x18: {  	s19 =	smax.u32 s13, $0x1;
	s3 =	sshrl.u32 s3, $0x3;
	s12 =	sshrl.u32 s26, $0x3  }
0x19: {  	s26 =	simm.s32 $0x1C000;
	s13 =	simm.s32 $0x3;
	s23 =	sshrl.u32 s18, $0x3  }
0x1a: {  	s24 =	sshrl.u32 s21, $0x3;
	s20 =	sadd.s32 s3, s10;
	s21 =	sadd.s32 s12, s11  }
0x1b: {  	s22 =	sadd.s32 s12, s10;
	s3 =	simm.s32 $0x1C180;
	s12 =	simm.s32 $0x2  }
0x1c: {  	s17 =	sadd.s32 s0, s23;
	s18 =	sadd.s32 s0, s24;
	s0 =	sor.u32 $0x80, s25  }
0x1d: {  	s10 =	simm.s32 $0x0;
	s24 =	simm.s32 $0x14000;
	s0 =	sshrl.u32 s0, $0x3  }
0x1e: {  	v0 =	vimm.f32 $0.0e+00;
	s25 =	simm.s32 $0x5;
	s23 =	sadd.s32 s0, s11;
	s0 =	simm.s32 $0x18000  }
.LBB2_1:
0x1f: {  	s15 =	simm.s32 $0x0;
	s11 =	simm.s32 $0x200  }
.LBB2_2:
0x20: {  	p0 =	sne.s32 s11, $0xFE00;
	[tilespmem:s15+$0x14070] =	vst v0  }
0x21: {  	[tilespmem:s15+$0x14000] =	vst v0  }
0x22: {  	[tilespmem:s15+$0x14010] =	vst v0  }
.Ltmp0:
0x23: {  	[tilespmem:s15+$0x14020] =	vst v0;
	(pc) =	sbr.rel @p0 .LBB2_2-.Ltmp0, $4  }
0x24: {  	[tilespmem:s15+$0x14030] =	vst v0  }
0x25: {  	[tilespmem:s15+$0x14040] =	vst v0  }
0x26: {  	[tilespmem:s15+$0x14050] =	vst v0  }
0x27: {  	[tilespmem:s15+$0x14060] =	vst v0;
	s15 =	sshra.s32 s11, $0x2;
	s11 =	sadd.s32 $0x200, s11  }
0x28: {  	[tilespmem:s15+$0x14070] =	vst v0  }
0x29: {  	[tilespmem:s15+$0x14000] =	vst v0  }
0x2a: {  	[tilespmem:s15+$0x14010] =	vst v0  }
0x2b: {  	[tilespmem:s15+$0x14020] =	vst v0  }
0x2c: {  	[tilespmem:s15+$0x14030] =	vst v0  }
0x2d: {  	[tilespmem:s15+$0x14040] =	vst v0  }
0x2e: {  	[tilespmem:s15+$0x14050] =	vst v0  }
0x2f: {  	[tilespmem:s15+$0x14060] =	vst v0  }
0x30: {  	[spmem:s5] =	stream.linear.scatter [tilespmem:s24], [sflag:$0x5], $0x4000, $0x38;
	[tilespmem:$0x1C200] =	vst v63  }
0x31: {  	_ =	swait.ge [sflag:s25], $0x4000  }
0x32: {  	[sflag:s25] =	ssyncset.done $0x0  }
0x33: {  	[sflag:s25] =	ssyncadd.s32 $0xFFFFC000  }
0x34: {  	[spmem:s6] =	stream.linear.scatter [tilespmem:s24], [sflag:$0x5], $0x4000, $0x38;
	[tilespmem:$0x1C200] =	vst v63  }
0x35: {  	_ =	swait.ge [sflag:s25], $0x4000  }
0x36: {  	[sflag:s25] =	ssyncset.done $0x0  }
0x37: {  	[sflag:s25] =	ssyncadd.s32 $0xFFFFC000  }
0x38: {  	[spmem:s7] =	stream.linear.scatter [tilespmem:s24], [sflag:$0x5], $0x4000, $0x38;
	[tilespmem:$0x1C200] =	vst v63  }
0x39: {  	_ =	swait.ge [sflag:s25], $0x4000  }
0x3a: {  	[sflag:s25] =	ssyncset.done $0x0  }
0x3b: {  	[sflag:s25] =	ssyncadd.s32 $0xFFFFC000  }
0x3c: {  	[spmem:s8] =	stream.linear.scatter [tilespmem:s24], [sflag:$0x5], $0x4000, $0x38;
	[tilespmem:$0x1C200] =	vst v63  }
0x3d: {  	_ =	swait.ge [sflag:s25], $0x4000  }
0x3e: {  	[sflag:s25] =	ssyncset.done $0x0  }
0x3f: {  	[sflag:s25] =	ssyncadd.s32 $0xFFFFC000  }
0x40: {  	[spmem:s9] =	stream.linear.scatter [tilespmem:s24], [sflag:$0x5], $0x4000, $0x38;
	[tilespmem:$0x1C200] =	vst v63  }
0x41: {  	_ =	swait.ge [sflag:s25], $0x4000  }
0x42: {  	[sflag:s25] =	ssyncset.done $0x0  }
0x43: {  	[sflag:s25] =	ssyncadd.s32 $0xFFFFC000  }
0x44: {  	[bflag:$0x0] =	sbarrier.arrive $0xFFFF  }
0x45: {  	s11 =	simm.s32 $0x0;
	s16 =	rddreg [dreg:$0x4]  }
0x46: {  	[tilespmem:s26], [sflag:$0x5] =	stream.linear.gather [hbm4b:s16+s11], $0x80, $0x38;
	[tilespmem:$0x1C200] =	vst v63  }
0x47: {  	_ =	swait.ge [sflag:s25], $0x80  }
0x48: {  	[sflag:s25] =	ssyncset.done $0x0  }
0x49: {  	[sflag:s25] =	ssyncadd.s32 $0xFFFFFF80  }
0x4a: {  	[tilespmem:s24], [sflag:$0x1] =	stream.indirect.gather [hbm4b:s1+s28], $0x80, s26, s28, $0xb8;
	[tilespmem:$0x1C200] =	vst v63  }
0x4b: {  	s16 =	rddreg [dreg:$0x5]  }
0x4c: {  	[tilespmem:s29], [sflag:$0x5] =	stream.linear.gather [hbm4b:s16+s11], $0x80, $0x38;
	[tilespmem:$0x1C200] =	vst v63  }
0x4d: {  	_ =	swait.ge [sflag:s25], $0x80  }
0x4e: {  	[sflag:s25] =	ssyncset.done $0x0  }
0x4f: {  	[sflag:s25] =	ssyncadd.s32 $0xFFFFFF80  }
0x50: {  	_ =	swait.ge [sflag:s30], $0x4000  }
0x51: {  	[sflag:s30] =	ssyncset.done $0x0  }
0x52: {  	[sflag:s30] =	ssyncadd.s32 $0xFFFFC000  }
0x53: {  	[spmem:s2] =	stream.indirect.scatter.add.f32 [tilespmem:s24], [sflag:$0x3], $0x80, s29, s28, $0xb8;
	[tilespmem:$0x1C200] =	vst v63  }
0x54: {  	s16 =	rddreg [dreg:$0x6]  }
0x55: {  	[tilespmem:s31], [sflag:$0x5] =	stream.linear.gather [hbm4b:s16+s11], $0x80, $0x38;
	[tilespmem:$0x1C200] =	vst v63  }
0x56: {  	_ =	swait.ge [sflag:s25], $0x80  }
0x57: {  	[sflag:s25] =	ssyncset.done $0x0  }
0x58: {  	[sflag:s25] =	ssyncadd.s32 $0xFFFFFF80  }
0x59: {  	[tilespmem:s0], [sflag:$0x2] =	stream.indirect.gather [hbm4b:s1+s28], $0x80, s31, s28, $0xb8;
	[tilespmem:$0x1C200] =	vst v63  }
0x5a: {  	s15 =	sadd.s32 $0x0, s23  }
0x5b: {  	[tilespmem:s3], [sflag:$0x5] =	stream.linear.gather [hbm4b:s15+s4], $0x80, $0x38;
	[tilespmem:$0x1C200] =	vst v63  }
0x5c: {  	_ =	swait.ge [sflag:s25], $0x80  }
0x5d: {  	[sflag:s25] =	ssyncset.done $0x0  }
0x5e: {  	[sflag:s25] =	ssyncadd.s32 $0xFFFFFF80  }
0x5f: {  	_ =	swait.ge [sflag:s12], $0x4000  }
0x60: {  	[sflag:s12] =	ssyncset.done $0x0  }
0x61: {  	[sflag:s12] =	ssyncadd.s32 $0xFFFFC000  }
0x62: {  	[spmem:s2] =	stream.indirect.scatter.add.f32 [tilespmem:s0], [sflag:$0x4], $0x80, s3, s28, $0xb8;
	[tilespmem:$0x1C200] =	vst v63  }
0x63: {  	s16 =	sadd.s32 $0x0, s22  }
0x64: {  	[tilespmem:s26], [sflag:$0x5] =	stream.linear.gather [hbm4b:s16+s4], $0x80, $0x38;
	[tilespmem:$0x1C200] =	vst v63  }
0x65: {  	_ =	swait.ge [sflag:s25], $0x80  }
0x66: {  	[sflag:s25] =	ssyncset.done $0x0  }
0x67: {  	[sflag:s25] =	ssyncadd.s32 $0xFFFFFF80  }
0x68: {  	_ =	swait.ge [sflag:s13], $0x4000  }
0x69: {  	[sflag:s13] =	ssyncset.done $0x0  }
0x6a: {  	[sflag:s13] =	ssyncadd.s32 $0xFFFFC000  }
0x6b: {  	[tilespmem:s24], [sflag:$0x1] =	stream.indirect.gather [hbm4b:s1+s28], $0x80, s26, s28, $0xb8;
	[tilespmem:$0x1C200] =	vst v63  }
0x6c: {  	s15 =	sadd.s32 $0x0, s21  }
0x6d: {  	[tilespmem:s29], [sflag:$0x5] =	stream.linear.gather [hbm4b:s15+s4], $0x80, $0x38;
	[tilespmem:$0x1C200] =	vst v63  }
0x6e: {  	_ =	swait.ge [sflag:s25], $0x80  }
0x6f: {  	[sflag:s25] =	ssyncset.done $0x0  }
0x70: {  	[sflag:s25] =	ssyncadd.s32 $0xFFFFFF80  }
0x71: {  	_ =	swait.ge [sflag:s30], $0x4000  }
0x72: {  	[sflag:s30] =	ssyncset.done $0x0  }
0x73: {  	[sflag:s30] =	ssyncadd.s32 $0xFFFFC000  }
0x74: {  	[spmem:s2] =	stream.indirect.scatter.add.f32 [tilespmem:s24], [sflag:$0x3], $0x80, s29, s28, $0xb8;
	[tilespmem:$0x1C200] =	vst v63  }
0x75: {  	s16 =	sadd.s32 $0x0, s20  }
0x76: {  	[tilespmem:s31], [sflag:$0x5] =	stream.linear.gather [hbm4b:s16+s4], $0x80, $0x38;
	[tilespmem:$0x1C200] =	vst v63  }
0x77: {  	_ =	swait.ge [sflag:s25], $0x80  }
0x78: {  	[sflag:s25] =	ssyncset.done $0x0  }
0x79: {  	[sflag:s25] =	ssyncadd.s32 $0xFFFFFF80  }
0x7a: {  	_ =	swait.ge [sflag:s14], $0x4000  }
0x7b: {  	[sflag:s14] =	ssyncset.done $0x0  }
0x7c: {  	s15 =	simm.s32 $0x20;
	[sflag:s14] =	ssyncadd.s32 $0xFFFFC000  }
.LBB2_4:
0x7d: {  	[tilespmem:s0], [sflag:$0x2] =	stream.indirect.gather [hbm4b:s1+s28], $0x80, s31, s28, $0xb8;
	[tilespmem:$0x1C200] =	vst v63  }
0x7e: {  	s11 =	smov.u32 s15  }
0x7f: {  	p0 =	sne.s32 s15, $0x4C0;
	s15 =	sadd.s32 $0x20, s15;
	s16 =	sadd.s32 s11, s23  }
0x80: {  	[tilespmem:s3], [sflag:$0x5] =	stream.linear.gather [hbm4b:s16+s4], $0x80, $0x38;
	[tilespmem:$0x1C200] =	vst v63  }
0x81: {  	_ =	swait.ge [sflag:s25], $0x80  }
0x82: {  	[sflag:s25] =	ssyncset.done $0x0  }
0x83: {  	[sflag:s25] =	ssyncadd.s32 $0xFFFFFF80  }
0x84: {  	_ =	swait.ge [sflag:s12], $0x4000  }
0x85: {  	[sflag:s12] =	ssyncset.done $0x0  }
0x86: {  	[sflag:s12] =	ssyncadd.s32 $0xFFFFC000  }
0x87: {  	[spmem:s2] =	stream.indirect.scatter.add.f32 [tilespmem:s0], [sflag:$0x4], $0x80, s3, s28, $0xb8;
	[tilespmem:$0x1C200] =	vst v63  }
0x88: {  	s16 =	sadd.s32 s11, s22  }
0x89: {  	[tilespmem:s26], [sflag:$0x5] =	stream.linear.gather [hbm4b:s16+s4], $0x80, $0x38;
	[tilespmem:$0x1C200] =	vst v63  }
0x8a: {  	_ =	swait.ge [sflag:s25], $0x80  }
0x8b: {  	[sflag:s25] =	ssyncset.done $0x0  }
0x8c: {  	[sflag:s25] =	ssyncadd.s32 $0xFFFFFF80  }
0x8d: {  	_ =	swait.ge [sflag:s13], $0x4000  }
0x8e: {  	[sflag:s13] =	ssyncset.done $0x0  }
0x8f: {  	[sflag:s13] =	ssyncadd.s32 $0xFFFFC000  }
0x90: {  	[tilespmem:s24], [sflag:$0x1] =	stream.indirect.gather [hbm4b:s1+s28], $0x80, s26, s28, $0xb8;
	[tilespmem:$0x1C200] =	vst v63  }
0x91: {  	s16 =	sadd.s32 s11, s21  }
0x92: {  	[tilespmem:s29], [sflag:$0x5] =	stream.linear.gather [hbm4b:s16+s4], $0x80, $0x38;
	[tilespmem:$0x1C200] =	vst v63  }
0x93: {  	_ =	swait.ge [sflag:s25], $0x80  }
0x94: {  	[sflag:s25] =	ssyncset.done $0x0  }
0x95: {  	[sflag:s25] =	ssyncadd.s32 $0xFFFFFF80  }
0x96: {  	_ =	swait.ge [sflag:s30], $0x4000  }
0x97: {  	[sflag:s30] =	ssyncset.done $0x0  }
0x98: {  	[sflag:s30] =	ssyncadd.s32 $0xFFFFC000  }
0x99: {  	[spmem:s2] =	stream.indirect.scatter.add.f32 [tilespmem:s24], [sflag:$0x3], $0x80, s29, s28, $0xb8;
	[tilespmem:$0x1C200] =	vst v63  }
0x9a: {  	s11 =	sadd.s32 s11, s20  }
0x9b: {  	[tilespmem:s31], [sflag:$0x5] =	stream.linear.gather [hbm4b:s11+s4], $0x80, $0x38;
	[tilespmem:$0x1C200] =	vst v63  }
0x9c: {  	_ =	swait.ge [sflag:s25], $0x80  }
.Ltmp1:
0x9d: {  	[sflag:s25] =	ssyncset.done $0x0;
	(pc) =	sbr.rel @p0 .LBB2_4-.Ltmp1, $4  }
0x9e: {  	[sflag:s25] =	ssyncadd.s32 $0xFFFFFF80  }
0x9f: {  	_ =	swait.ge [sflag:s14], $0x4000  }
0xa0: {  	[sflag:s14] =	ssyncset.done $0x0  }
0xa1: {  	[sflag:s14] =	ssyncadd.s32 $0xFFFFC000  }
0xa2: {  	[tilespmem:s0], [sflag:$0x2] =	stream.indirect.gather [hbm4b:s1+s28], $0x80, s31, s28, $0xb8;
	[tilespmem:$0x1C200] =	vst v63  }
0xa3: {  	s11 =	rddreg [dreg:$0x7]  }
0xa4: {  	[tilespmem:s3], [sflag:$0x5] =	stream.linear.gather [hbm4b:s11+s4], $0x80, $0x38;
	[tilespmem:$0x1C200] =	vst v63  }
0xa5: {  	_ =	swait.ge [sflag:s25], $0x80  }
0xa6: {  	[sflag:s25] =	ssyncset.done $0x0  }
0xa7: {  	[sflag:s25] =	ssyncadd.s32 $0xFFFFFF80  }
0xa8: {  	_ =	swait.ge [sflag:s12], $0x4000  }
0xa9: {  	[sflag:s12] =	ssyncset.done $0x0  }
0xaa: {  	[sflag:s12] =	ssyncadd.s32 $0xFFFFC000  }
0xab: {  	[spmem:s2] =	stream.indirect.scatter.add.f32 [tilespmem:s0], [sflag:$0x4], $0x80, s3, s28, $0xb8;
	[tilespmem:$0x1C200] =	vst v63  }
0xac: {  	_ =	swait.ge [sflag:s13], $0x4000  }
0xad: {  	[sflag:s13] =	ssyncset.done $0x0  }
0xae: {  	[sflag:s13] =	ssyncadd.s32 $0xFFFFC000  }
0xaf: {  	_ =	swait.ge [sflag:s14], $0x4000  }
0xb0: {  	[sflag:s14] =	ssyncset.done $0x0  }
0xb1: {  	[sflag:s14] =	ssyncadd.s32 $0xFFFFC000  }
0xb2: {  	[bflag:$0x0] =	sbarrier.arrive $0xFFFF  }
0xb3: {  	[tilespmem:s24], [sflag:$0x5] =	stream.linear.gather [spmem:s5], $0x4000, $0x38;
	[tilespmem:$0x1C200] =	vst v63  }
0xb4: {  	_ =	swait.ge [sflag:s25], $0x4000  }
0xb5: {  	[sflag:s25] =	ssyncset.done $0x0  }
0xb6: {  	s16 =	rddreg [dreg:$0x8];
	[sflag:s25] =	ssyncadd.s32 $0xFFFFC000  }
0xb7: {  	[hbm4b:s16+s4] =	stream.linear.scatter [tilespmem:s24], [sflag:$0x5], $0x4000, $0x38;
	[tilespmem:$0x1C200] =	vst v63  }
0xb8: {  	_ =	swait.ge [sflag:s25], $0x4000  }
0xb9: {  	[sflag:s25] =	ssyncset.done $0x0  }
0xba: {  	[sflag:s25] =	ssyncadd.s32 $0xFFFFC000  }
0xbb: {  	[tilespmem:s24], [sflag:$0x5] =	stream.linear.gather [spmem:s6], $0x4000, $0x38;
	[tilespmem:$0x1C200] =	vst v63  }
0xbc: {  	_ =	swait.ge [sflag:s25], $0x4000  }
0xbd: {  	[sflag:s25] =	ssyncset.done $0x0  }
0xbe: {  	s15 =	rddreg [dreg:$0x9];
	[sflag:s25] =	ssyncadd.s32 $0xFFFFC000  }
0xbf: {  	[hbm4b:s15+s4] =	stream.linear.scatter [tilespmem:s24], [sflag:$0x5], $0x4000, $0x38;
	[tilespmem:$0x1C200] =	vst v63  }
0xc0: {  	_ =	swait.ge [sflag:s25], $0x4000  }
0xc1: {  	[sflag:s25] =	ssyncset.done $0x0  }
0xc2: {  	[sflag:s25] =	ssyncadd.s32 $0xFFFFC000  }
0xc3: {  	[tilespmem:s24], [sflag:$0x5] =	stream.linear.gather [spmem:s7], $0x4000, $0x38;
	[tilespmem:$0x1C200] =	vst v63  }
0xc4: {  	_ =	swait.ge [sflag:s25], $0x4000  }
0xc5: {  	[sflag:s25] =	ssyncset.done $0x0  }
0xc6: {  	s16 =	rddreg [dreg:$0xa];
	[sflag:s25] =	ssyncadd.s32 $0xFFFFC000  }
0xc7: {  	[hbm4b:s16+s4] =	stream.linear.scatter [tilespmem:s24], [sflag:$0x5], $0x4000, $0x38;
	[tilespmem:$0x1C200] =	vst v63  }
0xc8: {  	_ =	swait.ge [sflag:s25], $0x4000  }
0xc9: {  	[sflag:s25] =	ssyncset.done $0x0  }
0xca: {  	[sflag:s25] =	ssyncadd.s32 $0xFFFFC000  }
0xcb: {  	[tilespmem:s24], [sflag:$0x5] =	stream.linear.gather [spmem:s8], $0x4000, $0x38;
	[tilespmem:$0x1C200] =	vst v63  }
0xcc: {  	_ =	swait.ge [sflag:s25], $0x4000  }
0xcd: {  	[sflag:s25] =	ssyncset.done $0x0  }
0xce: {  	[sflag:s25] =	ssyncadd.s32 $0xFFFFC000  }
0xcf: {  	[hbm4b:s17+s4] =	stream.linear.scatter [tilespmem:s24], [sflag:$0x5], $0x4000, $0x38;
	[tilespmem:$0x1C200] =	vst v63  }
0xd0: {  	_ =	swait.ge [sflag:s25], $0x4000  }
0xd1: {  	[sflag:s25] =	ssyncset.done $0x0  }
0xd2: {  	[sflag:s25] =	ssyncadd.s32 $0xFFFFC000  }
0xd3: {  	[tilespmem:s24], [sflag:$0x5] =	stream.linear.gather [spmem:s9], $0x4000, $0x38;
	[tilespmem:$0x1C200] =	vst v63  }
0xd4: {  	s10 =	sadd.s32 $0x1, s10;
	_ =	swait.ge [sflag:s25], $0x4000  }
0xd5: {  	p0 =	sne.s32 s10, s19;
	[sflag:s25] =	ssyncset.done $0x0  }
.Ltmp2:
0xd6: {  	[sflag:s25] =	ssyncadd.s32 $0xFFFFC000;
	(pc) =	sbr.rel @p0 .LBB2_1-.Ltmp2, $4  }
0xd7: {  	[hbm4b:s18+s4] =	stream.linear.scatter [tilespmem:s24], [sflag:$0x5], $0x4000, $0x38;
	[tilespmem:$0x1C200] =	vst v63  }
0xd8: {  	_ =	swait.ge [sflag:s25], $0x4000  }
0xd9: {  	[sflag:s25] =	ssyncset.done $0x0  }
0xda: {  	[sflag:s25] =	ssyncadd.s32 $0xFFFFC000  }
0xdb: {  	_ =	sfence.sel $0x180000  }
0xdc: {  	[bflag:$0x0] =	sbarrier.arrive $0xFFFF  }
0xdd: {  	_ =	strace $0x90000056  }
0xde: {  	s0 =	stileid.u32;
	[bflag:$0x2] =	sbarrier.arrive $0xFFFF  }
0xdf: {  	p0 =	sne.s32 s0, $0x0;
	s0 =	rddreg [dreg:$0x3]  }
0xe0: {  	s0 =	sadd.s32 @!p0 $0x100000, s0  }
0xe1: {  	[sflag:s0] =	ssyncadd.tile.s32 @!p0 $0x1;
	_ =	shalt  }
.Lfunc_end2:
_tile_overlayer_lowered:
.L_overlay_start_2:
0xe2: {  	(tag) =	ssettag $0x2  }
0xe3: {  	s0 =	rddreg [dreg:$0x0];
	s2 =	stileid.u32  }
0xe4: {  	s1 =	rddreg [dreg:$0x1];
	p0 =	sne.s32 s2, $0x0  }
0xe5: {  	s3 =	rddreg [dreg:$0x2];
	[bflag:$0x3] =	sbarrier.arrive $0xFFFF;
	s2 =	simm.s32 @!p0 $0x1C05  }
0xe6: {  	[timem:s3], [sflag:s2] =	dma.local @!p0 [hbm:s0], s1  }
0xe7: {  	s0 =	simm.s32 @!p0 $0x5  }
0xe8: {  	_ =	swait.ge @!p0 [sflag:s0], s1  }
0xe9: {  	s1 =	ssub.s32 @!p0 $0x0, s1;
	[sflag:s0] =	ssyncset.done @!p0 $0x0  }
0xea: {  	[sflag:s0] =	ssyncadd.s32 @!p0 s1  }
0xeb: {  	[bflag:$0x3] =	sbarrier.arrive $0xFFFF  }
0xec: {  	_ =	shalt  }

</sc_bundles>
